<compile_context>
chip_gen: v7x
topology: tpu7x:2x2x1
jax: 0.10.2.dev20260603
libtpu: 0.0.44.dev20260713+nightly
codegen_flags: <defaults>
</compile_context>

<pallas_src>
import functools

import jax
import jax.numpy as jnp
from jax import lax
from jax.experimental import pallas as pl
from jax.experimental.pallas import tpu as pltpu
from jax.experimental.pallas import tpu_sc as plsc

F = 26
V = 100000
D = 128
B = 4096
NC = 2
NS = 16
NW = NC * NS
CB = B // NW
NSLOT = 6
SPLITS = (13, 13)

def _sc_gather(tab_flat, ids_chunk, f_base, fc):
  mesh = plsc.VectorSubcoreMesh(
      core_axis_name="c", subcore_axis_name="s", num_cores=NC, num_subcores=NS)

  @functools.partial(
      pl.kernel,
      out_type=jax.ShapeDtypeStruct((fc * B, D), jnp.float32),
      mesh=mesh,
      scratch_types=[
          pltpu.VMEM((fc, CB), jnp.int32),
          pltpu.VMEM((NSLOT, CB, D), jnp.float32),
          [pltpu.SemaphoreType.DMA] * NSLOT,
          [pltpu.SemaphoreType.DMA] * NSLOT,
      ],
  )
  def gather_k(tab_hbm, ids_hbm, out_hbm, idx_v, rows_v, gsem, osem):
    w = lax.axis_index("s") * NC + lax.axis_index("c")
    col = w * CB
    pltpu.sync_copy(ids_hbm.at[:, pl.ds(col, CB)], idx_v)
    for f in range(fc):
      off = (f_base + f) * V
      if off == 0:
        continue
      for j in range(CB // 16):
        sl = pl.ds(j * 16, 16)
        idx_v[f, sl] = idx_v[f, sl] + off
    gcopies = [None] * fc
    ocopies = [None] * fc

    def start_out(f):
      slot = f % NSLOT
      gcopies[f].wait()
      ocopies[f] = pltpu.async_copy(
          rows_v.at[slot],
          out_hbm.at[pl.ds(f * B + col, CB)],
          osem[slot])

    for f in range(fc):
      slot = f % NSLOT
      if f >= NSLOT:
        ocopies[f - NSLOT].wait()
      gcopies[f] = pltpu.async_copy(
          tab_hbm.at[idx_v.at[f]], rows_v.at[slot], gsem[slot])
      if f >= NSLOT - 1:
        start_out(f - (NSLOT - 1))
    for f in range(max(fc - NSLOT + 1, 0), fc):
      start_out(f)
    for f in range(max(fc - NSLOT, 0), fc):
      ocopies[f].wait()

  return gather_k(tab_flat, ids_chunk)


def _mm_first_body(fc):
  def body(e_ref, w_ref, o_ref):
    f = pl.program_id(0)
    part = lax.dot_general(
        e_ref[0], w_ref[...],
        (((1,), (1,)), ((), ())),
        preferred_element_type=jnp.float32)

    @pl.when(f == 0)
    def _():
      o_ref[...] = part

    @pl.when(f > 0)
    def _():
      o_ref[...] = o_ref[...] + part

  return body


def _mm_next_body(fc, last):
  def body(e_ref, w_ref, b_ref, acc_ref, o_ref):
    f = pl.program_id(0)
    part = lax.dot_general(
        e_ref[0], w_ref[...],
        (((1,), (1,)), ((), ())),
        preferred_element_type=jnp.float32)

    @pl.when(f == 0)
    def _():
      o_ref[...] = acc_ref[...] + part

    @pl.when(f > 0)
    def _():
      o_ref[...] = o_ref[...] + part

    if last:
      @pl.when(f == fc - 1)
      def _():
        o_ref[...] = jnp.maximum(o_ref[...] + b_ref[...], 0.0)

  return body


def _tc_matmul_first(e3, w_full, fc, f_base):
  return pl.pallas_call(
      _mm_first_body(fc),
      grid=(fc,),
      in_specs=[
          pl.BlockSpec((1, B, D), lambda f: (f, 0, 0)),
          pl.BlockSpec((D, D), lambda f, fb=f_base: (0, fb + f)),
      ],
      out_specs=pl.BlockSpec((B, D), lambda f: (0, 0)),
      out_shape=jax.ShapeDtypeStruct((B, D), jnp.float32),
      compiler_params=pltpu.CompilerParams(
          dimension_semantics=("arbitrary",)),
  )(e3, w_full)


def _tc_matmul_next(e3, w_full, b2, acc, fc, f_base, last):
  return pl.pallas_call(
      _mm_next_body(fc, last),
      grid=(fc,),
      in_specs=[
          pl.BlockSpec((1, B, D), lambda f: (f, 0, 0)),
          pl.BlockSpec((D, D), lambda f, fb=f_base: (0, fb + f)),
          pl.BlockSpec((1, D), lambda f: (0, 0)),
          pl.BlockSpec((B, D), lambda f: (0, 0)),
      ],
      out_specs=pl.BlockSpec((B, D), lambda f: (0, 0)),
      out_shape=jax.ShapeDtypeStruct((B, D), jnp.float32),
      compiler_params=pltpu.CompilerParams(
          dimension_semantics=("arbitrary",)),
  )(e3, w_full, b2, acc)


def kernel(ids, tables, W, b):
  tab_flat = tables.reshape(F * V, D)
  b2 = b.reshape(1, D)
  bases = []
  fb = 0
  for fc in SPLITS:
    bases.append(fb)
    fb += fc
  es = [_sc_gather(tab_flat, ids[f_base:f_base + fc], f_base, fc)
        for f_base, fc in zip(bases, SPLITS)]
  es = [e.reshape(fc, B, D) for e, fc in zip(es, SPLITS)]
  acc = _tc_matmul_first(es[0], W, SPLITS[0], 0)
  for i in range(1, len(SPLITS)):
    fc, f_base = SPLITS[i], bases[i]
    acc = _tc_matmul_next(es[i], W, b2, acc, fc, f_base,
                          last=(i == len(SPLITS) - 1))
  return acc

# --- scband reference (transcript-rebuilt; emitter-appended) ---
"""Pipeline reference for scband-simple-fm-28879360098619 (READ-ONLY COPY).

The authoritative reference and input builder live on the scoring server;
editing this copy changes nothing except your own understanding.
"""

import jax, jax.numpy as jnp
import numpy as np

NUM_FIELDS = 26
VOCAB = 100000
EMB_DIM = 128
BATCH = 4096


def setup_inputs(seed: int = 0) -> dict:
    key = jax.random.key(seed)
    k1, k2, k3 = jax.random.split(key, 3)
    ids = jax.random.randint(k1, (NUM_FIELDS, BATCH), 0, VOCAB)
    tables = jax.random.normal(k2, (NUM_FIELDS, VOCAB, EMB_DIM), dtype=jnp.float32) * 0.02
    W = jax.random.normal(k3, (EMB_DIM, NUM_FIELDS * EMB_DIM), dtype=jnp.float32) * 0.02
    b = jnp.zeros((EMB_DIM,), dtype=jnp.float32)
    return {"ids": ids, "tables": tables, "W": W, "b": b}


def reference(ids, tables, W, b):
    # Per-field embedding lookup: tables[f][ids[f]] for each field f
    # tables: [F, V, D], ids: [F, B] -> embs: [F, B, D]
    embs = jnp.take_along_axis(tables, ids[:, :, None], axis=1)
    # torch.cat(embs, dim=1) over field list -> [B, F*D]
    concat = jnp.transpose(embs, (1, 0, 2)).reshape(ids.shape[1], -1)
    # Linear + ReLU projection
    out = jnp.maximum(concat @ W.T + b, 0.0)
    return out

if __name__ == "__main__":
    import jax
    _d = setup_inputs()
    print(jax.jit(kernel)(*tuple(_d.values())))

</pallas_src>

<mosaic_0001>
#map = affine_map<(d0, d1) -> (0, 0)>
module attributes {stable_mosaic.version = 14 : i64} {
  func.func @gather_k(%arg0: i32, %arg1: i32, %arg2: memref<2600000x128xf32, #tpu.memory_space<hbm>>, %arg3: memref<13x4096xi32, #tpu.memory_space<hbm>>, %arg4: memref<53248x128xf32, #tpu.memory_space<hbm>>, %arg5: memref<13x128xi32, #tpu.memory_space<vmem>>, %arg6: memref<6x128x128xf32, #tpu.memory_space<vmem>>, %arg7: memref<!tpu.dma_semaphore, #tpu.memory_space<semaphore_mem>>, %arg8: memref<!tpu.dma_semaphore, #tpu.memory_space<semaphore_mem>>, %arg9: memref<!tpu.dma_semaphore, #tpu.memory_space<semaphore_mem>>, %arg10: memref<!tpu.dma_semaphore, #tpu.memory_space<semaphore_mem>>, %arg11: memref<!tpu.dma_semaphore, #tpu.memory_space<semaphore_mem>>, %arg12: memref<!tpu.dma_semaphore, #tpu.memory_space<semaphore_mem>>, %arg13: memref<!tpu.dma_semaphore, #tpu.memory_space<semaphore_mem>>, %arg14: memref<!tpu.dma_semaphore, #tpu.memory_space<semaphore_mem>>, %arg15: memref<!tpu.dma_semaphore, #tpu.memory_space<semaphore_mem>>, %arg16: memref<!tpu.dma_semaphore, #tpu.memory_space<semaphore_mem>>, %arg17: memref<!tpu.dma_semaphore, #tpu.memory_space<semaphore_mem>>, %arg18: memref<!tpu.dma_semaphore, #tpu.memory_space<semaphore_mem>>) attributes {dimension_semantics = [#tpu.dimension_semantics<core_parallel>, #tpu.dimension_semantics<subcore_parallel>], iteration_bounds = array<i64: 2, 16>, scalar_prefetch = 0 : i64, scratch_operands = 14 : i64, tpu.core_type = #tpu.core_type<sc_vector_subcore>, window_params = [{transform_indices = #map}, {transform_indices = #map}, {transform_indices = #map}]} {
    %mul3A = arith.constant 2 : i32
    %mul3A_0 = arith.muli %arg1, %mul3A : i32
    %add3A = arith.addi %mul3A_0, %arg0 : i32
    %mul3A_1 = arith.constant 128 : i32
    %mul3A_2 = arith.muli %add3A, %mul3A_1 : i32
    "tpu.region"() ({
      %run_scoped3A = tpu.sem_alloc : memref<!tpu.dma_semaphore, #tpu.memory_space<semaphore_mem>>
      %dma_start3A_2019 = arith.constant 0 : i32
      %dma_start3A_2020 = tpu.memref_slice %arg3[%dma_start3A_2019, %mul3A_2] : memref<13x4096xi32, #tpu.memory_space<hbm>> -> memref<13x128xi32, #tpu.memory_space<hbm>>
      %dma_start3A_2021 = arith.constant 0 : i32
      %dma_start3A_2022 = tpu.memref_slice %arg3[%dma_start3A_2021, %mul3A_2] : memref<13x4096xi32, #tpu.memory_space<hbm>> -> memref<13x128xi32, #tpu.memory_space<hbm>>
      tpu.enqueue_dma source(%dma_start3A_2022 : memref<13x128xi32, #tpu.memory_space<hbm>>) target(%arg5 : memref<13x128xi32, #tpu.memory_space<vmem>>) target_semaphore(%run_scoped3A : memref<!tpu.dma_semaphore, #tpu.memory_space<semaphore_mem>>)
      %dma_wait3A_2023 = arith.constant 0 : i32
      %dma_wait3A_2024 = tpu.memref_slice %arg3[%dma_wait3A_2023, %mul3A_2] : memref<13x4096xi32, #tpu.memory_space<hbm>> -> memref<13x128xi32, #tpu.memory_space<hbm>>
      %dma_wait3A_2025 = arith.constant 0 : i32
      %dma_wait3A_2026 = tpu.memref_slice %arg3[%dma_wait3A_2025, %mul3A_2] : memref<13x4096xi32, #tpu.memory_space<hbm>> -> memref<13x128xi32, #tpu.memory_space<hbm>>
      tpu.wait_dma2 semaphore(%run_scoped3A : memref<!tpu.dma_semaphore, #tpu.memory_space<semaphore_mem>>) src(%dma_wait3A_2026 : memref<13x128xi32, #tpu.memory_space<hbm>>) dst(%arg5 : memref<13x128xi32, #tpu.memory_space<vmem>>)
      tpu.yield
    }) : () -> ()
    %get3A = arith.constant 1 : i32
    %get3A_3 = arith.index_cast %get3A : i32 to index
    %get3A_4 = arith.constant 0 : index
    %get3A_5 = tpu.vector_load %arg5[%get3A_3, %get3A_4] {strides = array<i32>} : memref<13x128xi32, #tpu.memory_space<vmem>>, vector<1x16xi32>,
    %get3A_6 = vector.shape_cast %get3A_5 : vector<1x16xi32> to vector<16xi32>
    %add3A_7 = arith.constant 100000 : i32
    %add3A_8 = vector.broadcast %add3A_7 : i32 to vector<16xi32>
    %add3A_9 = arith.addi %get3A_6, %add3A_8 : vector<16xi32>
    %swap3A = arith.constant 1 : i32
    %swap3A_10 = arith.index_cast %swap3A : i32 to index
    %swap3A_11 = arith.constant 0 : index
    %swap3A_12 = tpu.vector_load %arg5[%swap3A_10, %swap3A_11] {strides = array<i32>} : memref<13x128xi32, #tpu.memory_space<vmem>>, vector<1x16xi32>,
    %swap3A_13 = vector.shape_cast %swap3A_12 : vector<1x16xi32> to vector<16xi32>
    %swap3A_14 = vector.shape_cast %add3A_9 : vector<16xi32> to vector<1x16xi32>
    tpu.vector_store %arg5[%swap3A_10, %swap3A_11], %swap3A_14 {strides = array<i32>} : memref<13x128xi32, #tpu.memory_space<vmem>>, vector<1x16xi32>,
    %get3A_15 = arith.constant 1 : i32
    %get3A_16 = arith.index_cast %get3A_15 : i32 to index
    %get3A_17 = arith.constant 16 : index
    %get3A_18 = tpu.vector_load %arg5[%get3A_16, %get3A_17] {strides = array<i32>} : memref<13x128xi32, #tpu.memory_space<vmem>>, vector<1x16xi32>,
    %get3A_19 = vector.shape_cast %get3A_18 : vector<1x16xi32> to vector<16xi32>
    %add3A_20 = arith.constant 100000 : i32
    %add3A_21 = vector.broadcast %add3A_20 : i32 to vector<16xi32>
    %add3A_22 = arith.addi %get3A_19, %add3A_21 : vector<16xi32>
    %swap3A_23 = arith.constant 1 : i32
    %swap3A_24 = arith.index_cast %swap3A_23 : i32 to index
    %swap3A_25 = arith.constant 16 : index
    %swap3A_26 = tpu.vector_load %arg5[%swap3A_24, %swap3A_25] {strides = array<i32>} : memref<13x128xi32, #tpu.memory_space<vmem>>, vector<1x16xi32>,
    %swap3A_27 = vector.shape_cast %swap3A_26 : vector<1x16xi32> to vector<16xi32>
    %swap3A_28 = vector.shape_cast %add3A_22 : vector<16xi32> to vector<1x16xi32>
    tpu.vector_store %arg5[%swap3A_24, %swap3A_25], %swap3A_28 {strides = array<i32>} : memref<13x128xi32, #tpu.memory_space<vmem>>, vector<1x16xi32>,
    %get3A_29 = arith.constant 1 : i32
    %get3A_30 = arith.index_cast %get3A_29 : i32 to index
    %get3A_31 = arith.constant 32 : index
    %get3A_32 = tpu.vector_load %arg5[%get3A_30, %get3A_31] {strides = array<i32>} : memref<13x128xi32, #tpu.memory_space<vmem>>, vector<1x16xi32>,
    %get3A_33 = vector.shape_cast %get3A_32 : vector<1x16xi32> to vector<16xi32>
    %add3A_34 = arith.constant 100000 : i32
    %add3A_35 = vector.broadcast %add3A_34 : i32 to vector<16xi32>
    %add3A_36 = arith.addi %get3A_33, %add3A_35 : vector<16xi32>
    %swap3A_37 = arith.constant 1 : i32
    %swap3A_38 = arith.index_cast %swap3A_37 : i32 to index
    %swap3A_39 = arith.constant 32 : index
    %swap3A_40 = tpu.vector_load %arg5[%swap3A_38, %swap3A_39] {strides = array<i32>} : memref<13x128xi32, #tpu.memory_space<vmem>>, vector<1x16xi32>,
    %swap3A_41 = vector.shape_cast %swap3A_40 : vector<1x16xi32> to vector<16xi32>
    %swap3A_42 = vector.shape_cast %add3A_36 : vector<16xi32> to vector<1x16xi32>
    tpu.vector_store %arg5[%swap3A_38, %swap3A_39], %swap3A_42 {strides = array<i32>} : memref<13x128xi32, #tpu.memory_space<vmem>>, vector<1x16xi32>,
    %get3A_43 = arith.constant 1 : i32
    %get3A_44 = arith.index_cast %get3A_43 : i32 to index
    %get3A_45 = arith.constant 48 : index
    %get3A_46 = tpu.vector_load %arg5[%get3A_44, %get3A_45] {strides = array<i32>} : memref<13x128xi32, #tpu.memory_space<vmem>>, vector<1x16xi32>,
    %get3A_47 = vector.shape_cast %get3A_46 : vector<1x16xi32> to vector<16xi32>
    %add3A_48 = arith.constant 100000 : i32
    %add3A_49 = vector.broadcast %add3A_48 : i32 to vector<16xi32>
    %add3A_50 = arith.addi %get3A_47, %add3A_49 : vector<16xi32>
    %swap3A_51 = arith.constant 1 : i32
    %swap3A_52 = arith.index_cast %swap3A_51 : i32 to index
    %swap3A_53 = arith.constant 48 : index
    %swap3A_54 = tpu.vector_load %arg5[%swap3A_52, %swap3A_53] {strides = array<i32>} : memref<13x128xi32, #tpu.memory_space<vmem>>, vector<1x16xi32>,
    %swap3A_55 = vector.shape_cast %swap3A_54 : vector<1x16xi32> to vector<16xi32>
    %swap3A_56 = vector.shape_cast %add3A_50 : vector<16xi32> to vector<1x16xi32>
    tpu.vector_store %arg5[%swap3A_52, %swap3A_53], %swap3A_56 {strides = array<i32>} : memref<13x128xi32, #tpu.memory_space<vmem>>, vector<1x16xi32>,
    %get3A_57 = arith.constant 1 : i32
    %get3A_58 = arith.index_cast %get3A_57 : i32 to index
    %get3A_59 = arith.constant 64 : index
    %get3A_60 = tpu.vector_load %arg5[%get3A_58, %get3A_59] {strides = array<i32>} : memref<13x128xi32, #tpu.memory_space<vmem>>, vector<1x16xi32>,
    %get3A_61 = vector.shape_cast %get3A_60 : vector<1x16xi32> to vector<16xi32>
    %add3A_62 = arith.constant 100000 : i32
    %add3A_63 = vector.broadcast %add3A_62 : i32 to vector<16xi32>
    %add3A_64 = arith.addi %get3A_61, %add3A_63 : vector<16xi32>
    %swap3A_65 = arith.constant 1 : i32
    %swap3A_66 = arith.index_cast %swap3A_65 : i32 to index
    %swap3A_67 = arith.constant 64 : index
    %swap3A_68 = tpu.vector_load %arg5[%swap3A_66, %swap3A_67] {strides = array<i32>} : memref<13x128xi32, #tpu.memory_space<vmem>>, vector<1x16xi32>,
    %swap3A_69 = vector.shape_cast %swap3A_68 : vector<1x16xi32> to vector<16xi32>
    %swap3A_70 = vector.shape_cast %add3A_64 : vector<16xi32> to vector<1x16xi32>
    tpu.vector_store %arg5[%swap3A_66, %swap3A_67], %swap3A_70 {strides = array<i32>} : memref<13x128xi32, #tpu.memory_space<vmem>>, vector<1x16xi32>,
    %get3A_71 = arith.constant 1 : i32
    %get3A_72 = arith.index_cast %get3A_71 : i32 to index
    %get3A_73 = arith.constant 80 : index
    %get3A_74 = tpu.vector_load %arg5[%get3A_72, %get3A_73] {strides = array<i32>} : memref<13x128xi32, #tpu.memory_space<vmem>>, vector<1x16xi32>,
    %get3A_75 = vector.shape_cast %get3A_74 : vector<1x16xi32> to vector<16xi32>
    %add3A_76 = arith.constant 100000 : i32
    %add3A_77 = vector.broadcast %add3A_76 : i32 to vector<16xi32>
    %add3A_78 = arith.addi %get3A_75, %add3A_77 : vector<16xi32>
    %swap3A_79 = arith.constant 1 : i32
    %swap3A_80 = arith.index_cast %swap3A_79 : i32 to index
    %swap3A_81 = arith.constant 80 : index
    %swap3A_82 = tpu.vector_load %arg5[%swap3A_80, %swap3A_81] {strides = array<i32>} : memref<13x128xi32, #tpu.memory_space<vmem>>, vector<1x16xi32>,
    %swap3A_83 = vector.shape_cast %swap3A_82 : vector<1x16xi32> to vector<16xi32>
    %swap3A_84 = vector.shape_cast %add3A_78 : vector<16xi32> to vector<1x16xi32>
    tpu.vector_store %arg5[%swap3A_80, %swap3A_81], %swap3A_84 {strides = array<i32>} : memref<13x128xi32, #tpu.memory_space<vmem>>, vector<1x16xi32>,
    %get3A_85 = arith.constant 1 : i32
    %get3A_86 = arith.index_cast %get3A_85 : i32 to index
    %get3A_87 = arith.constant 96 : index
    %get3A_88 = tpu.vector_load %arg5[%get3A_86, %get3A_87] {strides = array<i32>} : memref<13x128xi32, #tpu.memory_space<vmem>>, vector<1x16xi32>,
    %get3A_89 = vector.shape_cast %get3A_88 : vector<1x16xi32> to vector<16xi32>
    %add3A_90 = arith.constant 100000 : i32
    %add3A_91 = vector.broadcast %add3A_90 : i32 to vector<16xi32>
    %add3A_92 = arith.addi %get3A_89, %add3A_91 : vector<16xi32>
    %swap3A_93 = arith.constant 1 : i32
    %swap3A_94 = arith.index_cast %swap3A_93 : i32 to index
    %swap3A_95 = arith.constant 96 : index
    %swap3A_96 = tpu.vector_load %arg5[%swap3A_94, %swap3A_95] {strides = array<i32>} : memref<13x128xi32, #tpu.memory_space<vmem>>, vector<1x16xi32>,
    %swap3A_97 = vector.shape_cast %swap3A_96 : vector<1x16xi32> to vector<16xi32>
    %swap3A_98 = vector.shape_cast %add3A_92 : vector<16xi32> to vector<1x16xi32>
    tpu.vector_store %arg5[%swap3A_94, %swap3A_95], %swap3A_98 {strides = array<i32>} : memref<13x128xi32, #tpu.memory_space<vmem>>, vector<1x16xi32>,
    %get3A_99 = arith.constant 1 : i32
    %get3A_100 = arith.index_cast %get3A_99 : i32 to index
    %get3A_101 = arith.constant 112 : index
    %get3A_102 = tpu.vector_load %arg5[%get3A_100, %get3A_101] {strides = array<i32>} : memref<13x128xi32, #tpu.memory_space<vmem>>, vector<1x16xi32>,
    %get3A_103 = vector.shape_cast %get3A_102 : vector<1x16xi32> to vector<16xi32>
    %add3A_104 = arith.constant 100000 : i32
    %add3A_105 = vector.broadcast %add3A_104 : i32 to vector<16xi32>
    %add3A_106 = arith.addi %get3A_103, %add3A_105 : vector<16xi32>
    %swap3A_107 = arith.constant 1 : i32
    %swap3A_108 = arith.index_cast %swap3A_107 : i32 to index
    %swap3A_109 = arith.constant 112 : index
    %swap3A_110 = tpu.vector_load %arg5[%swap3A_108, %swap3A_109] {strides = array<i32>} : memref<13x128xi32, #tpu.memory_space<vmem>>, vector<1x16xi32>,
    %swap3A_111 = vector.shape_cast %swap3A_110 : vector<1x16xi32> to vector<16xi32>
    %swap3A_112 = vector.shape_cast %add3A_106 : vector<16xi32> to vector<1x16xi32>
    tpu.vector_store %arg5[%swap3A_108, %swap3A_109], %swap3A_112 {strides = array<i32>} : memref<13x128xi32, #tpu.memory_space<vmem>>, vector<1x16xi32>,
    %get3A_113 = arith.constant 2 : i32
    %get3A_114 = arith.index_cast %get3A_113 : i32 to index
    %get3A_115 = arith.constant 0 : index
    %get3A_116 = tpu.vector_load %arg5[%get3A_114, %get3A_115] {strides = array<i32>} : memref<13x128xi32, #tpu.memory_space<vmem>>, vector<1x16xi32>,
    %get3A_117 = vector.shape_cast %get3A_116 : vector<1x16xi32> to vector<16xi32>
    %add3A_118 = arith.constant 200000 : i32
    %add3A_119 = vector.broadcast %add3A_118 : i32 to vector<16xi32>
    %add3A_120 = arith.addi %get3A_117, %add3A_119 : vector<16xi32>
    %swap3A_121 = arith.constant 2 : i32
    %swap3A_122 = arith.index_cast %swap3A_121 : i32 to index
    %swap3A_123 = arith.constant 0 : index
    %swap3A_124 = tpu.vector_load %arg5[%swap3A_122, %swap3A_123] {strides = array<i32>} : memref<13x128xi32, #tpu.memory_space<vmem>>, vector<1x16xi32>,
    %swap3A_125 = vector.shape_cast %swap3A_124 : vector<1x16xi32> to vector<16xi32>
    %swap3A_126 = vector.shape_cast %add3A_120 : vector<16xi32> to vector<1x16xi32>
    tpu.vector_store %arg5[%swap3A_122, %swap3A_123], %swap3A_126 {strides = array<i32>} : memref<13x128xi32, #tpu.memory_space<vmem>>, vector<1x16xi32>,
    %get3A_127 = arith.constant 2 : i32
    %get3A_128 = arith.index_cast %get3A_127 : i32 to index
    %get3A_129 = arith.constant 16 : index
    %get3A_130 = tpu.vector_load %arg5[%get3A_128, %get3A_129] {strides = array<i32>} : memref<13x128xi32, #tpu.memory_space<vmem>>, vector<1x16xi32>,
    %get3A_131 = vector.shape_cast %get3A_130 : vector<1x16xi32> to vector<16xi32>
    %add3A_132 = arith.constant 200000 : i32
    %add3A_133 = vector.broadcast %add3A_132 : i32 to vector<16xi32>
    %add3A_134 = arith.addi %get3A_131, %add3A_133 : vector<16xi32>
    %swap3A_135 = arith.constant 2 : i32
    %swap3A_136 = arith.index_cast %swap3A_135 : i32 to index
    %swap3A_137 = arith.constant 16 : index
    %swap3A_138 = tpu.vector_load %arg5[%swap3A_136, %swap3A_137] {strides = array<i32>} : memref<13x128xi32, #tpu.memory_space<vmem>>, vector<1x16xi32>,
    %swap3A_139 = vector.shape_cast %swap3A_138 : vector<1x16xi32> to vector<16xi32>
    %swap3A_140 = vector.shape_cast %add3A_134 : vector<16xi32> to vector<1x16xi32>
    tpu.vector_store %arg5[%swap3A_136, %swap3A_137], %swap3A_140 {strides = array<i32>} : memref<13x128xi32, #tpu.memory_space<vmem>>, vector<1x16xi32>,
    %get3A_141 = arith.constant 2 : i32
    %get3A_142 = arith.index_cast %get3A_141 : i32 to index
    %get3A_143 = arith.constant 32 : index
    %get3A_144 = tpu.vector_load %arg5[%get3A_142, %get3A_143] {strides = array<i32>} : memref<13x128xi32, #tpu.memory_space<vmem>>, vector<1x16xi32>,
    %get3A_145 = vector.shape_cast %get3A_144 : vector<1x16xi32> to vector<16xi32>
    %add3A_146 = arith.constant 200000 : i32
    %add3A_147 = vector.broadcast %add3A_146 : i32 to vector<16xi32>
    %add3A_148 = arith.addi %get3A_145, %add3A_147 : vector<16xi32>
    %swap3A_149 = arith.constant 2 : i32
    %swap3A_150 = arith.index_cast %swap3A_149 : i32 to index
    %swap3A_151 = arith.constant 32 : index
    %swap3A_152 = tpu.vector_load %arg5[%swap3A_150, %swap3A_151] {strides = array<i32>} : memref<13x128xi32, #tpu.memory_space<vmem>>, vector<1x16xi32>,
    %swap3A_153 = vector.shape_cast %swap3A_152 : vector<1x16xi32> to vector<16xi32>
    %swap3A_154 = vector.shape_cast %add3A_148 : vector<16xi32> to vector<1x16xi32>
    tpu.vector_store %arg5[%swap3A_150, %swap3A_151], %swap3A_154 {strides = array<i32>} : memref<13x128xi32, #tpu.memory_space<vmem>>, vector<1x16xi32>,
    %get3A_155 = arith.constant 2 : i32
    %get3A_156 = arith.index_cast %get3A_155 : i32 to index
    %get3A_157 = arith.constant 48 : index
    %get3A_158 = tpu.vector_load %arg5[%get3A_156, %get3A_157] {strides = array<i32>} : memref<13x128xi32, #tpu.memory_space<vmem>>, vector<1x16xi32>,
    %get3A_159 = vector.shape_cast %get3A_158 : vector<1x16xi32> to vector<16xi32>
    %add3A_160 = arith.constant 200000 : i32
    %add3A_161 = vector.broadcast %add3A_160 : i32 to vector<16xi32>
    %add3A_162 = arith.addi %get3A_159, %add3A_161 : vector<16xi32>
    %swap3A_163 = arith.constant 2 : i32
    %swap3A_164 = arith.index_cast %swap3A_163 : i32 to index
    %swap3A_165 = arith.constant 48 : index
    %swap3A_166 = tpu.vector_load %arg5[%swap3A_164, %swap3A_165] {strides = array<i32>} : memref<13x128xi32, #tpu.memory_space<vmem>>, vector<1x16xi32>,
    %swap3A_167 = vector.shape_cast %swap3A_166 : vector<1x16xi32> to vector<16xi32>
    %swap3A_168 = vector.shape_cast %add3A_162 : vector<16xi32> to vector<1x16xi32>
    tpu.vector_store %arg5[%swap3A_164, %swap3A_165], %swap3A_168 {strides = array<i32>} : memref<13x128xi32, #tpu.memory_space<vmem>>, vector<1x16xi32>,
    %get3A_169 = arith.constant 2 : i32
    %get3A_170 = arith.index_cast %get3A_169 : i32 to index
    %get3A_171 = arith.constant 64 : index
    %get3A_172 = tpu.vector_load %arg5[%get3A_170, %get3A_171] {strides = array<i32>} : memref<13x128xi32, #tpu.memory_space<vmem>>, vector<1x16xi32>,
    %get3A_173 = vector.shape_cast %get3A_172 : vector<1x16xi32> to vector<16xi32>
    %add3A_174 = arith.constant 200000 : i32
    %add3A_175 = vector.broadcast %add3A_174 : i32 to vector<16xi32>
    %add3A_176 = arith.addi %get3A_173, %add3A_175 : vector<16xi32>
    %swap3A_177 = arith.constant 2 : i32
    %swap3A_178 = arith.index_cast %swap3A_177 : i32 to index
    %swap3A_179 = arith.constant 64 : index
    %swap3A_180 = tpu.vector_load %arg5[%swap3A_178, %swap3A_179] {strides = array<i32>} : memref<13x128xi32, #tpu.memory_space<vmem>>, vector<1x16xi32>,
    %swap3A_181 = vector.shape_cast %swap3A_180 : vector<1x16xi32> to vector<16xi32>
    %swap3A_182 = vector.shape_cast %add3A_176 : vector<16xi32> to vector<1x16xi32>
    tpu.vector_store %arg5[%swap3A_178, %swap3A_179], %swap3A_182 {strides = array<i32>} : memref<13x128xi32, #tpu.memory_space<vmem>>, vector<1x16xi32>,
    %get3A_183 = arith.constant 2 : i32
    %get3A_184 = arith.index_cast %get3A_183 : i32 to index
    %get3A_185 = arith.constant 80 : index
    %get3A_186 = tpu.vector_load %arg5[%get3A_184, %get3A_185] {strides = array<i32>} : memref<13x128xi32, #tpu.memory_space<vmem>>, vector<1x16xi32>,
    %get3A_187 = vector.shape_cast %get3A_186 : vector<1x16xi32> to vector<16xi32>
    %add3A_188 = arith.constant 200000 : i32
    %add3A_189 = vector.broadcast %add3A_188 : i32 to vector<16xi32>
    %add3A_190 = arith.addi %get3A_187, %add3A_189 : vector<16xi32>
    %swap3A_191 = arith.constant 2 : i32
    %swap3A_192 = arith.index_cast %swap3A_191 : i32 to index
    %swap3A_193 = arith.constant 80 : index
    %swap3A_194 = tpu.vector_load %arg5[%swap3A_192, %swap3A_193] {strides = array<i32>} : memref<13x128xi32, #tpu.memory_space<vmem>>, vector<1x16xi32>,
    %swap3A_195 = vector.shape_cast %swap3A_194 : vector<1x16xi32> to vector<16xi32>
    %swap3A_196 = vector.shape_cast %add3A_190 : vector<16xi32> to vector<1x16xi32>
    tpu.vector_store %arg5[%swap3A_192, %swap3A_193], %swap3A_196 {strides = array<i32>} : memref<13x128xi32, #tpu.memory_space<vmem>>, vector<1x16xi32>,
    %get3A_197 = arith.constant 2 : i32
    %get3A_198 = arith.index_cast %get3A_197 : i32 to index
    %get3A_199 = arith.constant 96 : index
    %get3A_200 = tpu.vector_load %arg5[%get3A_198, %get3A_199] {strides = array<i32>} : memref<13x128xi32, #tpu.memory_space<vmem>>, vector<1x16xi32>,
    %get3A_201 = vector.shape_cast %get3A_200 : vector<1x16xi32> to vector<16xi32>
    %add3A_202 = arith.constant 200000 : i32
    %add3A_203 = vector.broadcast %add3A_202 : i32 to vector<16xi32>
    %add3A_204 = arith.addi %get3A_201, %add3A_203 : vector<16xi32>
    %swap3A_205 = arith.constant 2 : i32
    %swap3A_206 = arith.index_cast %swap3A_205 : i32 to index
    %swap3A_207 = arith.constant 96 : index
    %swap3A_208 = tpu.vector_load %arg5[%swap3A_206, %swap3A_207] {strides = array<i32>} : memref<13x128xi32, #tpu.memory_space<vmem>>, vector<1x16xi32>,
    %swap3A_209 = vector.shape_cast %swap3A_208 : vector<1x16xi32> to vector<16xi32>
    %swap3A_210 = vector.shape_cast %add3A_204 : vector<16xi32> to vector<1x16xi32>
    tpu.vector_store %arg5[%swap3A_206, %swap3A_207], %swap3A_210 {strides = array<i32>} : memref<13x128xi32, #tpu.memory_space<vmem>>, vector<1x16xi32>,
    %get3A_211 = arith.constant 2 : i32
    %get3A_212 = arith.index_cast %get3A_211 : i32 to index
    %get3A_213 = arith.constant 112 : index
    %get3A_214 = tpu.vector_load %arg5[%get3A_212, %get3A_213] {strides = array<i32>} : memref<13x128xi32, #tpu.memory_space<vmem>>, vector<1x16xi32>,
    %get3A_215 = vector.shape_cast %get3A_214 : vector<1x16xi32> to vector<16xi32>
    %add3A_216 = arith.constant 200000 : i32
    %add3A_217 = vector.broadcast %add3A_216 : i32 to vector<16xi32>
    %add3A_218 = arith.addi %get3A_215, %add3A_217 : vector<16xi32>
    %swap3A_219 = arith.constant 2 : i32
    %swap3A_220 = arith.index_cast %swap3A_219 : i32 to index
    %swap3A_221 = arith.constant 112 : index
    %swap3A_222 = tpu.vector_load %arg5[%swap3A_220, %swap3A_221] {strides = array<i32>} : memref<13x128xi32, #tpu.memory_space<vmem>>, vector<1x16xi32>,
    %swap3A_223 = vector.shape_cast %swap3A_222 : vector<1x16xi32> to vector<16xi32>
    %swap3A_224 = vector.shape_cast %add3A_218 : vector<16xi32> to vector<1x16xi32>
    tpu.vector_store %arg5[%swap3A_220, %swap3A_221], %swap3A_224 {strides = array<i32>} : memref<13x128xi32, #tpu.memory_space<vmem>>, vector<1x16xi32>,
    %get3A_225 = arith.constant 3 : i32
    %get3A_226 = arith.index_cast %get3A_225 : i32 to index
    %get3A_227 = arith.constant 0 : index
    %get3A_228 = tpu.vector_load %arg5[%get3A_226, %get3A_227] {strides = array<i32>} : memref<13x128xi32, #tpu.memory_space<vmem>>, vector<1x16xi32>,
    %get3A_229 = vector.shape_cast %get3A_228 : vector<1x16xi32> to vector<16xi32>
    %add3A_230 = arith.constant 300000 : i32
    %add3A_231 = vector.broadcast %add3A_230 : i32 to vector<16xi32>
    %add3A_232 = arith.addi %get3A_229, %add3A_231 : vector<16xi32>
    %swap3A_233 = arith.constant 3 : i32
    %swap3A_234 = arith.index_cast %swap3A_233 : i32 to index
    %swap3A_235 = arith.constant 0 : index
    %swap3A_236 = tpu.vector_load %arg5[%swap3A_234, %swap3A_235] {strides = array<i32>} : memref<13x128xi32, #tpu.memory_space<vmem>>, vector<1x16xi32>,
    %swap3A_237 = vector.shape_cast %swap3A_236 : vector<1x16xi32> to vector<16xi32>
    %swap3A_238 = vector.shape_cast %add3A_232 : vector<16xi32> to vector<1x16xi32>
    tpu.vector_store %arg5[%swap3A_234, %swap3A_235], %swap3A_238 {strides = array<i32>} : memref<13x128xi32, #tpu.memory_space<vmem>>, vector<1x16xi32>,
    %get3A_239 = arith.constant 3 : i32
    %get3A_240 = arith.index_cast %get3A_239 : i32 to index
    %get3A_241 = arith.constant 16 : index
    %get3A_242 = tpu.vector_load %arg5[%get3A_240, %get3A_241] {strides = array<i32>} : memref<13x128xi32, #tpu.memory_space<vmem>>, vector<1x16xi32>,
    %get3A_243 = vector.shape_cast %get3A_242 : vector<1x16xi32> to vector<16xi32>
    %add3A_244 = arith.constant 300000 : i32
    %add3A_245 = vector.broadcast %add3A_244 : i32 to vector<16xi32>
    %add3A_246 = arith.addi %get3A_243, %add3A_245 : vector<16xi32>
    %swap3A_247 = arith.constant 3 : i32
    %swap3A_248 = arith.index_cast %swap3A_247 : i32 to index
    %swap3A_249 = arith.constant 16 : index
    %swap3A_250 = tpu.vector_load %arg5[%swap3A_248, %swap3A_249] {strides = array<i32>} : memref<13x128xi32, #tpu.memory_space<vmem>>, vector<1x16xi32>,
    %swap3A_251 = vector.shape_cast %swap3A_250 : vector<1x16xi32> to vector<16xi32>
    %swap3A_252 = vector.shape_cast %add3A_246 : vector<16xi32> to vector<1x16xi32>
    tpu.vector_store %arg5[%swap3A_248, %swap3A_249], %swap3A_252 {strides = array<i32>} : memref<13x128xi32, #tpu.memory_space<vmem>>, vector<1x16xi32>,
    %get3A_253 = arith.constant 3 : i32
    %get3A_254 = arith.index_cast %get3A_253 : i32 to index
    %get3A_255 = arith.constant 32 : index
    %get3A_256 = tpu.vector_load %arg5[%get3A_254, %get3A_255] {strides = array<i32>} : memref<13x128xi32, #tpu.memory_space<vmem>>, vector<1x16xi32>,
    %get3A_257 = vector.shape_cast %get3A_256 : vector<1x16xi32> to vector<16xi32>
    %add3A_258 = arith.constant 300000 : i32
    %add3A_259 = vector.broadcast %add3A_258 : i32 to vector<16xi32>
    %add3A_260 = arith.addi %get3A_257, %add3A_259 : vector<16xi32>
    %swap3A_261 = arith.constant 3 : i32
    %swap3A_262 = arith.index_cast %swap3A_261 : i32 to index
    %swap3A_263 = arith.constant 32 : index
    %swap3A_264 = tpu.vector_load %arg5[%swap3A_262, %swap3A_263] {strides = array<i32>} : memref<13x128xi32, #tpu.memory_space<vmem>>, vector<1x16xi32>,
    %swap3A_265 = vector.shape_cast %swap3A_264 : vector<1x16xi32> to vector<16xi32>
    %swap3A_266 = vector.shape_cast %add3A_260 : vector<16xi32> to vector<1x16xi32>
    tpu.vector_store %arg5[%swap3A_262, %swap3A_263], %swap3A_266 {strides = array<i32>} : memref<13x128xi32, #tpu.memory_space<vmem>>, vector<1x16xi32>,
    %get3A_267 = arith.constant 3 : i32
    %get3A_268 = arith.index_cast %get3A_267 : i32 to index
    %get3A_269 = arith.constant 48 : index
    %get3A_270 = tpu.vector_load %arg5[%get3A_268, %get3A_269] {strides = array<i32>} : memref<13x128xi32, #tpu.memory_space<vmem>>, vector<1x16xi32>,
    %get3A_271 = vector.shape_cast %get3A_270 : vector<1x16xi32> to vector<16xi32>
    %add3A_272 = arith.constant 300000 : i32
    %add3A_273 = vector.broadcast %add3A_272 : i32 to vector<16xi32>
    %add3A_274 = arith.addi %get3A_271, %add3A_273 : vector<16xi32>
    %swap3A_275 = arith.constant 3 : i32
    %swap3A_276 = arith.index_cast %swap3A_275 : i32 to index
    %swap3A_277 = arith.constant 48 : index
    %swap3A_278 = tpu.vector_load %arg5[%swap3A_276, %swap3A_277] {strides = array<i32>} : memref<13x128xi32, #tpu.memory_space<vmem>>, vector<1x16xi32>,
    %swap3A_279 = vector.shape_cast %swap3A_278 : vector<1x16xi32> to vector<16xi32>
    %swap3A_280 = vector.shape_cast %add3A_274 : vector<16xi32> to vector<1x16xi32>
    tpu.vector_store %arg5[%swap3A_276, %swap3A_277], %swap3A_280 {strides = array<i32>} : memref<13x128xi32, #tpu.memory_space<vmem>>, vector<1x16xi32>,
    %get3A_281 = arith.constant 3 : i32
    %get3A_282 = arith.index_cast %get3A_281 : i32 to index
    %get3A_283 = arith.constant 64 : index
    %get3A_284 = tpu.vector_load %arg5[%get3A_282, %get3A_283] {strides = array<i32>} : memref<13x128xi32, #tpu.memory_space<vmem>>, vector<1x16xi32>,
    %get3A_285 = vector.shape_cast %get3A_284 : vector<1x16xi32> to vector<16xi32>
    %add3A_286 = arith.constant 300000 : i32
    %add3A_287 = vector.broadcast %add3A_286 : i32 to vector<16xi32>
    %add3A_288 = arith.addi %get3A_285, %add3A_287 : vector<16xi32>
    %swap3A_289 = arith.constant 3 : i32
    %swap3A_290 = arith.index_cast %swap3A_289 : i32 to index
    %swap3A_291 = arith.constant 64 : index
    %swap3A_292 = tpu.vector_load %arg5[%swap3A_290, %swap3A_291] {strides = array<i32>} : memref<13x128xi32, #tpu.memory_space<vmem>>, vector<1x16xi32>,
    %swap3A_293 = vector.shape_cast %swap3A_292 : vector<1x16xi32> to vector<16xi32>
    %swap3A_294 = vector.shape_cast %add3A_288 : vector<16xi32> to vector<1x16xi32>
    tpu.vector_store %arg5[%swap3A_290, %swap3A_291], %swap3A_294 {strides = array<i32>} : memref<13x128xi32, #tpu.memory_space<vmem>>, vector<1x16xi32>,
    %get3A_295 = arith.constant 3 : i32
    %get3A_296 = arith.index_cast %get3A_295 : i32 to index
    %get3A_297 = arith.constant 80 : index
    %get3A_298 = tpu.vector_load %arg5[%get3A_296, %get3A_297] {strides = array<i32>} : memref<13x128xi32, #tpu.memory_space<vmem>>, vector<1x16xi32>,
    %get3A_299 = vector.shape_cast %get3A_298 : vector<1x16xi32> to vector<16xi32>
    %add3A_300 = arith.constant 300000 : i32
    %add3A_301 = vector.broadcast %add3A_300 : i32 to vector<16xi32>
    %add3A_302 = arith.addi %get3A_299, %add3A_301 : vector<16xi32>
    %swap3A_303 = arith.constant 3 : i32
    %swap3A_304 = arith.index_cast %swap3A_303 : i32 to index
    %swap3A_305 = arith.constant 80 : index
    %swap3A_306 = tpu.vector_load %arg5[%swap3A_304, %swap3A_305] {strides = array<i32>} : memref<13x128xi32, #tpu.memory_space<vmem>>, vector<1x16xi32>,
    %swap3A_307 = vector.shape_cast %swap3A_306 : vector<1x16xi32> to vector<16xi32>
    %swap3A_308 = vector.shape_cast %add3A_302 : vector<16xi32> to vector<1x16xi32>
    tpu.vector_store %arg5[%swap3A_304, %swap3A_305], %swap3A_308 {strides = array<i32>} : memref<13x128xi32, #tpu.memory_space<vmem>>, vector<1x16xi32>,
    %get3A_309 = arith.constant 3 : i32
    %get3A_310 = arith.index_cast %get3A_309 : i32 to index
    %get3A_311 = arith.constant 96 : index
    %get3A_312 = tpu.vector_load %arg5[%get3A_310, %get3A_311] {strides = array<i32>} : memref<13x128xi32, #tpu.memory_space<vmem>>, vector<1x16xi32>,
    %get3A_313 = vector.shape_cast %get3A_312 : vector<1x16xi32> to vector<16xi32>
    %add3A_314 = arith.constant 300000 : i32
    %add3A_315 = vector.broadcast %add3A_314 : i32 to vector<16xi32>
    %add3A_316 = arith.addi %get3A_313, %add3A_315 : vector<16xi32>
    %swap3A_317 = arith.constant 3 : i32
    %swap3A_318 = arith.index_cast %swap3A_317 : i32 to index
    %swap3A_319 = arith.constant 96 : index
    %swap3A_320 = tpu.vector_load %arg5[%swap3A_318, %swap3A_319] {strides = array<i32>} : memref<13x128xi32, #tpu.memory_space<vmem>>, vector<1x16xi32>,
    %swap3A_321 = vector.shape_cast %swap3A_320 : vector<1x16xi32> to vector<16xi32>
    %swap3A_322 = vector.shape_cast %add3A_316 : vector<16xi32> to vector<1x16xi32>
    tpu.vector_store %arg5[%swap3A_318, %swap3A_319], %swap3A_322 {strides = array<i32>} : memref<13x128xi32, #tpu.memory_space<vmem>>, vector<1x16xi32>,
    %get3A_323 = arith.constant 3 : i32
    %get3A_324 = arith.index_cast %get3A_323 : i32 to index
    %get3A_325 = arith.constant 112 : index
    %get3A_326 = tpu.vector_load %arg5[%get3A_324, %get3A_325] {strides = array<i32>} : memref<13x128xi32, #tpu.memory_space<vmem>>, vector<1x16xi32>,
    %get3A_327 = vector.shape_cast %get3A_326 : vector<1x16xi32> to vector<16xi32>
    %add3A_328 = arith.constant 300000 : i32
    %add3A_329 = vector.broadcast %add3A_328 : i32 to vector<16xi32>
    %add3A_330 = arith.addi %get3A_327, %add3A_329 : vector<16xi32>
    %swap3A_331 = arith.constant 3 : i32
    %swap3A_332 = arith.index_cast %swap3A_331 : i32 to index
    %swap3A_333 = arith.constant 112 : index
    %swap3A_334 = tpu.vector_load %arg5[%swap3A_332, %swap3A_333] {strides = array<i32>} : memref<13x128xi32, #tpu.memory_space<vmem>>, vector<1x16xi32>,
    %swap3A_335 = vector.shape_cast %swap3A_334 : vector<1x16xi32> to vector<16xi32>
    %swap3A_336 = vector.shape_cast %add3A_330 : vector<16xi32> to vector<1x16xi32>
    tpu.vector_store %arg5[%swap3A_332, %swap3A_333], %swap3A_336 {strides = array<i32>} : memref<13x128xi32, #tpu.memory_space<vmem>>, vector<1x16xi32>,
    %get3A_337 = arith.constant 4 : i32
    %get3A_338 = arith.index_cast %get3A_337 : i32 to index
    %get3A_339 = arith.constant 0 : index
    %get3A_340 = tpu.vector_load %arg5[%get3A_338, %get3A_339] {strides = array<i32>} : memref<13x128xi32, #tpu.memory_space<vmem>>, vector<1x16xi32>,
    %get3A_341 = vector.shape_cast %get3A_340 : vector<1x16xi32> to vector<16xi32>
    %add3A_342 = arith.constant 400000 : i32
    %add3A_343 = vector.broadcast %add3A_342 : i32 to vector<16xi32>
    %add3A_344 = arith.addi %get3A_341, %add3A_343 : vector<16xi32>
    %swap3A_345 = arith.constant 4 : i32
    %swap3A_346 = arith.index_cast %swap3A_345 : i32 to index
    %swap3A_347 = arith.constant 0 : index
    %swap3A_348 = tpu.vector_load %arg5[%swap3A_346, %swap3A_347] {strides = array<i32>} : memref<13x128xi32, #tpu.memory_space<vmem>>, vector<1x16xi32>,
    %swap3A_349 = vector.shape_cast %swap3A_348 : vector<1x16xi32> to vector<16xi32>
    %swap3A_350 = vector.shape_cast %add3A_344 : vector<16xi32> to vector<1x16xi32>
    tpu.vector_store %arg5[%swap3A_346, %swap3A_347], %swap3A_350 {strides = array<i32>} : memref<13x128xi32, #tpu.memory_space<vmem>>, vector<1x16xi32>,
    %get3A_351 = arith.constant 4 : i32
    %get3A_352 = arith.index_cast %get3A_351 : i32 to index
    %get3A_353 = arith.constant 16 : index
    %get3A_354 = tpu.vector_load %arg5[%get3A_352, %get3A_353] {strides = array<i32>} : memref<13x128xi32, #tpu.memory_space<vmem>>, vector<1x16xi32>,
    %get3A_355 = vector.shape_cast %get3A_354 : vector<1x16xi32> to vector<16xi32>
    %add3A_356 = arith.constant 400000 : i32
    %add3A_357 = vector.broadcast %add3A_356 : i32 to vector<16xi32>
    %add3A_358 = arith.addi %get3A_355, %add3A_357 : vector<16xi32>
    %swap3A_359 = arith.constant 4 : i32
    %swap3A_360 = arith.index_cast %swap3A_359 : i32 to index
    %swap3A_361 = arith.constant 16 : index
    %swap3A_362 = tpu.vector_load %arg5[%swap3A_360, %swap3A_361] {strides = array<i32>} : memref<13x128xi32, #tpu.memory_space<vmem>>, vector<1x16xi32>,
    %swap3A_363 = vector.shape_cast %swap3A_362 : vector<1x16xi32> to vector<16xi32>
    %swap3A_364 = vector.shape_cast %add3A_358 : vector<16xi32> to vector<1x16xi32>
    tpu.vector_store %arg5[%swap3A_360, %swap3A_361], %swap3A_364 {strides = array<i32>} : memref<13x128xi32, #tpu.memory_space<vmem>>, vector<1x16xi32>,
    %get3A_365 = arith.constant 4 : i32
    %get3A_366 = arith.index_cast %get3A_365 : i32 to index
    %get3A_367 = arith.constant 32 : index
    %get3A_368 = tpu.vector_load %arg5[%get3A_366, %get3A_367] {strides = array<i32>} : memref<13x128xi32, #tpu.memory_space<vmem>>, vector<1x16xi32>,
    %get3A_369 = vector.shape_cast %get3A_368 : vector<1x16xi32> to vector<16xi32>
    %add3A_370 = arith.constant 400000 : i32
    %add3A_371 = vector.broadcast %add3A_370 : i32 to vector<16xi32>
    %add3A_372 = arith.addi %get3A_369, %add3A_371 : vector<16xi32>
    %swap3A_373 = arith.constant 4 : i32
    %swap3A_374 = arith.index_cast %swap3A_373 : i32 to index
    %swap3A_375 = arith.constant 32 : index
    %swap3A_376 = tpu.vector_load %arg5[%swap3A_374, %swap3A_375] {strides = array<i32>} : memref<13x128xi32, #tpu.memory_space<vmem>>, vector<1x16xi32>,
    %swap3A_377 = vector.shape_cast %swap3A_376 : vector<1x16xi32> to vector<16xi32>
    %swap3A_378 = vector.shape_cast %add3A_372 : vector<16xi32> to vector<1x16xi32>
    tpu.vector_store %arg5[%swap3A_374, %swap3A_375], %swap3A_378 {strides = array<i32>} : memref<13x128xi32, #tpu.memory_space<vmem>>, vector<1x16xi32>,
    %get3A_379 = arith.constant 4 : i32
    %get3A_380 = arith.index_cast %get3A_379 : i32 to index
    %get3A_381 = arith.constant 48 : index
    %get3A_382 = tpu.vector_load %arg5[%get3A_380, %get3A_381] {strides = array<i32>} : memref<13x128xi32, #tpu.memory_space<vmem>>, vector<1x16xi32>,
    %get3A_383 = vector.shape_cast %get3A_382 : vector<1x16xi32> to vector<16xi32>
    %add3A_384 = arith.constant 400000 : i32
    %add3A_385 = vector.broadcast %add3A_384 : i32 to vector<16xi32>
    %add3A_386 = arith.addi %get3A_383, %add3A_385 : vector<16xi32>
    %swap3A_387 = arith.constant 4 : i32
    %swap3A_388 = arith.index_cast %swap3A_387 : i32 to index
    %swap3A_389 = arith.constant 48 : index
    %swap3A_390 = tpu.vector_load %arg5[%swap3A_388, %swap3A_389] {strides = array<i32>} : memref<13x128xi32, #tpu.memory_space<vmem>>, vector<1x16xi32>,
    %swap3A_391 = vector.shape_cast %swap3A_390 : vector<1x16xi32> to vector<16xi32>
    %swap3A_392 = vector.shape_cast %add3A_386 : vector<16xi32> to vector<1x16xi32>
    tpu.vector_store %arg5[%swap3A_388, %swap3A_389], %swap3A_392 {strides = array<i32>} : memref<13x128xi32, #tpu.memory_space<vmem>>, vector<1x16xi32>,
    %get3A_393 = arith.constant 4 : i32
    %get3A_394 = arith.index_cast %get3A_393 : i32 to index
    %get3A_395 = arith.constant 64 : index
    %get3A_396 = tpu.vector_load %arg5[%get3A_394, %get3A_395] {strides = array<i32>} : memref<13x128xi32, #tpu.memory_space<vmem>>, vector<1x16xi32>,
    %get3A_397 = vector.shape_cast %get3A_396 : vector<1x16xi32> to vector<16xi32>
    %add3A_398 = arith.constant 400000 : i32
    %add3A_399 = vector.broadcast %add3A_398 : i32 to vector<16xi32>
    %add3A_400 = arith.addi %get3A_397, %add3A_399 : vector<16xi32>
    %swap3A_401 = arith.constant 4 : i32
    %swap3A_402 = arith.index_cast %swap3A_401 : i32 to index
    %swap3A_403 = arith.constant 64 : index
    %swap3A_404 = tpu.vector_load %arg5[%swap3A_402, %swap3A_403] {strides = array<i32>} : memref<13x128xi32, #tpu.memory_space<vmem>>, vector<1x16xi32>,
    %swap3A_405 = vector.shape_cast %swap3A_404 : vector<1x16xi32> to vector<16xi32>
    %swap3A_406 = vector.shape_cast %add3A_400 : vector<16xi32> to vector<1x16xi32>
    tpu.vector_store %arg5[%swap3A_402, %swap3A_403], %swap3A_406 {strides = array<i32>} : memref<13x128xi32, #tpu.memory_space<vmem>>, vector<1x16xi32>,
    %get3A_407 = arith.constant 4 : i32
    %get3A_408 = arith.index_cast %get3A_407 : i32 to index
    %get3A_409 = arith.constant 80 : index
    %get3A_410 = tpu.vector_load %arg5[%get3A_408, %get3A_409] {strides = array<i32>} : memref<13x128xi32, #tpu.memory_space<vmem>>, vector<1x16xi32>,
    %get3A_411 = vector.shape_cast %get3A_410 : vector<1x16xi32> to vector<16xi32>
    %add3A_412 = arith.constant 400000 : i32
    %add3A_413 = vector.broadcast %add3A_412 : i32 to vector<16xi32>
    %add3A_414 = arith.addi %get3A_411, %add3A_413 : vector<16xi32>
    %swap3A_415 = arith.constant 4 : i32
    %swap3A_416 = arith.index_cast %swap3A_415 : i32 to index
    %swap3A_417 = arith.constant 80 : index
    %swap3A_418 = tpu.vector_load %arg5[%swap3A_416, %swap3A_417] {strides = array<i32>} : memref<13x128xi32, #tpu.memory_space<vmem>>, vector<1x16xi32>,
    %swap3A_419 = vector.shape_cast %swap3A_418 : vector<1x16xi32> to vector<16xi32>
    %swap3A_420 = vector.shape_cast %add3A_414 : vector<16xi32> to vector<1x16xi32>
    tpu.vector_store %arg5[%swap3A_416, %swap3A_417], %swap3A_420 {strides = array<i32>} : memref<13x128xi32, #tpu.memory_space<vmem>>, vector<1x16xi32>,
    %get3A_421 = arith.constant 4 : i32
    %get3A_422 = arith.index_cast %get3A_421 : i32 to index
    %get3A_423 = arith.constant 96 : index
    %get3A_424 = tpu.vector_load %arg5[%get3A_422, %get3A_423] {strides = array<i32>} : memref<13x128xi32, #tpu.memory_space<vmem>>, vector<1x16xi32>,
    %get3A_425 = vector.shape_cast %get3A_424 : vector<1x16xi32> to vector<16xi32>
    %add3A_426 = arith.constant 400000 : i32
    %add3A_427 = vector.broadcast %add3A_426 : i32 to vector<16xi32>
    %add3A_428 = arith.addi %get3A_425, %add3A_427 : vector<16xi32>
    %swap3A_429 = arith.constant 4 : i32
    %swap3A_430 = arith.index_cast %swap3A_429 : i32 to index
    %swap3A_431 = arith.constant 96 : index
    %swap3A_432 = tpu.vector_load %arg5[%swap3A_430, %swap3A_431] {strides = array<i32>} : memref<13x128xi32, #tpu.memory_space<vmem>>, vector<1x16xi32>,
    %swap3A_433 = vector.shape_cast %swap3A_432 : vector<1x16xi32> to vector<16xi32>
    %swap3A_434 = vector.shape_cast %add3A_428 : vector<16xi32> to vector<1x16xi32>
    tpu.vector_store %arg5[%swap3A_430, %swap3A_431], %swap3A_434 {strides = array<i32>} : memref<13x128xi32, #tpu.memory_space<vmem>>, vector<1x16xi32>,
    %get3A_435 = arith.constant 4 : i32
    %get3A_436 = arith.index_cast %get3A_435 : i32 to index
    %get3A_437 = arith.constant 112 : index
    %get3A_438 = tpu.vector_load %arg5[%get3A_436, %get3A_437] {strides = array<i32>} : memref<13x128xi32, #tpu.memory_space<vmem>>, vector<1x16xi32>,
    %get3A_439 = vector.shape_cast %get3A_438 : vector<1x16xi32> to vector<16xi32>
    %add3A_440 = arith.constant 400000 : i32
    %add3A_441 = vector.broadcast %add3A_440 : i32 to vector<16xi32>
    %add3A_442 = arith.addi %get3A_439, %add3A_441 : vector<16xi32>
    %swap3A_443 = arith.constant 4 : i32
    %swap3A_444 = arith.index_cast %swap3A_443 : i32 to index
    %swap3A_445 = arith.constant 112 : index
    %swap3A_446 = tpu.vector_load %arg5[%swap3A_444, %swap3A_445] {strides = array<i32>} : memref<13x128xi32, #tpu.memory_space<vmem>>, vector<1x16xi32>,
    %swap3A_447 = vector.shape_cast %swap3A_446 : vector<1x16xi32> to vector<16xi32>
    %swap3A_448 = vector.shape_cast %add3A_442 : vector<16xi32> to vector<1x16xi32>
    tpu.vector_store %arg5[%swap3A_444, %swap3A_445], %swap3A_448 {strides = array<i32>} : memref<13x128xi32, #tpu.memory_space<vmem>>, vector<1x16xi32>,
    %get3A_449 = arith.constant 5 : i32
    %get3A_450 = arith.index_cast %get3A_449 : i32 to index
    %get3A_451 = arith.constant 0 : index
    %get3A_452 = tpu.vector_load %arg5[%get3A_450, %get3A_451] {strides = array<i32>} : memref<13x128xi32, #tpu.memory_space<vmem>>, vector<1x16xi32>,
    %get3A_453 = vector.shape_cast %get3A_452 : vector<1x16xi32> to vector<16xi32>
    %add3A_454 = arith.constant 500000 : i32
    %add3A_455 = vector.broadcast %add3A_454 : i32 to vector<16xi32>
    %add3A_456 = arith.addi %get3A_453, %add3A_455 : vector<16xi32>
    %swap3A_457 = arith.constant 5 : i32
    %swap3A_458 = arith.index_cast %swap3A_457 : i32 to index
    %swap3A_459 = arith.constant 0 : index
    %swap3A_460 = tpu.vector_load %arg5[%swap3A_458, %swap3A_459] {strides = array<i32>} : memref<13x128xi32, #tpu.memory_space<vmem>>, vector<1x16xi32>,
    %swap3A_461 = vector.shape_cast %swap3A_460 : vector<1x16xi32> to vector<16xi32>
    %swap3A_462 = vector.shape_cast %add3A_456 : vector<16xi32> to vector<1x16xi32>
    tpu.vector_store %arg5[%swap3A_458, %swap3A_459], %swap3A_462 {strides = array<i32>} : memref<13x128xi32, #tpu.memory_space<vmem>>, vector<1x16xi32>,
    %get3A_463 = arith.constant 5 : i32
    %get3A_464 = arith.index_cast %get3A_463 : i32 to index
    %get3A_465 = arith.constant 16 : index
    %get3A_466 = tpu.vector_load %arg5[%get3A_464, %get3A_465] {strides = array<i32>} : memref<13x128xi32, #tpu.memory_space<vmem>>, vector<1x16xi32>,
    %get3A_467 = vector.shape_cast %get3A_466 : vector<1x16xi32> to vector<16xi32>
    %add3A_468 = arith.constant 500000 : i32
    %add3A_469 = vector.broadcast %add3A_468 : i32 to vector<16xi32>
    %add3A_470 = arith.addi %get3A_467, %add3A_469 : vector<16xi32>
    %swap3A_471 = arith.constant 5 : i32
    %swap3A_472 = arith.index_cast %swap3A_471 : i32 to index
    %swap3A_473 = arith.constant 16 : index
    %swap3A_474 = tpu.vector_load %arg5[%swap3A_472, %swap3A_473] {strides = array<i32>} : memref<13x128xi32, #tpu.memory_space<vmem>>, vector<1x16xi32>,
    %swap3A_475 = vector.shape_cast %swap3A_474 : vector<1x16xi32> to vector<16xi32>
    %swap3A_476 = vector.shape_cast %add3A_470 : vector<16xi32> to vector<1x16xi32>
    tpu.vector_store %arg5[%swap3A_472, %swap3A_473], %swap3A_476 {strides = array<i32>} : memref<13x128xi32, #tpu.memory_space<vmem>>, vector<1x16xi32>,
    %get3A_477 = arith.constant 5 : i32
    %get3A_478 = arith.index_cast %get3A_477 : i32 to index
    %get3A_479 = arith.constant 32 : index
    %get3A_480 = tpu.vector_load %arg5[%get3A_478, %get3A_479] {strides = array<i32>} : memref<13x128xi32, #tpu.memory_space<vmem>>, vector<1x16xi32>,
    %get3A_481 = vector.shape_cast %get3A_480 : vector<1x16xi32> to vector<16xi32>
    %add3A_482 = arith.constant 500000 : i32
    %add3A_483 = vector.broadcast %add3A_482 : i32 to vector<16xi32>
    %add3A_484 = arith.addi %get3A_481, %add3A_483 : vector<16xi32>
    %swap3A_485 = arith.constant 5 : i32
    %swap3A_486 = arith.index_cast %swap3A_485 : i32 to index
    %swap3A_487 = arith.constant 32 : index
    %swap3A_488 = tpu.vector_load %arg5[%swap3A_486, %swap3A_487] {strides = array<i32>} : memref<13x128xi32, #tpu.memory_space<vmem>>, vector<1x16xi32>,
    %swap3A_489 = vector.shape_cast %swap3A_488 : vector<1x16xi32> to vector<16xi32>
    %swap3A_490 = vector.shape_cast %add3A_484 : vector<16xi32> to vector<1x16xi32>
    tpu.vector_store %arg5[%swap3A_486, %swap3A_487], %swap3A_490 {strides = array<i32>} : memref<13x128xi32, #tpu.memory_space<vmem>>, vector<1x16xi32>,
    %get3A_491 = arith.constant 5 : i32
    %get3A_492 = arith.index_cast %get3A_491 : i32 to index
    %get3A_493 = arith.constant 48 : index
    %get3A_494 = tpu.vector_load %arg5[%get3A_492, %get3A_493] {strides = array<i32>} : memref<13x128xi32, #tpu.memory_space<vmem>>, vector<1x16xi32>,
    %get3A_495 = vector.shape_cast %get3A_494 : vector<1x16xi32> to vector<16xi32>
    %add3A_496 = arith.constant 500000 : i32
    %add3A_497 = vector.broadcast %add3A_496 : i32 to vector<16xi32>
    %add3A_498 = arith.addi %get3A_495, %add3A_497 : vector<16xi32>
    %swap3A_499 = arith.constant 5 : i32
    %swap3A_500 = arith.index_cast %swap3A_499 : i32 to index
    %swap3A_501 = arith.constant 48 : index
    %swap3A_502 = tpu.vector_load %arg5[%swap3A_500, %swap3A_501] {strides = array<i32>} : memref<13x128xi32, #tpu.memory_space<vmem>>, vector<1x16xi32>,
    %swap3A_503 = vector.shape_cast %swap3A_502 : vector<1x16xi32> to vector<16xi32>
    %swap3A_504 = vector.shape_cast %add3A_498 : vector<16xi32> to vector<1x16xi32>
    tpu.vector_store %arg5[%swap3A_500, %swap3A_501], %swap3A_504 {strides = array<i32>} : memref<13x128xi32, #tpu.memory_space<vmem>>, vector<1x16xi32>,
    %get3A_505 = arith.constant 5 : i32
    %get3A_506 = arith.index_cast %get3A_505 : i32 to index
    %get3A_507 = arith.constant 64 : index
    %get3A_508 = tpu.vector_load %arg5[%get3A_506, %get3A_507] {strides = array<i32>} : memref<13x128xi32, #tpu.memory_space<vmem>>, vector<1x16xi32>,
    %get3A_509 = vector.shape_cast %get3A_508 : vector<1x16xi32> to vector<16xi32>
    %add3A_510 = arith.constant 500000 : i32
    %add3A_511 = vector.broadcast %add3A_510 : i32 to vector<16xi32>
    %add3A_512 = arith.addi %get3A_509, %add3A_511 : vector<16xi32>
    %swap3A_513 = arith.constant 5 : i32
    %swap3A_514 = arith.index_cast %swap3A_513 : i32 to index
    %swap3A_515 = arith.constant 64 : index
    %swap3A_516 = tpu.vector_load %arg5[%swap3A_514, %swap3A_515] {strides = array<i32>} : memref<13x128xi32, #tpu.memory_space<vmem>>, vector<1x16xi32>,
    %swap3A_517 = vector.shape_cast %swap3A_516 : vector<1x16xi32> to vector<16xi32>
    %swap3A_518 = vector.shape_cast %add3A_512 : vector<16xi32> to vector<1x16xi32>
    tpu.vector_store %arg5[%swap3A_514, %swap3A_515], %swap3A_518 {strides = array<i32>} : memref<13x128xi32, #tpu.memory_space<vmem>>, vector<1x16xi32>,
    %get3A_519 = arith.constant 5 : i32
    %get3A_520 = arith.index_cast %get3A_519 : i32 to index
    %get3A_521 = arith.constant 80 : index
    %get3A_522 = tpu.vector_load %arg5[%get3A_520, %get3A_521] {strides = array<i32>} : memref<13x128xi32, #tpu.memory_space<vmem>>, vector<1x16xi32>,
    %get3A_523 = vector.shape_cast %get3A_522 : vector<1x16xi32> to vector<16xi32>
    %add3A_524 = arith.constant 500000 : i32
    %add3A_525 = vector.broadcast %add3A_524 : i32 to vector<16xi32>
    %add3A_526 = arith.addi %get3A_523, %add3A_525 : vector<16xi32>
    %swap3A_527 = arith.constant 5 : i32
    %swap3A_528 = arith.index_cast %swap3A_527 : i32 to index
    %swap3A_529 = arith.constant 80 : index
    %swap3A_530 = tpu.vector_load %arg5[%swap3A_528, %swap3A_529] {strides = array<i32>} : memref<13x128xi32, #tpu.memory_space<vmem>>, vector<1x16xi32>,
    %swap3A_531 = vector.shape_cast %swap3A_530 : vector<1x16xi32> to vector<16xi32>
    %swap3A_532 = vector.shape_cast %add3A_526 : vector<16xi32> to vector<1x16xi32>
    tpu.vector_store %arg5[%swap3A_528, %swap3A_529], %swap3A_532 {strides = array<i32>} : memref<13x128xi32, #tpu.memory_space<vmem>>, vector<1x16xi32>,
    %get3A_533 = arith.constant 5 : i32
    %get3A_534 = arith.index_cast %get3A_533 : i32 to index
    %get3A_535 = arith.constant 96 : index
    %get3A_536 = tpu.vector_load %arg5[%get3A_534, %get3A_535] {strides = array<i32>} : memref<13x128xi32, #tpu.memory_space<vmem>>, vector<1x16xi32>,
    %get3A_537 = vector.shape_cast %get3A_536 : vector<1x16xi32> to vector<16xi32>
    %add3A_538 = arith.constant 500000 : i32
    %add3A_539 = vector.broadcast %add3A_538 : i32 to vector<16xi32>
    %add3A_540 = arith.addi %get3A_537, %add3A_539 : vector<16xi32>
    %swap3A_541 = arith.constant 5 : i32
    %swap3A_542 = arith.index_cast %swap3A_541 : i32 to index
    %swap3A_543 = arith.constant 96 : index
    %swap3A_544 = tpu.vector_load %arg5[%swap3A_542, %swap3A_543] {strides = array<i32>} : memref<13x128xi32, #tpu.memory_space<vmem>>, vector<1x16xi32>,
    %swap3A_545 = vector.shape_cast %swap3A_544 : vector<1x16xi32> to vector<16xi32>
    %swap3A_546 = vector.shape_cast %add3A_540 : vector<16xi32> to vector<1x16xi32>
    tpu.vector_store %arg5[%swap3A_542, %swap3A_543], %swap3A_546 {strides = array<i32>} : memref<13x128xi32, #tpu.memory_space<vmem>>, vector<1x16xi32>,
    %get3A_547 = arith.constant 5 : i32
    %get3A_548 = arith.index_cast %get3A_547 : i32 to index
    %get3A_549 = arith.constant 112 : index
    %get3A_550 = tpu.vector_load %arg5[%get3A_548, %get3A_549] {strides = array<i32>} : memref<13x128xi32, #tpu.memory_space<vmem>>, vector<1x16xi32>,
    %get3A_551 = vector.shape_cast %get3A_550 : vector<1x16xi32> to vector<16xi32>
    %add3A_552 = arith.constant 500000 : i32
    %add3A_553 = vector.broadcast %add3A_552 : i32 to vector<16xi32>
    %add3A_554 = arith.addi %get3A_551, %add3A_553 : vector<16xi32>
    %swap3A_555 = arith.constant 5 : i32
    %swap3A_556 = arith.index_cast %swap3A_555 : i32 to index
    %swap3A_557 = arith.constant 112 : index
    %swap3A_558 = tpu.vector_load %arg5[%swap3A_556, %swap3A_557] {strides = array<i32>} : memref<13x128xi32, #tpu.memory_space<vmem>>, vector<1x16xi32>,
    %swap3A_559 = vector.shape_cast %swap3A_558 : vector<1x16xi32> to vector<16xi32>
    %swap3A_560 = vector.shape_cast %add3A_554 : vector<16xi32> to vector<1x16xi32>
    tpu.vector_store %arg5[%swap3A_556, %swap3A_557], %swap3A_560 {strides = array<i32>} : memref<13x128xi32, #tpu.memory_space<vmem>>, vector<1x16xi32>,
    %get3A_561 = arith.constant 6 : i32
    %get3A_562 = arith.index_cast %get3A_561 : i32 to index
    %get3A_563 = arith.constant 0 : index
    %get3A_564 = tpu.vector_load %arg5[%get3A_562, %get3A_563] {strides = array<i32>} : memref<13x128xi32, #tpu.memory_space<vmem>>, vector<1x16xi32>,
    %get3A_565 = vector.shape_cast %get3A_564 : vector<1x16xi32> to vector<16xi32>
    %add3A_566 = arith.constant 600000 : i32
    %add3A_567 = vector.broadcast %add3A_566 : i32 to vector<16xi32>
    %add3A_568 = arith.addi %get3A_565, %add3A_567 : vector<16xi32>
    %swap3A_569 = arith.constant 6 : i32
    %swap3A_570 = arith.index_cast %swap3A_569 : i32 to index
    %swap3A_571 = arith.constant 0 : index
    %swap3A_572 = tpu.vector_load %arg5[%swap3A_570, %swap3A_571] {strides = array<i32>} : memref<13x128xi32, #tpu.memory_space<vmem>>, vector<1x16xi32>,
    %swap3A_573 = vector.shape_cast %swap3A_572 : vector<1x16xi32> to vector<16xi32>
    %swap3A_574 = vector.shape_cast %add3A_568 : vector<16xi32> to vector<1x16xi32>
    tpu.vector_store %arg5[%swap3A_570, %swap3A_571], %swap3A_574 {strides = array<i32>} : memref<13x128xi32, #tpu.memory_space<vmem>>, vector<1x16xi32>,
    %get3A_575 = arith.constant 6 : i32
    %get3A_576 = arith.index_cast %get3A_575 : i32 to index
    %get3A_577 = arith.constant 16 : index
    %get3A_578 = tpu.vector_load %arg5[%get3A_576, %get3A_577] {strides = array<i32>} : memref<13x128xi32, #tpu.memory_space<vmem>>, vector<1x16xi32>,
    %get3A_579 = vector.shape_cast %get3A_578 : vector<1x16xi32> to vector<16xi32>
    %add3A_580 = arith.constant 600000 : i32
    %add3A_581 = vector.broadcast %add3A_580 : i32 to vector<16xi32>
    %add3A_582 = arith.addi %get3A_579, %add3A_581 : vector<16xi32>
    %swap3A_583 = arith.constant 6 : i32
    %swap3A_584 = arith.index_cast %swap3A_583 : i32 to index
    %swap3A_585 = arith.constant 16 : index
    %swap3A_586 = tpu.vector_load %arg5[%swap3A_584, %swap3A_585] {strides = array<i32>} : memref<13x128xi32, #tpu.memory_space<vmem>>, vector<1x16xi32>,
    %swap3A_587 = vector.shape_cast %swap3A_586 : vector<1x16xi32> to vector<16xi32>
    %swap3A_588 = vector.shape_cast %add3A_582 : vector<16xi32> to vector<1x16xi32>
    tpu.vector_store %arg5[%swap3A_584, %swap3A_585], %swap3A_588 {strides = array<i32>} : memref<13x128xi32, #tpu.memory_space<vmem>>, vector<1x16xi32>,
    %get3A_589 = arith.constant 6 : i32
    %get3A_590 = arith.index_cast %get3A_589 : i32 to index
    %get3A_591 = arith.constant 32 : index
    %get3A_592 = tpu.vector_load %arg5[%get3A_590, %get3A_591] {strides = array<i32>} : memref<13x128xi32, #tpu.memory_space<vmem>>, vector<1x16xi32>,
    %get3A_593 = vector.shape_cast %get3A_592 : vector<1x16xi32> to vector<16xi32>
    %add3A_594 = arith.constant 600000 : i32
    %add3A_595 = vector.broadcast %add3A_594 : i32 to vector<16xi32>
    %add3A_596 = arith.addi %get3A_593, %add3A_595 : vector<16xi32>
    %swap3A_597 = arith.constant 6 : i32
    %swap3A_598 = arith.index_cast %swap3A_597 : i32 to index
    %swap3A_599 = arith.constant 32 : index
    %swap3A_600 = tpu.vector_load %arg5[%swap3A_598, %swap3A_599] {strides = array<i32>} : memref<13x128xi32, #tpu.memory_space<vmem>>, vector<1x16xi32>,
    %swap3A_601 = vector.shape_cast %swap3A_600 : vector<1x16xi32> to vector<16xi32>
    %swap3A_602 = vector.shape_cast %add3A_596 : vector<16xi32> to vector<1x16xi32>
    tpu.vector_store %arg5[%swap3A_598, %swap3A_599], %swap3A_602 {strides = array<i32>} : memref<13x128xi32, #tpu.memory_space<vmem>>, vector<1x16xi32>,
    %get3A_603 = arith.constant 6 : i32
    %get3A_604 = arith.index_cast %get3A_603 : i32 to index
    %get3A_605 = arith.constant 48 : index
    %get3A_606 = tpu.vector_load %arg5[%get3A_604, %get3A_605] {strides = array<i32>} : memref<13x128xi32, #tpu.memory_space<vmem>>, vector<1x16xi32>,
    %get3A_607 = vector.shape_cast %get3A_606 : vector<1x16xi32> to vector<16xi32>
    %add3A_608 = arith.constant 600000 : i32
    %add3A_609 = vector.broadcast %add3A_608 : i32 to vector<16xi32>
    %add3A_610 = arith.addi %get3A_607, %add3A_609 : vector<16xi32>
    %swap3A_611 = arith.constant 6 : i32
    %swap3A_612 = arith.index_cast %swap3A_611 : i32 to index
    %swap3A_613 = arith.constant 48 : index
    %swap3A_614 = tpu.vector_load %arg5[%swap3A_612, %swap3A_613] {strides = array<i32>} : memref<13x128xi32, #tpu.memory_space<vmem>>, vector<1x16xi32>,
    %swap3A_615 = vector.shape_cast %swap3A_614 : vector<1x16xi32> to vector<16xi32>
    %swap3A_616 = vector.shape_cast %add3A_610 : vector<16xi32> to vector<1x16xi32>
    tpu.vector_store %arg5[%swap3A_612, %swap3A_613], %swap3A_616 {strides = array<i32>} : memref<13x128xi32, #tpu.memory_space<vmem>>, vector<1x16xi32>,
    %get3A_617 = arith.constant 6 : i32
    %get3A_618 = arith.index_cast %get3A_617 : i32 to index
    %get3A_619 = arith.constant 64 : index
    %get3A_620 = tpu.vector_load %arg5[%get3A_618, %get3A_619] {strides = array<i32>} : memref<13x128xi32, #tpu.memory_space<vmem>>, vector<1x16xi32>,
    %get3A_621 = vector.shape_cast %get3A_620 : vector<1x16xi32> to vector<16xi32>
    %add3A_622 = arith.constant 600000 : i32
    %add3A_623 = vector.broadcast %add3A_622 : i32 to vector<16xi32>
    %add3A_624 = arith.addi %get3A_621, %add3A_623 : vector<16xi32>
    %swap3A_625 = arith.constant 6 : i32
    %swap3A_626 = arith.index_cast %swap3A_625 : i32 to index
    %swap3A_627 = arith.constant 64 : index
    %swap3A_628 = tpu.vector_load %arg5[%swap3A_626, %swap3A_627] {strides = array<i32>} : memref<13x128xi32, #tpu.memory_space<vmem>>, vector<1x16xi32>,
    %swap3A_629 = vector.shape_cast %swap3A_628 : vector<1x16xi32> to vector<16xi32>
    %swap3A_630 = vector.shape_cast %add3A_624 : vector<16xi32> to vector<1x16xi32>
    tpu.vector_store %arg5[%swap3A_626, %swap3A_627], %swap3A_630 {strides = array<i32>} : memref<13x128xi32, #tpu.memory_space<vmem>>, vector<1x16xi32>,
    %get3A_631 = arith.constant 6 : i32
    %get3A_632 = arith.index_cast %get3A_631 : i32 to index
    %get3A_633 = arith.constant 80 : index
    %get3A_634 = tpu.vector_load %arg5[%get3A_632, %get3A_633] {strides = array<i32>} : memref<13x128xi32, #tpu.memory_space<vmem>>, vector<1x16xi32>,
    %get3A_635 = vector.shape_cast %get3A_634 : vector<1x16xi32> to vector<16xi32>
    %add3A_636 = arith.constant 600000 : i32
    %add3A_637 = vector.broadcast %add3A_636 : i32 to vector<16xi32>
    %add3A_638 = arith.addi %get3A_635, %add3A_637 : vector<16xi32>
    %swap3A_639 = arith.constant 6 : i32
    %swap3A_640 = arith.index_cast %swap3A_639 : i32 to index
    %swap3A_641 = arith.constant 80 : index
    %swap3A_642 = tpu.vector_load %arg5[%swap3A_640, %swap3A_641] {strides = array<i32>} : memref<13x128xi32, #tpu.memory_space<vmem>>, vector<1x16xi32>,
    %swap3A_643 = vector.shape_cast %swap3A_642 : vector<1x16xi32> to vector<16xi32>
    %swap3A_644 = vector.shape_cast %add3A_638 : vector<16xi32> to vector<1x16xi32>
    tpu.vector_store %arg5[%swap3A_640, %swap3A_641], %swap3A_644 {strides = array<i32>} : memref<13x128xi32, #tpu.memory_space<vmem>>, vector<1x16xi32>,
    %get3A_645 = arith.constant 6 : i32
    %get3A_646 = arith.index_cast %get3A_645 : i32 to index
    %get3A_647 = arith.constant 96 : index
    %get3A_648 = tpu.vector_load %arg5[%get3A_646, %get3A_647] {strides = array<i32>} : memref<13x128xi32, #tpu.memory_space<vmem>>, vector<1x16xi32>,
    %get3A_649 = vector.shape_cast %get3A_648 : vector<1x16xi32> to vector<16xi32>
    %add3A_650 = arith.constant 600000 : i32
    %add3A_651 = vector.broadcast %add3A_650 : i32 to vector<16xi32>
    %add3A_652 = arith.addi %get3A_649, %add3A_651 : vector<16xi32>
    %swap3A_653 = arith.constant 6 : i32
    %swap3A_654 = arith.index_cast %swap3A_653 : i32 to index
    %swap3A_655 = arith.constant 96 : index
    %swap3A_656 = tpu.vector_load %arg5[%swap3A_654, %swap3A_655] {strides = array<i32>} : memref<13x128xi32, #tpu.memory_space<vmem>>, vector<1x16xi32>,
    %swap3A_657 = vector.shape_cast %swap3A_656 : vector<1x16xi32> to vector<16xi32>
    %swap3A_658 = vector.shape_cast %add3A_652 : vector<16xi32> to vector<1x16xi32>
    tpu.vector_store %arg5[%swap3A_654, %swap3A_655], %swap3A_658 {strides = array<i32>} : memref<13x128xi32, #tpu.memory_space<vmem>>, vector<1x16xi32>,
    %get3A_659 = arith.constant 6 : i32
    %get3A_660 = arith.index_cast %get3A_659 : i32 to index
    %get3A_661 = arith.constant 112 : index
    %get3A_662 = tpu.vector_load %arg5[%get3A_660, %get3A_661] {strides = array<i32>} : memref<13x128xi32, #tpu.memory_space<vmem>>, vector<1x16xi32>,
    %get3A_663 = vector.shape_cast %get3A_662 : vector<1x16xi32> to vector<16xi32>
    %add3A_664 = arith.constant 600000 : i32
    %add3A_665 = vector.broadcast %add3A_664 : i32 to vector<16xi32>
    %add3A_666 = arith.addi %get3A_663, %add3A_665 : vector<16xi32>
    %swap3A_667 = arith.constant 6 : i32
    %swap3A_668 = arith.index_cast %swap3A_667 : i32 to index
    %swap3A_669 = arith.constant 112 : index
    %swap3A_670 = tpu.vector_load %arg5[%swap3A_668, %swap3A_669] {strides = array<i32>} : memref<13x128xi32, #tpu.memory_space<vmem>>, vector<1x16xi32>,
    %swap3A_671 = vector.shape_cast %swap3A_670 : vector<1x16xi32> to vector<16xi32>
    %swap3A_672 = vector.shape_cast %add3A_666 : vector<16xi32> to vector<1x16xi32>
    tpu.vector_store %arg5[%swap3A_668, %swap3A_669], %swap3A_672 {strides = array<i32>} : memref<13x128xi32, #tpu.memory_space<vmem>>, vector<1x16xi32>,
    %get3A_673 = arith.constant 7 : i32
    %get3A_674 = arith.index_cast %get3A_673 : i32 to index
    %get3A_675 = arith.constant 0 : index
    %get3A_676 = tpu.vector_load %arg5[%get3A_674, %get3A_675] {strides = array<i32>} : memref<13x128xi32, #tpu.memory_space<vmem>>, vector<1x16xi32>,
    %get3A_677 = vector.shape_cast %get3A_676 : vector<1x16xi32> to vector<16xi32>
    %add3A_678 = arith.constant 700000 : i32
    %add3A_679 = vector.broadcast %add3A_678 : i32 to vector<16xi32>
    %add3A_680 = arith.addi %get3A_677, %add3A_679 : vector<16xi32>
    %swap3A_681 = arith.constant 7 : i32
    %swap3A_682 = arith.index_cast %swap3A_681 : i32 to index
    %swap3A_683 = arith.constant 0 : index
    %swap3A_684 = tpu.vector_load %arg5[%swap3A_682, %swap3A_683] {strides = array<i32>} : memref<13x128xi32, #tpu.memory_space<vmem>>, vector<1x16xi32>,
    %swap3A_685 = vector.shape_cast %swap3A_684 : vector<1x16xi32> to vector<16xi32>
    %swap3A_686 = vector.shape_cast %add3A_680 : vector<16xi32> to vector<1x16xi32>
    tpu.vector_store %arg5[%swap3A_682, %swap3A_683], %swap3A_686 {strides = array<i32>} : memref<13x128xi32, #tpu.memory_space<vmem>>, vector<1x16xi32>,
    %get3A_687 = arith.constant 7 : i32
    %get3A_688 = arith.index_cast %get3A_687 : i32 to index
    %get3A_689 = arith.constant 16 : index
    %get3A_690 = tpu.vector_load %arg5[%get3A_688, %get3A_689] {strides = array<i32>} : memref<13x128xi32, #tpu.memory_space<vmem>>, vector<1x16xi32>,
    %get3A_691 = vector.shape_cast %get3A_690 : vector<1x16xi32> to vector<16xi32>
    %add3A_692 = arith.constant 700000 : i32
    %add3A_693 = vector.broadcast %add3A_692 : i32 to vector<16xi32>
    %add3A_694 = arith.addi %get3A_691, %add3A_693 : vector<16xi32>
    %swap3A_695 = arith.constant 7 : i32
    %swap3A_696 = arith.index_cast %swap3A_695 : i32 to index
    %swap3A_697 = arith.constant 16 : index
    %swap3A_698 = tpu.vector_load %arg5[%swap3A_696, %swap3A_697] {strides = array<i32>} : memref<13x128xi32, #tpu.memory_space<vmem>>, vector<1x16xi32>,
    %swap3A_699 = vector.shape_cast %swap3A_698 : vector<1x16xi32> to vector<16xi32>
    %swap3A_700 = vector.shape_cast %add3A_694 : vector<16xi32> to vector<1x16xi32>
    tpu.vector_store %arg5[%swap3A_696, %swap3A_697], %swap3A_700 {strides = array<i32>} : memref<13x128xi32, #tpu.memory_space<vmem>>, vector<1x16xi32>,
    %get3A_701 = arith.constant 7 : i32
    %get3A_702 = arith.index_cast %get3A_701 : i32 to index
    %get3A_703 = arith.constant 32 : index
    %get3A_704 = tpu.vector_load %arg5[%get3A_702, %get3A_703] {strides = array<i32>} : memref<13x128xi32, #tpu.memory_space<vmem>>, vector<1x16xi32>,
    %get3A_705 = vector.shape_cast %get3A_704 : vector<1x16xi32> to vector<16xi32>
    %add3A_706 = arith.constant 700000 : i32
    %add3A_707 = vector.broadcast %add3A_706 : i32 to vector<16xi32>
    %add3A_708 = arith.addi %get3A_705, %add3A_707 : vector<16xi32>
    %swap3A_709 = arith.constant 7 : i32
    %swap3A_710 = arith.index_cast %swap3A_709 : i32 to index
    %swap3A_711 = arith.constant 32 : index
    %swap3A_712 = tpu.vector_load %arg5[%swap3A_710, %swap3A_711] {strides = array<i32>} : memref<13x128xi32, #tpu.memory_space<vmem>>, vector<1x16xi32>,
    %swap3A_713 = vector.shape_cast %swap3A_712 : vector<1x16xi32> to vector<16xi32>
    %swap3A_714 = vector.shape_cast %add3A_708 : vector<16xi32> to vector<1x16xi32>
    tpu.vector_store %arg5[%swap3A_710, %swap3A_711], %swap3A_714 {strides = array<i32>} : memref<13x128xi32, #tpu.memory_space<vmem>>, vector<1x16xi32>,
    %get3A_715 = arith.constant 7 : i32
    %get3A_716 = arith.index_cast %get3A_715 : i32 to index
    %get3A_717 = arith.constant 48 : index
    %get3A_718 = tpu.vector_load %arg5[%get3A_716, %get3A_717] {strides = array<i32>} : memref<13x128xi32, #tpu.memory_space<vmem>>, vector<1x16xi32>,
    %get3A_719 = vector.shape_cast %get3A_718 : vector<1x16xi32> to vector<16xi32>
    %add3A_720 = arith.constant 700000 : i32
    %add3A_721 = vector.broadcast %add3A_720 : i32 to vector<16xi32>
    %add3A_722 = arith.addi %get3A_719, %add3A_721 : vector<16xi32>
    %swap3A_723 = arith.constant 7 : i32
    %swap3A_724 = arith.index_cast %swap3A_723 : i32 to index
    %swap3A_725 = arith.constant 48 : index
    %swap3A_726 = tpu.vector_load %arg5[%swap3A_724, %swap3A_725] {strides = array<i32>} : memref<13x128xi32, #tpu.memory_space<vmem>>, vector<1x16xi32>,
    %swap3A_727 = vector.shape_cast %swap3A_726 : vector<1x16xi32> to vector<16xi32>
    %swap3A_728 = vector.shape_cast %add3A_722 : vector<16xi32> to vector<1x16xi32>
    tpu.vector_store %arg5[%swap3A_724, %swap3A_725], %swap3A_728 {strides = array<i32>} : memref<13x128xi32, #tpu.memory_space<vmem>>, vector<1x16xi32>,
    %get3A_729 = arith.constant 7 : i32
    %get3A_730 = arith.index_cast %get3A_729 : i32 to index
    %get3A_731 = arith.constant 64 : index
    %get3A_732 = tpu.vector_load %arg5[%get3A_730, %get3A_731] {strides = array<i32>} : memref<13x128xi32, #tpu.memory_space<vmem>>, vector<1x16xi32>,
    %get3A_733 = vector.shape_cast %get3A_732 : vector<1x16xi32> to vector<16xi32>
    %add3A_734 = arith.constant 700000 : i32
    %add3A_735 = vector.broadcast %add3A_734 : i32 to vector<16xi32>
    %add3A_736 = arith.addi %get3A_733, %add3A_735 : vector<16xi32>
    %swap3A_737 = arith.constant 7 : i32
    %swap3A_738 = arith.index_cast %swap3A_737 : i32 to index
    %swap3A_739 = arith.constant 64 : index
    %swap3A_740 = tpu.vector_load %arg5[%swap3A_738, %swap3A_739] {strides = array<i32>} : memref<13x128xi32, #tpu.memory_space<vmem>>, vector<1x16xi32>,
    %swap3A_741 = vector.shape_cast %swap3A_740 : vector<1x16xi32> to vector<16xi32>
    %swap3A_742 = vector.shape_cast %add3A_736 : vector<16xi32> to vector<1x16xi32>
    tpu.vector_store %arg5[%swap3A_738, %swap3A_739], %swap3A_742 {strides = array<i32>} : memref<13x128xi32, #tpu.memory_space<vmem>>, vector<1x16xi32>,
    %get3A_743 = arith.constant 7 : i32
    %get3A_744 = arith.index_cast %get3A_743 : i32 to index
    %get3A_745 = arith.constant 80 : index
    %get3A_746 = tpu.vector_load %arg5[%get3A_744, %get3A_745] {strides = array<i32>} : memref<13x128xi32, #tpu.memory_space<vmem>>, vector<1x16xi32>,
    %get3A_747 = vector.shape_cast %get3A_746 : vector<1x16xi32> to vector<16xi32>
    %add3A_748 = arith.constant 700000 : i32
    %add3A_749 = vector.broadcast %add3A_748 : i32 to vector<16xi32>
    %add3A_750 = arith.addi %get3A_747, %add3A_749 : vector<16xi32>
    %swap3A_751 = arith.constant 7 : i32
    %swap3A_752 = arith.index_cast %swap3A_751 : i32 to index
    %swap3A_753 = arith.constant 80 : index
    %swap3A_754 = tpu.vector_load %arg5[%swap3A_752, %swap3A_753] {strides = array<i32>} : memref<13x128xi32, #tpu.memory_space<vmem>>, vector<1x16xi32>,
    %swap3A_755 = vector.shape_cast %swap3A_754 : vector<1x16xi32> to vector<16xi32>
    %swap3A_756 = vector.shape_cast %add3A_750 : vector<16xi32> to vector<1x16xi32>
    tpu.vector_store %arg5[%swap3A_752, %swap3A_753], %swap3A_756 {strides = array<i32>} : memref<13x128xi32, #tpu.memory_space<vmem>>, vector<1x16xi32>,
    %get3A_757 = arith.constant 7 : i32
    %get3A_758 = arith.index_cast %get3A_757 : i32 to index
    %get3A_759 = arith.constant 96 : index
    %get3A_760 = tpu.vector_load %arg5[%get3A_758, %get3A_759] {strides = array<i32>} : memref<13x128xi32, #tpu.memory_space<vmem>>, vector<1x16xi32>,
    %get3A_761 = vector.shape_cast %get3A_760 : vector<1x16xi32> to vector<16xi32>
    %add3A_762 = arith.constant 700000 : i32
    %add3A_763 = vector.broadcast %add3A_762 : i32 to vector<16xi32>
    %add3A_764 = arith.addi %get3A_761, %add3A_763 : vector<16xi32>
    %swap3A_765 = arith.constant 7 : i32
    %swap3A_766 = arith.index_cast %swap3A_765 : i32 to index
    %swap3A_767 = arith.constant 96 : index
    %swap3A_768 = tpu.vector_load %arg5[%swap3A_766, %swap3A_767] {strides = array<i32>} : memref<13x128xi32, #tpu.memory_space<vmem>>, vector<1x16xi32>,
    %swap3A_769 = vector.shape_cast %swap3A_768 : vector<1x16xi32> to vector<16xi32>
    %swap3A_770 = vector.shape_cast %add3A_764 : vector<16xi32> to vector<1x16xi32>
    tpu.vector_store %arg5[%swap3A_766, %swap3A_767], %swap3A_770 {strides = array<i32>} : memref<13x128xi32, #tpu.memory_space<vmem>>, vector<1x16xi32>,
    %get3A_771 = arith.constant 7 : i32
    %get3A_772 = arith.index_cast %get3A_771 : i32 to index
    %get3A_773 = arith.constant 112 : index
    %get3A_774 = tpu.vector_load %arg5[%get3A_772, %get3A_773] {strides = array<i32>} : memref<13x128xi32, #tpu.memory_space<vmem>>, vector<1x16xi32>,
    %get3A_775 = vector.shape_cast %get3A_774 : vector<1x16xi32> to vector<16xi32>
    %add3A_776 = arith.constant 700000 : i32
    %add3A_777 = vector.broadcast %add3A_776 : i32 to vector<16xi32>
    %add3A_778 = arith.addi %get3A_775, %add3A_777 : vector<16xi32>
    %swap3A_779 = arith.constant 7 : i32
    %swap3A_780 = arith.index_cast %swap3A_779 : i32 to index
    %swap3A_781 = arith.constant 112 : index
    %swap3A_782 = tpu.vector_load %arg5[%swap3A_780, %swap3A_781] {strides = array<i32>} : memref<13x128xi32, #tpu.memory_space<vmem>>, vector<1x16xi32>,
    %swap3A_783 = vector.shape_cast %swap3A_782 : vector<1x16xi32> to vector<16xi32>
    %swap3A_784 = vector.shape_cast %add3A_778 : vector<16xi32> to vector<1x16xi32>
    tpu.vector_store %arg5[%swap3A_780, %swap3A_781], %swap3A_784 {strides = array<i32>} : memref<13x128xi32, #tpu.memory_space<vmem>>, vector<1x16xi32>,
    %get3A_785 = arith.constant 8 : i32
    %get3A_786 = arith.index_cast %get3A_785 : i32 to index
    %get3A_787 = arith.constant 0 : index
    %get3A_788 = tpu.vector_load %arg5[%get3A_786, %get3A_787] {strides = array<i32>} : memref<13x128xi32, #tpu.memory_space<vmem>>, vector<1x16xi32>,
    %get3A_789 = vector.shape_cast %get3A_788 : vector<1x16xi32> to vector<16xi32>
    %add3A_790 = arith.constant 800000 : i32
    %add3A_791 = vector.broadcast %add3A_790 : i32 to vector<16xi32>
    %add3A_792 = arith.addi %get3A_789, %add3A_791 : vector<16xi32>
    %swap3A_793 = arith.constant 8 : i32
    %swap3A_794 = arith.index_cast %swap3A_793 : i32 to index
    %swap3A_795 = arith.constant 0 : index
    %swap3A_796 = tpu.vector_load %arg5[%swap3A_794, %swap3A_795] {strides = array<i32>} : memref<13x128xi32, #tpu.memory_space<vmem>>, vector<1x16xi32>,
    %swap3A_797 = vector.shape_cast %swap3A_796 : vector<1x16xi32> to vector<16xi32>
    %swap3A_798 = vector.shape_cast %add3A_792 : vector<16xi32> to vector<1x16xi32>
    tpu.vector_store %arg5[%swap3A_794, %swap3A_795], %swap3A_798 {strides = array<i32>} : memref<13x128xi32, #tpu.memory_space<vmem>>, vector<1x16xi32>,
    %get3A_799 = arith.constant 8 : i32
    %get3A_800 = arith.index_cast %get3A_799 : i32 to index
    %get3A_801 = arith.constant 16 : index
    %get3A_802 = tpu.vector_load %arg5[%get3A_800, %get3A_801] {strides = array<i32>} : memref<13x128xi32, #tpu.memory_space<vmem>>, vector<1x16xi32>,
    %get3A_803 = vector.shape_cast %get3A_802 : vector<1x16xi32> to vector<16xi32>
    %add3A_804 = arith.constant 800000 : i32
    %add3A_805 = vector.broadcast %add3A_804 : i32 to vector<16xi32>
    %add3A_806 = arith.addi %get3A_803, %add3A_805 : vector<16xi32>
    %swap3A_807 = arith.constant 8 : i32
    %swap3A_808 = arith.index_cast %swap3A_807 : i32 to index
    %swap3A_809 = arith.constant 16 : index
    %swap3A_810 = tpu.vector_load %arg5[%swap3A_808, %swap3A_809] {strides = array<i32>} : memref<13x128xi32, #tpu.memory_space<vmem>>, vector<1x16xi32>,
    %swap3A_811 = vector.shape_cast %swap3A_810 : vector<1x16xi32> to vector<16xi32>
    %swap3A_812 = vector.shape_cast %add3A_806 : vector<16xi32> to vector<1x16xi32>
    tpu.vector_store %arg5[%swap3A_808, %swap3A_809], %swap3A_812 {strides = array<i32>} : memref<13x128xi32, #tpu.memory_space<vmem>>, vector<1x16xi32>,
    %get3A_813 = arith.constant 8 : i32
    %get3A_814 = arith.index_cast %get3A_813 : i32 to index
    %get3A_815 = arith.constant 32 : index
    %get3A_816 = tpu.vector_load %arg5[%get3A_814, %get3A_815] {strides = array<i32>} : memref<13x128xi32, #tpu.memory_space<vmem>>, vector<1x16xi32>,
    %get3A_817 = vector.shape_cast %get3A_816 : vector<1x16xi32> to vector<16xi32>
    %add3A_818 = arith.constant 800000 : i32
    %add3A_819 = vector.broadcast %add3A_818 : i32 to vector<16xi32>
    %add3A_820 = arith.addi %get3A_817, %add3A_819 : vector<16xi32>
    %swap3A_821 = arith.constant 8 : i32
    %swap3A_822 = arith.index_cast %swap3A_821 : i32 to index
    %swap3A_823 = arith.constant 32 : index
    %swap3A_824 = tpu.vector_load %arg5[%swap3A_822, %swap3A_823] {strides = array<i32>} : memref<13x128xi32, #tpu.memory_space<vmem>>, vector<1x16xi32>,
    %swap3A_825 = vector.shape_cast %swap3A_824 : vector<1x16xi32> to vector<16xi32>
    %swap3A_826 = vector.shape_cast %add3A_820 : vector<16xi32> to vector<1x16xi32>
    tpu.vector_store %arg5[%swap3A_822, %swap3A_823], %swap3A_826 {strides = array<i32>} : memref<13x128xi32, #tpu.memory_space<vmem>>, vector<1x16xi32>,
    %get3A_827 = arith.constant 8 : i32
    %get3A_828 = arith.index_cast %get3A_827 : i32 to index
    %get3A_829 = arith.constant 48 : index
    %get3A_830 = tpu.vector_load %arg5[%get3A_828, %get3A_829] {strides = array<i32>} : memref<13x128xi32, #tpu.memory_space<vmem>>, vector<1x16xi32>,
    %get3A_831 = vector.shape_cast %get3A_830 : vector<1x16xi32> to vector<16xi32>
    %add3A_832 = arith.constant 800000 : i32
    %add3A_833 = vector.broadcast %add3A_832 : i32 to vector<16xi32>
    %add3A_834 = arith.addi %get3A_831, %add3A_833 : vector<16xi32>
    %swap3A_835 = arith.constant 8 : i32
    %swap3A_836 = arith.index_cast %swap3A_835 : i32 to index
    %swap3A_837 = arith.constant 48 : index
    %swap3A_838 = tpu.vector_load %arg5[%swap3A_836, %swap3A_837] {strides = array<i32>} : memref<13x128xi32, #tpu.memory_space<vmem>>, vector<1x16xi32>,
    %swap3A_839 = vector.shape_cast %swap3A_838 : vector<1x16xi32> to vector<16xi32>
    %swap3A_840 = vector.shape_cast %add3A_834 : vector<16xi32> to vector<1x16xi32>
    tpu.vector_store %arg5[%swap3A_836, %swap3A_837], %swap3A_840 {strides = array<i32>} : memref<13x128xi32, #tpu.memory_space<vmem>>, vector<1x16xi32>,
    %get3A_841 = arith.constant 8 : i32
    %get3A_842 = arith.index_cast %get3A_841 : i32 to index
    %get3A_843 = arith.constant 64 : index
    %get3A_844 = tpu.vector_load %arg5[%get3A_842, %get3A_843] {strides = array<i32>} : memref<13x128xi32, #tpu.memory_space<vmem>>, vector<1x16xi32>,
    %get3A_845 = vector.shape_cast %get3A_844 : vector<1x16xi32> to vector<16xi32>
    %add3A_846 = arith.constant 800000 : i32
    %add3A_847 = vector.broadcast %add3A_846 : i32 to vector<16xi32>
    %add3A_848 = arith.addi %get3A_845, %add3A_847 : vector<16xi32>
    %swap3A_849 = arith.constant 8 : i32
    %swap3A_850 = arith.index_cast %swap3A_849 : i32 to index
    %swap3A_851 = arith.constant 64 : index
    %swap3A_852 = tpu.vector_load %arg5[%swap3A_850, %swap3A_851] {strides = array<i32>} : memref<13x128xi32, #tpu.memory_space<vmem>>, vector<1x16xi32>,
    %swap3A_853 = vector.shape_cast %swap3A_852 : vector<1x16xi32> to vector<16xi32>
    %swap3A_854 = vector.shape_cast %add3A_848 : vector<16xi32> to vector<1x16xi32>
    tpu.vector_store %arg5[%swap3A_850, %swap3A_851], %swap3A_854 {strides = array<i32>} : memref<13x128xi32, #tpu.memory_space<vmem>>, vector<1x16xi32>,
    %get3A_855 = arith.constant 8 : i32
    %get3A_856 = arith.index_cast %get3A_855 : i32 to index
    %get3A_857 = arith.constant 80 : index
    %get3A_858 = tpu.vector_load %arg5[%get3A_856, %get3A_857] {strides = array<i32>} : memref<13x128xi32, #tpu.memory_space<vmem>>, vector<1x16xi32>,
    %get3A_859 = vector.shape_cast %get3A_858 : vector<1x16xi32> to vector<16xi32>
    %add3A_860 = arith.constant 800000 : i32
    %add3A_861 = vector.broadcast %add3A_860 : i32 to vector<16xi32>
    %add3A_862 = arith.addi %get3A_859, %add3A_861 : vector<16xi32>
    %swap3A_863 = arith.constant 8 : i32
    %swap3A_864 = arith.index_cast %swap3A_863 : i32 to index
    %swap3A_865 = arith.constant 80 : index
    %swap3A_866 = tpu.vector_load %arg5[%swap3A_864, %swap3A_865] {strides = array<i32>} : memref<13x128xi32, #tpu.memory_space<vmem>>, vector<1x16xi32>,
    %swap3A_867 = vector.shape_cast %swap3A_866 : vector<1x16xi32> to vector<16xi32>
    %swap3A_868 = vector.shape_cast %add3A_862 : vector<16xi32> to vector<1x16xi32>
    tpu.vector_store %arg5[%swap3A_864, %swap3A_865], %swap3A_868 {strides = array<i32>} : memref<13x128xi32, #tpu.memory_space<vmem>>, vector<1x16xi32>,
    %get3A_869 = arith.constant 8 : i32
    %get3A_870 = arith.index_cast %get3A_869 : i32 to index
    %get3A_871 = arith.constant 96 : index
    %get3A_872 = tpu.vector_load %arg5[%get3A_870, %get3A_871] {strides = array<i32>} : memref<13x128xi32, #tpu.memory_space<vmem>>, vector<1x16xi32>,
    %get3A_873 = vector.shape_cast %get3A_872 : vector<1x16xi32> to vector<16xi32>
    %add3A_874 = arith.constant 800000 : i32
    %add3A_875 = vector.broadcast %add3A_874 : i32 to vector<16xi32>
    %add3A_876 = arith.addi %get3A_873, %add3A_875 : vector<16xi32>
    %swap3A_877 = arith.constant 8 : i32
    %swap3A_878 = arith.index_cast %swap3A_877 : i32 to index
    %swap3A_879 = arith.constant 96 : index
    %swap3A_880 = tpu.vector_load %arg5[%swap3A_878, %swap3A_879] {strides = array<i32>} : memref<13x128xi32, #tpu.memory_space<vmem>>, vector<1x16xi32>,
    %swap3A_881 = vector.shape_cast %swap3A_880 : vector<1x16xi32> to vector<16xi32>
    %swap3A_882 = vector.shape_cast %add3A_876 : vector<16xi32> to vector<1x16xi32>
    tpu.vector_store %arg5[%swap3A_878, %swap3A_879], %swap3A_882 {strides = array<i32>} : memref<13x128xi32, #tpu.memory_space<vmem>>, vector<1x16xi32>,
    %get3A_883 = arith.constant 8 : i32
    %get3A_884 = arith.index_cast %get3A_883 : i32 to index
    %get3A_885 = arith.constant 112 : index
    %get3A_886 = tpu.vector_load %arg5[%get3A_884, %get3A_885] {strides = array<i32>} : memref<13x128xi32, #tpu.memory_space<vmem>>, vector<1x16xi32>,
    %get3A_887 = vector.shape_cast %get3A_886 : vector<1x16xi32> to vector<16xi32>
    %add3A_888 = arith.constant 800000 : i32
    %add3A_889 = vector.broadcast %add3A_888 : i32 to vector<16xi32>
    %add3A_890 = arith.addi %get3A_887, %add3A_889 : vector<16xi32>
    %swap3A_891 = arith.constant 8 : i32
    %swap3A_892 = arith.index_cast %swap3A_891 : i32 to index
    %swap3A_893 = arith.constant 112 : index
    %swap3A_894 = tpu.vector_load %arg5[%swap3A_892, %swap3A_893] {strides = array<i32>} : memref<13x128xi32, #tpu.memory_space<vmem>>, vector<1x16xi32>,
    %swap3A_895 = vector.shape_cast %swap3A_894 : vector<1x16xi32> to vector<16xi32>
    %swap3A_896 = vector.shape_cast %add3A_890 : vector<16xi32> to vector<1x16xi32>
    tpu.vector_store %arg5[%swap3A_892, %swap3A_893], %swap3A_896 {strides = array<i32>} : memref<13x128xi32, #tpu.memory_space<vmem>>, vector<1x16xi32>,
    %get3A_897 = arith.constant 9 : i32
    %get3A_898 = arith.index_cast %get3A_897 : i32 to index
    %get3A_899 = arith.constant 0 : index
    %get3A_900 = tpu.vector_load %arg5[%get3A_898, %get3A_899] {strides = array<i32>} : memref<13x128xi32, #tpu.memory_space<vmem>>, vector<1x16xi32>,
    %get3A_901 = vector.shape_cast %get3A_900 : vector<1x16xi32> to vector<16xi32>
    %add3A_902 = arith.constant 900000 : i32
    %add3A_903 = vector.broadcast %add3A_902 : i32 to vector<16xi32>
    %add3A_904 = arith.addi %get3A_901, %add3A_903 : vector<16xi32>
    %swap3A_905 = arith.constant 9 : i32
    %swap3A_906 = arith.index_cast %swap3A_905 : i32 to index
    %swap3A_907 = arith.constant 0 : index
    %swap3A_908 = tpu.vector_load %arg5[%swap3A_906, %swap3A_907] {strides = array<i32>} : memref<13x128xi32, #tpu.memory_space<vmem>>, vector<1x16xi32>,
    %swap3A_909 = vector.shape_cast %swap3A_908 : vector<1x16xi32> to vector<16xi32>
    %swap3A_910 = vector.shape_cast %add3A_904 : vector<16xi32> to vector<1x16xi32>
    tpu.vector_store %arg5[%swap3A_906, %swap3A_907], %swap3A_910 {strides = array<i32>} : memref<13x128xi32, #tpu.memory_space<vmem>>, vector<1x16xi32>,
    %get3A_911 = arith.constant 9 : i32
    %get3A_912 = arith.index_cast %get3A_911 : i32 to index
    %get3A_913 = arith.constant 16 : index
    %get3A_914 = tpu.vector_load %arg5[%get3A_912, %get3A_913] {strides = array<i32>} : memref<13x128xi32, #tpu.memory_space<vmem>>, vector<1x16xi32>,
    %get3A_915 = vector.shape_cast %get3A_914 : vector<1x16xi32> to vector<16xi32>
    %add3A_916 = arith.constant 900000 : i32
    %add3A_917 = vector.broadcast %add3A_916 : i32 to vector<16xi32>
    %add3A_918 = arith.addi %get3A_915, %add3A_917 : vector<16xi32>
    %swap3A_919 = arith.constant 9 : i32
    %swap3A_920 = arith.index_cast %swap3A_919 : i32 to index
    %swap3A_921 = arith.constant 16 : index
    %swap3A_922 = tpu.vector_load %arg5[%swap3A_920, %swap3A_921] {strides = array<i32>} : memref<13x128xi32, #tpu.memory_space<vmem>>, vector<1x16xi32>,
    %swap3A_923 = vector.shape_cast %swap3A_922 : vector<1x16xi32> to vector<16xi32>
    %swap3A_924 = vector.shape_cast %add3A_918 : vector<16xi32> to vector<1x16xi32>
    tpu.vector_store %arg5[%swap3A_920, %swap3A_921], %swap3A_924 {strides = array<i32>} : memref<13x128xi32, #tpu.memory_space<vmem>>, vector<1x16xi32>,
    %get3A_925 = arith.constant 9 : i32
    %get3A_926 = arith.index_cast %get3A_925 : i32 to index
    %get3A_927 = arith.constant 32 : index
    %get3A_928 = tpu.vector_load %arg5[%get3A_926, %get3A_927] {strides = array<i32>} : memref<13x128xi32, #tpu.memory_space<vmem>>, vector<1x16xi32>,
    %get3A_929 = vector.shape_cast %get3A_928 : vector<1x16xi32> to vector<16xi32>
    %add3A_930 = arith.constant 900000 : i32
    %add3A_931 = vector.broadcast %add3A_930 : i32 to vector<16xi32>
    %add3A_932 = arith.addi %get3A_929, %add3A_931 : vector<16xi32>
    %swap3A_933 = arith.constant 9 : i32
    %swap3A_934 = arith.index_cast %swap3A_933 : i32 to index
    %swap3A_935 = arith.constant 32 : index
    %swap3A_936 = tpu.vector_load %arg5[%swap3A_934, %swap3A_935] {strides = array<i32>} : memref<13x128xi32, #tpu.memory_space<vmem>>, vector<1x16xi32>,
    %swap3A_937 = vector.shape_cast %swap3A_936 : vector<1x16xi32> to vector<16xi32>
    %swap3A_938 = vector.shape_cast %add3A_932 : vector<16xi32> to vector<1x16xi32>
    tpu.vector_store %arg5[%swap3A_934, %swap3A_935], %swap3A_938 {strides = array<i32>} : memref<13x128xi32, #tpu.memory_space<vmem>>, vector<1x16xi32>,
    %get3A_939 = arith.constant 9 : i32
    %get3A_940 = arith.index_cast %get3A_939 : i32 to index
    %get3A_941 = arith.constant 48 : index
    %get3A_942 = tpu.vector_load %arg5[%get3A_940, %get3A_941] {strides = array<i32>} : memref<13x128xi32, #tpu.memory_space<vmem>>, vector<1x16xi32>,
    %get3A_943 = vector.shape_cast %get3A_942 : vector<1x16xi32> to vector<16xi32>
    %add3A_944 = arith.constant 900000 : i32
    %add3A_945 = vector.broadcast %add3A_944 : i32 to vector<16xi32>
    %add3A_946 = arith.addi %get3A_943, %add3A_945 : vector<16xi32>
    %swap3A_947 = arith.constant 9 : i32
    %swap3A_948 = arith.index_cast %swap3A_947 : i32 to index
    %swap3A_949 = arith.constant 48 : index
    %swap3A_950 = tpu.vector_load %arg5[%swap3A_948, %swap3A_949] {strides = array<i32>} : memref<13x128xi32, #tpu.memory_space<vmem>>, vector<1x16xi32>,
    %swap3A_951 = vector.shape_cast %swap3A_950 : vector<1x16xi32> to vector<16xi32>
    %swap3A_952 = vector.shape_cast %add3A_946 : vector<16xi32> to vector<1x16xi32>
    tpu.vector_store %arg5[%swap3A_948, %swap3A_949], %swap3A_952 {strides = array<i32>} : memref<13x128xi32, #tpu.memory_space<vmem>>, vector<1x16xi32>,
    %get3A_953 = arith.constant 9 : i32
    %get3A_954 = arith.index_cast %get3A_953 : i32 to index
    %get3A_955 = arith.constant 64 : index
    %get3A_956 = tpu.vector_load %arg5[%get3A_954, %get3A_955] {strides = array<i32>} : memref<13x128xi32, #tpu.memory_space<vmem>>, vector<1x16xi32>,
    %get3A_957 = vector.shape_cast %get3A_956 : vector<1x16xi32> to vector<16xi32>
    %add3A_958 = arith.constant 900000 : i32
    %add3A_959 = vector.broadcast %add3A_958 : i32 to vector<16xi32>
    %add3A_960 = arith.addi %get3A_957, %add3A_959 : vector<16xi32>
    %swap3A_961 = arith.constant 9 : i32
    %swap3A_962 = arith.index_cast %swap3A_961 : i32 to index
    %swap3A_963 = arith.constant 64 : index
    %swap3A_964 = tpu.vector_load %arg5[%swap3A_962, %swap3A_963] {strides = array<i32>} : memref<13x128xi32, #tpu.memory_space<vmem>>, vector<1x16xi32>,
    %swap3A_965 = vector.shape_cast %swap3A_964 : vector<1x16xi32> to vector<16xi32>
    %swap3A_966 = vector.shape_cast %add3A_960 : vector<16xi32> to vector<1x16xi32>
    tpu.vector_store %arg5[%swap3A_962, %swap3A_963], %swap3A_966 {strides = array<i32>} : memref<13x128xi32, #tpu.memory_space<vmem>>, vector<1x16xi32>,
    %get3A_967 = arith.constant 9 : i32
    %get3A_968 = arith.index_cast %get3A_967 : i32 to index
    %get3A_969 = arith.constant 80 : index
    %get3A_970 = tpu.vector_load %arg5[%get3A_968, %get3A_969] {strides = array<i32>} : memref<13x128xi32, #tpu.memory_space<vmem>>, vector<1x16xi32>,
    %get3A_971 = vector.shape_cast %get3A_970 : vector<1x16xi32> to vector<16xi32>
    %add3A_972 = arith.constant 900000 : i32
    %add3A_973 = vector.broadcast %add3A_972 : i32 to vector<16xi32>
    %add3A_974 = arith.addi %get3A_971, %add3A_973 : vector<16xi32>
    %swap3A_975 = arith.constant 9 : i32
    %swap3A_976 = arith.index_cast %swap3A_975 : i32 to index
    %swap3A_977 = arith.constant 80 : index
    %swap3A_978 = tpu.vector_load %arg5[%swap3A_976, %swap3A_977] {strides = array<i32>} : memref<13x128xi32, #tpu.memory_space<vmem>>, vector<1x16xi32>,
    %swap3A_979 = vector.shape_cast %swap3A_978 : vector<1x16xi32> to vector<16xi32>
    %swap3A_980 = vector.shape_cast %add3A_974 : vector<16xi32> to vector<1x16xi32>
    tpu.vector_store %arg5[%swap3A_976, %swap3A_977], %swap3A_980 {strides = array<i32>} : memref<13x128xi32, #tpu.memory_space<vmem>>, vector<1x16xi32>,
    %get3A_981 = arith.constant 9 : i32
    %get3A_982 = arith.index_cast %get3A_981 : i32 to index
    %get3A_983 = arith.constant 96 : index
    %get3A_984 = tpu.vector_load %arg5[%get3A_982, %get3A_983] {strides = array<i32>} : memref<13x128xi32, #tpu.memory_space<vmem>>, vector<1x16xi32>,
    %get3A_985 = vector.shape_cast %get3A_984 : vector<1x16xi32> to vector<16xi32>
    %add3A_986 = arith.constant 900000 : i32
    %add3A_987 = vector.broadcast %add3A_986 : i32 to vector<16xi32>
    %add3A_988 = arith.addi %get3A_985, %add3A_987 : vector<16xi32>
    %swap3A_989 = arith.constant 9 : i32
    %swap3A_990 = arith.index_cast %swap3A_989 : i32 to index
    %swap3A_991 = arith.constant 96 : index
    %swap3A_992 = tpu.vector_load %arg5[%swap3A_990, %swap3A_991] {strides = array<i32>} : memref<13x128xi32, #tpu.memory_space<vmem>>, vector<1x16xi32>,
    %swap3A_993 = vector.shape_cast %swap3A_992 : vector<1x16xi32> to vector<16xi32>
    %swap3A_994 = vector.shape_cast %add3A_988 : vector<16xi32> to vector<1x16xi32>
    tpu.vector_store %arg5[%swap3A_990, %swap3A_991], %swap3A_994 {strides = array<i32>} : memref<13x128xi32, #tpu.memory_space<vmem>>, vector<1x16xi32>,
    %get3A_995 = arith.constant 9 : i32
    %get3A_996 = arith.index_cast %get3A_995 : i32 to index
    %get3A_997 = arith.constant 112 : index
    %get3A_998 = tpu.vector_load %arg5[%get3A_996, %get3A_997] {strides = array<i32>} : memref<13x128xi32, #tpu.memory_space<vmem>>, vector<1x16xi32>,
    %get3A_999 = vector.shape_cast %get3A_998 : vector<1x16xi32> to vector<16xi32>
    %add3A_1000 = arith.constant 900000 : i32
    %add3A_1001 = vector.broadcast %add3A_1000 : i32 to vector<16xi32>
    %add3A_1002 = arith.addi %get3A_999, %add3A_1001 : vector<16xi32>
    %swap3A_1003 = arith.constant 9 : i32
    %swap3A_1004 = arith.index_cast %swap3A_1003 : i32 to index
    %swap3A_1005 = arith.constant 112 : index
    %swap3A_1006 = tpu.vector_load %arg5[%swap3A_1004, %swap3A_1005] {strides = array<i32>} : memref<13x128xi32, #tpu.memory_space<vmem>>, vector<1x16xi32>,
    %swap3A_1007 = vector.shape_cast %swap3A_1006 : vector<1x16xi32> to vector<16xi32>
    %swap3A_1008 = vector.shape_cast %add3A_1002 : vector<16xi32> to vector<1x16xi32>
    tpu.vector_store %arg5[%swap3A_1004, %swap3A_1005], %swap3A_1008 {strides = array<i32>} : memref<13x128xi32, #tpu.memory_space<vmem>>, vector<1x16xi32>,
    %get3A_1009 = arith.constant 10 : i32
    %get3A_1010 = arith.index_cast %get3A_1009 : i32 to index
    %get3A_1011 = arith.constant 0 : index
    %get3A_1012 = tpu.vector_load %arg5[%get3A_1010, %get3A_1011] {strides = array<i32>} : memref<13x128xi32, #tpu.memory_space<vmem>>, vector<1x16xi32>,
    %get3A_1013 = vector.shape_cast %get3A_1012 : vector<1x16xi32> to vector<16xi32>
    %add3A_1014 = arith.constant 1000000 : i32
    %add3A_1015 = vector.broadcast %add3A_1014 : i32 to vector<16xi32>
    %add3A_1016 = arith.addi %get3A_1013, %add3A_1015 : vector<16xi32>
    %swap3A_1017 = arith.constant 10 : i32
    %swap3A_1018 = arith.index_cast %swap3A_1017 : i32 to index
    %swap3A_1019 = arith.constant 0 : index
    %swap3A_1020 = tpu.vector_load %arg5[%swap3A_1018, %swap3A_1019] {strides = array<i32>} : memref<13x128xi32, #tpu.memory_space<vmem>>, vector<1x16xi32>,
    %swap3A_1021 = vector.shape_cast %swap3A_1020 : vector<1x16xi32> to vector<16xi32>
    %swap3A_1022 = vector.shape_cast %add3A_1016 : vector<16xi32> to vector<1x16xi32>
    tpu.vector_store %arg5[%swap3A_1018, %swap3A_1019], %swap3A_1022 {strides = array<i32>} : memref<13x128xi32, #tpu.memory_space<vmem>>, vector<1x16xi32>,
    %get3A_1023 = arith.constant 10 : i32
    %get3A_1024 = arith.index_cast %get3A_1023 : i32 to index
    %get3A_1025 = arith.constant 16 : index
    %get3A_1026 = tpu.vector_load %arg5[%get3A_1024, %get3A_1025] {strides = array<i32>} : memref<13x128xi32, #tpu.memory_space<vmem>>, vector<1x16xi32>,
    %get3A_1027 = vector.shape_cast %get3A_1026 : vector<1x16xi32> to vector<16xi32>
    %add3A_1028 = arith.constant 1000000 : i32
    %add3A_1029 = vector.broadcast %add3A_1028 : i32 to vector<16xi32>
    %add3A_1030 = arith.addi %get3A_1027, %add3A_1029 : vector<16xi32>
    %swap3A_1031 = arith.constant 10 : i32
    %swap3A_1032 = arith.index_cast %swap3A_1031 : i32 to index
    %swap3A_1033 = arith.constant 16 : index
    %swap3A_1034 = tpu.vector_load %arg5[%swap3A_1032, %swap3A_1033] {strides = array<i32>} : memref<13x128xi32, #tpu.memory_space<vmem>>, vector<1x16xi32>,
    %swap3A_1035 = vector.shape_cast %swap3A_1034 : vector<1x16xi32> to vector<16xi32>
    %swap3A_1036 = vector.shape_cast %add3A_1030 : vector<16xi32> to vector<1x16xi32>
    tpu.vector_store %arg5[%swap3A_1032, %swap3A_1033], %swap3A_1036 {strides = array<i32>} : memref<13x128xi32, #tpu.memory_space<vmem>>, vector<1x16xi32>,
    %get3A_1037 = arith.constant 10 : i32
    %get3A_1038 = arith.index_cast %get3A_1037 : i32 to index
    %get3A_1039 = arith.constant 32 : index
    %get3A_1040 = tpu.vector_load %arg5[%get3A_1038, %get3A_1039] {strides = array<i32>} : memref<13x128xi32, #tpu.memory_space<vmem>>, vector<1x16xi32>,
    %get3A_1041 = vector.shape_cast %get3A_1040 : vector<1x16xi32> to vector<16xi32>
    %add3A_1042 = arith.constant 1000000 : i32
    %add3A_1043 = vector.broadcast %add3A_1042 : i32 to vector<16xi32>
    %add3A_1044 = arith.addi %get3A_1041, %add3A_1043 : vector<16xi32>
    %swap3A_1045 = arith.constant 10 : i32
    %swap3A_1046 = arith.index_cast %swap3A_1045 : i32 to index
    %swap3A_1047 = arith.constant 32 : index
    %swap3A_1048 = tpu.vector_load %arg5[%swap3A_1046, %swap3A_1047] {strides = array<i32>} : memref<13x128xi32, #tpu.memory_space<vmem>>, vector<1x16xi32>,
    %swap3A_1049 = vector.shape_cast %swap3A_1048 : vector<1x16xi32> to vector<16xi32>
    %swap3A_1050 = vector.shape_cast %add3A_1044 : vector<16xi32> to vector<1x16xi32>
    tpu.vector_store %arg5[%swap3A_1046, %swap3A_1047], %swap3A_1050 {strides = array<i32>} : memref<13x128xi32, #tpu.memory_space<vmem>>, vector<1x16xi32>,
    %get3A_1051 = arith.constant 10 : i32
    %get3A_1052 = arith.index_cast %get3A_1051 : i32 to index
    %get3A_1053 = arith.constant 48 : index
    %get3A_1054 = tpu.vector_load %arg5[%get3A_1052, %get3A_1053] {strides = array<i32>} : memref<13x128xi32, #tpu.memory_space<vmem>>, vector<1x16xi32>,
    %get3A_1055 = vector.shape_cast %get3A_1054 : vector<1x16xi32> to vector<16xi32>
    %add3A_1056 = arith.constant 1000000 : i32
    %add3A_1057 = vector.broadcast %add3A_1056 : i32 to vector<16xi32>
    %add3A_1058 = arith.addi %get3A_1055, %add3A_1057 : vector<16xi32>
    %swap3A_1059 = arith.constant 10 : i32
    %swap3A_1060 = arith.index_cast %swap3A_1059 : i32 to index
    %swap3A_1061 = arith.constant 48 : index
    %swap3A_1062 = tpu.vector_load %arg5[%swap3A_1060, %swap3A_1061] {strides = array<i32>} : memref<13x128xi32, #tpu.memory_space<vmem>>, vector<1x16xi32>,
    %swap3A_1063 = vector.shape_cast %swap3A_1062 : vector<1x16xi32> to vector<16xi32>
    %swap3A_1064 = vector.shape_cast %add3A_1058 : vector<16xi32> to vector<1x16xi32>
    tpu.vector_store %arg5[%swap3A_1060, %swap3A_1061], %swap3A_1064 {strides = array<i32>} : memref<13x128xi32, #tpu.memory_space<vmem>>, vector<1x16xi32>,
    %get3A_1065 = arith.constant 10 : i32
    %get3A_1066 = arith.index_cast %get3A_1065 : i32 to index
    %get3A_1067 = arith.constant 64 : index
    %get3A_1068 = tpu.vector_load %arg5[%get3A_1066, %get3A_1067] {strides = array<i32>} : memref<13x128xi32, #tpu.memory_space<vmem>>, vector<1x16xi32>,
    %get3A_1069 = vector.shape_cast %get3A_1068 : vector<1x16xi32> to vector<16xi32>
    %add3A_1070 = arith.constant 1000000 : i32
    %add3A_1071 = vector.broadcast %add3A_1070 : i32 to vector<16xi32>
    %add3A_1072 = arith.addi %get3A_1069, %add3A_1071 : vector<16xi32>
    %swap3A_1073 = arith.constant 10 : i32
    %swap3A_1074 = arith.index_cast %swap3A_1073 : i32 to index
    %swap3A_1075 = arith.constant 64 : index
    %swap3A_1076 = tpu.vector_load %arg5[%swap3A_1074, %swap3A_1075] {strides = array<i32>} : memref<13x128xi32, #tpu.memory_space<vmem>>, vector<1x16xi32>,
    %swap3A_1077 = vector.shape_cast %swap3A_1076 : vector<1x16xi32> to vector<16xi32>
    %swap3A_1078 = vector.shape_cast %add3A_1072 : vector<16xi32> to vector<1x16xi32>
    tpu.vector_store %arg5[%swap3A_1074, %swap3A_1075], %swap3A_1078 {strides = array<i32>} : memref<13x128xi32, #tpu.memory_space<vmem>>, vector<1x16xi32>,
    %get3A_1079 = arith.constant 10 : i32
    %get3A_1080 = arith.index_cast %get3A_1079 : i32 to index
    %get3A_1081 = arith.constant 80 : index
    %get3A_1082 = tpu.vector_load %arg5[%get3A_1080, %get3A_1081] {strides = array<i32>} : memref<13x128xi32, #tpu.memory_space<vmem>>, vector<1x16xi32>,
    %get3A_1083 = vector.shape_cast %get3A_1082 : vector<1x16xi32> to vector<16xi32>
    %add3A_1084 = arith.constant 1000000 : i32
    %add3A_1085 = vector.broadcast %add3A_1084 : i32 to vector<16xi32>
    %add3A_1086 = arith.addi %get3A_1083, %add3A_1085 : vector<16xi32>
    %swap3A_1087 = arith.constant 10 : i32
    %swap3A_1088 = arith.index_cast %swap3A_1087 : i32 to index
    %swap3A_1089 = arith.constant 80 : index
    %swap3A_1090 = tpu.vector_load %arg5[%swap3A_1088, %swap3A_1089] {strides = array<i32>} : memref<13x128xi32, #tpu.memory_space<vmem>>, vector<1x16xi32>,
    %swap3A_1091 = vector.shape_cast %swap3A_1090 : vector<1x16xi32> to vector<16xi32>
    %swap3A_1092 = vector.shape_cast %add3A_1086 : vector<16xi32> to vector<1x16xi32>
    tpu.vector_store %arg5[%swap3A_1088, %swap3A_1089], %swap3A_1092 {strides = array<i32>} : memref<13x128xi32, #tpu.memory_space<vmem>>, vector<1x16xi32>,
    %get3A_1093 = arith.constant 10 : i32
    %get3A_1094 = arith.index_cast %get3A_1093 : i32 to index
    %get3A_1095 = arith.constant 96 : index
    %get3A_1096 = tpu.vector_load %arg5[%get3A_1094, %get3A_1095] {strides = array<i32>} : memref<13x128xi32, #tpu.memory_space<vmem>>, vector<1x16xi32>,
    %get3A_1097 = vector.shape_cast %get3A_1096 : vector<1x16xi32> to vector<16xi32>
    %add3A_1098 = arith.constant 1000000 : i32
    %add3A_1099 = vector.broadcast %add3A_1098 : i32 to vector<16xi32>
    %add3A_1100 = arith.addi %get3A_1097, %add3A_1099 : vector<16xi32>
    %swap3A_1101 = arith.constant 10 : i32
    %swap3A_1102 = arith.index_cast %swap3A_1101 : i32 to index
    %swap3A_1103 = arith.constant 96 : index
    %swap3A_1104 = tpu.vector_load %arg5[%swap3A_1102, %swap3A_1103] {strides = array<i32>} : memref<13x128xi32, #tpu.memory_space<vmem>>, vector<1x16xi32>,
    %swap3A_1105 = vector.shape_cast %swap3A_1104 : vector<1x16xi32> to vector<16xi32>
    %swap3A_1106 = vector.shape_cast %add3A_1100 : vector<16xi32> to vector<1x16xi32>
    tpu.vector_store %arg5[%swap3A_1102, %swap3A_1103], %swap3A_1106 {strides = array<i32>} : memref<13x128xi32, #tpu.memory_space<vmem>>, vector<1x16xi32>,
    %get3A_1107 = arith.constant 10 : i32
    %get3A_1108 = arith.index_cast %get3A_1107 : i32 to index
    %get3A_1109 = arith.constant 112 : index
    %get3A_1110 = tpu.vector_load %arg5[%get3A_1108, %get3A_1109] {strides = array<i32>} : memref<13x128xi32, #tpu.memory_space<vmem>>, vector<1x16xi32>,
    %get3A_1111 = vector.shape_cast %get3A_1110 : vector<1x16xi32> to vector<16xi32>
    %add3A_1112 = arith.constant 1000000 : i32
    %add3A_1113 = vector.broadcast %add3A_1112 : i32 to vector<16xi32>
    %add3A_1114 = arith.addi %get3A_1111, %add3A_1113 : vector<16xi32>
    %swap3A_1115 = arith.constant 10 : i32
    %swap3A_1116 = arith.index_cast %swap3A_1115 : i32 to index
    %swap3A_1117 = arith.constant 112 : index
    %swap3A_1118 = tpu.vector_load %arg5[%swap3A_1116, %swap3A_1117] {strides = array<i32>} : memref<13x128xi32, #tpu.memory_space<vmem>>, vector<1x16xi32>,
    %swap3A_1119 = vector.shape_cast %swap3A_1118 : vector<1x16xi32> to vector<16xi32>
    %swap3A_1120 = vector.shape_cast %add3A_1114 : vector<16xi32> to vector<1x16xi32>
    tpu.vector_store %arg5[%swap3A_1116, %swap3A_1117], %swap3A_1120 {strides = array<i32>} : memref<13x128xi32, #tpu.memory_space<vmem>>, vector<1x16xi32>,
    %get3A_1121 = arith.constant 11 : i32
    %get3A_1122 = arith.index_cast %get3A_1121 : i32 to index
    %get3A_1123 = arith.constant 0 : index
    %get3A_1124 = tpu.vector_load %arg5[%get3A_1122, %get3A_1123] {strides = array<i32>} : memref<13x128xi32, #tpu.memory_space<vmem>>, vector<1x16xi32>,
    %get3A_1125 = vector.shape_cast %get3A_1124 : vector<1x16xi32> to vector<16xi32>
    %add3A_1126 = arith.constant 1100000 : i32
    %add3A_1127 = vector.broadcast %add3A_1126 : i32 to vector<16xi32>
    %add3A_1128 = arith.addi %get3A_1125, %add3A_1127 : vector<16xi32>
    %swap3A_1129 = arith.constant 11 : i32
    %swap3A_1130 = arith.index_cast %swap3A_1129 : i32 to index
    %swap3A_1131 = arith.constant 0 : index
    %swap3A_1132 = tpu.vector_load %arg5[%swap3A_1130, %swap3A_1131] {strides = array<i32>} : memref<13x128xi32, #tpu.memory_space<vmem>>, vector<1x16xi32>,
    %swap3A_1133 = vector.shape_cast %swap3A_1132 : vector<1x16xi32> to vector<16xi32>
    %swap3A_1134 = vector.shape_cast %add3A_1128 : vector<16xi32> to vector<1x16xi32>
    tpu.vector_store %arg5[%swap3A_1130, %swap3A_1131], %swap3A_1134 {strides = array<i32>} : memref<13x128xi32, #tpu.memory_space<vmem>>, vector<1x16xi32>,
    %get3A_1135 = arith.constant 11 : i32
    %get3A_1136 = arith.index_cast %get3A_1135 : i32 to index
    %get3A_1137 = arith.constant 16 : index
    %get3A_1138 = tpu.vector_load %arg5[%get3A_1136, %get3A_1137] {strides = array<i32>} : memref<13x128xi32, #tpu.memory_space<vmem>>, vector<1x16xi32>,
    %get3A_1139 = vector.shape_cast %get3A_1138 : vector<1x16xi32> to vector<16xi32>
    %add3A_1140 = arith.constant 1100000 : i32
    %add3A_1141 = vector.broadcast %add3A_1140 : i32 to vector<16xi32>
    %add3A_1142 = arith.addi %get3A_1139, %add3A_1141 : vector<16xi32>
    %swap3A_1143 = arith.constant 11 : i32
    %swap3A_1144 = arith.index_cast %swap3A_1143 : i32 to index
    %swap3A_1145 = arith.constant 16 : index
    %swap3A_1146 = tpu.vector_load %arg5[%swap3A_1144, %swap3A_1145] {strides = array<i32>} : memref<13x128xi32, #tpu.memory_space<vmem>>, vector<1x16xi32>,
    %swap3A_1147 = vector.shape_cast %swap3A_1146 : vector<1x16xi32> to vector<16xi32>
    %swap3A_1148 = vector.shape_cast %add3A_1142 : vector<16xi32> to vector<1x16xi32>
    tpu.vector_store %arg5[%swap3A_1144, %swap3A_1145], %swap3A_1148 {strides = array<i32>} : memref<13x128xi32, #tpu.memory_space<vmem>>, vector<1x16xi32>,
    %get3A_1149 = arith.constant 11 : i32
    %get3A_1150 = arith.index_cast %get3A_1149 : i32 to index
    %get3A_1151 = arith.constant 32 : index
    %get3A_1152 = tpu.vector_load %arg5[%get3A_1150, %get3A_1151] {strides = array<i32>} : memref<13x128xi32, #tpu.memory_space<vmem>>, vector<1x16xi32>,
    %get3A_1153 = vector.shape_cast %get3A_1152 : vector<1x16xi32> to vector<16xi32>
    %add3A_1154 = arith.constant 1100000 : i32
    %add3A_1155 = vector.broadcast %add3A_1154 : i32 to vector<16xi32>
    %add3A_1156 = arith.addi %get3A_1153, %add3A_1155 : vector<16xi32>
    %swap3A_1157 = arith.constant 11 : i32
    %swap3A_1158 = arith.index_cast %swap3A_1157 : i32 to index
    %swap3A_1159 = arith.constant 32 : index
    %swap3A_1160 = tpu.vector_load %arg5[%swap3A_1158, %swap3A_1159] {strides = array<i32>} : memref<13x128xi32, #tpu.memory_space<vmem>>, vector<1x16xi32>,
    %swap3A_1161 = vector.shape_cast %swap3A_1160 : vector<1x16xi32> to vector<16xi32>
    %swap3A_1162 = vector.shape_cast %add3A_1156 : vector<16xi32> to vector<1x16xi32>
    tpu.vector_store %arg5[%swap3A_1158, %swap3A_1159], %swap3A_1162 {strides = array<i32>} : memref<13x128xi32, #tpu.memory_space<vmem>>, vector<1x16xi32>,
    %get3A_1163 = arith.constant 11 : i32
    %get3A_1164 = arith.index_cast %get3A_1163 : i32 to index
    %get3A_1165 = arith.constant 48 : index
    %get3A_1166 = tpu.vector_load %arg5[%get3A_1164, %get3A_1165] {strides = array<i32>} : memref<13x128xi32, #tpu.memory_space<vmem>>, vector<1x16xi32>,
    %get3A_1167 = vector.shape_cast %get3A_1166 : vector<1x16xi32> to vector<16xi32>
    %add3A_1168 = arith.constant 1100000 : i32
    %add3A_1169 = vector.broadcast %add3A_1168 : i32 to vector<16xi32>
    %add3A_1170 = arith.addi %get3A_1167, %add3A_1169 : vector<16xi32>
    %swap3A_1171 = arith.constant 11 : i32
    %swap3A_1172 = arith.index_cast %swap3A_1171 : i32 to index
    %swap3A_1173 = arith.constant 48 : index
    %swap3A_1174 = tpu.vector_load %arg5[%swap3A_1172, %swap3A_1173] {strides = array<i32>} : memref<13x128xi32, #tpu.memory_space<vmem>>, vector<1x16xi32>,
    %swap3A_1175 = vector.shape_cast %swap3A_1174 : vector<1x16xi32> to vector<16xi32>
    %swap3A_1176 = vector.shape_cast %add3A_1170 : vector<16xi32> to vector<1x16xi32>
    tpu.vector_store %arg5[%swap3A_1172, %swap3A_1173], %swap3A_1176 {strides = array<i32>} : memref<13x128xi32, #tpu.memory_space<vmem>>, vector<1x16xi32>,
    %get3A_1177 = arith.constant 11 : i32
    %get3A_1178 = arith.index_cast %get3A_1177 : i32 to index
    %get3A_1179 = arith.constant 64 : index
    %get3A_1180 = tpu.vector_load %arg5[%get3A_1178, %get3A_1179] {strides = array<i32>} : memref<13x128xi32, #tpu.memory_space<vmem>>, vector<1x16xi32>,
    %get3A_1181 = vector.shape_cast %get3A_1180 : vector<1x16xi32> to vector<16xi32>
    %add3A_1182 = arith.constant 1100000 : i32
    %add3A_1183 = vector.broadcast %add3A_1182 : i32 to vector<16xi32>
    %add3A_1184 = arith.addi %get3A_1181, %add3A_1183 : vector<16xi32>
    %swap3A_1185 = arith.constant 11 : i32
    %swap3A_1186 = arith.index_cast %swap3A_1185 : i32 to index
    %swap3A_1187 = arith.constant 64 : index
    %swap3A_1188 = tpu.vector_load %arg5[%swap3A_1186, %swap3A_1187] {strides = array<i32>} : memref<13x128xi32, #tpu.memory_space<vmem>>, vector<1x16xi32>,
    %swap3A_1189 = vector.shape_cast %swap3A_1188 : vector<1x16xi32> to vector<16xi32>
    %swap3A_1190 = vector.shape_cast %add3A_1184 : vector<16xi32> to vector<1x16xi32>
    tpu.vector_store %arg5[%swap3A_1186, %swap3A_1187], %swap3A_1190 {strides = array<i32>} : memref<13x128xi32, #tpu.memory_space<vmem>>, vector<1x16xi32>,
    %get3A_1191 = arith.constant 11 : i32
    %get3A_1192 = arith.index_cast %get3A_1191 : i32 to index
    %get3A_1193 = arith.constant 80 : index
    %get3A_1194 = tpu.vector_load %arg5[%get3A_1192, %get3A_1193] {strides = array<i32>} : memref<13x128xi32, #tpu.memory_space<vmem>>, vector<1x16xi32>,
    %get3A_1195 = vector.shape_cast %get3A_1194 : vector<1x16xi32> to vector<16xi32>
    %add3A_1196 = arith.constant 1100000 : i32
    %add3A_1197 = vector.broadcast %add3A_1196 : i32 to vector<16xi32>
    %add3A_1198 = arith.addi %get3A_1195, %add3A_1197 : vector<16xi32>
    %swap3A_1199 = arith.constant 11 : i32
    %swap3A_1200 = arith.index_cast %swap3A_1199 : i32 to index
    %swap3A_1201 = arith.constant 80 : index
    %swap3A_1202 = tpu.vector_load %arg5[%swap3A_1200, %swap3A_1201] {strides = array<i32>} : memref<13x128xi32, #tpu.memory_space<vmem>>, vector<1x16xi32>,
    %swap3A_1203 = vector.shape_cast %swap3A_1202 : vector<1x16xi32> to vector<16xi32>
    %swap3A_1204 = vector.shape_cast %add3A_1198 : vector<16xi32> to vector<1x16xi32>
    tpu.vector_store %arg5[%swap3A_1200, %swap3A_1201], %swap3A_1204 {strides = array<i32>} : memref<13x128xi32, #tpu.memory_space<vmem>>, vector<1x16xi32>,
    %get3A_1205 = arith.constant 11 : i32
    %get3A_1206 = arith.index_cast %get3A_1205 : i32 to index
    %get3A_1207 = arith.constant 96 : index
    %get3A_1208 = tpu.vector_load %arg5[%get3A_1206, %get3A_1207] {strides = array<i32>} : memref<13x128xi32, #tpu.memory_space<vmem>>, vector<1x16xi32>,
    %get3A_1209 = vector.shape_cast %get3A_1208 : vector<1x16xi32> to vector<16xi32>
    %add3A_1210 = arith.constant 1100000 : i32
    %add3A_1211 = vector.broadcast %add3A_1210 : i32 to vector<16xi32>
    %add3A_1212 = arith.addi %get3A_1209, %add3A_1211 : vector<16xi32>
    %swap3A_1213 = arith.constant 11 : i32
    %swap3A_1214 = arith.index_cast %swap3A_1213 : i32 to index
    %swap3A_1215 = arith.constant 96 : index
    %swap3A_1216 = tpu.vector_load %arg5[%swap3A_1214, %swap3A_1215] {strides = array<i32>} : memref<13x128xi32, #tpu.memory_space<vmem>>, vector<1x16xi32>,
    %swap3A_1217 = vector.shape_cast %swap3A_1216 : vector<1x16xi32> to vector<16xi32>
    %swap3A_1218 = vector.shape_cast %add3A_1212 : vector<16xi32> to vector<1x16xi32>
    tpu.vector_store %arg5[%swap3A_1214, %swap3A_1215], %swap3A_1218 {strides = array<i32>} : memref<13x128xi32, #tpu.memory_space<vmem>>, vector<1x16xi32>,
    %get3A_1219 = arith.constant 11 : i32
    %get3A_1220 = arith.index_cast %get3A_1219 : i32 to index
    %get3A_1221 = arith.constant 112 : index
    %get3A_1222 = tpu.vector_load %arg5[%get3A_1220, %get3A_1221] {strides = array<i32>} : memref<13x128xi32, #tpu.memory_space<vmem>>, vector<1x16xi32>,
    %get3A_1223 = vector.shape_cast %get3A_1222 : vector<1x16xi32> to vector<16xi32>
    %add3A_1224 = arith.constant 1100000 : i32
    %add3A_1225 = vector.broadcast %add3A_1224 : i32 to vector<16xi32>
    %add3A_1226 = arith.addi %get3A_1223, %add3A_1225 : vector<16xi32>
    %swap3A_1227 = arith.constant 11 : i32
    %swap3A_1228 = arith.index_cast %swap3A_1227 : i32 to index
    %swap3A_1229 = arith.constant 112 : index
    %swap3A_1230 = tpu.vector_load %arg5[%swap3A_1228, %swap3A_1229] {strides = array<i32>} : memref<13x128xi32, #tpu.memory_space<vmem>>, vector<1x16xi32>,
    %swap3A_1231 = vector.shape_cast %swap3A_1230 : vector<1x16xi32> to vector<16xi32>
    %swap3A_1232 = vector.shape_cast %add3A_1226 : vector<16xi32> to vector<1x16xi32>
    tpu.vector_store %arg5[%swap3A_1228, %swap3A_1229], %swap3A_1232 {strides = array<i32>} : memref<13x128xi32, #tpu.memory_space<vmem>>, vector<1x16xi32>,
    %get3A_1233 = arith.constant 12 : i32
    %get3A_1234 = arith.index_cast %get3A_1233 : i32 to index
    %get3A_1235 = arith.constant 0 : index
    %get3A_1236 = tpu.vector_load %arg5[%get3A_1234, %get3A_1235] {strides = array<i32>} : memref<13x128xi32, #tpu.memory_space<vmem>>, vector<1x16xi32>,
    %get3A_1237 = vector.shape_cast %get3A_1236 : vector<1x16xi32> to vector<16xi32>
    %add3A_1238 = arith.constant 1200000 : i32
    %add3A_1239 = vector.broadcast %add3A_1238 : i32 to vector<16xi32>
    %add3A_1240 = arith.addi %get3A_1237, %add3A_1239 : vector<16xi32>
    %swap3A_1241 = arith.constant 12 : i32
    %swap3A_1242 = arith.index_cast %swap3A_1241 : i32 to index
    %swap3A_1243 = arith.constant 0 : index
    %swap3A_1244 = tpu.vector_load %arg5[%swap3A_1242, %swap3A_1243] {strides = array<i32>} : memref<13x128xi32, #tpu.memory_space<vmem>>, vector<1x16xi32>,
    %swap3A_1245 = vector.shape_cast %swap3A_1244 : vector<1x16xi32> to vector<16xi32>
    %swap3A_1246 = vector.shape_cast %add3A_1240 : vector<16xi32> to vector<1x16xi32>
    tpu.vector_store %arg5[%swap3A_1242, %swap3A_1243], %swap3A_1246 {strides = array<i32>} : memref<13x128xi32, #tpu.memory_space<vmem>>, vector<1x16xi32>,
    %get3A_1247 = arith.constant 12 : i32
    %get3A_1248 = arith.index_cast %get3A_1247 : i32 to index
    %get3A_1249 = arith.constant 16 : index
    %get3A_1250 = tpu.vector_load %arg5[%get3A_1248, %get3A_1249] {strides = array<i32>} : memref<13x128xi32, #tpu.memory_space<vmem>>, vector<1x16xi32>,
    %get3A_1251 = vector.shape_cast %get3A_1250 : vector<1x16xi32> to vector<16xi32>
    %add3A_1252 = arith.constant 1200000 : i32
    %add3A_1253 = vector.broadcast %add3A_1252 : i32 to vector<16xi32>
    %add3A_1254 = arith.addi %get3A_1251, %add3A_1253 : vector<16xi32>
    %swap3A_1255 = arith.constant 12 : i32
    %swap3A_1256 = arith.index_cast %swap3A_1255 : i32 to index
    %swap3A_1257 = arith.constant 16 : index
    %swap3A_1258 = tpu.vector_load %arg5[%swap3A_1256, %swap3A_1257] {strides = array<i32>} : memref<13x128xi32, #tpu.memory_space<vmem>>, vector<1x16xi32>,
    %swap3A_1259 = vector.shape_cast %swap3A_1258 : vector<1x16xi32> to vector<16xi32>
    %swap3A_1260 = vector.shape_cast %add3A_1254 : vector<16xi32> to vector<1x16xi32>
    tpu.vector_store %arg5[%swap3A_1256, %swap3A_1257], %swap3A_1260 {strides = array<i32>} : memref<13x128xi32, #tpu.memory_space<vmem>>, vector<1x16xi32>,
    %get3A_1261 = arith.constant 12 : i32
    %get3A_1262 = arith.index_cast %get3A_1261 : i32 to index
    %get3A_1263 = arith.constant 32 : index
    %get3A_1264 = tpu.vector_load %arg5[%get3A_1262, %get3A_1263] {strides = array<i32>} : memref<13x128xi32, #tpu.memory_space<vmem>>, vector<1x16xi32>,
    %get3A_1265 = vector.shape_cast %get3A_1264 : vector<1x16xi32> to vector<16xi32>
    %add3A_1266 = arith.constant 1200000 : i32
    %add3A_1267 = vector.broadcast %add3A_1266 : i32 to vector<16xi32>
    %add3A_1268 = arith.addi %get3A_1265, %add3A_1267 : vector<16xi32>
    %swap3A_1269 = arith.constant 12 : i32
    %swap3A_1270 = arith.index_cast %swap3A_1269 : i32 to index
    %swap3A_1271 = arith.constant 32 : index
    %swap3A_1272 = tpu.vector_load %arg5[%swap3A_1270, %swap3A_1271] {strides = array<i32>} : memref<13x128xi32, #tpu.memory_space<vmem>>, vector<1x16xi32>,
    %swap3A_1273 = vector.shape_cast %swap3A_1272 : vector<1x16xi32> to vector<16xi32>
    %swap3A_1274 = vector.shape_cast %add3A_1268 : vector<16xi32> to vector<1x16xi32>
    tpu.vector_store %arg5[%swap3A_1270, %swap3A_1271], %swap3A_1274 {strides = array<i32>} : memref<13x128xi32, #tpu.memory_space<vmem>>, vector<1x16xi32>,
    %get3A_1275 = arith.constant 12 : i32
    %get3A_1276 = arith.index_cast %get3A_1275 : i32 to index
    %get3A_1277 = arith.constant 48 : index
    %get3A_1278 = tpu.vector_load %arg5[%get3A_1276, %get3A_1277] {strides = array<i32>} : memref<13x128xi32, #tpu.memory_space<vmem>>, vector<1x16xi32>,
    %get3A_1279 = vector.shape_cast %get3A_1278 : vector<1x16xi32> to vector<16xi32>
    %add3A_1280 = arith.constant 1200000 : i32
    %add3A_1281 = vector.broadcast %add3A_1280 : i32 to vector<16xi32>
    %add3A_1282 = arith.addi %get3A_1279, %add3A_1281 : vector<16xi32>
    %swap3A_1283 = arith.constant 12 : i32
    %swap3A_1284 = arith.index_cast %swap3A_1283 : i32 to index
    %swap3A_1285 = arith.constant 48 : index
    %swap3A_1286 = tpu.vector_load %arg5[%swap3A_1284, %swap3A_1285] {strides = array<i32>} : memref<13x128xi32, #tpu.memory_space<vmem>>, vector<1x16xi32>,
    %swap3A_1287 = vector.shape_cast %swap3A_1286 : vector<1x16xi32> to vector<16xi32>
    %swap3A_1288 = vector.shape_cast %add3A_1282 : vector<16xi32> to vector<1x16xi32>
    tpu.vector_store %arg5[%swap3A_1284, %swap3A_1285], %swap3A_1288 {strides = array<i32>} : memref<13x128xi32, #tpu.memory_space<vmem>>, vector<1x16xi32>,
    %get3A_1289 = arith.constant 12 : i32
    %get3A_1290 = arith.index_cast %get3A_1289 : i32 to index
    %get3A_1291 = arith.constant 64 : index
    %get3A_1292 = tpu.vector_load %arg5[%get3A_1290, %get3A_1291] {strides = array<i32>} : memref<13x128xi32, #tpu.memory_space<vmem>>, vector<1x16xi32>,
    %get3A_1293 = vector.shape_cast %get3A_1292 : vector<1x16xi32> to vector<16xi32>
    %add3A_1294 = arith.constant 1200000 : i32
    %add3A_1295 = vector.broadcast %add3A_1294 : i32 to vector<16xi32>
    %add3A_1296 = arith.addi %get3A_1293, %add3A_1295 : vector<16xi32>
    %swap3A_1297 = arith.constant 12 : i32
    %swap3A_1298 = arith.index_cast %swap3A_1297 : i32 to index
    %swap3A_1299 = arith.constant 64 : index
    %swap3A_1300 = tpu.vector_load %arg5[%swap3A_1298, %swap3A_1299] {strides = array<i32>} : memref<13x128xi32, #tpu.memory_space<vmem>>, vector<1x16xi32>,
    %swap3A_1301 = vector.shape_cast %swap3A_1300 : vector<1x16xi32> to vector<16xi32>
    %swap3A_1302 = vector.shape_cast %add3A_1296 : vector<16xi32> to vector<1x16xi32>
    tpu.vector_store %arg5[%swap3A_1298, %swap3A_1299], %swap3A_1302 {strides = array<i32>} : memref<13x128xi32, #tpu.memory_space<vmem>>, vector<1x16xi32>,
    %get3A_1303 = arith.constant 12 : i32
    %get3A_1304 = arith.index_cast %get3A_1303 : i32 to index
    %get3A_1305 = arith.constant 80 : index
    %get3A_1306 = tpu.vector_load %arg5[%get3A_1304, %get3A_1305] {strides = array<i32>} : memref<13x128xi32, #tpu.memory_space<vmem>>, vector<1x16xi32>,
    %get3A_1307 = vector.shape_cast %get3A_1306 : vector<1x16xi32> to vector<16xi32>
    %add3A_1308 = arith.constant 1200000 : i32
    %add3A_1309 = vector.broadcast %add3A_1308 : i32 to vector<16xi32>
    %add3A_1310 = arith.addi %get3A_1307, %add3A_1309 : vector<16xi32>
    %swap3A_1311 = arith.constant 12 : i32
    %swap3A_1312 = arith.index_cast %swap3A_1311 : i32 to index
    %swap3A_1313 = arith.constant 80 : index
    %swap3A_1314 = tpu.vector_load %arg5[%swap3A_1312, %swap3A_1313] {strides = array<i32>} : memref<13x128xi32, #tpu.memory_space<vmem>>, vector<1x16xi32>,
    %swap3A_1315 = vector.shape_cast %swap3A_1314 : vector<1x16xi32> to vector<16xi32>
    %swap3A_1316 = vector.shape_cast %add3A_1310 : vector<16xi32> to vector<1x16xi32>
    tpu.vector_store %arg5[%swap3A_1312, %swap3A_1313], %swap3A_1316 {strides = array<i32>} : memref<13x128xi32, #tpu.memory_space<vmem>>, vector<1x16xi32>,
    %get3A_1317 = arith.constant 12 : i32
    %get3A_1318 = arith.index_cast %get3A_1317 : i32 to index
    %get3A_1319 = arith.constant 96 : index
    %get3A_1320 = tpu.vector_load %arg5[%get3A_1318, %get3A_1319] {strides = array<i32>} : memref<13x128xi32, #tpu.memory_space<vmem>>, vector<1x16xi32>,
    %get3A_1321 = vector.shape_cast %get3A_1320 : vector<1x16xi32> to vector<16xi32>
    %add3A_1322 = arith.constant 1200000 : i32
    %add3A_1323 = vector.broadcast %add3A_1322 : i32 to vector<16xi32>
    %add3A_1324 = arith.addi %get3A_1321, %add3A_1323 : vector<16xi32>
    %swap3A_1325 = arith.constant 12 : i32
    %swap3A_1326 = arith.index_cast %swap3A_1325 : i32 to index
    %swap3A_1327 = arith.constant 96 : index
    %swap3A_1328 = tpu.vector_load %arg5[%swap3A_1326, %swap3A_1327] {strides = array<i32>} : memref<13x128xi32, #tpu.memory_space<vmem>>, vector<1x16xi32>,
    %swap3A_1329 = vector.shape_cast %swap3A_1328 : vector<1x16xi32> to vector<16xi32>
    %swap3A_1330 = vector.shape_cast %add3A_1324 : vector<16xi32> to vector<1x16xi32>
    tpu.vector_store %arg5[%swap3A_1326, %swap3A_1327], %swap3A_1330 {strides = array<i32>} : memref<13x128xi32, #tpu.memory_space<vmem>>, vector<1x16xi32>,
    %get3A_1331 = arith.constant 12 : i32
    %get3A_1332 = arith.index_cast %get3A_1331 : i32 to index
    %get3A_1333 = arith.constant 112 : index
    %get3A_1334 = tpu.vector_load %arg5[%get3A_1332, %get3A_1333] {strides = array<i32>} : memref<13x128xi32, #tpu.memory_space<vmem>>, vector<1x16xi32>,
    %get3A_1335 = vector.shape_cast %get3A_1334 : vector<1x16xi32> to vector<16xi32>
    %add3A_1336 = arith.constant 1200000 : i32
    %add3A_1337 = vector.broadcast %add3A_1336 : i32 to vector<16xi32>
    %add3A_1338 = arith.addi %get3A_1335, %add3A_1337 : vector<16xi32>
    %swap3A_1339 = arith.constant 12 : i32
    %swap3A_1340 = arith.index_cast %swap3A_1339 : i32 to index
    %swap3A_1341 = arith.constant 112 : index
    %swap3A_1342 = tpu.vector_load %arg5[%swap3A_1340, %swap3A_1341] {strides = array<i32>} : memref<13x128xi32, #tpu.memory_space<vmem>>, vector<1x16xi32>,
    %swap3A_1343 = vector.shape_cast %swap3A_1342 : vector<1x16xi32> to vector<16xi32>
    %swap3A_1344 = vector.shape_cast %add3A_1338 : vector<16xi32> to vector<1x16xi32>
    tpu.vector_store %arg5[%swap3A_1340, %swap3A_1341], %swap3A_1344 {strides = array<i32>} : memref<13x128xi32, #tpu.memory_space<vmem>>, vector<1x16xi32>,
    %dma_start3A = arith.constant 0 : i32
    %dma_start3A_1345 = arith.constant 0 : i32
    %dma_start3A_1346 = arith.constant 0 : i32
    %dma_start3A_1347 = arith.constant 0 : i32
    %dma_start3A_1348 = tpu.memref_slice %arg6[%dma_start3A_1345, %dma_start3A_1346, %dma_start3A_1347] : memref<6x128x128xf32, #tpu.memory_space<vmem>> -> memref<1x128x128xf32, #tpu.memory_space<vmem>>
    %dma_start3A_1349 = tpu.memref_squeeze %dma_start3A_1348 : memref<1x128x128xf32, #tpu.memory_space<vmem>> -> memref<128x128xf32, #tpu.memory_space<vmem>>
    %dma_start3A_1350 = arith.constant 0 : i32
    %dma_start3A_1351 = tpu.memref_slice %arg5[%dma_start3A, %dma_start3A_1350] : memref<13x128xi32, #tpu.memory_space<vmem>> -> memref<1x128xi32, #tpu.memory_space<vmem>>
    %dma_start3A_1352 = tpu.memref_squeeze %dma_start3A_1351 : memref<1x128xi32, #tpu.memory_space<vmem>> -> memref<128xi32, #tpu.memory_space<vmem>>
    %dma_start3A_1353 = arith.constant 0 : i32
    %dma_start3A_1354 = arith.constant 0 : i32
    %dma_start3A_1355 = tpu.memref_slice %arg2[%dma_start3A_1353, %dma_start3A_1354] : memref<2600000x128xf32, #tpu.memory_space<hbm>> -> memref<2600000x128xf32, #tpu.memory_space<hbm>>
    tpu.enqueue_indirect_dma source(%dma_start3A_1355 : memref<2600000x128xf32, #tpu.memory_space<hbm>>) target(%dma_start3A_1349 : memref<128x128xf32, #tpu.memory_space<vmem>>) offsets(%dma_start3A_1352 : memref<128xi32, #tpu.memory_space<vmem>>) semaphore(%arg7 : memref<!tpu.dma_semaphore, #tpu.memory_space<semaphore_mem>>)
    %dma_start3A_1356 = arith.constant 1 : i32
    %dma_start3A_1357 = arith.constant 1 : i32
    %dma_start3A_1358 = arith.constant 0 : i32
    %dma_start3A_1359 = arith.constant 0 : i32
    %dma_start3A_1360 = tpu.memref_slice %arg6[%dma_start3A_1357, %dma_start3A_1358, %dma_start3A_1359] : memref<6x128x128xf32, #tpu.memory_space<vmem>> -> memref<1x128x128xf32, #tpu.memory_space<vmem>>
    %dma_start3A_1361 = tpu.memref_squeeze %dma_start3A_1360 : memref<1x128x128xf32, #tpu.memory_space<vmem>> -> memref<128x128xf32, #tpu.memory_space<vmem>>
    %dma_start3A_1362 = arith.constant 0 : i32
    %dma_start3A_1363 = tpu.memref_slice %arg5[%dma_start3A_1356, %dma_start3A_1362] : memref<13x128xi32, #tpu.memory_space<vmem>> -> memref<1x128xi32, #tpu.memory_space<vmem>>
    %dma_start3A_1364 = tpu.memref_squeeze %dma_start3A_1363 : memref<1x128xi32, #tpu.memory_space<vmem>> -> memref<128xi32, #tpu.memory_space<vmem>>
    %dma_start3A_1365 = arith.constant 0 : i32
    %dma_start3A_1366 = arith.constant 0 : i32
    %dma_start3A_1367 = tpu.memref_slice %arg2[%dma_start3A_1365, %dma_start3A_1366] : memref<2600000x128xf32, #tpu.memory_space<hbm>> -> memref<2600000x128xf32, #tpu.memory_space<hbm>>
    tpu.enqueue_indirect_dma source(%dma_start3A_1367 : memref<2600000x128xf32, #tpu.memory_space<hbm>>) target(%dma_start3A_1361 : memref<128x128xf32, #tpu.memory_space<vmem>>) offsets(%dma_start3A_1364 : memref<128xi32, #tpu.memory_space<vmem>>) semaphore(%arg8 : memref<!tpu.dma_semaphore, #tpu.memory_space<semaphore_mem>>)
    %dma_start3A_1368 = arith.constant 2 : i32
    %dma_start3A_1369 = arith.constant 2 : i32
    %dma_start3A_1370 = arith.constant 0 : i32
    %dma_start3A_1371 = arith.constant 0 : i32
    %dma_start3A_1372 = tpu.memref_slice %arg6[%dma_start3A_1369, %dma_start3A_1370, %dma_start3A_1371] : memref<6x128x128xf32, #tpu.memory_space<vmem>> -> memref<1x128x128xf32, #tpu.memory_space<vmem>>
    %dma_start3A_1373 = tpu.memref_squeeze %dma_start3A_1372 : memref<1x128x128xf32, #tpu.memory_space<vmem>> -> memref<128x128xf32, #tpu.memory_space<vmem>>
    %dma_start3A_1374 = arith.constant 0 : i32
    %dma_start3A_1375 = tpu.memref_slice %arg5[%dma_start3A_1368, %dma_start3A_1374] : memref<13x128xi32, #tpu.memory_space<vmem>> -> memref<1x128xi32, #tpu.memory_space<vmem>>
    %dma_start3A_1376 = tpu.memref_squeeze %dma_start3A_1375 : memref<1x128xi32, #tpu.memory_space<vmem>> -> memref<128xi32, #tpu.memory_space<vmem>>
    %dma_start3A_1377 = arith.constant 0 : i32
    %dma_start3A_1378 = arith.constant 0 : i32
    %dma_start3A_1379 = tpu.memref_slice %arg2[%dma_start3A_1377, %dma_start3A_1378] : memref<2600000x128xf32, #tpu.memory_space<hbm>> -> memref<2600000x128xf32, #tpu.memory_space<hbm>>
    tpu.enqueue_indirect_dma source(%dma_start3A_1379 : memref<2600000x128xf32, #tpu.memory_space<hbm>>) target(%dma_start3A_1373 : memref<128x128xf32, #tpu.memory_space<vmem>>) offsets(%dma_start3A_1376 : memref<128xi32, #tpu.memory_space<vmem>>) semaphore(%arg9 : memref<!tpu.dma_semaphore, #tpu.memory_space<semaphore_mem>>)
    %dma_start3A_1380 = arith.constant 3 : i32
    %dma_start3A_1381 = arith.constant 3 : i32
    %dma_start3A_1382 = arith.constant 0 : i32
    %dma_start3A_1383 = arith.constant 0 : i32
    %dma_start3A_1384 = tpu.memref_slice %arg6[%dma_start3A_1381, %dma_start3A_1382, %dma_start3A_1383] : memref<6x128x128xf32, #tpu.memory_space<vmem>> -> memref<1x128x128xf32, #tpu.memory_space<vmem>>
    %dma_start3A_1385 = tpu.memref_squeeze %dma_start3A_1384 : memref<1x128x128xf32, #tpu.memory_space<vmem>> -> memref<128x128xf32, #tpu.memory_space<vmem>>
    %dma_start3A_1386 = arith.constant 0 : i32
    %dma_start3A_1387 = tpu.memref_slice %arg5[%dma_start3A_1380, %dma_start3A_1386] : memref<13x128xi32, #tpu.memory_space<vmem>> -> memref<1x128xi32, #tpu.memory_space<vmem>>
    %dma_start3A_1388 = tpu.memref_squeeze %dma_start3A_1387 : memref<1x128xi32, #tpu.memory_space<vmem>> -> memref<128xi32, #tpu.memory_space<vmem>>
    %dma_start3A_1389 = arith.constant 0 : i32
    %dma_start3A_1390 = arith.constant 0 : i32
    %dma_start3A_1391 = tpu.memref_slice %arg2[%dma_start3A_1389, %dma_start3A_1390] : memref<2600000x128xf32, #tpu.memory_space<hbm>> -> memref<2600000x128xf32, #tpu.memory_space<hbm>>
    tpu.enqueue_indirect_dma source(%dma_start3A_1391 : memref<2600000x128xf32, #tpu.memory_space<hbm>>) target(%dma_start3A_1385 : memref<128x128xf32, #tpu.memory_space<vmem>>) offsets(%dma_start3A_1388 : memref<128xi32, #tpu.memory_space<vmem>>) semaphore(%arg10 : memref<!tpu.dma_semaphore, #tpu.memory_space<semaphore_mem>>)
    %dma_start3A_1392 = arith.constant 4 : i32
    %dma_start3A_1393 = arith.constant 4 : i32
    %dma_start3A_1394 = arith.constant 0 : i32
    %dma_start3A_1395 = arith.constant 0 : i32
    %dma_start3A_1396 = tpu.memref_slice %arg6[%dma_start3A_1393, %dma_start3A_1394, %dma_start3A_1395] : memref<6x128x128xf32, #tpu.memory_space<vmem>> -> memref<1x128x128xf32, #tpu.memory_space<vmem>>
    %dma_start3A_1397 = tpu.memref_squeeze %dma_start3A_1396 : memref<1x128x128xf32, #tpu.memory_space<vmem>> -> memref<128x128xf32, #tpu.memory_space<vmem>>
    %dma_start3A_1398 = arith.constant 0 : i32
    %dma_start3A_1399 = tpu.memref_slice %arg5[%dma_start3A_1392, %dma_start3A_1398] : memref<13x128xi32, #tpu.memory_space<vmem>> -> memref<1x128xi32, #tpu.memory_space<vmem>>
    %dma_start3A_1400 = tpu.memref_squeeze %dma_start3A_1399 : memref<1x128xi32, #tpu.memory_space<vmem>> -> memref<128xi32, #tpu.memory_space<vmem>>
    %dma_start3A_1401 = arith.constant 0 : i32
    %dma_start3A_1402 = arith.constant 0 : i32
    %dma_start3A_1403 = tpu.memref_slice %arg2[%dma_start3A_1401, %dma_start3A_1402] : memref<2600000x128xf32, #tpu.memory_space<hbm>> -> memref<2600000x128xf32, #tpu.memory_space<hbm>>
    tpu.enqueue_indirect_dma source(%dma_start3A_1403 : memref<2600000x128xf32, #tpu.memory_space<hbm>>) target(%dma_start3A_1397 : memref<128x128xf32, #tpu.memory_space<vmem>>) offsets(%dma_start3A_1400 : memref<128xi32, #tpu.memory_space<vmem>>) semaphore(%arg11 : memref<!tpu.dma_semaphore, #tpu.memory_space<semaphore_mem>>)
    %dma_start3A_1404 = arith.constant 5 : i32
    %dma_start3A_1405 = arith.constant 5 : i32
    %dma_start3A_1406 = arith.constant 0 : i32
    %dma_start3A_1407 = arith.constant 0 : i32
    %dma_start3A_1408 = tpu.memref_slice %arg6[%dma_start3A_1405, %dma_start3A_1406, %dma_start3A_1407] : memref<6x128x128xf32, #tpu.memory_space<vmem>> -> memref<1x128x128xf32, #tpu.memory_space<vmem>>
    %dma_start3A_1409 = tpu.memref_squeeze %dma_start3A_1408 : memref<1x128x128xf32, #tpu.memory_space<vmem>> -> memref<128x128xf32, #tpu.memory_space<vmem>>
    %dma_start3A_1410 = arith.constant 0 : i32
    %dma_start3A_1411 = tpu.memref_slice %arg5[%dma_start3A_1404, %dma_start3A_1410] : memref<13x128xi32, #tpu.memory_space<vmem>> -> memref<1x128xi32, #tpu.memory_space<vmem>>
    %dma_start3A_1412 = tpu.memref_squeeze %dma_start3A_1411 : memref<1x128xi32, #tpu.memory_space<vmem>> -> memref<128xi32, #tpu.memory_space<vmem>>
    %dma_start3A_1413 = arith.constant 0 : i32
    %dma_start3A_1414 = arith.constant 0 : i32
    %dma_start3A_1415 = tpu.memref_slice %arg2[%dma_start3A_1413, %dma_start3A_1414] : memref<2600000x128xf32, #tpu.memory_space<hbm>> -> memref<2600000x128xf32, #tpu.memory_space<hbm>>
    tpu.enqueue_indirect_dma source(%dma_start3A_1415 : memref<2600000x128xf32, #tpu.memory_space<hbm>>) target(%dma_start3A_1409 : memref<128x128xf32, #tpu.memory_space<vmem>>) offsets(%dma_start3A_1412 : memref<128xi32, #tpu.memory_space<vmem>>) semaphore(%arg12 : memref<!tpu.dma_semaphore, #tpu.memory_space<semaphore_mem>>)
    %dma_wait3A = arith.constant 0 : i32
    %dma_wait3A_1416 = arith.constant 0 : i32
    %dma_wait3A_1417 = arith.constant 0 : i32
    %dma_wait3A_1418 = arith.constant 0 : i32
    %dma_wait3A_1419 = tpu.memref_slice %arg6[%dma_wait3A_1416, %dma_wait3A_1417, %dma_wait3A_1418] : memref<6x128x128xf32, #tpu.memory_space<vmem>> -> memref<1x128x128xf32, #tpu.memory_space<vmem>>
    %dma_wait3A_1420 = tpu.memref_squeeze %dma_wait3A_1419 : memref<1x128x128xf32, #tpu.memory_space<vmem>> -> memref<128x128xf32, #tpu.memory_space<vmem>>
    %dma_wait3A_1421 = arith.constant 0 : i32
    %dma_wait3A_1422 = tpu.memref_slice %arg5[%dma_wait3A, %dma_wait3A_1421] : memref<13x128xi32, #tpu.memory_space<vmem>> -> memref<1x128xi32, #tpu.memory_space<vmem>>
    %dma_wait3A_1423 = tpu.memref_squeeze %dma_wait3A_1422 : memref<1x128xi32, #tpu.memory_space<vmem>> -> memref<128xi32, #tpu.memory_space<vmem>>
    %dma_wait3A_1424 = arith.constant 0 : i32
    %dma_wait3A_1425 = arith.constant 0 : i32
    %dma_wait3A_1426 = tpu.memref_slice %arg2[%dma_wait3A_1424, %dma_wait3A_1425] : memref<2600000x128xf32, #tpu.memory_space<hbm>> -> memref<2600000x128xf32, #tpu.memory_space<hbm>>
    tpu.wait_indirect_dma semaphore(%arg7 : memref<!tpu.dma_semaphore, #tpu.memory_space<semaphore_mem>>) src(%dma_wait3A_1426 : memref<2600000x128xf32, #tpu.memory_space<hbm>>) dst(%dma_wait3A_1420 : memref<128x128xf32, #tpu.memory_space<vmem>>)
    %add3A_1427 = arith.constant 0 : i32
    %add3A_1428 = arith.addi %add3A_1427, %mul3A_2 : i32
    %dma_start3A_1429 = arith.constant 0 : i32
    %dma_start3A_1430 = arith.constant 0 : i32
    %dma_start3A_1431 = arith.constant 0 : i32
    %dma_start3A_1432 = tpu.memref_slice %arg6[%dma_start3A_1429, %dma_start3A_1430, %dma_start3A_1431] : memref<6x128x128xf32, #tpu.memory_space<vmem>> -> memref<1x128x128xf32, #tpu.memory_space<vmem>>
    %dma_start3A_1433 = tpu.memref_squeeze %dma_start3A_1432 : memref<1x128x128xf32, #tpu.memory_space<vmem>> -> memref<128x128xf32, #tpu.memory_space<vmem>>
    %dma_start3A_1434 = arith.constant 0 : i32
    %dma_start3A_1435 = tpu.memref_slice %arg4[%add3A_1428, %dma_start3A_1434] : memref<53248x128xf32, #tpu.memory_space<hbm>> -> memref<128x128xf32, #tpu.memory_space<hbm>>
    %dma_start3A_1436 = arith.constant 0 : i32
    %dma_start3A_1437 = tpu.memref_slice %arg4[%add3A_1428, %dma_start3A_1436] : memref<53248x128xf32, #tpu.memory_space<hbm>> -> memref<128x128xf32, #tpu.memory_space<hbm>>
    %dma_start3A_1438 = arith.constant 0 : i32
    %dma_start3A_1439 = arith.constant 0 : i32
    %dma_start3A_1440 = tpu.memref_slice %arg6[%dma_start3A_1429, %dma_start3A_1438, %dma_start3A_1439] : memref<6x128x128xf32, #tpu.memory_space<vmem>> -> memref<1x128x128xf32, #tpu.memory_space<vmem>>
    %dma_start3A_1441 = tpu.memref_squeeze %dma_start3A_1440 : memref<1x128x128xf32, #tpu.memory_space<vmem>> -> memref<128x128xf32, #tpu.memory_space<vmem>>
    tpu.enqueue_dma source(%dma_start3A_1441 : memref<128x128xf32, #tpu.memory_space<vmem>>) target(%dma_start3A_1437 : memref<128x128xf32, #tpu.memory_space<hbm>>) target_semaphore(%arg13 : memref<!tpu.dma_semaphore, #tpu.memory_space<semaphore_mem>>)
    %dma_wait3A_1442 = arith.constant 0 : i32
    %dma_wait3A_1443 = arith.constant 0 : i32
    %dma_wait3A_1444 = arith.constant 0 : i32
    %dma_wait3A_1445 = tpu.memref_slice %arg6[%dma_wait3A_1442, %dma_wait3A_1443, %dma_wait3A_1444] : memref<6x128x128xf32, #tpu.memory_space<vmem>> -> memref<1x128x128xf32, #tpu.memory_space<vmem>>
    %dma_wait3A_1446 = tpu.memref_squeeze %dma_wait3A_1445 : memref<1x128x128xf32, #tpu.memory_space<vmem>> -> memref<128x128xf32, #tpu.memory_space<vmem>>
    %dma_wait3A_1447 = arith.constant 0 : i32
    %dma_wait3A_1448 = tpu.memref_slice %arg4[%add3A_1428, %dma_wait3A_1447] : memref<53248x128xf32, #tpu.memory_space<hbm>> -> memref<128x128xf32, #tpu.memory_space<hbm>>
    %dma_wait3A_1449 = arith.constant 0 : i32
    %dma_wait3A_1450 = tpu.memref_slice %arg4[%add3A_1428, %dma_wait3A_1449] : memref<53248x128xf32, #tpu.memory_space<hbm>> -> memref<128x128xf32, #tpu.memory_space<hbm>>
    %dma_wait3A_1451 = arith.constant 0 : i32
    %dma_wait3A_1452 = arith.constant 0 : i32
    %dma_wait3A_1453 = tpu.memref_slice %arg6[%dma_wait3A_1442, %dma_wait3A_1451, %dma_wait3A_1452] : memref<6x128x128xf32, #tpu.memory_space<vmem>> -> memref<1x128x128xf32, #tpu.memory_space<vmem>>
    %dma_wait3A_1454 = tpu.memref_squeeze %dma_wait3A_1453 : memref<1x128x128xf32, #tpu.memory_space<vmem>> -> memref<128x128xf32, #tpu.memory_space<vmem>>
    tpu.wait_dma2 semaphore(%arg13 : memref<!tpu.dma_semaphore, #tpu.memory_space<semaphore_mem>>) src(%dma_wait3A_1454 : memref<128x128xf32, #tpu.memory_space<vmem>>) dst(%dma_wait3A_1450 : memref<128x128xf32, #tpu.memory_space<hbm>>)
    %dma_start3A_1455 = arith.constant 6 : i32
    %dma_start3A_1456 = arith.constant 0 : i32
    %dma_start3A_1457 = arith.constant 0 : i32
    %dma_start3A_1458 = arith.constant 0 : i32
    %dma_start3A_1459 = tpu.memref_slice %arg6[%dma_start3A_1456, %dma_start3A_1457, %dma_start3A_1458] : memref<6x128x128xf32, #tpu.memory_space<vmem>> -> memref<1x128x128xf32, #tpu.memory_space<vmem>>
    %dma_start3A_1460 = tpu.memref_squeeze %dma_start3A_1459 : memref<1x128x128xf32, #tpu.memory_space<vmem>> -> memref<128x128xf32, #tpu.memory_space<vmem>>
    %dma_start3A_1461 = arith.constant 0 : i32
    %dma_start3A_1462 = tpu.memref_slice %arg5[%dma_start3A_1455, %dma_start3A_1461] : memref<13x128xi32, #tpu.memory_space<vmem>> -> memref<1x128xi32, #tpu.memory_space<vmem>>
    %dma_start3A_1463 = tpu.memref_squeeze %dma_start3A_1462 : memref<1x128xi32, #tpu.memory_space<vmem>> -> memref<128xi32, #tpu.memory_space<vmem>>
    %dma_start3A_1464 = arith.constant 0 : i32
    %dma_start3A_1465 = arith.constant 0 : i32
    %dma_start3A_1466 = tpu.memref_slice %arg2[%dma_start3A_1464, %dma_start3A_1465] : memref<2600000x128xf32, #tpu.memory_space<hbm>> -> memref<2600000x128xf32, #tpu.memory_space<hbm>>
    tpu.enqueue_indirect_dma source(%dma_start3A_1466 : memref<2600000x128xf32, #tpu.memory_space<hbm>>) target(%dma_start3A_1460 : memref<128x128xf32, #tpu.memory_space<vmem>>) offsets(%dma_start3A_1463 : memref<128xi32, #tpu.memory_space<vmem>>) semaphore(%arg7 : memref<!tpu.dma_semaphore, #tpu.memory_space<semaphore_mem>>)
    %dma_wait3A_1467 = arith.constant 1 : i32
    %dma_wait3A_1468 = arith.constant 1 : i32
    %dma_wait3A_1469 = arith.constant 0 : i32
    %dma_wait3A_1470 = arith.constant 0 : i32
    %dma_wait3A_1471 = tpu.memref_slice %arg6[%dma_wait3A_1468, %dma_wait3A_1469, %dma_wait3A_1470] : memref<6x128x128xf32, #tpu.memory_space<vmem>> -> memref<1x128x128xf32, #tpu.memory_space<vmem>>
    %dma_wait3A_1472 = tpu.memref_squeeze %dma_wait3A_1471 : memref<1x128x128xf32, #tpu.memory_space<vmem>> -> memref<128x128xf32, #tpu.memory_space<vmem>>
    %dma_wait3A_1473 = arith.constant 0 : i32
    %dma_wait3A_1474 = tpu.memref_slice %arg5[%dma_wait3A_1467, %dma_wait3A_1473] : memref<13x128xi32, #tpu.memory_space<vmem>> -> memref<1x128xi32, #tpu.memory_space<vmem>>
    %dma_wait3A_1475 = tpu.memref_squeeze %dma_wait3A_1474 : memref<1x128xi32, #tpu.memory_space<vmem>> -> memref<128xi32, #tpu.memory_space<vmem>>
    %dma_wait3A_1476 = arith.constant 0 : i32
    %dma_wait3A_1477 = arith.constant 0 : i32
    %dma_wait3A_1478 = tpu.memref_slice %arg2[%dma_wait3A_1476, %dma_wait3A_1477] : memref<2600000x128xf32, #tpu.memory_space<hbm>> -> memref<2600000x128xf32, #tpu.memory_space<hbm>>
    tpu.wait_indirect_dma semaphore(%arg8 : memref<!tpu.dma_semaphore, #tpu.memory_space<semaphore_mem>>) src(%dma_wait3A_1478 : memref<2600000x128xf32, #tpu.memory_space<hbm>>) dst(%dma_wait3A_1472 : memref<128x128xf32, #tpu.memory_space<vmem>>)
    %add3A_1479 = arith.constant 4096 : i32
    %add3A_1480 = arith.addi %add3A_1479, %mul3A_2 : i32
    %dma_start3A_1481 = arith.constant 1 : i32
    %dma_start3A_1482 = arith.constant 0 : i32
    %dma_start3A_1483 = arith.constant 0 : i32
    %dma_start3A_1484 = tpu.memref_slice %arg6[%dma_start3A_1481, %dma_start3A_1482, %dma_start3A_1483] : memref<6x128x128xf32, #tpu.memory_space<vmem>> -> memref<1x128x128xf32, #tpu.memory_space<vmem>>
    %dma_start3A_1485 = tpu.memref_squeeze %dma_start3A_1484 : memref<1x128x128xf32, #tpu.memory_space<vmem>> -> memref<128x128xf32, #tpu.memory_space<vmem>>
    %dma_start3A_1486 = arith.constant 0 : i32
    %dma_start3A_1487 = tpu.memref_slice %arg4[%add3A_1480, %dma_start3A_1486] : memref<53248x128xf32, #tpu.memory_space<hbm>> -> memref<128x128xf32, #tpu.memory_space<hbm>>
    %dma_start3A_1488 = arith.constant 0 : i32
    %dma_start3A_1489 = tpu.memref_slice %arg4[%add3A_1480, %dma_start3A_1488] : memref<53248x128xf32, #tpu.memory_space<hbm>> -> memref<128x128xf32, #tpu.memory_space<hbm>>
    %dma_start3A_1490 = arith.constant 0 : i32
    %dma_start3A_1491 = arith.constant 0 : i32
    %dma_start3A_1492 = tpu.memref_slice %arg6[%dma_start3A_1481, %dma_start3A_1490, %dma_start3A_1491] : memref<6x128x128xf32, #tpu.memory_space<vmem>> -> memref<1x128x128xf32, #tpu.memory_space<vmem>>
    %dma_start3A_1493 = tpu.memref_squeeze %dma_start3A_1492 : memref<1x128x128xf32, #tpu.memory_space<vmem>> -> memref<128x128xf32, #tpu.memory_space<vmem>>
    tpu.enqueue_dma source(%dma_start3A_1493 : memref<128x128xf32, #tpu.memory_space<vmem>>) target(%dma_start3A_1489 : memref<128x128xf32, #tpu.memory_space<hbm>>) target_semaphore(%arg14 : memref<!tpu.dma_semaphore, #tpu.memory_space<semaphore_mem>>)
    %dma_wait3A_1494 = arith.constant 1 : i32
    %dma_wait3A_1495 = arith.constant 0 : i32
    %dma_wait3A_1496 = arith.constant 0 : i32
    %dma_wait3A_1497 = tpu.memref_slice %arg6[%dma_wait3A_1494, %dma_wait3A_1495, %dma_wait3A_1496] : memref<6x128x128xf32, #tpu.memory_space<vmem>> -> memref<1x128x128xf32, #tpu.memory_space<vmem>>
    %dma_wait3A_1498 = tpu.memref_squeeze %dma_wait3A_1497 : memref<1x128x128xf32, #tpu.memory_space<vmem>> -> memref<128x128xf32, #tpu.memory_space<vmem>>
    %dma_wait3A_1499 = arith.constant 0 : i32
    %dma_wait3A_1500 = tpu.memref_slice %arg4[%add3A_1480, %dma_wait3A_1499] : memref<53248x128xf32, #tpu.memory_space<hbm>> -> memref<128x128xf32, #tpu.memory_space<hbm>>
    %dma_wait3A_1501 = arith.constant 0 : i32
    %dma_wait3A_1502 = tpu.memref_slice %arg4[%add3A_1480, %dma_wait3A_1501] : memref<53248x128xf32, #tpu.memory_space<hbm>> -> memref<128x128xf32, #tpu.memory_space<hbm>>
    %dma_wait3A_1503 = arith.constant 0 : i32
    %dma_wait3A_1504 = arith.constant 0 : i32
    %dma_wait3A_1505 = tpu.memref_slice %arg6[%dma_wait3A_1494, %dma_wait3A_1503, %dma_wait3A_1504] : memref<6x128x128xf32, #tpu.memory_space<vmem>> -> memref<1x128x128xf32, #tpu.memory_space<vmem>>
    %dma_wait3A_1506 = tpu.memref_squeeze %dma_wait3A_1505 : memref<1x128x128xf32, #tpu.memory_space<vmem>> -> memref<128x128xf32, #tpu.memory_space<vmem>>
    tpu.wait_dma2 semaphore(%arg14 : memref<!tpu.dma_semaphore, #tpu.memory_space<semaphore_mem>>) src(%dma_wait3A_1506 : memref<128x128xf32, #tpu.memory_space<vmem>>) dst(%dma_wait3A_1502 : memref<128x128xf32, #tpu.memory_space<hbm>>)
    %dma_start3A_1507 = arith.constant 7 : i32
    %dma_start3A_1508 = arith.constant 1 : i32
    %dma_start3A_1509 = arith.constant 0 : i32
    %dma_start3A_1510 = arith.constant 0 : i32
    %dma_start3A_1511 = tpu.memref_slice %arg6[%dma_start3A_1508, %dma_start3A_1509, %dma_start3A_1510] : memref<6x128x128xf32, #tpu.memory_space<vmem>> -> memref<1x128x128xf32, #tpu.memory_space<vmem>>
    %dma_start3A_1512 = tpu.memref_squeeze %dma_start3A_1511 : memref<1x128x128xf32, #tpu.memory_space<vmem>> -> memref<128x128xf32, #tpu.memory_space<vmem>>
    %dma_start3A_1513 = arith.constant 0 : i32
    %dma_start3A_1514 = tpu.memref_slice %arg5[%dma_start3A_1507, %dma_start3A_1513] : memref<13x128xi32, #tpu.memory_space<vmem>> -> memref<1x128xi32, #tpu.memory_space<vmem>>
    %dma_start3A_1515 = tpu.memref_squeeze %dma_start3A_1514 : memref<1x128xi32, #tpu.memory_space<vmem>> -> memref<128xi32, #tpu.memory_space<vmem>>
    %dma_start3A_1516 = arith.constant 0 : i32
    %dma_start3A_1517 = arith.constant 0 : i32
    %dma_start3A_1518 = tpu.memref_slice %arg2[%dma_start3A_1516, %dma_start3A_1517] : memref<2600000x128xf32, #tpu.memory_space<hbm>> -> memref<2600000x128xf32, #tpu.memory_space<hbm>>
    tpu.enqueue_indirect_dma source(%dma_start3A_1518 : memref<2600000x128xf32, #tpu.memory_space<hbm>>) target(%dma_start3A_1512 : memref<128x128xf32, #tpu.memory_space<vmem>>) offsets(%dma_start3A_1515 : memref<128xi32, #tpu.memory_space<vmem>>) semaphore(%arg8 : memref<!tpu.dma_semaphore, #tpu.memory_space<semaphore_mem>>)
    %dma_wait3A_1519 = arith.constant 2 : i32
    %dma_wait3A_1520 = arith.constant 2 : i32
    %dma_wait3A_1521 = arith.constant 0 : i32
    %dma_wait3A_1522 = arith.constant 0 : i32
    %dma_wait3A_1523 = tpu.memref_slice %arg6[%dma_wait3A_1520, %dma_wait3A_1521, %dma_wait3A_1522] : memref<6x128x128xf32, #tpu.memory_space<vmem>> -> memref<1x128x128xf32, #tpu.memory_space<vmem>>
    %dma_wait3A_1524 = tpu.memref_squeeze %dma_wait3A_1523 : memref<1x128x128xf32, #tpu.memory_space<vmem>> -> memref<128x128xf32, #tpu.memory_space<vmem>>
    %dma_wait3A_1525 = arith.constant 0 : i32
    %dma_wait3A_1526 = tpu.memref_slice %arg5[%dma_wait3A_1519, %dma_wait3A_1525] : memref<13x128xi32, #tpu.memory_space<vmem>> -> memref<1x128xi32, #tpu.memory_space<vmem>>
    %dma_wait3A_1527 = tpu.memref_squeeze %dma_wait3A_1526 : memref<1x128xi32, #tpu.memory_space<vmem>> -> memref<128xi32, #tpu.memory_space<vmem>>
    %dma_wait3A_1528 = arith.constant 0 : i32
    %dma_wait3A_1529 = arith.constant 0 : i32
    %dma_wait3A_1530 = tpu.memref_slice %arg2[%dma_wait3A_1528, %dma_wait3A_1529] : memref<2600000x128xf32, #tpu.memory_space<hbm>> -> memref<2600000x128xf32, #tpu.memory_space<hbm>>
    tpu.wait_indirect_dma semaphore(%arg9 : memref<!tpu.dma_semaphore, #tpu.memory_space<semaphore_mem>>) src(%dma_wait3A_1530 : memref<2600000x128xf32, #tpu.memory_space<hbm>>) dst(%dma_wait3A_1524 : memref<128x128xf32, #tpu.memory_space<vmem>>)
    %add3A_1531 = arith.constant 8192 : i32
    %add3A_1532 = arith.addi %add3A_1531, %mul3A_2 : i32
    %dma_start3A_1533 = arith.constant 2 : i32
    %dma_start3A_1534 = arith.constant 0 : i32
    %dma_start3A_1535 = arith.constant 0 : i32
    %dma_start3A_1536 = tpu.memref_slice %arg6[%dma_start3A_1533, %dma_start3A_1534, %dma_start3A_1535] : memref<6x128x128xf32, #tpu.memory_space<vmem>> -> memref<1x128x128xf32, #tpu.memory_space<vmem>>
    %dma_start3A_1537 = tpu.memref_squeeze %dma_start3A_1536 : memref<1x128x128xf32, #tpu.memory_space<vmem>> -> memref<128x128xf32, #tpu.memory_space<vmem>>
    %dma_start3A_1538 = arith.constant 0 : i32
    %dma_start3A_1539 = tpu.memref_slice %arg4[%add3A_1532, %dma_start3A_1538] : memref<53248x128xf32, #tpu.memory_space<hbm>> -> memref<128x128xf32, #tpu.memory_space<hbm>>
    %dma_start3A_1540 = arith.constant 0 : i32
    %dma_start3A_1541 = tpu.memref_slice %arg4[%add3A_1532, %dma_start3A_1540] : memref<53248x128xf32, #tpu.memory_space<hbm>> -> memref<128x128xf32, #tpu.memory_space<hbm>>
    %dma_start3A_1542 = arith.constant 0 : i32
    %dma_start3A_1543 = arith.constant 0 : i32
    %dma_start3A_1544 = tpu.memref_slice %arg6[%dma_start3A_1533, %dma_start3A_1542, %dma_start3A_1543] : memref<6x128x128xf32, #tpu.memory_space<vmem>> -> memref<1x128x128xf32, #tpu.memory_space<vmem>>
    %dma_start3A_1545 = tpu.memref_squeeze %dma_start3A_1544 : memref<1x128x128xf32, #tpu.memory_space<vmem>> -> memref<128x128xf32, #tpu.memory_space<vmem>>
    tpu.enqueue_dma source(%dma_start3A_1545 : memref<128x128xf32, #tpu.memory_space<vmem>>) target(%dma_start3A_1541 : memref<128x128xf32, #tpu.memory_space<hbm>>) target_semaphore(%arg15 : memref<!tpu.dma_semaphore, #tpu.memory_space<semaphore_mem>>)
    %dma_wait3A_1546 = arith.constant 2 : i32
    %dma_wait3A_1547 = arith.constant 0 : i32
    %dma_wait3A_1548 = arith.constant 0 : i32
    %dma_wait3A_1549 = tpu.memref_slice %arg6[%dma_wait3A_1546, %dma_wait3A_1547, %dma_wait3A_1548] : memref<6x128x128xf32, #tpu.memory_space<vmem>> -> memref<1x128x128xf32, #tpu.memory_space<vmem>>
    %dma_wait3A_1550 = tpu.memref_squeeze %dma_wait3A_1549 : memref<1x128x128xf32, #tpu.memory_space<vmem>> -> memref<128x128xf32, #tpu.memory_space<vmem>>
    %dma_wait3A_1551 = arith.constant 0 : i32
    %dma_wait3A_1552 = tpu.memref_slice %arg4[%add3A_1532, %dma_wait3A_1551] : memref<53248x128xf32, #tpu.memory_space<hbm>> -> memref<128x128xf32, #tpu.memory_space<hbm>>
    %dma_wait3A_1553 = arith.constant 0 : i32
    %dma_wait3A_1554 = tpu.memref_slice %arg4[%add3A_1532, %dma_wait3A_1553] : memref<53248x128xf32, #tpu.memory_space<hbm>> -> memref<128x128xf32, #tpu.memory_space<hbm>>
    %dma_wait3A_1555 = arith.constant 0 : i32
    %dma_wait3A_1556 = arith.constant 0 : i32
    %dma_wait3A_1557 = tpu.memref_slice %arg6[%dma_wait3A_1546, %dma_wait3A_1555, %dma_wait3A_1556] : memref<6x128x128xf32, #tpu.memory_space<vmem>> -> memref<1x128x128xf32, #tpu.memory_space<vmem>>
    %dma_wait3A_1558 = tpu.memref_squeeze %dma_wait3A_1557 : memref<1x128x128xf32, #tpu.memory_space<vmem>> -> memref<128x128xf32, #tpu.memory_space<vmem>>
    tpu.wait_dma2 semaphore(%arg15 : memref<!tpu.dma_semaphore, #tpu.memory_space<semaphore_mem>>) src(%dma_wait3A_1558 : memref<128x128xf32, #tpu.memory_space<vmem>>) dst(%dma_wait3A_1554 : memref<128x128xf32, #tpu.memory_space<hbm>>)
    %dma_start3A_1559 = arith.constant 8 : i32
    %dma_start3A_1560 = arith.constant 2 : i32
    %dma_start3A_1561 = arith.constant 0 : i32
    %dma_start3A_1562 = arith.constant 0 : i32
    %dma_start3A_1563 = tpu.memref_slice %arg6[%dma_start3A_1560, %dma_start3A_1561, %dma_start3A_1562] : memref<6x128x128xf32, #tpu.memory_space<vmem>> -> memref<1x128x128xf32, #tpu.memory_space<vmem>>
    %dma_start3A_1564 = tpu.memref_squeeze %dma_start3A_1563 : memref<1x128x128xf32, #tpu.memory_space<vmem>> -> memref<128x128xf32, #tpu.memory_space<vmem>>
    %dma_start3A_1565 = arith.constant 0 : i32
    %dma_start3A_1566 = tpu.memref_slice %arg5[%dma_start3A_1559, %dma_start3A_1565] : memref<13x128xi32, #tpu.memory_space<vmem>> -> memref<1x128xi32, #tpu.memory_space<vmem>>
    %dma_start3A_1567 = tpu.memref_squeeze %dma_start3A_1566 : memref<1x128xi32, #tpu.memory_space<vmem>> -> memref<128xi32, #tpu.memory_space<vmem>>
    %dma_start3A_1568 = arith.constant 0 : i32
    %dma_start3A_1569 = arith.constant 0 : i32
    %dma_start3A_1570 = tpu.memref_slice %arg2[%dma_start3A_1568, %dma_start3A_1569] : memref<2600000x128xf32, #tpu.memory_space<hbm>> -> memref<2600000x128xf32, #tpu.memory_space<hbm>>
    tpu.enqueue_indirect_dma source(%dma_start3A_1570 : memref<2600000x128xf32, #tpu.memory_space<hbm>>) target(%dma_start3A_1564 : memref<128x128xf32, #tpu.memory_space<vmem>>) offsets(%dma_start3A_1567 : memref<128xi32, #tpu.memory_space<vmem>>) semaphore(%arg9 : memref<!tpu.dma_semaphore, #tpu.memory_space<semaphore_mem>>)
    %dma_wait3A_1571 = arith.constant 3 : i32
    %dma_wait3A_1572 = arith.constant 3 : i32
    %dma_wait3A_1573 = arith.constant 0 : i32
    %dma_wait3A_1574 = arith.constant 0 : i32
    %dma_wait3A_1575 = tpu.memref_slice %arg6[%dma_wait3A_1572, %dma_wait3A_1573, %dma_wait3A_1574] : memref<6x128x128xf32, #tpu.memory_space<vmem>> -> memref<1x128x128xf32, #tpu.memory_space<vmem>>
    %dma_wait3A_1576 = tpu.memref_squeeze %dma_wait3A_1575 : memref<1x128x128xf32, #tpu.memory_space<vmem>> -> memref<128x128xf32, #tpu.memory_space<vmem>>
    %dma_wait3A_1577 = arith.constant 0 : i32
    %dma_wait3A_1578 = tpu.memref_slice %arg5[%dma_wait3A_1571, %dma_wait3A_1577] : memref<13x128xi32, #tpu.memory_space<vmem>> -> memref<1x128xi32, #tpu.memory_space<vmem>>
    %dma_wait3A_1579 = tpu.memref_squeeze %dma_wait3A_1578 : memref<1x128xi32, #tpu.memory_space<vmem>> -> memref<128xi32, #tpu.memory_space<vmem>>
    %dma_wait3A_1580 = arith.constant 0 : i32
    %dma_wait3A_1581 = arith.constant 0 : i32
    %dma_wait3A_1582 = tpu.memref_slice %arg2[%dma_wait3A_1580, %dma_wait3A_1581] : memref<2600000x128xf32, #tpu.memory_space<hbm>> -> memref<2600000x128xf32, #tpu.memory_space<hbm>>
    tpu.wait_indirect_dma semaphore(%arg10 : memref<!tpu.dma_semaphore, #tpu.memory_space<semaphore_mem>>) src(%dma_wait3A_1582 : memref<2600000x128xf32, #tpu.memory_space<hbm>>) dst(%dma_wait3A_1576 : memref<128x128xf32, #tpu.memory_space<vmem>>)
    %add3A_1583 = arith.constant 12288 : i32
    %add3A_1584 = arith.addi %add3A_1583, %mul3A_2 : i32
    %dma_start3A_1585 = arith.constant 3 : i32
    %dma_start3A_1586 = arith.constant 0 : i32
    %dma_start3A_1587 = arith.constant 0 : i32
    %dma_start3A_1588 = tpu.memref_slice %arg6[%dma_start3A_1585, %dma_start3A_1586, %dma_start3A_1587] : memref<6x128x128xf32, #tpu.memory_space<vmem>> -> memref<1x128x128xf32, #tpu.memory_space<vmem>>
    %dma_start3A_1589 = tpu.memref_squeeze %dma_start3A_1588 : memref<1x128x128xf32, #tpu.memory_space<vmem>> -> memref<128x128xf32, #tpu.memory_space<vmem>>
    %dma_start3A_1590 = arith.constant 0 : i32
    %dma_start3A_1591 = tpu.memref_slice %arg4[%add3A_1584, %dma_start3A_1590] : memref<53248x128xf32, #tpu.memory_space<hbm>> -> memref<128x128xf32, #tpu.memory_space<hbm>>
    %dma_start3A_1592 = arith.constant 0 : i32
    %dma_start3A_1593 = tpu.memref_slice %arg4[%add3A_1584, %dma_start3A_1592] : memref<53248x128xf32, #tpu.memory_space<hbm>> -> memref<128x128xf32, #tpu.memory_space<hbm>>
    %dma_start3A_1594 = arith.constant 0 : i32
    %dma_start3A_1595 = arith.constant 0 : i32
    %dma_start3A_1596 = tpu.memref_slice %arg6[%dma_start3A_1585, %dma_start3A_1594, %dma_start3A_1595] : memref<6x128x128xf32, #tpu.memory_space<vmem>> -> memref<1x128x128xf32, #tpu.memory_space<vmem>>
    %dma_start3A_1597 = tpu.memref_squeeze %dma_start3A_1596 : memref<1x128x128xf32, #tpu.memory_space<vmem>> -> memref<128x128xf32, #tpu.memory_space<vmem>>
    tpu.enqueue_dma source(%dma_start3A_1597 : memref<128x128xf32, #tpu.memory_space<vmem>>) target(%dma_start3A_1593 : memref<128x128xf32, #tpu.memory_space<hbm>>) target_semaphore(%arg16 : memref<!tpu.dma_semaphore, #tpu.memory_space<semaphore_mem>>)
    %dma_wait3A_1598 = arith.constant 3 : i32
    %dma_wait3A_1599 = arith.constant 0 : i32
    %dma_wait3A_1600 = arith.constant 0 : i32
    %dma_wait3A_1601 = tpu.memref_slice %arg6[%dma_wait3A_1598, %dma_wait3A_1599, %dma_wait3A_1600] : memref<6x128x128xf32, #tpu.memory_space<vmem>> -> memref<1x128x128xf32, #tpu.memory_space<vmem>>
    %dma_wait3A_1602 = tpu.memref_squeeze %dma_wait3A_1601 : memref<1x128x128xf32, #tpu.memory_space<vmem>> -> memref<128x128xf32, #tpu.memory_space<vmem>>
    %dma_wait3A_1603 = arith.constant 0 : i32
    %dma_wait3A_1604 = tpu.memref_slice %arg4[%add3A_1584, %dma_wait3A_1603] : memref<53248x128xf32, #tpu.memory_space<hbm>> -> memref<128x128xf32, #tpu.memory_space<hbm>>
    %dma_wait3A_1605 = arith.constant 0 : i32
    %dma_wait3A_1606 = tpu.memref_slice %arg4[%add3A_1584, %dma_wait3A_1605] : memref<53248x128xf32, #tpu.memory_space<hbm>> -> memref<128x128xf32, #tpu.memory_space<hbm>>
    %dma_wait3A_1607 = arith.constant 0 : i32
    %dma_wait3A_1608 = arith.constant 0 : i32
    %dma_wait3A_1609 = tpu.memref_slice %arg6[%dma_wait3A_1598, %dma_wait3A_1607, %dma_wait3A_1608] : memref<6x128x128xf32, #tpu.memory_space<vmem>> -> memref<1x128x128xf32, #tpu.memory_space<vmem>>
    %dma_wait3A_1610 = tpu.memref_squeeze %dma_wait3A_1609 : memref<1x128x128xf32, #tpu.memory_space<vmem>> -> memref<128x128xf32, #tpu.memory_space<vmem>>
    tpu.wait_dma2 semaphore(%arg16 : memref<!tpu.dma_semaphore, #tpu.memory_space<semaphore_mem>>) src(%dma_wait3A_1610 : memref<128x128xf32, #tpu.memory_space<vmem>>) dst(%dma_wait3A_1606 : memref<128x128xf32, #tpu.memory_space<hbm>>)
    %dma_start3A_1611 = arith.constant 9 : i32
    %dma_start3A_1612 = arith.constant 3 : i32
    %dma_start3A_1613 = arith.constant 0 : i32
    %dma_start3A_1614 = arith.constant 0 : i32
    %dma_start3A_1615 = tpu.memref_slice %arg6[%dma_start3A_1612, %dma_start3A_1613, %dma_start3A_1614] : memref<6x128x128xf32, #tpu.memory_space<vmem>> -> memref<1x128x128xf32, #tpu.memory_space<vmem>>
    %dma_start3A_1616 = tpu.memref_squeeze %dma_start3A_1615 : memref<1x128x128xf32, #tpu.memory_space<vmem>> -> memref<128x128xf32, #tpu.memory_space<vmem>>
    %dma_start3A_1617 = arith.constant 0 : i32
    %dma_start3A_1618 = tpu.memref_slice %arg5[%dma_start3A_1611, %dma_start3A_1617] : memref<13x128xi32, #tpu.memory_space<vmem>> -> memref<1x128xi32, #tpu.memory_space<vmem>>
    %dma_start3A_1619 = tpu.memref_squeeze %dma_start3A_1618 : memref<1x128xi32, #tpu.memory_space<vmem>> -> memref<128xi32, #tpu.memory_space<vmem>>
    %dma_start3A_1620 = arith.constant 0 : i32
    %dma_start3A_1621 = arith.constant 0 : i32
    %dma_start3A_1622 = tpu.memref_slice %arg2[%dma_start3A_1620, %dma_start3A_1621] : memref<2600000x128xf32, #tpu.memory_space<hbm>> -> memref<2600000x128xf32, #tpu.memory_space<hbm>>
    tpu.enqueue_indirect_dma source(%dma_start3A_1622 : memref<2600000x128xf32, #tpu.memory_space<hbm>>) target(%dma_start3A_1616 : memref<128x128xf32, #tpu.memory_space<vmem>>) offsets(%dma_start3A_1619 : memref<128xi32, #tpu.memory_space<vmem>>) semaphore(%arg10 : memref<!tpu.dma_semaphore, #tpu.memory_space<semaphore_mem>>)
    %dma_wait3A_1623 = arith.constant 4 : i32
    %dma_wait3A_1624 = arith.constant 4 : i32
    %dma_wait3A_1625 = arith.constant 0 : i32
    %dma_wait3A_1626 = arith.constant 0 : i32
    %dma_wait3A_1627 = tpu.memref_slice %arg6[%dma_wait3A_1624, %dma_wait3A_1625, %dma_wait3A_1626] : memref<6x128x128xf32, #tpu.memory_space<vmem>> -> memref<1x128x128xf32, #tpu.memory_space<vmem>>
    %dma_wait3A_1628 = tpu.memref_squeeze %dma_wait3A_1627 : memref<1x128x128xf32, #tpu.memory_space<vmem>> -> memref<128x128xf32, #tpu.memory_space<vmem>>
    %dma_wait3A_1629 = arith.constant 0 : i32
    %dma_wait3A_1630 = tpu.memref_slice %arg5[%dma_wait3A_1623, %dma_wait3A_1629] : memref<13x128xi32, #tpu.memory_space<vmem>> -> memref<1x128xi32, #tpu.memory_space<vmem>>
    %dma_wait3A_1631 = tpu.memref_squeeze %dma_wait3A_1630 : memref<1x128xi32, #tpu.memory_space<vmem>> -> memref<128xi32, #tpu.memory_space<vmem>>
    %dma_wait3A_1632 = arith.constant 0 : i32
    %dma_wait3A_1633 = arith.constant 0 : i32
    %dma_wait3A_1634 = tpu.memref_slice %arg2[%dma_wait3A_1632, %dma_wait3A_1633] : memref<2600000x128xf32, #tpu.memory_space<hbm>> -> memref<2600000x128xf32, #tpu.memory_space<hbm>>
    tpu.wait_indirect_dma semaphore(%arg11 : memref<!tpu.dma_semaphore, #tpu.memory_space<semaphore_mem>>) src(%dma_wait3A_1634 : memref<2600000x128xf32, #tpu.memory_space<hbm>>) dst(%dma_wait3A_1628 : memref<128x128xf32, #tpu.memory_space<vmem>>)
    %add3A_1635 = arith.constant 16384 : i32
    %add3A_1636 = arith.addi %add3A_1635, %mul3A_2 : i32
    %dma_start3A_1637 = arith.constant 4 : i32
    %dma_start3A_1638 = arith.constant 0 : i32
    %dma_start3A_1639 = arith.constant 0 : i32
    %dma_start3A_1640 = tpu.memref_slice %arg6[%dma_start3A_1637, %dma_start3A_1638, %dma_start3A_1639] : memref<6x128x128xf32, #tpu.memory_space<vmem>> -> memref<1x128x128xf32, #tpu.memory_space<vmem>>
    %dma_start3A_1641 = tpu.memref_squeeze %dma_start3A_1640 : memref<1x128x128xf32, #tpu.memory_space<vmem>> -> memref<128x128xf32, #tpu.memory_space<vmem>>
    %dma_start3A_1642 = arith.constant 0 : i32
    %dma_start3A_1643 = tpu.memref_slice %arg4[%add3A_1636, %dma_start3A_1642] : memref<53248x128xf32, #tpu.memory_space<hbm>> -> memref<128x128xf32, #tpu.memory_space<hbm>>
    %dma_start3A_1644 = arith.constant 0 : i32
    %dma_start3A_1645 = tpu.memref_slice %arg4[%add3A_1636, %dma_start3A_1644] : memref<53248x128xf32, #tpu.memory_space<hbm>> -> memref<128x128xf32, #tpu.memory_space<hbm>>
    %dma_start3A_1646 = arith.constant 0 : i32
    %dma_start3A_1647 = arith.constant 0 : i32
    %dma_start3A_1648 = tpu.memref_slice %arg6[%dma_start3A_1637, %dma_start3A_1646, %dma_start3A_1647] : memref<6x128x128xf32, #tpu.memory_space<vmem>> -> memref<1x128x128xf32, #tpu.memory_space<vmem>>
    %dma_start3A_1649 = tpu.memref_squeeze %dma_start3A_1648 : memref<1x128x128xf32, #tpu.memory_space<vmem>> -> memref<128x128xf32, #tpu.memory_space<vmem>>
    tpu.enqueue_dma source(%dma_start3A_1649 : memref<128x128xf32, #tpu.memory_space<vmem>>) target(%dma_start3A_1645 : memref<128x128xf32, #tpu.memory_space<hbm>>) target_semaphore(%arg17 : memref<!tpu.dma_semaphore, #tpu.memory_space<semaphore_mem>>)
    %dma_wait3A_1650 = arith.constant 4 : i32
    %dma_wait3A_1651 = arith.constant 0 : i32
    %dma_wait3A_1652 = arith.constant 0 : i32
    %dma_wait3A_1653 = tpu.memref_slice %arg6[%dma_wait3A_1650, %dma_wait3A_1651, %dma_wait3A_1652] : memref<6x128x128xf32, #tpu.memory_space<vmem>> -> memref<1x128x128xf32, #tpu.memory_space<vmem>>
    %dma_wait3A_1654 = tpu.memref_squeeze %dma_wait3A_1653 : memref<1x128x128xf32, #tpu.memory_space<vmem>> -> memref<128x128xf32, #tpu.memory_space<vmem>>
    %dma_wait3A_1655 = arith.constant 0 : i32
    %dma_wait3A_1656 = tpu.memref_slice %arg4[%add3A_1636, %dma_wait3A_1655] : memref<53248x128xf32, #tpu.memory_space<hbm>> -> memref<128x128xf32, #tpu.memory_space<hbm>>
    %dma_wait3A_1657 = arith.constant 0 : i32
    %dma_wait3A_1658 = tpu.memref_slice %arg4[%add3A_1636, %dma_wait3A_1657] : memref<53248x128xf32, #tpu.memory_space<hbm>> -> memref<128x128xf32, #tpu.memory_space<hbm>>
    %dma_wait3A_1659 = arith.constant 0 : i32
    %dma_wait3A_1660 = arith.constant 0 : i32
    %dma_wait3A_1661 = tpu.memref_slice %arg6[%dma_wait3A_1650, %dma_wait3A_1659, %dma_wait3A_1660] : memref<6x128x128xf32, #tpu.memory_space<vmem>> -> memref<1x128x128xf32, #tpu.memory_space<vmem>>
    %dma_wait3A_1662 = tpu.memref_squeeze %dma_wait3A_1661 : memref<1x128x128xf32, #tpu.memory_space<vmem>> -> memref<128x128xf32, #tpu.memory_space<vmem>>
    tpu.wait_dma2 semaphore(%arg17 : memref<!tpu.dma_semaphore, #tpu.memory_space<semaphore_mem>>) src(%dma_wait3A_1662 : memref<128x128xf32, #tpu.memory_space<vmem>>) dst(%dma_wait3A_1658 : memref<128x128xf32, #tpu.memory_space<hbm>>)
    %dma_start3A_1663 = arith.constant 10 : i32
    %dma_start3A_1664 = arith.constant 4 : i32
    %dma_start3A_1665 = arith.constant 0 : i32
    %dma_start3A_1666 = arith.constant 0 : i32
    %dma_start3A_1667 = tpu.memref_slice %arg6[%dma_start3A_1664, %dma_start3A_1665, %dma_start3A_1666] : memref<6x128x128xf32, #tpu.memory_space<vmem>> -> memref<1x128x128xf32, #tpu.memory_space<vmem>>
    %dma_start3A_1668 = tpu.memref_squeeze %dma_start3A_1667 : memref<1x128x128xf32, #tpu.memory_space<vmem>> -> memref<128x128xf32, #tpu.memory_space<vmem>>
    %dma_start3A_1669 = arith.constant 0 : i32
    %dma_start3A_1670 = tpu.memref_slice %arg5[%dma_start3A_1663, %dma_start3A_1669] : memref<13x128xi32, #tpu.memory_space<vmem>> -> memref<1x128xi32, #tpu.memory_space<vmem>>
    %dma_start3A_1671 = tpu.memref_squeeze %dma_start3A_1670 : memref<1x128xi32, #tpu.memory_space<vmem>> -> memref<128xi32, #tpu.memory_space<vmem>>
    %dma_start3A_1672 = arith.constant 0 : i32
    %dma_start3A_1673 = arith.constant 0 : i32
    %dma_start3A_1674 = tpu.memref_slice %arg2[%dma_start3A_1672, %dma_start3A_1673] : memref<2600000x128xf32, #tpu.memory_space<hbm>> -> memref<2600000x128xf32, #tpu.memory_space<hbm>>
    tpu.enqueue_indirect_dma source(%dma_start3A_1674 : memref<2600000x128xf32, #tpu.memory_space<hbm>>) target(%dma_start3A_1668 : memref<128x128xf32, #tpu.memory_space<vmem>>) offsets(%dma_start3A_1671 : memref<128xi32, #tpu.memory_space<vmem>>) semaphore(%arg11 : memref<!tpu.dma_semaphore, #tpu.memory_space<semaphore_mem>>)
    %dma_wait3A_1675 = arith.constant 5 : i32
    %dma_wait3A_1676 = arith.constant 5 : i32
    %dma_wait3A_1677 = arith.constant 0 : i32
    %dma_wait3A_1678 = arith.constant 0 : i32
    %dma_wait3A_1679 = tpu.memref_slice %arg6[%dma_wait3A_1676, %dma_wait3A_1677, %dma_wait3A_1678] : memref<6x128x128xf32, #tpu.memory_space<vmem>> -> memref<1x128x128xf32, #tpu.memory_space<vmem>>
    %dma_wait3A_1680 = tpu.memref_squeeze %dma_wait3A_1679 : memref<1x128x128xf32, #tpu.memory_space<vmem>> -> memref<128x128xf32, #tpu.memory_space<vmem>>
    %dma_wait3A_1681 = arith.constant 0 : i32
    %dma_wait3A_1682 = tpu.memref_slice %arg5[%dma_wait3A_1675, %dma_wait3A_1681] : memref<13x128xi32, #tpu.memory_space<vmem>> -> memref<1x128xi32, #tpu.memory_space<vmem>>
    %dma_wait3A_1683 = tpu.memref_squeeze %dma_wait3A_1682 : memref<1x128xi32, #tpu.memory_space<vmem>> -> memref<128xi32, #tpu.memory_space<vmem>>
    %dma_wait3A_1684 = arith.constant 0 : i32
    %dma_wait3A_1685 = arith.constant 0 : i32
    %dma_wait3A_1686 = tpu.memref_slice %arg2[%dma_wait3A_1684, %dma_wait3A_1685] : memref<2600000x128xf32, #tpu.memory_space<hbm>> -> memref<2600000x128xf32, #tpu.memory_space<hbm>>
    tpu.wait_indirect_dma semaphore(%arg12 : memref<!tpu.dma_semaphore, #tpu.memory_space<semaphore_mem>>) src(%dma_wait3A_1686 : memref<2600000x128xf32, #tpu.memory_space<hbm>>) dst(%dma_wait3A_1680 : memref<128x128xf32, #tpu.memory_space<vmem>>)
    %add3A_1687 = arith.constant 20480 : i32
    %add3A_1688 = arith.addi %add3A_1687, %mul3A_2 : i32
    %dma_start3A_1689 = arith.constant 5 : i32
    %dma_start3A_1690 = arith.constant 0 : i32
    %dma_start3A_1691 = arith.constant 0 : i32
    %dma_start3A_1692 = tpu.memref_slice %arg6[%dma_start3A_1689, %dma_start3A_1690, %dma_start3A_1691] : memref<6x128x128xf32, #tpu.memory_space<vmem>> -> memref<1x128x128xf32, #tpu.memory_space<vmem>>
    %dma_start3A_1693 = tpu.memref_squeeze %dma_start3A_1692 : memref<1x128x128xf32, #tpu.memory_space<vmem>> -> memref<128x128xf32, #tpu.memory_space<vmem>>
    %dma_start3A_1694 = arith.constant 0 : i32
    %dma_start3A_1695 = tpu.memref_slice %arg4[%add3A_1688, %dma_start3A_1694] : memref<53248x128xf32, #tpu.memory_space<hbm>> -> memref<128x128xf32, #tpu.memory_space<hbm>>
    %dma_start3A_1696 = arith.constant 0 : i32
    %dma_start3A_1697 = tpu.memref_slice %arg4[%add3A_1688, %dma_start3A_1696] : memref<53248x128xf32, #tpu.memory_space<hbm>> -> memref<128x128xf32, #tpu.memory_space<hbm>>
    %dma_start3A_1698 = arith.constant 0 : i32
    %dma_start3A_1699 = arith.constant 0 : i32
    %dma_start3A_1700 = tpu.memref_slice %arg6[%dma_start3A_1689, %dma_start3A_1698, %dma_start3A_1699] : memref<6x128x128xf32, #tpu.memory_space<vmem>> -> memref<1x128x128xf32, #tpu.memory_space<vmem>>
    %dma_start3A_1701 = tpu.memref_squeeze %dma_start3A_1700 : memref<1x128x128xf32, #tpu.memory_space<vmem>> -> memref<128x128xf32, #tpu.memory_space<vmem>>
    tpu.enqueue_dma source(%dma_start3A_1701 : memref<128x128xf32, #tpu.memory_space<vmem>>) target(%dma_start3A_1697 : memref<128x128xf32, #tpu.memory_space<hbm>>) target_semaphore(%arg18 : memref<!tpu.dma_semaphore, #tpu.memory_space<semaphore_mem>>)
    %dma_wait3A_1702 = arith.constant 5 : i32
    %dma_wait3A_1703 = arith.constant 0 : i32
    %dma_wait3A_1704 = arith.constant 0 : i32
    %dma_wait3A_1705 = tpu.memref_slice %arg6[%dma_wait3A_1702, %dma_wait3A_1703, %dma_wait3A_1704] : memref<6x128x128xf32, #tpu.memory_space<vmem>> -> memref<1x128x128xf32, #tpu.memory_space<vmem>>
    %dma_wait3A_1706 = tpu.memref_squeeze %dma_wait3A_1705 : memref<1x128x128xf32, #tpu.memory_space<vmem>> -> memref<128x128xf32, #tpu.memory_space<vmem>>
    %dma_wait3A_1707 = arith.constant 0 : i32
    %dma_wait3A_1708 = tpu.memref_slice %arg4[%add3A_1688, %dma_wait3A_1707] : memref<53248x128xf32, #tpu.memory_space<hbm>> -> memref<128x128xf32, #tpu.memory_space<hbm>>
    %dma_wait3A_1709 = arith.constant 0 : i32
    %dma_wait3A_1710 = tpu.memref_slice %arg4[%add3A_1688, %dma_wait3A_1709] : memref<53248x128xf32, #tpu.memory_space<hbm>> -> memref<128x128xf32, #tpu.memory_space<hbm>>
    %dma_wait3A_1711 = arith.constant 0 : i32
    %dma_wait3A_1712 = arith.constant 0 : i32
    %dma_wait3A_1713 = tpu.memref_slice %arg6[%dma_wait3A_1702, %dma_wait3A_1711, %dma_wait3A_1712] : memref<6x128x128xf32, #tpu.memory_space<vmem>> -> memref<1x128x128xf32, #tpu.memory_space<vmem>>
    %dma_wait3A_1714 = tpu.memref_squeeze %dma_wait3A_1713 : memref<1x128x128xf32, #tpu.memory_space<vmem>> -> memref<128x128xf32, #tpu.memory_space<vmem>>
    tpu.wait_dma2 semaphore(%arg18 : memref<!tpu.dma_semaphore, #tpu.memory_space<semaphore_mem>>) src(%dma_wait3A_1714 : memref<128x128xf32, #tpu.memory_space<vmem>>) dst(%dma_wait3A_1710 : memref<128x128xf32, #tpu.memory_space<hbm>>)
    %dma_start3A_1715 = arith.constant 11 : i32
    %dma_start3A_1716 = arith.constant 5 : i32
    %dma_start3A_1717 = arith.constant 0 : i32
    %dma_start3A_1718 = arith.constant 0 : i32
    %dma_start3A_1719 = tpu.memref_slice %arg6[%dma_start3A_1716, %dma_start3A_1717, %dma_start3A_1718] : memref<6x128x128xf32, #tpu.memory_space<vmem>> -> memref<1x128x128xf32, #tpu.memory_space<vmem>>
    %dma_start3A_1720 = tpu.memref_squeeze %dma_start3A_1719 : memref<1x128x128xf32, #tpu.memory_space<vmem>> -> memref<128x128xf32, #tpu.memory_space<vmem>>
    %dma_start3A_1721 = arith.constant 0 : i32
    %dma_start3A_1722 = tpu.memref_slice %arg5[%dma_start3A_1715, %dma_start3A_1721] : memref<13x128xi32, #tpu.memory_space<vmem>> -> memref<1x128xi32, #tpu.memory_space<vmem>>
    %dma_start3A_1723 = tpu.memref_squeeze %dma_start3A_1722 : memref<1x128xi32, #tpu.memory_space<vmem>> -> memref<128xi32, #tpu.memory_space<vmem>>
    %dma_start3A_1724 = arith.constant 0 : i32
    %dma_start3A_1725 = arith.constant 0 : i32
    %dma_start3A_1726 = tpu.memref_slice %arg2[%dma_start3A_1724, %dma_start3A_1725] : memref<2600000x128xf32, #tpu.memory_space<hbm>> -> memref<2600000x128xf32, #tpu.memory_space<hbm>>
    tpu.enqueue_indirect_dma source(%dma_start3A_1726 : memref<2600000x128xf32, #tpu.memory_space<hbm>>) target(%dma_start3A_1720 : memref<128x128xf32, #tpu.memory_space<vmem>>) offsets(%dma_start3A_1723 : memref<128xi32, #tpu.memory_space<vmem>>) semaphore(%arg12 : memref<!tpu.dma_semaphore, #tpu.memory_space<semaphore_mem>>)
    %dma_wait3A_1727 = arith.constant 6 : i32
    %dma_wait3A_1728 = arith.constant 0 : i32
    %dma_wait3A_1729 = arith.constant 0 : i32
    %dma_wait3A_1730 = arith.constant 0 : i32
    %dma_wait3A_1731 = tpu.memref_slice %arg6[%dma_wait3A_1728, %dma_wait3A_1729, %dma_wait3A_1730] : memref<6x128x128xf32, #tpu.memory_space<vmem>> -> memref<1x128x128xf32, #tpu.memory_space<vmem>>
    %dma_wait3A_1732 = tpu.memref_squeeze %dma_wait3A_1731 : memref<1x128x128xf32, #tpu.memory_space<vmem>> -> memref<128x128xf32, #tpu.memory_space<vmem>>
    %dma_wait3A_1733 = arith.constant 0 : i32
    %dma_wait3A_1734 = tpu.memref_slice %arg5[%dma_wait3A_1727, %dma_wait3A_1733] : memref<13x128xi32, #tpu.memory_space<vmem>> -> memref<1x128xi32, #tpu.memory_space<vmem>>
    %dma_wait3A_1735 = tpu.memref_squeeze %dma_wait3A_1734 : memref<1x128xi32, #tpu.memory_space<vmem>> -> memref<128xi32, #tpu.memory_space<vmem>>
    %dma_wait3A_1736 = arith.constant 0 : i32
    %dma_wait3A_1737 = arith.constant 0 : i32
    %dma_wait3A_1738 = tpu.memref_slice %arg2[%dma_wait3A_1736, %dma_wait3A_1737] : memref<2600000x128xf32, #tpu.memory_space<hbm>> -> memref<2600000x128xf32, #tpu.memory_space<hbm>>
    tpu.wait_indirect_dma semaphore(%arg7 : memref<!tpu.dma_semaphore, #tpu.memory_space<semaphore_mem>>) src(%dma_wait3A_1738 : memref<2600000x128xf32, #tpu.memory_space<hbm>>) dst(%dma_wait3A_1732 : memref<128x128xf32, #tpu.memory_space<vmem>>)
    %add3A_1739 = arith.constant 24576 : i32
    %add3A_1740 = arith.addi %add3A_1739, %mul3A_2 : i32
    %dma_start3A_1741 = arith.constant 0 : i32
    %dma_start3A_1742 = arith.constant 0 : i32
    %dma_start3A_1743 = arith.constant 0 : i32
    %dma_start3A_1744 = tpu.memref_slice %arg6[%dma_start3A_1741, %dma_start3A_1742, %dma_start3A_1743] : memref<6x128x128xf32, #tpu.memory_space<vmem>> -> memref<1x128x128xf32, #tpu.memory_space<vmem>>
    %dma_start3A_1745 = tpu.memref_squeeze %dma_start3A_1744 : memref<1x128x128xf32, #tpu.memory_space<vmem>> -> memref<128x128xf32, #tpu.memory_space<vmem>>
    %dma_start3A_1746 = arith.constant 0 : i32
    %dma_start3A_1747 = tpu.memref_slice %arg4[%add3A_1740, %dma_start3A_1746] : memref<53248x128xf32, #tpu.memory_space<hbm>> -> memref<128x128xf32, #tpu.memory_space<hbm>>
    %dma_start3A_1748 = arith.constant 0 : i32
    %dma_start3A_1749 = tpu.memref_slice %arg4[%add3A_1740, %dma_start3A_1748] : memref<53248x128xf32, #tpu.memory_space<hbm>> -> memref<128x128xf32, #tpu.memory_space<hbm>>
    %dma_start3A_1750 = arith.constant 0 : i32
    %dma_start3A_1751 = arith.constant 0 : i32
    %dma_start3A_1752 = tpu.memref_slice %arg6[%dma_start3A_1741, %dma_start3A_1750, %dma_start3A_1751] : memref<6x128x128xf32, #tpu.memory_space<vmem>> -> memref<1x128x128xf32, #tpu.memory_space<vmem>>
    %dma_start3A_1753 = tpu.memref_squeeze %dma_start3A_1752 : memref<1x128x128xf32, #tpu.memory_space<vmem>> -> memref<128x128xf32, #tpu.memory_space<vmem>>
    tpu.enqueue_dma source(%dma_start3A_1753 : memref<128x128xf32, #tpu.memory_space<vmem>>) target(%dma_start3A_1749 : memref<128x128xf32, #tpu.memory_space<hbm>>) target_semaphore(%arg13 : memref<!tpu.dma_semaphore, #tpu.memory_space<semaphore_mem>>)
    %dma_wait3A_1754 = arith.constant 0 : i32
    %dma_wait3A_1755 = arith.constant 0 : i32
    %dma_wait3A_1756 = arith.constant 0 : i32
    %dma_wait3A_1757 = tpu.memref_slice %arg6[%dma_wait3A_1754, %dma_wait3A_1755, %dma_wait3A_1756] : memref<6x128x128xf32, #tpu.memory_space<vmem>> -> memref<1x128x128xf32, #tpu.memory_space<vmem>>
    %dma_wait3A_1758 = tpu.memref_squeeze %dma_wait3A_1757 : memref<1x128x128xf32, #tpu.memory_space<vmem>> -> memref<128x128xf32, #tpu.memory_space<vmem>>
    %dma_wait3A_1759 = arith.constant 0 : i32
    %dma_wait3A_1760 = tpu.memref_slice %arg4[%add3A_1740, %dma_wait3A_1759] : memref<53248x128xf32, #tpu.memory_space<hbm>> -> memref<128x128xf32, #tpu.memory_space<hbm>>
    %dma_wait3A_1761 = arith.constant 0 : i32
    %dma_wait3A_1762 = tpu.memref_slice %arg4[%add3A_1740, %dma_wait3A_1761] : memref<53248x128xf32, #tpu.memory_space<hbm>> -> memref<128x128xf32, #tpu.memory_space<hbm>>
    %dma_wait3A_1763 = arith.constant 0 : i32
    %dma_wait3A_1764 = arith.constant 0 : i32
    %dma_wait3A_1765 = tpu.memref_slice %arg6[%dma_wait3A_1754, %dma_wait3A_1763, %dma_wait3A_1764] : memref<6x128x128xf32, #tpu.memory_space<vmem>> -> memref<1x128x128xf32, #tpu.memory_space<vmem>>
    %dma_wait3A_1766 = tpu.memref_squeeze %dma_wait3A_1765 : memref<1x128x128xf32, #tpu.memory_space<vmem>> -> memref<128x128xf32, #tpu.memory_space<vmem>>
    tpu.wait_dma2 semaphore(%arg13 : memref<!tpu.dma_semaphore, #tpu.memory_space<semaphore_mem>>) src(%dma_wait3A_1766 : memref<128x128xf32, #tpu.memory_space<vmem>>) dst(%dma_wait3A_1762 : memref<128x128xf32, #tpu.memory_space<hbm>>)
    %dma_start3A_1767 = arith.constant 12 : i32
    %dma_start3A_1768 = arith.constant 0 : i32
    %dma_start3A_1769 = arith.constant 0 : i32
    %dma_start3A_1770 = arith.constant 0 : i32
    %dma_start3A_1771 = tpu.memref_slice %arg6[%dma_start3A_1768, %dma_start3A_1769, %dma_start3A_1770] : memref<6x128x128xf32, #tpu.memory_space<vmem>> -> memref<1x128x128xf32, #tpu.memory_space<vmem>>
    %dma_start3A_1772 = tpu.memref_squeeze %dma_start3A_1771 : memref<1x128x128xf32, #tpu.memory_space<vmem>> -> memref<128x128xf32, #tpu.memory_space<vmem>>
    %dma_start3A_1773 = arith.constant 0 : i32
    %dma_start3A_1774 = tpu.memref_slice %arg5[%dma_start3A_1767, %dma_start3A_1773] : memref<13x128xi32, #tpu.memory_space<vmem>> -> memref<1x128xi32, #tpu.memory_space<vmem>>
    %dma_start3A_1775 = tpu.memref_squeeze %dma_start3A_1774 : memref<1x128xi32, #tpu.memory_space<vmem>> -> memref<128xi32, #tpu.memory_space<vmem>>
    %dma_start3A_1776 = arith.constant 0 : i32
    %dma_start3A_1777 = arith.constant 0 : i32
    %dma_start3A_1778 = tpu.memref_slice %arg2[%dma_start3A_1776, %dma_start3A_1777] : memref<2600000x128xf32, #tpu.memory_space<hbm>> -> memref<2600000x128xf32, #tpu.memory_space<hbm>>
    tpu.enqueue_indirect_dma source(%dma_start3A_1778 : memref<2600000x128xf32, #tpu.memory_space<hbm>>) target(%dma_start3A_1772 : memref<128x128xf32, #tpu.memory_space<vmem>>) offsets(%dma_start3A_1775 : memref<128xi32, #tpu.memory_space<vmem>>) semaphore(%arg7 : memref<!tpu.dma_semaphore, #tpu.memory_space<semaphore_mem>>)
    %dma_wait3A_1779 = arith.constant 7 : i32
    %dma_wait3A_1780 = arith.constant 1 : i32
    %dma_wait3A_1781 = arith.constant 0 : i32
    %dma_wait3A_1782 = arith.constant 0 : i32
    %dma_wait3A_1783 = tpu.memref_slice %arg6[%dma_wait3A_1780, %dma_wait3A_1781, %dma_wait3A_1782] : memref<6x128x128xf32, #tpu.memory_space<vmem>> -> memref<1x128x128xf32, #tpu.memory_space<vmem>>
    %dma_wait3A_1784 = tpu.memref_squeeze %dma_wait3A_1783 : memref<1x128x128xf32, #tpu.memory_space<vmem>> -> memref<128x128xf32, #tpu.memory_space<vmem>>
    %dma_wait3A_1785 = arith.constant 0 : i32
    %dma_wait3A_1786 = tpu.memref_slice %arg5[%dma_wait3A_1779, %dma_wait3A_1785] : memref<13x128xi32, #tpu.memory_space<vmem>> -> memref<1x128xi32, #tpu.memory_space<vmem>>
    %dma_wait3A_1787 = tpu.memref_squeeze %dma_wait3A_1786 : memref<1x128xi32, #tpu.memory_space<vmem>> -> memref<128xi32, #tpu.memory_space<vmem>>
    %dma_wait3A_1788 = arith.constant 0 : i32
    %dma_wait3A_1789 = arith.constant 0 : i32
    %dma_wait3A_1790 = tpu.memref_slice %arg2[%dma_wait3A_1788, %dma_wait3A_1789] : memref<2600000x128xf32, #tpu.memory_space<hbm>> -> memref<2600000x128xf32, #tpu.memory_space<hbm>>
    tpu.wait_indirect_dma semaphore(%arg8 : memref<!tpu.dma_semaphore, #tpu.memory_space<semaphore_mem>>) src(%dma_wait3A_1790 : memref<2600000x128xf32, #tpu.memory_space<hbm>>) dst(%dma_wait3A_1784 : memref<128x128xf32, #tpu.memory_space<vmem>>)
    %add3A_1791 = arith.constant 28672 : i32
    %add3A_1792 = arith.addi %add3A_1791, %mul3A_2 : i32
    %dma_start3A_1793 = arith.constant 1 : i32
    %dma_start3A_1794 = arith.constant 0 : i32
    %dma_start3A_1795 = arith.constant 0 : i32
    %dma_start3A_1796 = tpu.memref_slice %arg6[%dma_start3A_1793, %dma_start3A_1794, %dma_start3A_1795] : memref<6x128x128xf32, #tpu.memory_space<vmem>> -> memref<1x128x128xf32, #tpu.memory_space<vmem>>
    %dma_start3A_1797 = tpu.memref_squeeze %dma_start3A_1796 : memref<1x128x128xf32, #tpu.memory_space<vmem>> -> memref<128x128xf32, #tpu.memory_space<vmem>>
    %dma_start3A_1798 = arith.constant 0 : i32
    %dma_start3A_1799 = tpu.memref_slice %arg4[%add3A_1792, %dma_start3A_1798] : memref<53248x128xf32, #tpu.memory_space<hbm>> -> memref<128x128xf32, #tpu.memory_space<hbm>>
    %dma_start3A_1800 = arith.constant 0 : i32
    %dma_start3A_1801 = tpu.memref_slice %arg4[%add3A_1792, %dma_start3A_1800] : memref<53248x128xf32, #tpu.memory_space<hbm>> -> memref<128x128xf32, #tpu.memory_space<hbm>>
    %dma_start3A_1802 = arith.constant 0 : i32
    %dma_start3A_1803 = arith.constant 0 : i32
    %dma_start3A_1804 = tpu.memref_slice %arg6[%dma_start3A_1793, %dma_start3A_1802, %dma_start3A_1803] : memref<6x128x128xf32, #tpu.memory_space<vmem>> -> memref<1x128x128xf32, #tpu.memory_space<vmem>>
    %dma_start3A_1805 = tpu.memref_squeeze %dma_start3A_1804 : memref<1x128x128xf32, #tpu.memory_space<vmem>> -> memref<128x128xf32, #tpu.memory_space<vmem>>
    tpu.enqueue_dma source(%dma_start3A_1805 : memref<128x128xf32, #tpu.memory_space<vmem>>) target(%dma_start3A_1801 : memref<128x128xf32, #tpu.memory_space<hbm>>) target_semaphore(%arg14 : memref<!tpu.dma_semaphore, #tpu.memory_space<semaphore_mem>>)
    %dma_wait3A_1806 = arith.constant 8 : i32
    %dma_wait3A_1807 = arith.constant 2 : i32
    %dma_wait3A_1808 = arith.constant 0 : i32
    %dma_wait3A_1809 = arith.constant 0 : i32
    %dma_wait3A_1810 = tpu.memref_slice %arg6[%dma_wait3A_1807, %dma_wait3A_1808, %dma_wait3A_1809] : memref<6x128x128xf32, #tpu.memory_space<vmem>> -> memref<1x128x128xf32, #tpu.memory_space<vmem>>
    %dma_wait3A_1811 = tpu.memref_squeeze %dma_wait3A_1810 : memref<1x128x128xf32, #tpu.memory_space<vmem>> -> memref<128x128xf32, #tpu.memory_space<vmem>>
    %dma_wait3A_1812 = arith.constant 0 : i32
    %dma_wait3A_1813 = tpu.memref_slice %arg5[%dma_wait3A_1806, %dma_wait3A_1812] : memref<13x128xi32, #tpu.memory_space<vmem>> -> memref<1x128xi32, #tpu.memory_space<vmem>>
    %dma_wait3A_1814 = tpu.memref_squeeze %dma_wait3A_1813 : memref<1x128xi32, #tpu.memory_space<vmem>> -> memref<128xi32, #tpu.memory_space<vmem>>
    %dma_wait3A_1815 = arith.constant 0 : i32
    %dma_wait3A_1816 = arith.constant 0 : i32
    %dma_wait3A_1817 = tpu.memref_slice %arg2[%dma_wait3A_1815, %dma_wait3A_1816] : memref<2600000x128xf32, #tpu.memory_space<hbm>> -> memref<2600000x128xf32, #tpu.memory_space<hbm>>
    tpu.wait_indirect_dma semaphore(%arg9 : memref<!tpu.dma_semaphore, #tpu.memory_space<semaphore_mem>>) src(%dma_wait3A_1817 : memref<2600000x128xf32, #tpu.memory_space<hbm>>) dst(%dma_wait3A_1811 : memref<128x128xf32, #tpu.memory_space<vmem>>)
    %add3A_1818 = arith.constant 32768 : i32
    %add3A_1819 = arith.addi %add3A_1818, %mul3A_2 : i32
    %dma_start3A_1820 = arith.constant 2 : i32
    %dma_start3A_1821 = arith.constant 0 : i32
    %dma_start3A_1822 = arith.constant 0 : i32
    %dma_start3A_1823 = tpu.memref_slice %arg6[%dma_start3A_1820, %dma_start3A_1821, %dma_start3A_1822] : memref<6x128x128xf32, #tpu.memory_space<vmem>> -> memref<1x128x128xf32, #tpu.memory_space<vmem>>
    %dma_start3A_1824 = tpu.memref_squeeze %dma_start3A_1823 : memref<1x128x128xf32, #tpu.memory_space<vmem>> -> memref<128x128xf32, #tpu.memory_space<vmem>>
    %dma_start3A_1825 = arith.constant 0 : i32
    %dma_start3A_1826 = tpu.memref_slice %arg4[%add3A_1819, %dma_start3A_1825] : memref<53248x128xf32, #tpu.memory_space<hbm>> -> memref<128x128xf32, #tpu.memory_space<hbm>>
    %dma_start3A_1827 = arith.constant 0 : i32
    %dma_start3A_1828 = tpu.memref_slice %arg4[%add3A_1819, %dma_start3A_1827] : memref<53248x128xf32, #tpu.memory_space<hbm>> -> memref<128x128xf32, #tpu.memory_space<hbm>>
    %dma_start3A_1829 = arith.constant 0 : i32
    %dma_start3A_1830 = arith.constant 0 : i32
    %dma_start3A_1831 = tpu.memref_slice %arg6[%dma_start3A_1820, %dma_start3A_1829, %dma_start3A_1830] : memref<6x128x128xf32, #tpu.memory_space<vmem>> -> memref<1x128x128xf32, #tpu.memory_space<vmem>>
    %dma_start3A_1832 = tpu.memref_squeeze %dma_start3A_1831 : memref<1x128x128xf32, #tpu.memory_space<vmem>> -> memref<128x128xf32, #tpu.memory_space<vmem>>
    tpu.enqueue_dma source(%dma_start3A_1832 : memref<128x128xf32, #tpu.memory_space<vmem>>) target(%dma_start3A_1828 : memref<128x128xf32, #tpu.memory_space<hbm>>) target_semaphore(%arg15 : memref<!tpu.dma_semaphore, #tpu.memory_space<semaphore_mem>>)
    %dma_wait3A_1833 = arith.constant 9 : i32
    %dma_wait3A_1834 = arith.constant 3 : i32
    %dma_wait3A_1835 = arith.constant 0 : i32
    %dma_wait3A_1836 = arith.constant 0 : i32
    %dma_wait3A_1837 = tpu.memref_slice %arg6[%dma_wait3A_1834, %dma_wait3A_1835, %dma_wait3A_1836] : memref<6x128x128xf32, #tpu.memory_space<vmem>> -> memref<1x128x128xf32, #tpu.memory_space<vmem>>
    %dma_wait3A_1838 = tpu.memref_squeeze %dma_wait3A_1837 : memref<1x128x128xf32, #tpu.memory_space<vmem>> -> memref<128x128xf32, #tpu.memory_space<vmem>>
    %dma_wait3A_1839 = arith.constant 0 : i32
    %dma_wait3A_1840 = tpu.memref_slice %arg5[%dma_wait3A_1833, %dma_wait3A_1839] : memref<13x128xi32, #tpu.memory_space<vmem>> -> memref<1x128xi32, #tpu.memory_space<vmem>>
    %dma_wait3A_1841 = tpu.memref_squeeze %dma_wait3A_1840 : memref<1x128xi32, #tpu.memory_space<vmem>> -> memref<128xi32, #tpu.memory_space<vmem>>
    %dma_wait3A_1842 = arith.constant 0 : i32
    %dma_wait3A_1843 = arith.constant 0 : i32
    %dma_wait3A_1844 = tpu.memref_slice %arg2[%dma_wait3A_1842, %dma_wait3A_1843] : memref<2600000x128xf32, #tpu.memory_space<hbm>> -> memref<2600000x128xf32, #tpu.memory_space<hbm>>
    tpu.wait_indirect_dma semaphore(%arg10 : memref<!tpu.dma_semaphore, #tpu.memory_space<semaphore_mem>>) src(%dma_wait3A_1844 : memref<2600000x128xf32, #tpu.memory_space<hbm>>) dst(%dma_wait3A_1838 : memref<128x128xf32, #tpu.memory_space<vmem>>)
    %add3A_1845 = arith.constant 36864 : i32
    %add3A_1846 = arith.addi %add3A_1845, %mul3A_2 : i32
    %dma_start3A_1847 = arith.constant 3 : i32
    %dma_start3A_1848 = arith.constant 0 : i32
    %dma_start3A_1849 = arith.constant 0 : i32
    %dma_start3A_1850 = tpu.memref_slice %arg6[%dma_start3A_1847, %dma_start3A_1848, %dma_start3A_1849] : memref<6x128x128xf32, #tpu.memory_space<vmem>> -> memref<1x128x128xf32, #tpu.memory_space<vmem>>
    %dma_start3A_1851 = tpu.memref_squeeze %dma_start3A_1850 : memref<1x128x128xf32, #tpu.memory_space<vmem>> -> memref<128x128xf32, #tpu.memory_space<vmem>>
    %dma_start3A_1852 = arith.constant 0 : i32
    %dma_start3A_1853 = tpu.memref_slice %arg4[%add3A_1846, %dma_start3A_1852] : memref<53248x128xf32, #tpu.memory_space<hbm>> -> memref<128x128xf32, #tpu.memory_space<hbm>>
    %dma_start3A_1854 = arith.constant 0 : i32
    %dma_start3A_1855 = tpu.memref_slice %arg4[%add3A_1846, %dma_start3A_1854] : memref<53248x128xf32, #tpu.memory_space<hbm>> -> memref<128x128xf32, #tpu.memory_space<hbm>>
    %dma_start3A_1856 = arith.constant 0 : i32
    %dma_start3A_1857 = arith.constant 0 : i32
    %dma_start3A_1858 = tpu.memref_slice %arg6[%dma_start3A_1847, %dma_start3A_1856, %dma_start3A_1857] : memref<6x128x128xf32, #tpu.memory_space<vmem>> -> memref<1x128x128xf32, #tpu.memory_space<vmem>>
    %dma_start3A_1859 = tpu.memref_squeeze %dma_start3A_1858 : memref<1x128x128xf32, #tpu.memory_space<vmem>> -> memref<128x128xf32, #tpu.memory_space<vmem>>
    tpu.enqueue_dma source(%dma_start3A_1859 : memref<128x128xf32, #tpu.memory_space<vmem>>) target(%dma_start3A_1855 : memref<128x128xf32, #tpu.memory_space<hbm>>) target_semaphore(%arg16 : memref<!tpu.dma_semaphore, #tpu.memory_space<semaphore_mem>>)
    %dma_wait3A_1860 = arith.constant 10 : i32
    %dma_wait3A_1861 = arith.constant 4 : i32
    %dma_wait3A_1862 = arith.constant 0 : i32
    %dma_wait3A_1863 = arith.constant 0 : i32
    %dma_wait3A_1864 = tpu.memref_slice %arg6[%dma_wait3A_1861, %dma_wait3A_1862, %dma_wait3A_1863] : memref<6x128x128xf32, #tpu.memory_space<vmem>> -> memref<1x128x128xf32, #tpu.memory_space<vmem>>
    %dma_wait3A_1865 = tpu.memref_squeeze %dma_wait3A_1864 : memref<1x128x128xf32, #tpu.memory_space<vmem>> -> memref<128x128xf32, #tpu.memory_space<vmem>>
    %dma_wait3A_1866 = arith.constant 0 : i32
    %dma_wait3A_1867 = tpu.memref_slice %arg5[%dma_wait3A_1860, %dma_wait3A_1866] : memref<13x128xi32, #tpu.memory_space<vmem>> -> memref<1x128xi32, #tpu.memory_space<vmem>>
    %dma_wait3A_1868 = tpu.memref_squeeze %dma_wait3A_1867 : memref<1x128xi32, #tpu.memory_space<vmem>> -> memref<128xi32, #tpu.memory_space<vmem>>
    %dma_wait3A_1869 = arith.constant 0 : i32
    %dma_wait3A_1870 = arith.constant 0 : i32
    %dma_wait3A_1871 = tpu.memref_slice %arg2[%dma_wait3A_1869, %dma_wait3A_1870] : memref<2600000x128xf32, #tpu.memory_space<hbm>> -> memref<2600000x128xf32, #tpu.memory_space<hbm>>
    tpu.wait_indirect_dma semaphore(%arg11 : memref<!tpu.dma_semaphore, #tpu.memory_space<semaphore_mem>>) src(%dma_wait3A_1871 : memref<2600000x128xf32, #tpu.memory_space<hbm>>) dst(%dma_wait3A_1865 : memref<128x128xf32, #tpu.memory_space<vmem>>)
    %add3A_1872 = arith.constant 40960 : i32
    %add3A_1873 = arith.addi %add3A_1872, %mul3A_2 : i32
    %dma_start3A_1874 = arith.constant 4 : i32
    %dma_start3A_1875 = arith.constant 0 : i32
    %dma_start3A_1876 = arith.constant 0 : i32
    %dma_start3A_1877 = tpu.memref_slice %arg6[%dma_start3A_1874, %dma_start3A_1875, %dma_start3A_1876] : memref<6x128x128xf32, #tpu.memory_space<vmem>> -> memref<1x128x128xf32, #tpu.memory_space<vmem>>
    %dma_start3A_1878 = tpu.memref_squeeze %dma_start3A_1877 : memref<1x128x128xf32, #tpu.memory_space<vmem>> -> memref<128x128xf32, #tpu.memory_space<vmem>>
    %dma_start3A_1879 = arith.constant 0 : i32
    %dma_start3A_1880 = tpu.memref_slice %arg4[%add3A_1873, %dma_start3A_1879] : memref<53248x128xf32, #tpu.memory_space<hbm>> -> memref<128x128xf32, #tpu.memory_space<hbm>>
    %dma_start3A_1881 = arith.constant 0 : i32
    %dma_start3A_1882 = tpu.memref_slice %arg4[%add3A_1873, %dma_start3A_1881] : memref<53248x128xf32, #tpu.memory_space<hbm>> -> memref<128x128xf32, #tpu.memory_space<hbm>>
    %dma_start3A_1883 = arith.constant 0 : i32
    %dma_start3A_1884 = arith.constant 0 : i32
    %dma_start3A_1885 = tpu.memref_slice %arg6[%dma_start3A_1874, %dma_start3A_1883, %dma_start3A_1884] : memref<6x128x128xf32, #tpu.memory_space<vmem>> -> memref<1x128x128xf32, #tpu.memory_space<vmem>>
    %dma_start3A_1886 = tpu.memref_squeeze %dma_start3A_1885 : memref<1x128x128xf32, #tpu.memory_space<vmem>> -> memref<128x128xf32, #tpu.memory_space<vmem>>
    tpu.enqueue_dma source(%dma_start3A_1886 : memref<128x128xf32, #tpu.memory_space<vmem>>) target(%dma_start3A_1882 : memref<128x128xf32, #tpu.memory_space<hbm>>) target_semaphore(%arg17 : memref<!tpu.dma_semaphore, #tpu.memory_space<semaphore_mem>>)
    %dma_wait3A_1887 = arith.constant 11 : i32
    %dma_wait3A_1888 = arith.constant 5 : i32
    %dma_wait3A_1889 = arith.constant 0 : i32
    %dma_wait3A_1890 = arith.constant 0 : i32
    %dma_wait3A_1891 = tpu.memref_slice %arg6[%dma_wait3A_1888, %dma_wait3A_1889, %dma_wait3A_1890] : memref<6x128x128xf32, #tpu.memory_space<vmem>> -> memref<1x128x128xf32, #tpu.memory_space<vmem>>
    %dma_wait3A_1892 = tpu.memref_squeeze %dma_wait3A_1891 : memref<1x128x128xf32, #tpu.memory_space<vmem>> -> memref<128x128xf32, #tpu.memory_space<vmem>>
    %dma_wait3A_1893 = arith.constant 0 : i32
    %dma_wait3A_1894 = tpu.memref_slice %arg5[%dma_wait3A_1887, %dma_wait3A_1893] : memref<13x128xi32, #tpu.memory_space<vmem>> -> memref<1x128xi32, #tpu.memory_space<vmem>>
    %dma_wait3A_1895 = tpu.memref_squeeze %dma_wait3A_1894 : memref<1x128xi32, #tpu.memory_space<vmem>> -> memref<128xi32, #tpu.memory_space<vmem>>
    %dma_wait3A_1896 = arith.constant 0 : i32
    %dma_wait3A_1897 = arith.constant 0 : i32
    %dma_wait3A_1898 = tpu.memref_slice %arg2[%dma_wait3A_1896, %dma_wait3A_1897] : memref<2600000x128xf32, #tpu.memory_space<hbm>> -> memref<2600000x128xf32, #tpu.memory_space<hbm>>
    tpu.wait_indirect_dma semaphore(%arg12 : memref<!tpu.dma_semaphore, #tpu.memory_space<semaphore_mem>>) src(%dma_wait3A_1898 : memref<2600000x128xf32, #tpu.memory_space<hbm>>) dst(%dma_wait3A_1892 : memref<128x128xf32, #tpu.memory_space<vmem>>)
    %add3A_1899 = arith.constant 45056 : i32
    %add3A_1900 = arith.addi %add3A_1899, %mul3A_2 : i32
    %dma_start3A_1901 = arith.constant 5 : i32
    %dma_start3A_1902 = arith.constant 0 : i32
    %dma_start3A_1903 = arith.constant 0 : i32
    %dma_start3A_1904 = tpu.memref_slice %arg6[%dma_start3A_1901, %dma_start3A_1902, %dma_start3A_1903] : memref<6x128x128xf32, #tpu.memory_space<vmem>> -> memref<1x128x128xf32, #tpu.memory_space<vmem>>
    %dma_start3A_1905 = tpu.memref_squeeze %dma_start3A_1904 : memref<1x128x128xf32, #tpu.memory_space<vmem>> -> memref<128x128xf32, #tpu.memory_space<vmem>>
    %dma_start3A_1906 = arith.constant 0 : i32
    %dma_start3A_1907 = tpu.memref_slice %arg4[%add3A_1900, %dma_start3A_1906] : memref<53248x128xf32, #tpu.memory_space<hbm>> -> memref<128x128xf32, #tpu.memory_space<hbm>>
    %dma_start3A_1908 = arith.constant 0 : i32
    %dma_start3A_1909 = tpu.memref_slice %arg4[%add3A_1900, %dma_start3A_1908] : memref<53248x128xf32, #tpu.memory_space<hbm>> -> memref<128x128xf32, #tpu.memory_space<hbm>>
    %dma_start3A_1910 = arith.constant 0 : i32
    %dma_start3A_1911 = arith.constant 0 : i32
    %dma_start3A_1912 = tpu.memref_slice %arg6[%dma_start3A_1901, %dma_start3A_1910, %dma_start3A_1911] : memref<6x128x128xf32, #tpu.memory_space<vmem>> -> memref<1x128x128xf32, #tpu.memory_space<vmem>>
    %dma_start3A_1913 = tpu.memref_squeeze %dma_start3A_1912 : memref<1x128x128xf32, #tpu.memory_space<vmem>> -> memref<128x128xf32, #tpu.memory_space<vmem>>
    tpu.enqueue_dma source(%dma_start3A_1913 : memref<128x128xf32, #tpu.memory_space<vmem>>) target(%dma_start3A_1909 : memref<128x128xf32, #tpu.memory_space<hbm>>) target_semaphore(%arg18 : memref<!tpu.dma_semaphore, #tpu.memory_space<semaphore_mem>>)
    %dma_wait3A_1914 = arith.constant 12 : i32
    %dma_wait3A_1915 = arith.constant 0 : i32
    %dma_wait3A_1916 = arith.constant 0 : i32
    %dma_wait3A_1917 = arith.constant 0 : i32
    %dma_wait3A_1918 = tpu.memref_slice %arg6[%dma_wait3A_1915, %dma_wait3A_1916, %dma_wait3A_1917] : memref<6x128x128xf32, #tpu.memory_space<vmem>> -> memref<1x128x128xf32, #tpu.memory_space<vmem>>
    %dma_wait3A_1919 = tpu.memref_squeeze %dma_wait3A_1918 : memref<1x128x128xf32, #tpu.memory_space<vmem>> -> memref<128x128xf32, #tpu.memory_space<vmem>>
    %dma_wait3A_1920 = arith.constant 0 : i32
    %dma_wait3A_1921 = tpu.memref_slice %arg5[%dma_wait3A_1914, %dma_wait3A_1920] : memref<13x128xi32, #tpu.memory_space<vmem>> -> memref<1x128xi32, #tpu.memory_space<vmem>>
    %dma_wait3A_1922 = tpu.memref_squeeze %dma_wait3A_1921 : memref<1x128xi32, #tpu.memory_space<vmem>> -> memref<128xi32, #tpu.memory_space<vmem>>
    %dma_wait3A_1923 = arith.constant 0 : i32
    %dma_wait3A_1924 = arith.constant 0 : i32
    %dma_wait3A_1925 = tpu.memref_slice %arg2[%dma_wait3A_1923, %dma_wait3A_1924] : memref<2600000x128xf32, #tpu.memory_space<hbm>> -> memref<2600000x128xf32, #tpu.memory_space<hbm>>
    tpu.wait_indirect_dma semaphore(%arg7 : memref<!tpu.dma_semaphore, #tpu.memory_space<semaphore_mem>>) src(%dma_wait3A_1925 : memref<2600000x128xf32, #tpu.memory_space<hbm>>) dst(%dma_wait3A_1919 : memref<128x128xf32, #tpu.memory_space<vmem>>)
    %add3A_1926 = arith.constant 49152 : i32
    %add3A_1927 = arith.addi %add3A_1926, %mul3A_2 : i32
    %dma_start3A_1928 = arith.constant 0 : i32
    %dma_start3A_1929 = arith.constant 0 : i32
    %dma_start3A_1930 = arith.constant 0 : i32
    %dma_start3A_1931 = tpu.memref_slice %arg6[%dma_start3A_1928, %dma_start3A_1929, %dma_start3A_1930] : memref<6x128x128xf32, #tpu.memory_space<vmem>> -> memref<1x128x128xf32, #tpu.memory_space<vmem>>
    %dma_start3A_1932 = tpu.memref_squeeze %dma_start3A_1931 : memref<1x128x128xf32, #tpu.memory_space<vmem>> -> memref<128x128xf32, #tpu.memory_space<vmem>>
    %dma_start3A_1933 = arith.constant 0 : i32
    %dma_start3A_1934 = tpu.memref_slice %arg4[%add3A_1927, %dma_start3A_1933] : memref<53248x128xf32, #tpu.memory_space<hbm>> -> memref<128x128xf32, #tpu.memory_space<hbm>>
    %dma_start3A_1935 = arith.constant 0 : i32
    %dma_start3A_1936 = tpu.memref_slice %arg4[%add3A_1927, %dma_start3A_1935] : memref<53248x128xf32, #tpu.memory_space<hbm>> -> memref<128x128xf32, #tpu.memory_space<hbm>>
    %dma_start3A_1937 = arith.constant 0 : i32
    %dma_start3A_1938 = arith.constant 0 : i32
    %dma_start3A_1939 = tpu.memref_slice %arg6[%dma_start3A_1928, %dma_start3A_1937, %dma_start3A_1938] : memref<6x128x128xf32, #tpu.memory_space<vmem>> -> memref<1x128x128xf32, #tpu.memory_space<vmem>>
    %dma_start3A_1940 = tpu.memref_squeeze %dma_start3A_1939 : memref<1x128x128xf32, #tpu.memory_space<vmem>> -> memref<128x128xf32, #tpu.memory_space<vmem>>
    tpu.enqueue_dma source(%dma_start3A_1940 : memref<128x128xf32, #tpu.memory_space<vmem>>) target(%dma_start3A_1936 : memref<128x128xf32, #tpu.memory_space<hbm>>) target_semaphore(%arg13 : memref<!tpu.dma_semaphore, #tpu.memory_space<semaphore_mem>>)
    %dma_wait3A_1941 = arith.constant 1 : i32
    %dma_wait3A_1942 = arith.constant 0 : i32
    %dma_wait3A_1943 = arith.constant 0 : i32
    %dma_wait3A_1944 = tpu.memref_slice %arg6[%dma_wait3A_1941, %dma_wait3A_1942, %dma_wait3A_1943] : memref<6x128x128xf32, #tpu.memory_space<vmem>> -> memref<1x128x128xf32, #tpu.memory_space<vmem>>
    %dma_wait3A_1945 = tpu.memref_squeeze %dma_wait3A_1944 : memref<1x128x128xf32, #tpu.memory_space<vmem>> -> memref<128x128xf32, #tpu.memory_space<vmem>>
    %dma_wait3A_1946 = arith.constant 0 : i32
    %dma_wait3A_1947 = tpu.memref_slice %arg4[%add3A_1792, %dma_wait3A_1946] : memref<53248x128xf32, #tpu.memory_space<hbm>> -> memref<128x128xf32, #tpu.memory_space<hbm>>
    %dma_wait3A_1948 = arith.constant 0 : i32
    %dma_wait3A_1949 = tpu.memref_slice %arg4[%add3A_1792, %dma_wait3A_1948] : memref<53248x128xf32, #tpu.memory_space<hbm>> -> memref<128x128xf32, #tpu.memory_space<hbm>>
    %dma_wait3A_1950 = arith.constant 0 : i32
    %dma_wait3A_1951 = arith.constant 0 : i32
    %dma_wait3A_1952 = tpu.memref_slice %arg6[%dma_wait3A_1941, %dma_wait3A_1950, %dma_wait3A_1951] : memref<6x128x128xf32, #tpu.memory_space<vmem>> -> memref<1x128x128xf32, #tpu.memory_space<vmem>>
    %dma_wait3A_1953 = tpu.memref_squeeze %dma_wait3A_1952 : memref<1x128x128xf32, #tpu.memory_space<vmem>> -> memref<128x128xf32, #tpu.memory_space<vmem>>
    tpu.wait_dma2 semaphore(%arg14 : memref<!tpu.dma_semaphore, #tpu.memory_space<semaphore_mem>>) src(%dma_wait3A_1953 : memref<128x128xf32, #tpu.memory_space<vmem>>) dst(%dma_wait3A_1949 : memref<128x128xf32, #tpu.memory_space<hbm>>)
    %dma_wait3A_1954 = arith.constant 2 : i32
    %dma_wait3A_1955 = arith.constant 0 : i32
    %dma_wait3A_1956 = arith.constant 0 : i32
    %dma_wait3A_1957 = tpu.memref_slice %arg6[%dma_wait3A_1954, %dma_wait3A_1955, %dma_wait3A_1956] : memref<6x128x128xf32, #tpu.memory_space<vmem>> -> memref<1x128x128xf32, #tpu.memory_space<vmem>>
    %dma_wait3A_1958 = tpu.memref_squeeze %dma_wait3A_1957 : memref<1x128x128xf32, #tpu.memory_space<vmem>> -> memref<128x128xf32, #tpu.memory_space<vmem>>
    %dma_wait3A_1959 = arith.constant 0 : i32
    %dma_wait3A_1960 = tpu.memref_slice %arg4[%add3A_1819, %dma_wait3A_1959] : memref<53248x128xf32, #tpu.memory_space<hbm>> -> memref<128x128xf32, #tpu.memory_space<hbm>>
    %dma_wait3A_1961 = arith.constant 0 : i32
    %dma_wait3A_1962 = tpu.memref_slice %arg4[%add3A_1819, %dma_wait3A_1961] : memref<53248x128xf32, #tpu.memory_space<hbm>> -> memref<128x128xf32, #tpu.memory_space<hbm>>
    %dma_wait3A_1963 = arith.constant 0 : i32
    %dma_wait3A_1964 = arith.constant 0 : i32
    %dma_wait3A_1965 = tpu.memref_slice %arg6[%dma_wait3A_1954, %dma_wait3A_1963, %dma_wait3A_1964] : memref<6x128x128xf32, #tpu.memory_space<vmem>> -> memref<1x128x128xf32, #tpu.memory_space<vmem>>
    %dma_wait3A_1966 = tpu.memref_squeeze %dma_wait3A_1965 : memref<1x128x128xf32, #tpu.memory_space<vmem>> -> memref<128x128xf32, #tpu.memory_space<vmem>>
    tpu.wait_dma2 semaphore(%arg15 : memref<!tpu.dma_semaphore, #tpu.memory_space<semaphore_mem>>) src(%dma_wait3A_1966 : memref<128x128xf32, #tpu.memory_space<vmem>>) dst(%dma_wait3A_1962 : memref<128x128xf32, #tpu.memory_space<hbm>>)
    %dma_wait3A_1967 = arith.constant 3 : i32
    %dma_wait3A_1968 = arith.constant 0 : i32
    %dma_wait3A_1969 = arith.constant 0 : i32
    %dma_wait3A_1970 = tpu.memref_slice %arg6[%dma_wait3A_1967, %dma_wait3A_1968, %dma_wait3A_1969] : memref<6x128x128xf32, #tpu.memory_space<vmem>> -> memref<1x128x128xf32, #tpu.memory_space<vmem>>
    %dma_wait3A_1971 = tpu.memref_squeeze %dma_wait3A_1970 : memref<1x128x128xf32, #tpu.memory_space<vmem>> -> memref<128x128xf32, #tpu.memory_space<vmem>>
    %dma_wait3A_1972 = arith.constant 0 : i32
    %dma_wait3A_1973 = tpu.memref_slice %arg4[%add3A_1846, %dma_wait3A_1972] : memref<53248x128xf32, #tpu.memory_space<hbm>> -> memref<128x128xf32, #tpu.memory_space<hbm>>
    %dma_wait3A_1974 = arith.constant 0 : i32
    %dma_wait3A_1975 = tpu.memref_slice %arg4[%add3A_1846, %dma_wait3A_1974] : memref<53248x128xf32, #tpu.memory_space<hbm>> -> memref<128x128xf32, #tpu.memory_space<hbm>>
    %dma_wait3A_1976 = arith.constant 0 : i32
    %dma_wait3A_1977 = arith.constant 0 : i32
    %dma_wait3A_1978 = tpu.memref_slice %arg6[%dma_wait3A_1967, %dma_wait3A_1976, %dma_wait3A_1977] : memref<6x128x128xf32, #tpu.memory_space<vmem>> -> memref<1x128x128xf32, #tpu.memory_space<vmem>>
    %dma_wait3A_1979 = tpu.memref_squeeze %dma_wait3A_1978 : memref<1x128x128xf32, #tpu.memory_space<vmem>> -> memref<128x128xf32, #tpu.memory_space<vmem>>
    tpu.wait_dma2 semaphore(%arg16 : memref<!tpu.dma_semaphore, #tpu.memory_space<semaphore_mem>>) src(%dma_wait3A_1979 : memref<128x128xf32, #tpu.memory_space<vmem>>) dst(%dma_wait3A_1975 : memref<128x128xf32, #tpu.memory_space<hbm>>)
    %dma_wait3A_1980 = arith.constant 4 : i32
    %dma_wait3A_1981 = arith.constant 0 : i32
    %dma_wait3A_1982 = arith.constant 0 : i32
    %dma_wait3A_1983 = tpu.memref_slice %arg6[%dma_wait3A_1980, %dma_wait3A_1981, %dma_wait3A_1982] : memref<6x128x128xf32, #tpu.memory_space<vmem>> -> memref<1x128x128xf32, #tpu.memory_space<vmem>>
    %dma_wait3A_1984 = tpu.memref_squeeze %dma_wait3A_1983 : memref<1x128x128xf32, #tpu.memory_space<vmem>> -> memref<128x128xf32, #tpu.memory_space<vmem>>
    %dma_wait3A_1985 = arith.constant 0 : i32
    %dma_wait3A_1986 = tpu.memref_slice %arg4[%add3A_1873, %dma_wait3A_1985] : memref<53248x128xf32, #tpu.memory_space<hbm>> -> memref<128x128xf32, #tpu.memory_space<hbm>>
    %dma_wait3A_1987 = arith.constant 0 : i32
    %dma_wait3A_1988 = tpu.memref_slice %arg4[%add3A_1873, %dma_wait3A_1987] : memref<53248x128xf32, #tpu.memory_space<hbm>> -> memref<128x128xf32, #tpu.memory_space<hbm>>
    %dma_wait3A_1989 = arith.constant 0 : i32
    %dma_wait3A_1990 = arith.constant 0 : i32
    %dma_wait3A_1991 = tpu.memref_slice %arg6[%dma_wait3A_1980, %dma_wait3A_1989, %dma_wait3A_1990] : memref<6x128x128xf32, #tpu.memory_space<vmem>> -> memref<1x128x128xf32, #tpu.memory_space<vmem>>
    %dma_wait3A_1992 = tpu.memref_squeeze %dma_wait3A_1991 : memref<1x128x128xf32, #tpu.memory_space<vmem>> -> memref<128x128xf32, #tpu.memory_space<vmem>>
    tpu.wait_dma2 semaphore(%arg17 : memref<!tpu.dma_semaphore, #tpu.memory_space<semaphore_mem>>) src(%dma_wait3A_1992 : memref<128x128xf32, #tpu.memory_space<vmem>>) dst(%dma_wait3A_1988 : memref<128x128xf32, #tpu.memory_space<hbm>>)
    %dma_wait3A_1993 = arith.constant 5 : i32
    %dma_wait3A_1994 = arith.constant 0 : i32
    %dma_wait3A_1995 = arith.constant 0 : i32
    %dma_wait3A_1996 = tpu.memref_slice %arg6[%dma_wait3A_1993, %dma_wait3A_1994, %dma_wait3A_1995] : memref<6x128x128xf32, #tpu.memory_space<vmem>> -> memref<1x128x128xf32, #tpu.memory_space<vmem>>
    %dma_wait3A_1997 = tpu.memref_squeeze %dma_wait3A_1996 : memref<1x128x128xf32, #tpu.memory_space<vmem>> -> memref<128x128xf32, #tpu.memory_space<vmem>>
    %dma_wait3A_1998 = arith.constant 0 : i32
    %dma_wait3A_1999 = tpu.memref_slice %arg4[%add3A_1900, %dma_wait3A_1998] : memref<53248x128xf32, #tpu.memory_space<hbm>> -> memref<128x128xf32, #tpu.memory_space<hbm>>
    %dma_wait3A_2000 = arith.constant 0 : i32
    %dma_wait3A_2001 = tpu.memref_slice %arg4[%add3A_1900, %dma_wait3A_2000] : memref<53248x128xf32, #tpu.memory_space<hbm>> -> memref<128x128xf32, #tpu.memory_space<hbm>>
    %dma_wait3A_2002 = arith.constant 0 : i32
    %dma_wait3A_2003 = arith.constant 0 : i32
    %dma_wait3A_2004 = tpu.memref_slice %arg6[%dma_wait3A_1993, %dma_wait3A_2002, %dma_wait3A_2003] : memref<6x128x128xf32, #tpu.memory_space<vmem>> -> memref<1x128x128xf32, #tpu.memory_space<vmem>>
    %dma_wait3A_2005 = tpu.memref_squeeze %dma_wait3A_2004 : memref<1x128x128xf32, #tpu.memory_space<vmem>> -> memref<128x128xf32, #tpu.memory_space<vmem>>
    tpu.wait_dma2 semaphore(%arg18 : memref<!tpu.dma_semaphore, #tpu.memory_space<semaphore_mem>>) src(%dma_wait3A_2005 : memref<128x128xf32, #tpu.memory_space<vmem>>) dst(%dma_wait3A_2001 : memref<128x128xf32, #tpu.memory_space<hbm>>)
    %dma_wait3A_2006 = arith.constant 0 : i32
    %dma_wait3A_2007 = arith.constant 0 : i32
    %dma_wait3A_2008 = arith.constant 0 : i32
    %dma_wait3A_2009 = tpu.memref_slice %arg6[%dma_wait3A_2006, %dma_wait3A_2007, %dma_wait3A_2008] : memref<6x128x128xf32, #tpu.memory_space<vmem>> -> memref<1x128x128xf32, #tpu.memory_space<vmem>>
    %dma_wait3A_2010 = tpu.memref_squeeze %dma_wait3A_2009 : memref<1x128x128xf32, #tpu.memory_space<vmem>> -> memref<128x128xf32, #tpu.memory_space<vmem>>
    %dma_wait3A_2011 = arith.constant 0 : i32
    %dma_wait3A_2012 = tpu.memref_slice %arg4[%add3A_1927, %dma_wait3A_2011] : memref<53248x128xf32, #tpu.memory_space<hbm>> -> memref<128x128xf32, #tpu.memory_space<hbm>>
    %dma_wait3A_2013 = arith.constant 0 : i32
    %dma_wait3A_2014 = tpu.memref_slice %arg4[%add3A_1927, %dma_wait3A_2013] : memref<53248x128xf32, #tpu.memory_space<hbm>> -> memref<128x128xf32, #tpu.memory_space<hbm>>
    %dma_wait3A_2015 = arith.constant 0 : i32
    %dma_wait3A_2016 = arith.constant 0 : i32
    %dma_wait3A_2017 = tpu.memref_slice %arg6[%dma_wait3A_2006, %dma_wait3A_2015, %dma_wait3A_2016] : memref<6x128x128xf32, #tpu.memory_space<vmem>> -> memref<1x128x128xf32, #tpu.memory_space<vmem>>
    %dma_wait3A_2018 = tpu.memref_squeeze %dma_wait3A_2017 : memref<1x128x128xf32, #tpu.memory_space<vmem>> -> memref<128x128xf32, #tpu.memory_space<vmem>>
    tpu.wait_dma2 semaphore(%arg13 : memref<!tpu.dma_semaphore, #tpu.memory_space<semaphore_mem>>) src(%dma_wait3A_2018 : memref<128x128xf32, #tpu.memory_space<vmem>>) dst(%dma_wait3A_2014 : memref<128x128xf32, #tpu.memory_space<hbm>>)
    return
  }
}

#map = affine_map<(d0, d1) -> (0, 0)>
module attributes {stable_mosaic.version = 14 : i64} {
  func.func @gather_k(%arg0: i32, %arg1: i32, %arg2: memref<2600000x128xf32, #tpu.memory_space<hbm>>, %arg3: memref<13x4096xi32, #tpu.memory_space<hbm>>, %arg4: memref<53248x128xf32, #tpu.memory_space<hbm>>, %arg5: memref<13x128xi32, #tpu.memory_space<vmem>>, %arg6: memref<6x128x128xf32, #tpu.memory_space<vmem>>, %arg7: memref<!tpu.dma_semaphore, #tpu.memory_space<semaphore_mem>>, %arg8: memref<!tpu.dma_semaphore, #tpu.memory_space<semaphore_mem>>, %arg9: memref<!tpu.dma_semaphore, #tpu.memory_space<semaphore_mem>>, %arg10: memref<!tpu.dma_semaphore, #tpu.memory_space<semaphore_mem>>, %arg11: memref<!tpu.dma_semaphore, #tpu.memory_space<semaphore_mem>>, %arg12: memref<!tpu.dma_semaphore, #tpu.memory_space<semaphore_mem>>, %arg13: memref<!tpu.dma_semaphore, #tpu.memory_space<semaphore_mem>>, %arg14: memref<!tpu.dma_semaphore, #tpu.memory_space<semaphore_mem>>, %arg15: memref<!tpu.dma_semaphore, #tpu.memory_space<semaphore_mem>>, %arg16: memref<!tpu.dma_semaphore, #tpu.memory_space<semaphore_mem>>, %arg17: memref<!tpu.dma_semaphore, #tpu.memory_space<semaphore_mem>>, %arg18: memref<!tpu.dma_semaphore, #tpu.memory_space<semaphore_mem>>) attributes {dimension_semantics = [#tpu.dimension_semantics<core_parallel>, #tpu.dimension_semantics<subcore_parallel>], iteration_bounds = array<i64: 2, 16>, scalar_prefetch = 0 : i64, scratch_operands = 14 : i64, tpu.core_type = #tpu.core_type<sc_vector_subcore>, window_params = [{transform_indices = #map}, {transform_indices = #map}, {transform_indices = #map}]} {
    %mul3A = arith.constant 2 : i32
    %mul3A_0 = arith.muli %arg1, %mul3A : i32
    %add3A = arith.addi %mul3A_0, %arg0 : i32
    %mul3A_1 = arith.constant 128 : i32
    %mul3A_2 = arith.muli %add3A, %mul3A_1 : i32
    "tpu.region"() ({
      %run_scoped3A = tpu.sem_alloc : memref<!tpu.dma_semaphore, #tpu.memory_space<semaphore_mem>>
      %dma_start3A_2131 = arith.constant 0 : i32
      %dma_start3A_2132 = tpu.memref_slice %arg3[%dma_start3A_2131, %mul3A_2] : memref<13x4096xi32, #tpu.memory_space<hbm>> -> memref<13x128xi32, #tpu.memory_space<hbm>>
      %dma_start3A_2133 = arith.constant 0 : i32
      %dma_start3A_2134 = tpu.memref_slice %arg3[%dma_start3A_2133, %mul3A_2] : memref<13x4096xi32, #tpu.memory_space<hbm>> -> memref<13x128xi32, #tpu.memory_space<hbm>>
      tpu.enqueue_dma source(%dma_start3A_2134 : memref<13x128xi32, #tpu.memory_space<hbm>>) target(%arg5 : memref<13x128xi32, #tpu.memory_space<vmem>>) target_semaphore(%run_scoped3A : memref<!tpu.dma_semaphore, #tpu.memory_space<semaphore_mem>>)
      %dma_wait3A_2135 = arith.constant 0 : i32
      %dma_wait3A_2136 = tpu.memref_slice %arg3[%dma_wait3A_2135, %mul3A_2] : memref<13x4096xi32, #tpu.memory_space<hbm>> -> memref<13x128xi32, #tpu.memory_space<hbm>>
      %dma_wait3A_2137 = arith.constant 0 : i32
      %dma_wait3A_2138 = tpu.memref_slice %arg3[%dma_wait3A_2137, %mul3A_2] : memref<13x4096xi32, #tpu.memory_space<hbm>> -> memref<13x128xi32, #tpu.memory_space<hbm>>
      tpu.wait_dma2 semaphore(%run_scoped3A : memref<!tpu.dma_semaphore, #tpu.memory_space<semaphore_mem>>) src(%dma_wait3A_2138 : memref<13x128xi32, #tpu.memory_space<hbm>>) dst(%arg5 : memref<13x128xi32, #tpu.memory_space<vmem>>)
      tpu.yield
    }) : () -> ()
    %get3A = arith.constant 0 : i32
    %get3A_3 = arith.index_cast %get3A : i32 to index
    %get3A_4 = arith.constant 0 : index
    %get3A_5 = tpu.vector_load %arg5[%get3A_3, %get3A_4] {strides = array<i32>} : memref<13x128xi32, #tpu.memory_space<vmem>>, vector<1x16xi32>,
    %get3A_6 = vector.shape_cast %get3A_5 : vector<1x16xi32> to vector<16xi32>
    %add3A_7 = arith.constant 1300000 : i32
    %add3A_8 = vector.broadcast %add3A_7 : i32 to vector<16xi32>
    %add3A_9 = arith.addi %get3A_6, %add3A_8 : vector<16xi32>
    %swap3A = arith.constant 0 : i32
    %swap3A_10 = arith.index_cast %swap3A : i32 to index
    %swap3A_11 = arith.constant 0 : index
    %swap3A_12 = tpu.vector_load %arg5[%swap3A_10, %swap3A_11] {strides = array<i32>} : memref<13x128xi32, #tpu.memory_space<vmem>>, vector<1x16xi32>,
    %swap3A_13 = vector.shape_cast %swap3A_12 : vector<1x16xi32> to vector<16xi32>
    %swap3A_14 = vector.shape_cast %add3A_9 : vector<16xi32> to vector<1x16xi32>
    tpu.vector_store %arg5[%swap3A_10, %swap3A_11], %swap3A_14 {strides = array<i32>} : memref<13x128xi32, #tpu.memory_space<vmem>>, vector<1x16xi32>,
    %get3A_15 = arith.constant 0 : i32
    %get3A_16 = arith.index_cast %get3A_15 : i32 to index
    %get3A_17 = arith.constant 16 : index
    %get3A_18 = tpu.vector_load %arg5[%get3A_16, %get3A_17] {strides = array<i32>} : memref<13x128xi32, #tpu.memory_space<vmem>>, vector<1x16xi32>,
    %get3A_19 = vector.shape_cast %get3A_18 : vector<1x16xi32> to vector<16xi32>
    %add3A_20 = arith.constant 1300000 : i32
    %add3A_21 = vector.broadcast %add3A_20 : i32 to vector<16xi32>
    %add3A_22 = arith.addi %get3A_19, %add3A_21 : vector<16xi32>
    %swap3A_23 = arith.constant 0 : i32
    %swap3A_24 = arith.index_cast %swap3A_23 : i32 to index
    %swap3A_25 = arith.constant 16 : index
    %swap3A_26 = tpu.vector_load %arg5[%swap3A_24, %swap3A_25] {strides = array<i32>} : memref<13x128xi32, #tpu.memory_space<vmem>>, vector<1x16xi32>,
    %swap3A_27 = vector.shape_cast %swap3A_26 : vector<1x16xi32> to vector<16xi32>
    %swap3A_28 = vector.shape_cast %add3A_22 : vector<16xi32> to vector<1x16xi32>
    tpu.vector_store %arg5[%swap3A_24, %swap3A_25], %swap3A_28 {strides = array<i32>} : memref<13x128xi32, #tpu.memory_space<vmem>>, vector<1x16xi32>,
    %get3A_29 = arith.constant 0 : i32
    %get3A_30 = arith.index_cast %get3A_29 : i32 to index
    %get3A_31 = arith.constant 32 : index
    %get3A_32 = tpu.vector_load %arg5[%get3A_30, %get3A_31] {strides = array<i32>} : memref<13x128xi32, #tpu.memory_space<vmem>>, vector<1x16xi32>,
    %get3A_33 = vector.shape_cast %get3A_32 : vector<1x16xi32> to vector<16xi32>
    %add3A_34 = arith.constant 1300000 : i32
    %add3A_35 = vector.broadcast %add3A_34 : i32 to vector<16xi32>
    %add3A_36 = arith.addi %get3A_33, %add3A_35 : vector<16xi32>
    %swap3A_37 = arith.constant 0 : i32
    %swap3A_38 = arith.index_cast %swap3A_37 : i32 to index
    %swap3A_39 = arith.constant 32 : index
    %swap3A_40 = tpu.vector_load %arg5[%swap3A_38, %swap3A_39] {strides = array<i32>} : memref<13x128xi32, #tpu.memory_space<vmem>>, vector<1x16xi32>,
    %swap3A_41 = vector.shape_cast %swap3A_40 : vector<1x16xi32> to vector<16xi32>
    %swap3A_42 = vector.shape_cast %add3A_36 : vector<16xi32> to vector<1x16xi32>
    tpu.vector_store %arg5[%swap3A_38, %swap3A_39], %swap3A_42 {strides = array<i32>} : memref<13x128xi32, #tpu.memory_space<vmem>>, vector<1x16xi32>,
    %get3A_43 = arith.constant 0 : i32
    %get3A_44 = arith.index_cast %get3A_43 : i32 to index
    %get3A_45 = arith.constant 48 : index
    %get3A_46 = tpu.vector_load %arg5[%get3A_44, %get3A_45] {strides = array<i32>} : memref<13x128xi32, #tpu.memory_space<vmem>>, vector<1x16xi32>,
    %get3A_47 = vector.shape_cast %get3A_46 : vector<1x16xi32> to vector<16xi32>
    %add3A_48 = arith.constant 1300000 : i32
    %add3A_49 = vector.broadcast %add3A_48 : i32 to vector<16xi32>
    %add3A_50 = arith.addi %get3A_47, %add3A_49 : vector<16xi32>
    %swap3A_51 = arith.constant 0 : i32
    %swap3A_52 = arith.index_cast %swap3A_51 : i32 to index
    %swap3A_53 = arith.constant 48 : index
    %swap3A_54 = tpu.vector_load %arg5[%swap3A_52, %swap3A_53] {strides = array<i32>} : memref<13x128xi32, #tpu.memory_space<vmem>>, vector<1x16xi32>,
    %swap3A_55 = vector.shape_cast %swap3A_54 : vector<1x16xi32> to vector<16xi32>
    %swap3A_56 = vector.shape_cast %add3A_50 : vector<16xi32> to vector<1x16xi32>
    tpu.vector_store %arg5[%swap3A_52, %swap3A_53], %swap3A_56 {strides = array<i32>} : memref<13x128xi32, #tpu.memory_space<vmem>>, vector<1x16xi32>,
    %get3A_57 = arith.constant 0 : i32
    %get3A_58 = arith.index_cast %get3A_57 : i32 to index
    %get3A_59 = arith.constant 64 : index
    %get3A_60 = tpu.vector_load %arg5[%get3A_58, %get3A_59] {strides = array<i32>} : memref<13x128xi32, #tpu.memory_space<vmem>>, vector<1x16xi32>,
    %get3A_61 = vector.shape_cast %get3A_60 : vector<1x16xi32> to vector<16xi32>
    %add3A_62 = arith.constant 1300000 : i32
    %add3A_63 = vector.broadcast %add3A_62 : i32 to vector<16xi32>
    %add3A_64 = arith.addi %get3A_61, %add3A_63 : vector<16xi32>
    %swap3A_65 = arith.constant 0 : i32
    %swap3A_66 = arith.index_cast %swap3A_65 : i32 to index
    %swap3A_67 = arith.constant 64 : index
    %swap3A_68 = tpu.vector_load %arg5[%swap3A_66, %swap3A_67] {strides = array<i32>} : memref<13x128xi32, #tpu.memory_space<vmem>>, vector<1x16xi32>,
    %swap3A_69 = vector.shape_cast %swap3A_68 : vector<1x16xi32> to vector<16xi32>
    %swap3A_70 = vector.shape_cast %add3A_64 : vector<16xi32> to vector<1x16xi32>
    tpu.vector_store %arg5[%swap3A_66, %swap3A_67], %swap3A_70 {strides = array<i32>} : memref<13x128xi32, #tpu.memory_space<vmem>>, vector<1x16xi32>,
    %get3A_71 = arith.constant 0 : i32
    %get3A_72 = arith.index_cast %get3A_71 : i32 to index
    %get3A_73 = arith.constant 80 : index
    %get3A_74 = tpu.vector_load %arg5[%get3A_72, %get3A_73] {strides = array<i32>} : memref<13x128xi32, #tpu.memory_space<vmem>>, vector<1x16xi32>,
    %get3A_75 = vector.shape_cast %get3A_74 : vector<1x16xi32> to vector<16xi32>
    %add3A_76 = arith.constant 1300000 : i32
    %add3A_77 = vector.broadcast %add3A_76 : i32 to vector<16xi32>
    %add3A_78 = arith.addi %get3A_75, %add3A_77 : vector<16xi32>
    %swap3A_79 = arith.constant 0 : i32
    %swap3A_80 = arith.index_cast %swap3A_79 : i32 to index
    %swap3A_81 = arith.constant 80 : index
    %swap3A_82 = tpu.vector_load %arg5[%swap3A_80, %swap3A_81] {strides = array<i32>} : memref<13x128xi32, #tpu.memory_space<vmem>>, vector<1x16xi32>,
    %swap3A_83 = vector.shape_cast %swap3A_82 : vector<1x16xi32> to vector<16xi32>
    %swap3A_84 = vector.shape_cast %add3A_78 : vector<16xi32> to vector<1x16xi32>
    tpu.vector_store %arg5[%swap3A_80, %swap3A_81], %swap3A_84 {strides = array<i32>} : memref<13x128xi32, #tpu.memory_space<vmem>>, vector<1x16xi32>,
    %get3A_85 = arith.constant 0 : i32
    %get3A_86 = arith.index_cast %get3A_85 : i32 to index
    %get3A_87 = arith.constant 96 : index
    %get3A_88 = tpu.vector_load %arg5[%get3A_86, %get3A_87] {strides = array<i32>} : memref<13x128xi32, #tpu.memory_space<vmem>>, vector<1x16xi32>,
    %get3A_89 = vector.shape_cast %get3A_88 : vector<1x16xi32> to vector<16xi32>
    %add3A_90 = arith.constant 1300000 : i32
    %add3A_91 = vector.broadcast %add3A_90 : i32 to vector<16xi32>
    %add3A_92 = arith.addi %get3A_89, %add3A_91 : vector<16xi32>
    %swap3A_93 = arith.constant 0 : i32
    %swap3A_94 = arith.index_cast %swap3A_93 : i32 to index
    %swap3A_95 = arith.constant 96 : index
    %swap3A_96 = tpu.vector_load %arg5[%swap3A_94, %swap3A_95] {strides = array<i32>} : memref<13x128xi32, #tpu.memory_space<vmem>>, vector<1x16xi32>,
    %swap3A_97 = vector.shape_cast %swap3A_96 : vector<1x16xi32> to vector<16xi32>
    %swap3A_98 = vector.shape_cast %add3A_92 : vector<16xi32> to vector<1x16xi32>
    tpu.vector_store %arg5[%swap3A_94, %swap3A_95], %swap3A_98 {strides = array<i32>} : memref<13x128xi32, #tpu.memory_space<vmem>>, vector<1x16xi32>,
    %get3A_99 = arith.constant 0 : i32
    %get3A_100 = arith.index_cast %get3A_99 : i32 to index
    %get3A_101 = arith.constant 112 : index
    %get3A_102 = tpu.vector_load %arg5[%get3A_100, %get3A_101] {strides = array<i32>} : memref<13x128xi32, #tpu.memory_space<vmem>>, vector<1x16xi32>,
    %get3A_103 = vector.shape_cast %get3A_102 : vector<1x16xi32> to vector<16xi32>
    %add3A_104 = arith.constant 1300000 : i32
    %add3A_105 = vector.broadcast %add3A_104 : i32 to vector<16xi32>
    %add3A_106 = arith.addi %get3A_103, %add3A_105 : vector<16xi32>
    %swap3A_107 = arith.constant 0 : i32
    %swap3A_108 = arith.index_cast %swap3A_107 : i32 to index
    %swap3A_109 = arith.constant 112 : index
    %swap3A_110 = tpu.vector_load %arg5[%swap3A_108, %swap3A_109] {strides = array<i32>} : memref<13x128xi32, #tpu.memory_space<vmem>>, vector<1x16xi32>,
    %swap3A_111 = vector.shape_cast %swap3A_110 : vector<1x16xi32> to vector<16xi32>
    %swap3A_112 = vector.shape_cast %add3A_106 : vector<16xi32> to vector<1x16xi32>
    tpu.vector_store %arg5[%swap3A_108, %swap3A_109], %swap3A_112 {strides = array<i32>} : memref<13x128xi32, #tpu.memory_space<vmem>>, vector<1x16xi32>,
    %get3A_113 = arith.constant 1 : i32
    %get3A_114 = arith.index_cast %get3A_113 : i32 to index
    %get3A_115 = arith.constant 0 : index
    %get3A_116 = tpu.vector_load %arg5[%get3A_114, %get3A_115] {strides = array<i32>} : memref<13x128xi32, #tpu.memory_space<vmem>>, vector<1x16xi32>,
    %get3A_117 = vector.shape_cast %get3A_116 : vector<1x16xi32> to vector<16xi32>
    %add3A_118 = arith.constant 1400000 : i32
    %add3A_119 = vector.broadcast %add3A_118 : i32 to vector<16xi32>
    %add3A_120 = arith.addi %get3A_117, %add3A_119 : vector<16xi32>
    %swap3A_121 = arith.constant 1 : i32
    %swap3A_122 = arith.index_cast %swap3A_121 : i32 to index
    %swap3A_123 = arith.constant 0 : index
    %swap3A_124 = tpu.vector_load %arg5[%swap3A_122, %swap3A_123] {strides = array<i32>} : memref<13x128xi32, #tpu.memory_space<vmem>>, vector<1x16xi32>,
    %swap3A_125 = vector.shape_cast %swap3A_124 : vector<1x16xi32> to vector<16xi32>
    %swap3A_126 = vector.shape_cast %add3A_120 : vector<16xi32> to vector<1x16xi32>
    tpu.vector_store %arg5[%swap3A_122, %swap3A_123], %swap3A_126 {strides = array<i32>} : memref<13x128xi32, #tpu.memory_space<vmem>>, vector<1x16xi32>,
    %get3A_127 = arith.constant 1 : i32
    %get3A_128 = arith.index_cast %get3A_127 : i32 to index
    %get3A_129 = arith.constant 16 : index
    %get3A_130 = tpu.vector_load %arg5[%get3A_128, %get3A_129] {strides = array<i32>} : memref<13x128xi32, #tpu.memory_space<vmem>>, vector<1x16xi32>,
    %get3A_131 = vector.shape_cast %get3A_130 : vector<1x16xi32> to vector<16xi32>
    %add3A_132 = arith.constant 1400000 : i32
    %add3A_133 = vector.broadcast %add3A_132 : i32 to vector<16xi32>
    %add3A_134 = arith.addi %get3A_131, %add3A_133 : vector<16xi32>
    %swap3A_135 = arith.constant 1 : i32
    %swap3A_136 = arith.index_cast %swap3A_135 : i32 to index
    %swap3A_137 = arith.constant 16 : index
    %swap3A_138 = tpu.vector_load %arg5[%swap3A_136, %swap3A_137] {strides = array<i32>} : memref<13x128xi32, #tpu.memory_space<vmem>>, vector<1x16xi32>,
    %swap3A_139 = vector.shape_cast %swap3A_138 : vector<1x16xi32> to vector<16xi32>
    %swap3A_140 = vector.shape_cast %add3A_134 : vector<16xi32> to vector<1x16xi32>
    tpu.vector_store %arg5[%swap3A_136, %swap3A_137], %swap3A_140 {strides = array<i32>} : memref<13x128xi32, #tpu.memory_space<vmem>>, vector<1x16xi32>,
    %get3A_141 = arith.constant 1 : i32
    %get3A_142 = arith.index_cast %get3A_141 : i32 to index
    %get3A_143 = arith.constant 32 : index
    %get3A_144 = tpu.vector_load %arg5[%get3A_142, %get3A_143] {strides = array<i32>} : memref<13x128xi32, #tpu.memory_space<vmem>>, vector<1x16xi32>,
    %get3A_145 = vector.shape_cast %get3A_144 : vector<1x16xi32> to vector<16xi32>
    %add3A_146 = arith.constant 1400000 : i32
    %add3A_147 = vector.broadcast %add3A_146 : i32 to vector<16xi32>
    %add3A_148 = arith.addi %get3A_145, %add3A_147 : vector<16xi32>
    %swap3A_149 = arith.constant 1 : i32
    %swap3A_150 = arith.index_cast %swap3A_149 : i32 to index
    %swap3A_151 = arith.constant 32 : index
    %swap3A_152 = tpu.vector_load %arg5[%swap3A_150, %swap3A_151] {strides = array<i32>} : memref<13x128xi32, #tpu.memory_space<vmem>>, vector<1x16xi32>,
    %swap3A_153 = vector.shape_cast %swap3A_152 : vector<1x16xi32> to vector<16xi32>
    %swap3A_154 = vector.shape_cast %add3A_148 : vector<16xi32> to vector<1x16xi32>
    tpu.vector_store %arg5[%swap3A_150, %swap3A_151], %swap3A_154 {strides = array<i32>} : memref<13x128xi32, #tpu.memory_space<vmem>>, vector<1x16xi32>,
    %get3A_155 = arith.constant 1 : i32
    %get3A_156 = arith.index_cast %get3A_155 : i32 to index
    %get3A_157 = arith.constant 48 : index
    %get3A_158 = tpu.vector_load %arg5[%get3A_156, %get3A_157] {strides = array<i32>} : memref<13x128xi32, #tpu.memory_space<vmem>>, vector<1x16xi32>,
    %get3A_159 = vector.shape_cast %get3A_158 : vector<1x16xi32> to vector<16xi32>
    %add3A_160 = arith.constant 1400000 : i32
    %add3A_161 = vector.broadcast %add3A_160 : i32 to vector<16xi32>
    %add3A_162 = arith.addi %get3A_159, %add3A_161 : vector<16xi32>
    %swap3A_163 = arith.constant 1 : i32
    %swap3A_164 = arith.index_cast %swap3A_163 : i32 to index
    %swap3A_165 = arith.constant 48 : index
    %swap3A_166 = tpu.vector_load %arg5[%swap3A_164, %swap3A_165] {strides = array<i32>} : memref<13x128xi32, #tpu.memory_space<vmem>>, vector<1x16xi32>,
    %swap3A_167 = vector.shape_cast %swap3A_166 : vector<1x16xi32> to vector<16xi32>
    %swap3A_168 = vector.shape_cast %add3A_162 : vector<16xi32> to vector<1x16xi32>
    tpu.vector_store %arg5[%swap3A_164, %swap3A_165], %swap3A_168 {strides = array<i32>} : memref<13x128xi32, #tpu.memory_space<vmem>>, vector<1x16xi32>,
    %get3A_169 = arith.constant 1 : i32
    %get3A_170 = arith.index_cast %get3A_169 : i32 to index
    %get3A_171 = arith.constant 64 : index
    %get3A_172 = tpu.vector_load %arg5[%get3A_170, %get3A_171] {strides = array<i32>} : memref<13x128xi32, #tpu.memory_space<vmem>>, vector<1x16xi32>,
    %get3A_173 = vector.shape_cast %get3A_172 : vector<1x16xi32> to vector<16xi32>
    %add3A_174 = arith.constant 1400000 : i32
    %add3A_175 = vector.broadcast %add3A_174 : i32 to vector<16xi32>
    %add3A_176 = arith.addi %get3A_173, %add3A_175 : vector<16xi32>
    %swap3A_177 = arith.constant 1 : i32
    %swap3A_178 = arith.index_cast %swap3A_177 : i32 to index
    %swap3A_179 = arith.constant 64 : index
    %swap3A_180 = tpu.vector_load %arg5[%swap3A_178, %swap3A_179] {strides = array<i32>} : memref<13x128xi32, #tpu.memory_space<vmem>>, vector<1x16xi32>,
    %swap3A_181 = vector.shape_cast %swap3A_180 : vector<1x16xi32> to vector<16xi32>
    %swap3A_182 = vector.shape_cast %add3A_176 : vector<16xi32> to vector<1x16xi32>
    tpu.vector_store %arg5[%swap3A_178, %swap3A_179], %swap3A_182 {strides = array<i32>} : memref<13x128xi32, #tpu.memory_space<vmem>>, vector<1x16xi32>,
    %get3A_183 = arith.constant 1 : i32
    %get3A_184 = arith.index_cast %get3A_183 : i32 to index
    %get3A_185 = arith.constant 80 : index
    %get3A_186 = tpu.vector_load %arg5[%get3A_184, %get3A_185] {strides = array<i32>} : memref<13x128xi32, #tpu.memory_space<vmem>>, vector<1x16xi32>,
    %get3A_187 = vector.shape_cast %get3A_186 : vector<1x16xi32> to vector<16xi32>
    %add3A_188 = arith.constant 1400000 : i32
    %add3A_189 = vector.broadcast %add3A_188 : i32 to vector<16xi32>
    %add3A_190 = arith.addi %get3A_187, %add3A_189 : vector<16xi32>
    %swap3A_191 = arith.constant 1 : i32
    %swap3A_192 = arith.index_cast %swap3A_191 : i32 to index
    %swap3A_193 = arith.constant 80 : index
    %swap3A_194 = tpu.vector_load %arg5[%swap3A_192, %swap3A_193] {strides = array<i32>} : memref<13x128xi32, #tpu.memory_space<vmem>>, vector<1x16xi32>,
    %swap3A_195 = vector.shape_cast %swap3A_194 : vector<1x16xi32> to vector<16xi32>
    %swap3A_196 = vector.shape_cast %add3A_190 : vector<16xi32> to vector<1x16xi32>
    tpu.vector_store %arg5[%swap3A_192, %swap3A_193], %swap3A_196 {strides = array<i32>} : memref<13x128xi32, #tpu.memory_space<vmem>>, vector<1x16xi32>,
    %get3A_197 = arith.constant 1 : i32
    %get3A_198 = arith.index_cast %get3A_197 : i32 to index
    %get3A_199 = arith.constant 96 : index
    %get3A_200 = tpu.vector_load %arg5[%get3A_198, %get3A_199] {strides = array<i32>} : memref<13x128xi32, #tpu.memory_space<vmem>>, vector<1x16xi32>,
    %get3A_201 = vector.shape_cast %get3A_200 : vector<1x16xi32> to vector<16xi32>
    %add3A_202 = arith.constant 1400000 : i32
    %add3A_203 = vector.broadcast %add3A_202 : i32 to vector<16xi32>
    %add3A_204 = arith.addi %get3A_201, %add3A_203 : vector<16xi32>
    %swap3A_205 = arith.constant 1 : i32
    %swap3A_206 = arith.index_cast %swap3A_205 : i32 to index
    %swap3A_207 = arith.constant 96 : index
    %swap3A_208 = tpu.vector_load %arg5[%swap3A_206, %swap3A_207] {strides = array<i32>} : memref<13x128xi32, #tpu.memory_space<vmem>>, vector<1x16xi32>,
    %swap3A_209 = vector.shape_cast %swap3A_208 : vector<1x16xi32> to vector<16xi32>
    %swap3A_210 = vector.shape_cast %add3A_204 : vector<16xi32> to vector<1x16xi32>
    tpu.vector_store %arg5[%swap3A_206, %swap3A_207], %swap3A_210 {strides = array<i32>} : memref<13x128xi32, #tpu.memory_space<vmem>>, vector<1x16xi32>,
    %get3A_211 = arith.constant 1 : i32
    %get3A_212 = arith.index_cast %get3A_211 : i32 to index
    %get3A_213 = arith.constant 112 : index
    %get3A_214 = tpu.vector_load %arg5[%get3A_212, %get3A_213] {strides = array<i32>} : memref<13x128xi32, #tpu.memory_space<vmem>>, vector<1x16xi32>,
    %get3A_215 = vector.shape_cast %get3A_214 : vector<1x16xi32> to vector<16xi32>
    %add3A_216 = arith.constant 1400000 : i32
    %add3A_217 = vector.broadcast %add3A_216 : i32 to vector<16xi32>
    %add3A_218 = arith.addi %get3A_215, %add3A_217 : vector<16xi32>
    %swap3A_219 = arith.constant 1 : i32
    %swap3A_220 = arith.index_cast %swap3A_219 : i32 to index
    %swap3A_221 = arith.constant 112 : index
    %swap3A_222 = tpu.vector_load %arg5[%swap3A_220, %swap3A_221] {strides = array<i32>} : memref<13x128xi32, #tpu.memory_space<vmem>>, vector<1x16xi32>,
    %swap3A_223 = vector.shape_cast %swap3A_222 : vector<1x16xi32> to vector<16xi32>
    %swap3A_224 = vector.shape_cast %add3A_218 : vector<16xi32> to vector<1x16xi32>
    tpu.vector_store %arg5[%swap3A_220, %swap3A_221], %swap3A_224 {strides = array<i32>} : memref<13x128xi32, #tpu.memory_space<vmem>>, vector<1x16xi32>,
    %get3A_225 = arith.constant 2 : i32
    %get3A_226 = arith.index_cast %get3A_225 : i32 to index
    %get3A_227 = arith.constant 0 : index
    %get3A_228 = tpu.vector_load %arg5[%get3A_226, %get3A_227] {strides = array<i32>} : memref<13x128xi32, #tpu.memory_space<vmem>>, vector<1x16xi32>,
    %get3A_229 = vector.shape_cast %get3A_228 : vector<1x16xi32> to vector<16xi32>
    %add3A_230 = arith.constant 1500000 : i32
    %add3A_231 = vector.broadcast %add3A_230 : i32 to vector<16xi32>
    %add3A_232 = arith.addi %get3A_229, %add3A_231 : vector<16xi32>
    %swap3A_233 = arith.constant 2 : i32
    %swap3A_234 = arith.index_cast %swap3A_233 : i32 to index
    %swap3A_235 = arith.constant 0 : index
    %swap3A_236 = tpu.vector_load %arg5[%swap3A_234, %swap3A_235] {strides = array<i32>} : memref<13x128xi32, #tpu.memory_space<vmem>>, vector<1x16xi32>,
    %swap3A_237 = vector.shape_cast %swap3A_236 : vector<1x16xi32> to vector<16xi32>
    %swap3A_238 = vector.shape_cast %add3A_232 : vector<16xi32> to vector<1x16xi32>
    tpu.vector_store %arg5[%swap3A_234, %swap3A_235], %swap3A_238 {strides = array<i32>} : memref<13x128xi32, #tpu.memory_space<vmem>>, vector<1x16xi32>,
    %get3A_239 = arith.constant 2 : i32
    %get3A_240 = arith.index_cast %get3A_239 : i32 to index
    %get3A_241 = arith.constant 16 : index
    %get3A_242 = tpu.vector_load %arg5[%get3A_240, %get3A_241] {strides = array<i32>} : memref<13x128xi32, #tpu.memory_space<vmem>>, vector<1x16xi32>,
    %get3A_243 = vector.shape_cast %get3A_242 : vector<1x16xi32> to vector<16xi32>
    %add3A_244 = arith.constant 1500000 : i32
    %add3A_245 = vector.broadcast %add3A_244 : i32 to vector<16xi32>
    %add3A_246 = arith.addi %get3A_243, %add3A_245 : vector<16xi32>
    %swap3A_247 = arith.constant 2 : i32
    %swap3A_248 = arith.index_cast %swap3A_247 : i32 to index
    %swap3A_249 = arith.constant 16 : index
    %swap3A_250 = tpu.vector_load %arg5[%swap3A_248, %swap3A_249] {strides = array<i32>} : memref<13x128xi32, #tpu.memory_space<vmem>>, vector<1x16xi32>,
    %swap3A_251 = vector.shape_cast %swap3A_250 : vector<1x16xi32> to vector<16xi32>
    %swap3A_252 = vector.shape_cast %add3A_246 : vector<16xi32> to vector<1x16xi32>
    tpu.vector_store %arg5[%swap3A_248, %swap3A_249], %swap3A_252 {strides = array<i32>} : memref<13x128xi32, #tpu.memory_space<vmem>>, vector<1x16xi32>,
    %get3A_253 = arith.constant 2 : i32
    %get3A_254 = arith.index_cast %get3A_253 : i32 to index
    %get3A_255 = arith.constant 32 : index
    %get3A_256 = tpu.vector_load %arg5[%get3A_254, %get3A_255] {strides = array<i32>} : memref<13x128xi32, #tpu.memory_space<vmem>>, vector<1x16xi32>,
    %get3A_257 = vector.shape_cast %get3A_256 : vector<1x16xi32> to vector<16xi32>
    %add3A_258 = arith.constant 1500000 : i32
    %add3A_259 = vector.broadcast %add3A_258 : i32 to vector<16xi32>
    %add3A_260 = arith.addi %get3A_257, %add3A_259 : vector<16xi32>
    %swap3A_261 = arith.constant 2 : i32
    %swap3A_262 = arith.index_cast %swap3A_261 : i32 to index
    %swap3A_263 = arith.constant 32 : index
    %swap3A_264 = tpu.vector_load %arg5[%swap3A_262, %swap3A_263] {strides = array<i32>} : memref<13x128xi32, #tpu.memory_space<vmem>>, vector<1x16xi32>,
    %swap3A_265 = vector.shape_cast %swap3A_264 : vector<1x16xi32> to vector<16xi32>
    %swap3A_266 = vector.shape_cast %add3A_260 : vector<16xi32> to vector<1x16xi32>
    tpu.vector_store %arg5[%swap3A_262, %swap3A_263], %swap3A_266 {strides = array<i32>} : memref<13x128xi32, #tpu.memory_space<vmem>>, vector<1x16xi32>,
    %get3A_267 = arith.constant 2 : i32
    %get3A_268 = arith.index_cast %get3A_267 : i32 to index
    %get3A_269 = arith.constant 48 : index
    %get3A_270 = tpu.vector_load %arg5[%get3A_268, %get3A_269] {strides = array<i32>} : memref<13x128xi32, #tpu.memory_space<vmem>>, vector<1x16xi32>,
    %get3A_271 = vector.shape_cast %get3A_270 : vector<1x16xi32> to vector<16xi32>
    %add3A_272 = arith.constant 1500000 : i32
    %add3A_273 = vector.broadcast %add3A_272 : i32 to vector<16xi32>
    %add3A_274 = arith.addi %get3A_271, %add3A_273 : vector<16xi32>
    %swap3A_275 = arith.constant 2 : i32
    %swap3A_276 = arith.index_cast %swap3A_275 : i32 to index
    %swap3A_277 = arith.constant 48 : index
    %swap3A_278 = tpu.vector_load %arg5[%swap3A_276, %swap3A_277] {strides = array<i32>} : memref<13x128xi32, #tpu.memory_space<vmem>>, vector<1x16xi32>,
    %swap3A_279 = vector.shape_cast %swap3A_278 : vector<1x16xi32> to vector<16xi32>
    %swap3A_280 = vector.shape_cast %add3A_274 : vector<16xi32> to vector<1x16xi32>
    tpu.vector_store %arg5[%swap3A_276, %swap3A_277], %swap3A_280 {strides = array<i32>} : memref<13x128xi32, #tpu.memory_space<vmem>>, vector<1x16xi32>,
    %get3A_281 = arith.constant 2 : i32
    %get3A_282 = arith.index_cast %get3A_281 : i32 to index
    %get3A_283 = arith.constant 64 : index
    %get3A_284 = tpu.vector_load %arg5[%get3A_282, %get3A_283] {strides = array<i32>} : memref<13x128xi32, #tpu.memory_space<vmem>>, vector<1x16xi32>,
    %get3A_285 = vector.shape_cast %get3A_284 : vector<1x16xi32> to vector<16xi32>
    %add3A_286 = arith.constant 1500000 : i32
    %add3A_287 = vector.broadcast %add3A_286 : i32 to vector<16xi32>
    %add3A_288 = arith.addi %get3A_285, %add3A_287 : vector<16xi32>
    %swap3A_289 = arith.constant 2 : i32
    %swap3A_290 = arith.index_cast %swap3A_289 : i32 to index
    %swap3A_291 = arith.constant 64 : index
    %swap3A_292 = tpu.vector_load %arg5[%swap3A_290, %swap3A_291] {strides = array<i32>} : memref<13x128xi32, #tpu.memory_space<vmem>>, vector<1x16xi32>,
    %swap3A_293 = vector.shape_cast %swap3A_292 : vector<1x16xi32> to vector<16xi32>
    %swap3A_294 = vector.shape_cast %add3A_288 : vector<16xi32> to vector<1x16xi32>
    tpu.vector_store %arg5[%swap3A_290, %swap3A_291], %swap3A_294 {strides = array<i32>} : memref<13x128xi32, #tpu.memory_space<vmem>>, vector<1x16xi32>,
    %get3A_295 = arith.constant 2 : i32
    %get3A_296 = arith.index_cast %get3A_295 : i32 to index
    %get3A_297 = arith.constant 80 : index
    %get3A_298 = tpu.vector_load %arg5[%get3A_296, %get3A_297] {strides = array<i32>} : memref<13x128xi32, #tpu.memory_space<vmem>>, vector<1x16xi32>,
    %get3A_299 = vector.shape_cast %get3A_298 : vector<1x16xi32> to vector<16xi32>
    %add3A_300 = arith.constant 1500000 : i32
    %add3A_301 = vector.broadcast %add3A_300 : i32 to vector<16xi32>
    %add3A_302 = arith.addi %get3A_299, %add3A_301 : vector<16xi32>
    %swap3A_303 = arith.constant 2 : i32
    %swap3A_304 = arith.index_cast %swap3A_303 : i32 to index
    %swap3A_305 = arith.constant 80 : index
    %swap3A_306 = tpu.vector_load %arg5[%swap3A_304, %swap3A_305] {strides = array<i32>} : memref<13x128xi32, #tpu.memory_space<vmem>>, vector<1x16xi32>,
    %swap3A_307 = vector.shape_cast %swap3A_306 : vector<1x16xi32> to vector<16xi32>
    %swap3A_308 = vector.shape_cast %add3A_302 : vector<16xi32> to vector<1x16xi32>
    tpu.vector_store %arg5[%swap3A_304, %swap3A_305], %swap3A_308 {strides = array<i32>} : memref<13x128xi32, #tpu.memory_space<vmem>>, vector<1x16xi32>,
    %get3A_309 = arith.constant 2 : i32
    %get3A_310 = arith.index_cast %get3A_309 : i32 to index
    %get3A_311 = arith.constant 96 : index
    %get3A_312 = tpu.vector_load %arg5[%get3A_310, %get3A_311] {strides = array<i32>} : memref<13x128xi32, #tpu.memory_space<vmem>>, vector<1x16xi32>,
    %get3A_313 = vector.shape_cast %get3A_312 : vector<1x16xi32> to vector<16xi32>
    %add3A_314 = arith.constant 1500000 : i32
    %add3A_315 = vector.broadcast %add3A_314 : i32 to vector<16xi32>
    %add3A_316 = arith.addi %get3A_313, %add3A_315 : vector<16xi32>
    %swap3A_317 = arith.constant 2 : i32
    %swap3A_318 = arith.index_cast %swap3A_317 : i32 to index
    %swap3A_319 = arith.constant 96 : index
    %swap3A_320 = tpu.vector_load %arg5[%swap3A_318, %swap3A_319] {strides = array<i32>} : memref<13x128xi32, #tpu.memory_space<vmem>>, vector<1x16xi32>,
    %swap3A_321 = vector.shape_cast %swap3A_320 : vector<1x16xi32> to vector<16xi32>
    %swap3A_322 = vector.shape_cast %add3A_316 : vector<16xi32> to vector<1x16xi32>
    tpu.vector_store %arg5[%swap3A_318, %swap3A_319], %swap3A_322 {strides = array<i32>} : memref<13x128xi32, #tpu.memory_space<vmem>>, vector<1x16xi32>,
    %get3A_323 = arith.constant 2 : i32
    %get3A_324 = arith.index_cast %get3A_323 : i32 to index
    %get3A_325 = arith.constant 112 : index
    %get3A_326 = tpu.vector_load %arg5[%get3A_324, %get3A_325] {strides = array<i32>} : memref<13x128xi32, #tpu.memory_space<vmem>>, vector<1x16xi32>,
    %get3A_327 = vector.shape_cast %get3A_326 : vector<1x16xi32> to vector<16xi32>
    %add3A_328 = arith.constant 1500000 : i32
    %add3A_329 = vector.broadcast %add3A_328 : i32 to vector<16xi32>
    %add3A_330 = arith.addi %get3A_327, %add3A_329 : vector<16xi32>
    %swap3A_331 = arith.constant 2 : i32
    %swap3A_332 = arith.index_cast %swap3A_331 : i32 to index
    %swap3A_333 = arith.constant 112 : index
    %swap3A_334 = tpu.vector_load %arg5[%swap3A_332, %swap3A_333] {strides = array<i32>} : memref<13x128xi32, #tpu.memory_space<vmem>>, vector<1x16xi32>,
    %swap3A_335 = vector.shape_cast %swap3A_334 : vector<1x16xi32> to vector<16xi32>
    %swap3A_336 = vector.shape_cast %add3A_330 : vector<16xi32> to vector<1x16xi32>
    tpu.vector_store %arg5[%swap3A_332, %swap3A_333], %swap3A_336 {strides = array<i32>} : memref<13x128xi32, #tpu.memory_space<vmem>>, vector<1x16xi32>,
    %get3A_337 = arith.constant 3 : i32
    %get3A_338 = arith.index_cast %get3A_337 : i32 to index
    %get3A_339 = arith.constant 0 : index
    %get3A_340 = tpu.vector_load %arg5[%get3A_338, %get3A_339] {strides = array<i32>} : memref<13x128xi32, #tpu.memory_space<vmem>>, vector<1x16xi32>,
    %get3A_341 = vector.shape_cast %get3A_340 : vector<1x16xi32> to vector<16xi32>
    %add3A_342 = arith.constant 1600000 : i32
    %add3A_343 = vector.broadcast %add3A_342 : i32 to vector<16xi32>
    %add3A_344 = arith.addi %get3A_341, %add3A_343 : vector<16xi32>
    %swap3A_345 = arith.constant 3 : i32
    %swap3A_346 = arith.index_cast %swap3A_345 : i32 to index
    %swap3A_347 = arith.constant 0 : index
    %swap3A_348 = tpu.vector_load %arg5[%swap3A_346, %swap3A_347] {strides = array<i32>} : memref<13x128xi32, #tpu.memory_space<vmem>>, vector<1x16xi32>,
    %swap3A_349 = vector.shape_cast %swap3A_348 : vector<1x16xi32> to vector<16xi32>
    %swap3A_350 = vector.shape_cast %add3A_344 : vector<16xi32> to vector<1x16xi32>
    tpu.vector_store %arg5[%swap3A_346, %swap3A_347], %swap3A_350 {strides = array<i32>} : memref<13x128xi32, #tpu.memory_space<vmem>>, vector<1x16xi32>,
    %get3A_351 = arith.constant 3 : i32
    %get3A_352 = arith.index_cast %get3A_351 : i32 to index
    %get3A_353 = arith.constant 16 : index
    %get3A_354 = tpu.vector_load %arg5[%get3A_352, %get3A_353] {strides = array<i32>} : memref<13x128xi32, #tpu.memory_space<vmem>>, vector<1x16xi32>,
    %get3A_355 = vector.shape_cast %get3A_354 : vector<1x16xi32> to vector<16xi32>
    %add3A_356 = arith.constant 1600000 : i32
    %add3A_357 = vector.broadcast %add3A_356 : i32 to vector<16xi32>
    %add3A_358 = arith.addi %get3A_355, %add3A_357 : vector<16xi32>
    %swap3A_359 = arith.constant 3 : i32
    %swap3A_360 = arith.index_cast %swap3A_359 : i32 to index
    %swap3A_361 = arith.constant 16 : index
    %swap3A_362 = tpu.vector_load %arg5[%swap3A_360, %swap3A_361] {strides = array<i32>} : memref<13x128xi32, #tpu.memory_space<vmem>>, vector<1x16xi32>,
    %swap3A_363 = vector.shape_cast %swap3A_362 : vector<1x16xi32> to vector<16xi32>
    %swap3A_364 = vector.shape_cast %add3A_358 : vector<16xi32> to vector<1x16xi32>
    tpu.vector_store %arg5[%swap3A_360, %swap3A_361], %swap3A_364 {strides = array<i32>} : memref<13x128xi32, #tpu.memory_space<vmem>>, vector<1x16xi32>,
    %get3A_365 = arith.constant 3 : i32
    %get3A_366 = arith.index_cast %get3A_365 : i32 to index
    %get3A_367 = arith.constant 32 : index
    %get3A_368 = tpu.vector_load %arg5[%get3A_366, %get3A_367] {strides = array<i32>} : memref<13x128xi32, #tpu.memory_space<vmem>>, vector<1x16xi32>,
    %get3A_369 = vector.shape_cast %get3A_368 : vector<1x16xi32> to vector<16xi32>
    %add3A_370 = arith.constant 1600000 : i32
    %add3A_371 = vector.broadcast %add3A_370 : i32 to vector<16xi32>
    %add3A_372 = arith.addi %get3A_369, %add3A_371 : vector<16xi32>
    %swap3A_373 = arith.constant 3 : i32
    %swap3A_374 = arith.index_cast %swap3A_373 : i32 to index
    %swap3A_375 = arith.constant 32 : index
    %swap3A_376 = tpu.vector_load %arg5[%swap3A_374, %swap3A_375] {strides = array<i32>} : memref<13x128xi32, #tpu.memory_space<vmem>>, vector<1x16xi32>,
    %swap3A_377 = vector.shape_cast %swap3A_376 : vector<1x16xi32> to vector<16xi32>
    %swap3A_378 = vector.shape_cast %add3A_372 : vector<16xi32> to vector<1x16xi32>
    tpu.vector_store %arg5[%swap3A_374, %swap3A_375], %swap3A_378 {strides = array<i32>} : memref<13x128xi32, #tpu.memory_space<vmem>>, vector<1x16xi32>,
    %get3A_379 = arith.constant 3 : i32
    %get3A_380 = arith.index_cast %get3A_379 : i32 to index
    %get3A_381 = arith.constant 48 : index
    %get3A_382 = tpu.vector_load %arg5[%get3A_380, %get3A_381] {strides = array<i32>} : memref<13x128xi32, #tpu.memory_space<vmem>>, vector<1x16xi32>,
    %get3A_383 = vector.shape_cast %get3A_382 : vector<1x16xi32> to vector<16xi32>
    %add3A_384 = arith.constant 1600000 : i32
    %add3A_385 = vector.broadcast %add3A_384 : i32 to vector<16xi32>
    %add3A_386 = arith.addi %get3A_383, %add3A_385 : vector<16xi32>
    %swap3A_387 = arith.constant 3 : i32
    %swap3A_388 = arith.index_cast %swap3A_387 : i32 to index
    %swap3A_389 = arith.constant 48 : index
    %swap3A_390 = tpu.vector_load %arg5[%swap3A_388, %swap3A_389] {strides = array<i32>} : memref<13x128xi32, #tpu.memory_space<vmem>>, vector<1x16xi32>,
    %swap3A_391 = vector.shape_cast %swap3A_390 : vector<1x16xi32> to vector<16xi32>
    %swap3A_392 = vector.shape_cast %add3A_386 : vector<16xi32> to vector<1x16xi32>
    tpu.vector_store %arg5[%swap3A_388, %swap3A_389], %swap3A_392 {strides = array<i32>} : memref<13x128xi32, #tpu.memory_space<vmem>>, vector<1x16xi32>,
    %get3A_393 = arith.constant 3 : i32
    %get3A_394 = arith.index_cast %get3A_393 : i32 to index
    %get3A_395 = arith.constant 64 : index
    %get3A_396 = tpu.vector_load %arg5[%get3A_394, %get3A_395] {strides = array<i32>} : memref<13x128xi32, #tpu.memory_space<vmem>>, vector<1x16xi32>,
    %get3A_397 = vector.shape_cast %get3A_396 : vector<1x16xi32> to vector<16xi32>
    %add3A_398 = arith.constant 1600000 : i32
    %add3A_399 = vector.broadcast %add3A_398 : i32 to vector<16xi32>
    %add3A_400 = arith.addi %get3A_397, %add3A_399 : vector<16xi32>
    %swap3A_401 = arith.constant 3 : i32
    %swap3A_402 = arith.index_cast %swap3A_401 : i32 to index
    %swap3A_403 = arith.constant 64 : index
    %swap3A_404 = tpu.vector_load %arg5[%swap3A_402, %swap3A_403] {strides = array<i32>} : memref<13x128xi32, #tpu.memory_space<vmem>>, vector<1x16xi32>,
    %swap3A_405 = vector.shape_cast %swap3A_404 : vector<1x16xi32> to vector<16xi32>
    %swap3A_406 = vector.shape_cast %add3A_400 : vector<16xi32> to vector<1x16xi32>
    tpu.vector_store %arg5[%swap3A_402, %swap3A_403], %swap3A_406 {strides = array<i32>} : memref<13x128xi32, #tpu.memory_space<vmem>>, vector<1x16xi32>,
    %get3A_407 = arith.constant 3 : i32
    %get3A_408 = arith.index_cast %get3A_407 : i32 to index
    %get3A_409 = arith.constant 80 : index
    %get3A_410 = tpu.vector_load %arg5[%get3A_408, %get3A_409] {strides = array<i32>} : memref<13x128xi32, #tpu.memory_space<vmem>>, vector<1x16xi32>,
    %get3A_411 = vector.shape_cast %get3A_410 : vector<1x16xi32> to vector<16xi32>
    %add3A_412 = arith.constant 1600000 : i32
    %add3A_413 = vector.broadcast %add3A_412 : i32 to vector<16xi32>
    %add3A_414 = arith.addi %get3A_411, %add3A_413 : vector<16xi32>
    %swap3A_415 = arith.constant 3 : i32
    %swap3A_416 = arith.index_cast %swap3A_415 : i32 to index
    %swap3A_417 = arith.constant 80 : index
    %swap3A_418 = tpu.vector_load %arg5[%swap3A_416, %swap3A_417] {strides = array<i32>} : memref<13x128xi32, #tpu.memory_space<vmem>>, vector<1x16xi32>,
    %swap3A_419 = vector.shape_cast %swap3A_418 : vector<1x16xi32> to vector<16xi32>
    %swap3A_420 = vector.shape_cast %add3A_414 : vector<16xi32> to vector<1x16xi32>
    tpu.vector_store %arg5[%swap3A_416, %swap3A_417], %swap3A_420 {strides = array<i32>} : memref<13x128xi32, #tpu.memory_space<vmem>>, vector<1x16xi32>,
    %get3A_421 = arith.constant 3 : i32
    %get3A_422 = arith.index_cast %get3A_421 : i32 to index
    %get3A_423 = arith.constant 96 : index
    %get3A_424 = tpu.vector_load %arg5[%get3A_422, %get3A_423] {strides = array<i32>} : memref<13x128xi32, #tpu.memory_space<vmem>>, vector<1x16xi32>,
    %get3A_425 = vector.shape_cast %get3A_424 : vector<1x16xi32> to vector<16xi32>
    %add3A_426 = arith.constant 1600000 : i32
    %add3A_427 = vector.broadcast %add3A_426 : i32 to vector<16xi32>
    %add3A_428 = arith.addi %get3A_425, %add3A_427 : vector<16xi32>
    %swap3A_429 = arith.constant 3 : i32
    %swap3A_430 = arith.index_cast %swap3A_429 : i32 to index
    %swap3A_431 = arith.constant 96 : index
    %swap3A_432 = tpu.vector_load %arg5[%swap3A_430, %swap3A_431] {strides = array<i32>} : memref<13x128xi32, #tpu.memory_space<vmem>>, vector<1x16xi32>,
    %swap3A_433 = vector.shape_cast %swap3A_432 : vector<1x16xi32> to vector<16xi32>
    %swap3A_434 = vector.shape_cast %add3A_428 : vector<16xi32> to vector<1x16xi32>
    tpu.vector_store %arg5[%swap3A_430, %swap3A_431], %swap3A_434 {strides = array<i32>} : memref<13x128xi32, #tpu.memory_space<vmem>>, vector<1x16xi32>,
    %get3A_435 = arith.constant 3 : i32
    %get3A_436 = arith.index_cast %get3A_435 : i32 to index
    %get3A_437 = arith.constant 112 : index
    %get3A_438 = tpu.vector_load %arg5[%get3A_436, %get3A_437] {strides = array<i32>} : memref<13x128xi32, #tpu.memory_space<vmem>>, vector<1x16xi32>,
    %get3A_439 = vector.shape_cast %get3A_438 : vector<1x16xi32> to vector<16xi32>
    %add3A_440 = arith.constant 1600000 : i32
    %add3A_441 = vector.broadcast %add3A_440 : i32 to vector<16xi32>
    %add3A_442 = arith.addi %get3A_439, %add3A_441 : vector<16xi32>
    %swap3A_443 = arith.constant 3 : i32
    %swap3A_444 = arith.index_cast %swap3A_443 : i32 to index
    %swap3A_445 = arith.constant 112 : index
    %swap3A_446 = tpu.vector_load %arg5[%swap3A_444, %swap3A_445] {strides = array<i32>} : memref<13x128xi32, #tpu.memory_space<vmem>>, vector<1x16xi32>,
    %swap3A_447 = vector.shape_cast %swap3A_446 : vector<1x16xi32> to vector<16xi32>
    %swap3A_448 = vector.shape_cast %add3A_442 : vector<16xi32> to vector<1x16xi32>
    tpu.vector_store %arg5[%swap3A_444, %swap3A_445], %swap3A_448 {strides = array<i32>} : memref<13x128xi32, #tpu.memory_space<vmem>>, vector<1x16xi32>,
    %get3A_449 = arith.constant 4 : i32
    %get3A_450 = arith.index_cast %get3A_449 : i32 to index
    %get3A_451 = arith.constant 0 : index
    %get3A_452 = tpu.vector_load %arg5[%get3A_450, %get3A_451] {strides = array<i32>} : memref<13x128xi32, #tpu.memory_space<vmem>>, vector<1x16xi32>,
    %get3A_453 = vector.shape_cast %get3A_452 : vector<1x16xi32> to vector<16xi32>
    %add3A_454 = arith.constant 1700000 : i32
    %add3A_455 = vector.broadcast %add3A_454 : i32 to vector<16xi32>
    %add3A_456 = arith.addi %get3A_453, %add3A_455 : vector<16xi32>
    %swap3A_457 = arith.constant 4 : i32
    %swap3A_458 = arith.index_cast %swap3A_457 : i32 to index
    %swap3A_459 = arith.constant 0 : index
    %swap3A_460 = tpu.vector_load %arg5[%swap3A_458, %swap3A_459] {strides = array<i32>} : memref<13x128xi32, #tpu.memory_space<vmem>>, vector<1x16xi32>,
    %swap3A_461 = vector.shape_cast %swap3A_460 : vector<1x16xi32> to vector<16xi32>
    %swap3A_462 = vector.shape_cast %add3A_456 : vector<16xi32> to vector<1x16xi32>
    tpu.vector_store %arg5[%swap3A_458, %swap3A_459], %swap3A_462 {strides = array<i32>} : memref<13x128xi32, #tpu.memory_space<vmem>>, vector<1x16xi32>,
    %get3A_463 = arith.constant 4 : i32
    %get3A_464 = arith.index_cast %get3A_463 : i32 to index
    %get3A_465 = arith.constant 16 : index
    %get3A_466 = tpu.vector_load %arg5[%get3A_464, %get3A_465] {strides = array<i32>} : memref<13x128xi32, #tpu.memory_space<vmem>>, vector<1x16xi32>,
    %get3A_467 = vector.shape_cast %get3A_466 : vector<1x16xi32> to vector<16xi32>
    %add3A_468 = arith.constant 1700000 : i32
    %add3A_469 = vector.broadcast %add3A_468 : i32 to vector<16xi32>
    %add3A_470 = arith.addi %get3A_467, %add3A_469 : vector<16xi32>
    %swap3A_471 = arith.constant 4 : i32
    %swap3A_472 = arith.index_cast %swap3A_471 : i32 to index
    %swap3A_473 = arith.constant 16 : index
    %swap3A_474 = tpu.vector_load %arg5[%swap3A_472, %swap3A_473] {strides = array<i32>} : memref<13x128xi32, #tpu.memory_space<vmem>>, vector<1x16xi32>,
    %swap3A_475 = vector.shape_cast %swap3A_474 : vector<1x16xi32> to vector<16xi32>
    %swap3A_476 = vector.shape_cast %add3A_470 : vector<16xi32> to vector<1x16xi32>
    tpu.vector_store %arg5[%swap3A_472, %swap3A_473], %swap3A_476 {strides = array<i32>} : memref<13x128xi32, #tpu.memory_space<vmem>>, vector<1x16xi32>,
    %get3A_477 = arith.constant 4 : i32
    %get3A_478 = arith.index_cast %get3A_477 : i32 to index
    %get3A_479 = arith.constant 32 : index
    %get3A_480 = tpu.vector_load %arg5[%get3A_478, %get3A_479] {strides = array<i32>} : memref<13x128xi32, #tpu.memory_space<vmem>>, vector<1x16xi32>,
    %get3A_481 = vector.shape_cast %get3A_480 : vector<1x16xi32> to vector<16xi32>
    %add3A_482 = arith.constant 1700000 : i32
    %add3A_483 = vector.broadcast %add3A_482 : i32 to vector<16xi32>
    %add3A_484 = arith.addi %get3A_481, %add3A_483 : vector<16xi32>
    %swap3A_485 = arith.constant 4 : i32
    %swap3A_486 = arith.index_cast %swap3A_485 : i32 to index
    %swap3A_487 = arith.constant 32 : index
    %swap3A_488 = tpu.vector_load %arg5[%swap3A_486, %swap3A_487] {strides = array<i32>} : memref<13x128xi32, #tpu.memory_space<vmem>>, vector<1x16xi32>,
    %swap3A_489 = vector.shape_cast %swap3A_488 : vector<1x16xi32> to vector<16xi32>
    %swap3A_490 = vector.shape_cast %add3A_484 : vector<16xi32> to vector<1x16xi32>
    tpu.vector_store %arg5[%swap3A_486, %swap3A_487], %swap3A_490 {strides = array<i32>} : memref<13x128xi32, #tpu.memory_space<vmem>>, vector<1x16xi32>,
    %get3A_491 = arith.constant 4 : i32
    %get3A_492 = arith.index_cast %get3A_491 : i32 to index
    %get3A_493 = arith.constant 48 : index
    %get3A_494 = tpu.vector_load %arg5[%get3A_492, %get3A_493] {strides = array<i32>} : memref<13x128xi32, #tpu.memory_space<vmem>>, vector<1x16xi32>,
    %get3A_495 = vector.shape_cast %get3A_494 : vector<1x16xi32> to vector<16xi32>
    %add3A_496 = arith.constant 1700000 : i32
    %add3A_497 = vector.broadcast %add3A_496 : i32 to vector<16xi32>
    %add3A_498 = arith.addi %get3A_495, %add3A_497 : vector<16xi32>
    %swap3A_499 = arith.constant 4 : i32
    %swap3A_500 = arith.index_cast %swap3A_499 : i32 to index
    %swap3A_501 = arith.constant 48 : index
    %swap3A_502 = tpu.vector_load %arg5[%swap3A_500, %swap3A_501] {strides = array<i32>} : memref<13x128xi32, #tpu.memory_space<vmem>>, vector<1x16xi32>,
    %swap3A_503 = vector.shape_cast %swap3A_502 : vector<1x16xi32> to vector<16xi32>
    %swap3A_504 = vector.shape_cast %add3A_498 : vector<16xi32> to vector<1x16xi32>
    tpu.vector_store %arg5[%swap3A_500, %swap3A_501], %swap3A_504 {strides = array<i32>} : memref<13x128xi32, #tpu.memory_space<vmem>>, vector<1x16xi32>,
    %get3A_505 = arith.constant 4 : i32
    %get3A_506 = arith.index_cast %get3A_505 : i32 to index
    %get3A_507 = arith.constant 64 : index
    %get3A_508 = tpu.vector_load %arg5[%get3A_506, %get3A_507] {strides = array<i32>} : memref<13x128xi32, #tpu.memory_space<vmem>>, vector<1x16xi32>,
    %get3A_509 = vector.shape_cast %get3A_508 : vector<1x16xi32> to vector<16xi32>
    %add3A_510 = arith.constant 1700000 : i32
    %add3A_511 = vector.broadcast %add3A_510 : i32 to vector<16xi32>
    %add3A_512 = arith.addi %get3A_509, %add3A_511 : vector<16xi32>
    %swap3A_513 = arith.constant 4 : i32
    %swap3A_514 = arith.index_cast %swap3A_513 : i32 to index
    %swap3A_515 = arith.constant 64 : index
    %swap3A_516 = tpu.vector_load %arg5[%swap3A_514, %swap3A_515] {strides = array<i32>} : memref<13x128xi32, #tpu.memory_space<vmem>>, vector<1x16xi32>,
    %swap3A_517 = vector.shape_cast %swap3A_516 : vector<1x16xi32> to vector<16xi32>
    %swap3A_518 = vector.shape_cast %add3A_512 : vector<16xi32> to vector<1x16xi32>
    tpu.vector_store %arg5[%swap3A_514, %swap3A_515], %swap3A_518 {strides = array<i32>} : memref<13x128xi32, #tpu.memory_space<vmem>>, vector<1x16xi32>,
    %get3A_519 = arith.constant 4 : i32
    %get3A_520 = arith.index_cast %get3A_519 : i32 to index
    %get3A_521 = arith.constant 80 : index
    %get3A_522 = tpu.vector_load %arg5[%get3A_520, %get3A_521] {strides = array<i32>} : memref<13x128xi32, #tpu.memory_space<vmem>>, vector<1x16xi32>,
    %get3A_523 = vector.shape_cast %get3A_522 : vector<1x16xi32> to vector<16xi32>
    %add3A_524 = arith.constant 1700000 : i32
    %add3A_525 = vector.broadcast %add3A_524 : i32 to vector<16xi32>
    %add3A_526 = arith.addi %get3A_523, %add3A_525 : vector<16xi32>
    %swap3A_527 = arith.constant 4 : i32
    %swap3A_528 = arith.index_cast %swap3A_527 : i32 to index
    %swap3A_529 = arith.constant 80 : index
    %swap3A_530 = tpu.vector_load %arg5[%swap3A_528, %swap3A_529] {strides = array<i32>} : memref<13x128xi32, #tpu.memory_space<vmem>>, vector<1x16xi32>,
    %swap3A_531 = vector.shape_cast %swap3A_530 : vector<1x16xi32> to vector<16xi32>
    %swap3A_532 = vector.shape_cast %add3A_526 : vector<16xi32> to vector<1x16xi32>
    tpu.vector_store %arg5[%swap3A_528, %swap3A_529], %swap3A_532 {strides = array<i32>} : memref<13x128xi32, #tpu.memory_space<vmem>>, vector<1x16xi32>,
    %get3A_533 = arith.constant 4 : i32
    %get3A_534 = arith.index_cast %get3A_533 : i32 to index
    %get3A_535 = arith.constant 96 : index
    %get3A_536 = tpu.vector_load %arg5[%get3A_534, %get3A_535] {strides = array<i32>} : memref<13x128xi32, #tpu.memory_space<vmem>>, vector<1x16xi32>,
    %get3A_537 = vector.shape_cast %get3A_536 : vector<1x16xi32> to vector<16xi32>
    %add3A_538 = arith.constant 1700000 : i32
    %add3A_539 = vector.broadcast %add3A_538 : i32 to vector<16xi32>
    %add3A_540 = arith.addi %get3A_537, %add3A_539 : vector<16xi32>
    %swap3A_541 = arith.constant 4 : i32
    %swap3A_542 = arith.index_cast %swap3A_541 : i32 to index
    %swap3A_543 = arith.constant 96 : index
    %swap3A_544 = tpu.vector_load %arg5[%swap3A_542, %swap3A_543] {strides = array<i32>} : memref<13x128xi32, #tpu.memory_space<vmem>>, vector<1x16xi32>,
    %swap3A_545 = vector.shape_cast %swap3A_544 : vector<1x16xi32> to vector<16xi32>
    %swap3A_546 = vector.shape_cast %add3A_540 : vector<16xi32> to vector<1x16xi32>
    tpu.vector_store %arg5[%swap3A_542, %swap3A_543], %swap3A_546 {strides = array<i32>} : memref<13x128xi32, #tpu.memory_space<vmem>>, vector<1x16xi32>,
    %get3A_547 = arith.constant 4 : i32
    %get3A_548 = arith.index_cast %get3A_547 : i32 to index
    %get3A_549 = arith.constant 112 : index
    %get3A_550 = tpu.vector_load %arg5[%get3A_548, %get3A_549] {strides = array<i32>} : memref<13x128xi32, #tpu.memory_space<vmem>>, vector<1x16xi32>,
    %get3A_551 = vector.shape_cast %get3A_550 : vector<1x16xi32> to vector<16xi32>
    %add3A_552 = arith.constant 1700000 : i32
    %add3A_553 = vector.broadcast %add3A_552 : i32 to vector<16xi32>
    %add3A_554 = arith.addi %get3A_551, %add3A_553 : vector<16xi32>
    %swap3A_555 = arith.constant 4 : i32
    %swap3A_556 = arith.index_cast %swap3A_555 : i32 to index
    %swap3A_557 = arith.constant 112 : index
    %swap3A_558 = tpu.vector_load %arg5[%swap3A_556, %swap3A_557] {strides = array<i32>} : memref<13x128xi32, #tpu.memory_space<vmem>>, vector<1x16xi32>,
    %swap3A_559 = vector.shape_cast %swap3A_558 : vector<1x16xi32> to vector<16xi32>
    %swap3A_560 = vector.shape_cast %add3A_554 : vector<16xi32> to vector<1x16xi32>
    tpu.vector_store %arg5[%swap3A_556, %swap3A_557], %swap3A_560 {strides = array<i32>} : memref<13x128xi32, #tpu.memory_space<vmem>>, vector<1x16xi32>,
    %get3A_561 = arith.constant 5 : i32
    %get3A_562 = arith.index_cast %get3A_561 : i32 to index
    %get3A_563 = arith.constant 0 : index
    %get3A_564 = tpu.vector_load %arg5[%get3A_562, %get3A_563] {strides = array<i32>} : memref<13x128xi32, #tpu.memory_space<vmem>>, vector<1x16xi32>,
    %get3A_565 = vector.shape_cast %get3A_564 : vector<1x16xi32> to vector<16xi32>
    %add3A_566 = arith.constant 1800000 : i32
    %add3A_567 = vector.broadcast %add3A_566 : i32 to vector<16xi32>
    %add3A_568 = arith.addi %get3A_565, %add3A_567 : vector<16xi32>
    %swap3A_569 = arith.constant 5 : i32
    %swap3A_570 = arith.index_cast %swap3A_569 : i32 to index
    %swap3A_571 = arith.constant 0 : index
    %swap3A_572 = tpu.vector_load %arg5[%swap3A_570, %swap3A_571] {strides = array<i32>} : memref<13x128xi32, #tpu.memory_space<vmem>>, vector<1x16xi32>,
    %swap3A_573 = vector.shape_cast %swap3A_572 : vector<1x16xi32> to vector<16xi32>
    %swap3A_574 = vector.shape_cast %add3A_568 : vector<16xi32> to vector<1x16xi32>
    tpu.vector_store %arg5[%swap3A_570, %swap3A_571], %swap3A_574 {strides = array<i32>} : memref<13x128xi32, #tpu.memory_space<vmem>>, vector<1x16xi32>,
    %get3A_575 = arith.constant 5 : i32
    %get3A_576 = arith.index_cast %get3A_575 : i32 to index
    %get3A_577 = arith.constant 16 : index
    %get3A_578 = tpu.vector_load %arg5[%get3A_576, %get3A_577] {strides = array<i32>} : memref<13x128xi32, #tpu.memory_space<vmem>>, vector<1x16xi32>,
    %get3A_579 = vector.shape_cast %get3A_578 : vector<1x16xi32> to vector<16xi32>
    %add3A_580 = arith.constant 1800000 : i32
    %add3A_581 = vector.broadcast %add3A_580 : i32 to vector<16xi32>
    %add3A_582 = arith.addi %get3A_579, %add3A_581 : vector<16xi32>
    %swap3A_583 = arith.constant 5 : i32
    %swap3A_584 = arith.index_cast %swap3A_583 : i32 to index
    %swap3A_585 = arith.constant 16 : index
    %swap3A_586 = tpu.vector_load %arg5[%swap3A_584, %swap3A_585] {strides = array<i32>} : memref<13x128xi32, #tpu.memory_space<vmem>>, vector<1x16xi32>,
    %swap3A_587 = vector.shape_cast %swap3A_586 : vector<1x16xi32> to vector<16xi32>
    %swap3A_588 = vector.shape_cast %add3A_582 : vector<16xi32> to vector<1x16xi32>
    tpu.vector_store %arg5[%swap3A_584, %swap3A_585], %swap3A_588 {strides = array<i32>} : memref<13x128xi32, #tpu.memory_space<vmem>>, vector<1x16xi32>,
    %get3A_589 = arith.constant 5 : i32
    %get3A_590 = arith.index_cast %get3A_589 : i32 to index
    %get3A_591 = arith.constant 32 : index
    %get3A_592 = tpu.vector_load %arg5[%get3A_590, %get3A_591] {strides = array<i32>} : memref<13x128xi32, #tpu.memory_space<vmem>>, vector<1x16xi32>,
    %get3A_593 = vector.shape_cast %get3A_592 : vector<1x16xi32> to vector<16xi32>
    %add3A_594 = arith.constant 1800000 : i32
    %add3A_595 = vector.broadcast %add3A_594 : i32 to vector<16xi32>
    %add3A_596 = arith.addi %get3A_593, %add3A_595 : vector<16xi32>
    %swap3A_597 = arith.constant 5 : i32
    %swap3A_598 = arith.index_cast %swap3A_597 : i32 to index
    %swap3A_599 = arith.constant 32 : index
    %swap3A_600 = tpu.vector_load %arg5[%swap3A_598, %swap3A_599] {strides = array<i32>} : memref<13x128xi32, #tpu.memory_space<vmem>>, vector<1x16xi32>,
    %swap3A_601 = vector.shape_cast %swap3A_600 : vector<1x16xi32> to vector<16xi32>
    %swap3A_602 = vector.shape_cast %add3A_596 : vector<16xi32> to vector<1x16xi32>
    tpu.vector_store %arg5[%swap3A_598, %swap3A_599], %swap3A_602 {strides = array<i32>} : memref<13x128xi32, #tpu.memory_space<vmem>>, vector<1x16xi32>,
    %get3A_603 = arith.constant 5 : i32
    %get3A_604 = arith.index_cast %get3A_603 : i32 to index
    %get3A_605 = arith.constant 48 : index
    %get3A_606 = tpu.vector_load %arg5[%get3A_604, %get3A_605] {strides = array<i32>} : memref<13x128xi32, #tpu.memory_space<vmem>>, vector<1x16xi32>,
    %get3A_607 = vector.shape_cast %get3A_606 : vector<1x16xi32> to vector<16xi32>
    %add3A_608 = arith.constant 1800000 : i32
    %add3A_609 = vector.broadcast %add3A_608 : i32 to vector<16xi32>
    %add3A_610 = arith.addi %get3A_607, %add3A_609 : vector<16xi32>
    %swap3A_611 = arith.constant 5 : i32
    %swap3A_612 = arith.index_cast %swap3A_611 : i32 to index
    %swap3A_613 = arith.constant 48 : index
    %swap3A_614 = tpu.vector_load %arg5[%swap3A_612, %swap3A_613] {strides = array<i32>} : memref<13x128xi32, #tpu.memory_space<vmem>>, vector<1x16xi32>,
    %swap3A_615 = vector.shape_cast %swap3A_614 : vector<1x16xi32> to vector<16xi32>
    %swap3A_616 = vector.shape_cast %add3A_610 : vector<16xi32> to vector<1x16xi32>
    tpu.vector_store %arg5[%swap3A_612, %swap3A_613], %swap3A_616 {strides = array<i32>} : memref<13x128xi32, #tpu.memory_space<vmem>>, vector<1x16xi32>,
    %get3A_617 = arith.constant 5 : i32
    %get3A_618 = arith.index_cast %get3A_617 : i32 to index
    %get3A_619 = arith.constant 64 : index
    %get3A_620 = tpu.vector_load %arg5[%get3A_618, %get3A_619] {strides = array<i32>} : memref<13x128xi32, #tpu.memory_space<vmem>>, vector<1x16xi32>,
    %get3A_621 = vector.shape_cast %get3A_620 : vector<1x16xi32> to vector<16xi32>
    %add3A_622 = arith.constant 1800000 : i32
    %add3A_623 = vector.broadcast %add3A_622 : i32 to vector<16xi32>
    %add3A_624 = arith.addi %get3A_621, %add3A_623 : vector<16xi32>
    %swap3A_625 = arith.constant 5 : i32
    %swap3A_626 = arith.index_cast %swap3A_625 : i32 to index
    %swap3A_627 = arith.constant 64 : index
    %swap3A_628 = tpu.vector_load %arg5[%swap3A_626, %swap3A_627] {strides = array<i32>} : memref<13x128xi32, #tpu.memory_space<vmem>>, vector<1x16xi32>,
    %swap3A_629 = vector.shape_cast %swap3A_628 : vector<1x16xi32> to vector<16xi32>
    %swap3A_630 = vector.shape_cast %add3A_624 : vector<16xi32> to vector<1x16xi32>
    tpu.vector_store %arg5[%swap3A_626, %swap3A_627], %swap3A_630 {strides = array<i32>} : memref<13x128xi32, #tpu.memory_space<vmem>>, vector<1x16xi32>,
    %get3A_631 = arith.constant 5 : i32
    %get3A_632 = arith.index_cast %get3A_631 : i32 to index
    %get3A_633 = arith.constant 80 : index
    %get3A_634 = tpu.vector_load %arg5[%get3A_632, %get3A_633] {strides = array<i32>} : memref<13x128xi32, #tpu.memory_space<vmem>>, vector<1x16xi32>,
    %get3A_635 = vector.shape_cast %get3A_634 : vector<1x16xi32> to vector<16xi32>
    %add3A_636 = arith.constant 1800000 : i32
    %add3A_637 = vector.broadcast %add3A_636 : i32 to vector<16xi32>
    %add3A_638 = arith.addi %get3A_635, %add3A_637 : vector<16xi32>
    %swap3A_639 = arith.constant 5 : i32
    %swap3A_640 = arith.index_cast %swap3A_639 : i32 to index
    %swap3A_641 = arith.constant 80 : index
    %swap3A_642 = tpu.vector_load %arg5[%swap3A_640, %swap3A_641] {strides = array<i32>} : memref<13x128xi32, #tpu.memory_space<vmem>>, vector<1x16xi32>,
    %swap3A_643 = vector.shape_cast %swap3A_642 : vector<1x16xi32> to vector<16xi32>
    %swap3A_644 = vector.shape_cast %add3A_638 : vector<16xi32> to vector<1x16xi32>
    tpu.vector_store %arg5[%swap3A_640, %swap3A_641], %swap3A_644 {strides = array<i32>} : memref<13x128xi32, #tpu.memory_space<vmem>>, vector<1x16xi32>,
    %get3A_645 = arith.constant 5 : i32
    %get3A_646 = arith.index_cast %get3A_645 : i32 to index
    %get3A_647 = arith.constant 96 : index
    %get3A_648 = tpu.vector_load %arg5[%get3A_646, %get3A_647] {strides = array<i32>} : memref<13x128xi32, #tpu.memory_space<vmem>>, vector<1x16xi32>,
    %get3A_649 = vector.shape_cast %get3A_648 : vector<1x16xi32> to vector<16xi32>
    %add3A_650 = arith.constant 1800000 : i32
    %add3A_651 = vector.broadcast %add3A_650 : i32 to vector<16xi32>
    %add3A_652 = arith.addi %get3A_649, %add3A_651 : vector<16xi32>
    %swap3A_653 = arith.constant 5 : i32
    %swap3A_654 = arith.index_cast %swap3A_653 : i32 to index
    %swap3A_655 = arith.constant 96 : index
    %swap3A_656 = tpu.vector_load %arg5[%swap3A_654, %swap3A_655] {strides = array<i32>} : memref<13x128xi32, #tpu.memory_space<vmem>>, vector<1x16xi32>,
    %swap3A_657 = vector.shape_cast %swap3A_656 : vector<1x16xi32> to vector<16xi32>
    %swap3A_658 = vector.shape_cast %add3A_652 : vector<16xi32> to vector<1x16xi32>
    tpu.vector_store %arg5[%swap3A_654, %swap3A_655], %swap3A_658 {strides = array<i32>} : memref<13x128xi32, #tpu.memory_space<vmem>>, vector<1x16xi32>,
    %get3A_659 = arith.constant 5 : i32
    %get3A_660 = arith.index_cast %get3A_659 : i32 to index
    %get3A_661 = arith.constant 112 : index
    %get3A_662 = tpu.vector_load %arg5[%get3A_660, %get3A_661] {strides = array<i32>} : memref<13x128xi32, #tpu.memory_space<vmem>>, vector<1x16xi32>,
    %get3A_663 = vector.shape_cast %get3A_662 : vector<1x16xi32> to vector<16xi32>
    %add3A_664 = arith.constant 1800000 : i32
    %add3A_665 = vector.broadcast %add3A_664 : i32 to vector<16xi32>
    %add3A_666 = arith.addi %get3A_663, %add3A_665 : vector<16xi32>
    %swap3A_667 = arith.constant 5 : i32
    %swap3A_668 = arith.index_cast %swap3A_667 : i32 to index
    %swap3A_669 = arith.constant 112 : index
    %swap3A_670 = tpu.vector_load %arg5[%swap3A_668, %swap3A_669] {strides = array<i32>} : memref<13x128xi32, #tpu.memory_space<vmem>>, vector<1x16xi32>,
    %swap3A_671 = vector.shape_cast %swap3A_670 : vector<1x16xi32> to vector<16xi32>
    %swap3A_672 = vector.shape_cast %add3A_666 : vector<16xi32> to vector<1x16xi32>
    tpu.vector_store %arg5[%swap3A_668, %swap3A_669], %swap3A_672 {strides = array<i32>} : memref<13x128xi32, #tpu.memory_space<vmem>>, vector<1x16xi32>,
    %get3A_673 = arith.constant 6 : i32
    %get3A_674 = arith.index_cast %get3A_673 : i32 to index
    %get3A_675 = arith.constant 0 : index
    %get3A_676 = tpu.vector_load %arg5[%get3A_674, %get3A_675] {strides = array<i32>} : memref<13x128xi32, #tpu.memory_space<vmem>>, vector<1x16xi32>,
    %get3A_677 = vector.shape_cast %get3A_676 : vector<1x16xi32> to vector<16xi32>
    %add3A_678 = arith.constant 1900000 : i32
    %add3A_679 = vector.broadcast %add3A_678 : i32 to vector<16xi32>
    %add3A_680 = arith.addi %get3A_677, %add3A_679 : vector<16xi32>
    %swap3A_681 = arith.constant 6 : i32
    %swap3A_682 = arith.index_cast %swap3A_681 : i32 to index
    %swap3A_683 = arith.constant 0 : index
    %swap3A_684 = tpu.vector_load %arg5[%swap3A_682, %swap3A_683] {strides = array<i32>} : memref<13x128xi32, #tpu.memory_space<vmem>>, vector<1x16xi32>,
    %swap3A_685 = vector.shape_cast %swap3A_684 : vector<1x16xi32> to vector<16xi32>
    %swap3A_686 = vector.shape_cast %add3A_680 : vector<16xi32> to vector<1x16xi32>
    tpu.vector_store %arg5[%swap3A_682, %swap3A_683], %swap3A_686 {strides = array<i32>} : memref<13x128xi32, #tpu.memory_space<vmem>>, vector<1x16xi32>,
    %get3A_687 = arith.constant 6 : i32
    %get3A_688 = arith.index_cast %get3A_687 : i32 to index
    %get3A_689 = arith.constant 16 : index
    %get3A_690 = tpu.vector_load %arg5[%get3A_688, %get3A_689] {strides = array<i32>} : memref<13x128xi32, #tpu.memory_space<vmem>>, vector<1x16xi32>,
    %get3A_691 = vector.shape_cast %get3A_690 : vector<1x16xi32> to vector<16xi32>
    %add3A_692 = arith.constant 1900000 : i32
    %add3A_693 = vector.broadcast %add3A_692 : i32 to vector<16xi32>
    %add3A_694 = arith.addi %get3A_691, %add3A_693 : vector<16xi32>
    %swap3A_695 = arith.constant 6 : i32
    %swap3A_696 = arith.index_cast %swap3A_695 : i32 to index
    %swap3A_697 = arith.constant 16 : index
    %swap3A_698 = tpu.vector_load %arg5[%swap3A_696, %swap3A_697] {strides = array<i32>} : memref<13x128xi32, #tpu.memory_space<vmem>>, vector<1x16xi32>,
    %swap3A_699 = vector.shape_cast %swap3A_698 : vector<1x16xi32> to vector<16xi32>
    %swap3A_700 = vector.shape_cast %add3A_694 : vector<16xi32> to vector<1x16xi32>
    tpu.vector_store %arg5[%swap3A_696, %swap3A_697], %swap3A_700 {strides = array<i32>} : memref<13x128xi32, #tpu.memory_space<vmem>>, vector<1x16xi32>,
    %get3A_701 = arith.constant 6 : i32
    %get3A_702 = arith.index_cast %get3A_701 : i32 to index
    %get3A_703 = arith.constant 32 : index
    %get3A_704 = tpu.vector_load %arg5[%get3A_702, %get3A_703] {strides = array<i32>} : memref<13x128xi32, #tpu.memory_space<vmem>>, vector<1x16xi32>,
    %get3A_705 = vector.shape_cast %get3A_704 : vector<1x16xi32> to vector<16xi32>
    %add3A_706 = arith.constant 1900000 : i32
    %add3A_707 = vector.broadcast %add3A_706 : i32 to vector<16xi32>
    %add3A_708 = arith.addi %get3A_705, %add3A_707 : vector<16xi32>
    %swap3A_709 = arith.constant 6 : i32
    %swap3A_710 = arith.index_cast %swap3A_709 : i32 to index
    %swap3A_711 = arith.constant 32 : index
    %swap3A_712 = tpu.vector_load %arg5[%swap3A_710, %swap3A_711] {strides = array<i32>} : memref<13x128xi32, #tpu.memory_space<vmem>>, vector<1x16xi32>,
    %swap3A_713 = vector.shape_cast %swap3A_712 : vector<1x16xi32> to vector<16xi32>
    %swap3A_714 = vector.shape_cast %add3A_708 : vector<16xi32> to vector<1x16xi32>
    tpu.vector_store %arg5[%swap3A_710, %swap3A_711], %swap3A_714 {strides = array<i32>} : memref<13x128xi32, #tpu.memory_space<vmem>>, vector<1x16xi32>,
    %get3A_715 = arith.constant 6 : i32
    %get3A_716 = arith.index_cast %get3A_715 : i32 to index
    %get3A_717 = arith.constant 48 : index
    %get3A_718 = tpu.vector_load %arg5[%get3A_716, %get3A_717] {strides = array<i32>} : memref<13x128xi32, #tpu.memory_space<vmem>>, vector<1x16xi32>,
    %get3A_719 = vector.shape_cast %get3A_718 : vector<1x16xi32> to vector<16xi32>
    %add3A_720 = arith.constant 1900000 : i32
    %add3A_721 = vector.broadcast %add3A_720 : i32 to vector<16xi32>
    %add3A_722 = arith.addi %get3A_719, %add3A_721 : vector<16xi32>
    %swap3A_723 = arith.constant 6 : i32
    %swap3A_724 = arith.index_cast %swap3A_723 : i32 to index
    %swap3A_725 = arith.constant 48 : index
    %swap3A_726 = tpu.vector_load %arg5[%swap3A_724, %swap3A_725] {strides = array<i32>} : memref<13x128xi32, #tpu.memory_space<vmem>>, vector<1x16xi32>,
    %swap3A_727 = vector.shape_cast %swap3A_726 : vector<1x16xi32> to vector<16xi32>
    %swap3A_728 = vector.shape_cast %add3A_722 : vector<16xi32> to vector<1x16xi32>
    tpu.vector_store %arg5[%swap3A_724, %swap3A_725], %swap3A_728 {strides = array<i32>} : memref<13x128xi32, #tpu.memory_space<vmem>>, vector<1x16xi32>,
    %get3A_729 = arith.constant 6 : i32
    %get3A_730 = arith.index_cast %get3A_729 : i32 to index
    %get3A_731 = arith.constant 64 : index
    %get3A_732 = tpu.vector_load %arg5[%get3A_730, %get3A_731] {strides = array<i32>} : memref<13x128xi32, #tpu.memory_space<vmem>>, vector<1x16xi32>,
    %get3A_733 = vector.shape_cast %get3A_732 : vector<1x16xi32> to vector<16xi32>
    %add3A_734 = arith.constant 1900000 : i32
    %add3A_735 = vector.broadcast %add3A_734 : i32 to vector<16xi32>
    %add3A_736 = arith.addi %get3A_733, %add3A_735 : vector<16xi32>
    %swap3A_737 = arith.constant 6 : i32
    %swap3A_738 = arith.index_cast %swap3A_737 : i32 to index
    %swap3A_739 = arith.constant 64 : index
    %swap3A_740 = tpu.vector_load %arg5[%swap3A_738, %swap3A_739] {strides = array<i32>} : memref<13x128xi32, #tpu.memory_space<vmem>>, vector<1x16xi32>,
    %swap3A_741 = vector.shape_cast %swap3A_740 : vector<1x16xi32> to vector<16xi32>
    %swap3A_742 = vector.shape_cast %add3A_736 : vector<16xi32> to vector<1x16xi32>
    tpu.vector_store %arg5[%swap3A_738, %swap3A_739], %swap3A_742 {strides = array<i32>} : memref<13x128xi32, #tpu.memory_space<vmem>>, vector<1x16xi32>,
    %get3A_743 = arith.constant 6 : i32
    %get3A_744 = arith.index_cast %get3A_743 : i32 to index
    %get3A_745 = arith.constant 80 : index
    %get3A_746 = tpu.vector_load %arg5[%get3A_744, %get3A_745] {strides = array<i32>} : memref<13x128xi32, #tpu.memory_space<vmem>>, vector<1x16xi32>,
    %get3A_747 = vector.shape_cast %get3A_746 : vector<1x16xi32> to vector<16xi32>
    %add3A_748 = arith.constant 1900000 : i32
    %add3A_749 = vector.broadcast %add3A_748 : i32 to vector<16xi32>
    %add3A_750 = arith.addi %get3A_747, %add3A_749 : vector<16xi32>
    %swap3A_751 = arith.constant 6 : i32
    %swap3A_752 = arith.index_cast %swap3A_751 : i32 to index
    %swap3A_753 = arith.constant 80 : index
    %swap3A_754 = tpu.vector_load %arg5[%swap3A_752, %swap3A_753] {strides = array<i32>} : memref<13x128xi32, #tpu.memory_space<vmem>>, vector<1x16xi32>,
    %swap3A_755 = vector.shape_cast %swap3A_754 : vector<1x16xi32> to vector<16xi32>
    %swap3A_756 = vector.shape_cast %add3A_750 : vector<16xi32> to vector<1x16xi32>
    tpu.vector_store %arg5[%swap3A_752, %swap3A_753], %swap3A_756 {strides = array<i32>} : memref<13x128xi32, #tpu.memory_space<vmem>>, vector<1x16xi32>,
    %get3A_757 = arith.constant 6 : i32
    %get3A_758 = arith.index_cast %get3A_757 : i32 to index
    %get3A_759 = arith.constant 96 : index
    %get3A_760 = tpu.vector_load %arg5[%get3A_758, %get3A_759] {strides = array<i32>} : memref<13x128xi32, #tpu.memory_space<vmem>>, vector<1x16xi32>,
    %get3A_761 = vector.shape_cast %get3A_760 : vector<1x16xi32> to vector<16xi32>
    %add3A_762 = arith.constant 1900000 : i32
    %add3A_763 = vector.broadcast %add3A_762 : i32 to vector<16xi32>
    %add3A_764 = arith.addi %get3A_761, %add3A_763 : vector<16xi32>
    %swap3A_765 = arith.constant 6 : i32
    %swap3A_766 = arith.index_cast %swap3A_765 : i32 to index
    %swap3A_767 = arith.constant 96 : index
    %swap3A_768 = tpu.vector_load %arg5[%swap3A_766, %swap3A_767] {strides = array<i32>} : memref<13x128xi32, #tpu.memory_space<vmem>>, vector<1x16xi32>,
    %swap3A_769 = vector.shape_cast %swap3A_768 : vector<1x16xi32> to vector<16xi32>
    %swap3A_770 = vector.shape_cast %add3A_764 : vector<16xi32> to vector<1x16xi32>
    tpu.vector_store %arg5[%swap3A_766, %swap3A_767], %swap3A_770 {strides = array<i32>} : memref<13x128xi32, #tpu.memory_space<vmem>>, vector<1x16xi32>,
    %get3A_771 = arith.constant 6 : i32
    %get3A_772 = arith.index_cast %get3A_771 : i32 to index
    %get3A_773 = arith.constant 112 : index
    %get3A_774 = tpu.vector_load %arg5[%get3A_772, %get3A_773] {strides = array<i32>} : memref<13x128xi32, #tpu.memory_space<vmem>>, vector<1x16xi32>,
    %get3A_775 = vector.shape_cast %get3A_774 : vector<1x16xi32> to vector<16xi32>
    %add3A_776 = arith.constant 1900000 : i32
    %add3A_777 = vector.broadcast %add3A_776 : i32 to vector<16xi32>
    %add3A_778 = arith.addi %get3A_775, %add3A_777 : vector<16xi32>
    %swap3A_779 = arith.constant 6 : i32
    %swap3A_780 = arith.index_cast %swap3A_779 : i32 to index
    %swap3A_781 = arith.constant 112 : index
    %swap3A_782 = tpu.vector_load %arg5[%swap3A_780, %swap3A_781] {strides = array<i32>} : memref<13x128xi32, #tpu.memory_space<vmem>>, vector<1x16xi32>,
    %swap3A_783 = vector.shape_cast %swap3A_782 : vector<1x16xi32> to vector<16xi32>
    %swap3A_784 = vector.shape_cast %add3A_778 : vector<16xi32> to vector<1x16xi32>
    tpu.vector_store %arg5[%swap3A_780, %swap3A_781], %swap3A_784 {strides = array<i32>} : memref<13x128xi32, #tpu.memory_space<vmem>>, vector<1x16xi32>,
    %get3A_785 = arith.constant 7 : i32
    %get3A_786 = arith.index_cast %get3A_785 : i32 to index
    %get3A_787 = arith.constant 0 : index
    %get3A_788 = tpu.vector_load %arg5[%get3A_786, %get3A_787] {strides = array<i32>} : memref<13x128xi32, #tpu.memory_space<vmem>>, vector<1x16xi32>,
    %get3A_789 = vector.shape_cast %get3A_788 : vector<1x16xi32> to vector<16xi32>
    %add3A_790 = arith.constant 2000000 : i32
    %add3A_791 = vector.broadcast %add3A_790 : i32 to vector<16xi32>
    %add3A_792 = arith.addi %get3A_789, %add3A_791 : vector<16xi32>
    %swap3A_793 = arith.constant 7 : i32
    %swap3A_794 = arith.index_cast %swap3A_793 : i32 to index
    %swap3A_795 = arith.constant 0 : index
    %swap3A_796 = tpu.vector_load %arg5[%swap3A_794, %swap3A_795] {strides = array<i32>} : memref<13x128xi32, #tpu.memory_space<vmem>>, vector<1x16xi32>,
    %swap3A_797 = vector.shape_cast %swap3A_796 : vector<1x16xi32> to vector<16xi32>
    %swap3A_798 = vector.shape_cast %add3A_792 : vector<16xi32> to vector<1x16xi32>
    tpu.vector_store %arg5[%swap3A_794, %swap3A_795], %swap3A_798 {strides = array<i32>} : memref<13x128xi32, #tpu.memory_space<vmem>>, vector<1x16xi32>,
    %get3A_799 = arith.constant 7 : i32
    %get3A_800 = arith.index_cast %get3A_799 : i32 to index
    %get3A_801 = arith.constant 16 : index
    %get3A_802 = tpu.vector_load %arg5[%get3A_800, %get3A_801] {strides = array<i32>} : memref<13x128xi32, #tpu.memory_space<vmem>>, vector<1x16xi32>,
    %get3A_803 = vector.shape_cast %get3A_802 : vector<1x16xi32> to vector<16xi32>
    %add3A_804 = arith.constant 2000000 : i32
    %add3A_805 = vector.broadcast %add3A_804 : i32 to vector<16xi32>
    %add3A_806 = arith.addi %get3A_803, %add3A_805 : vector<16xi32>
    %swap3A_807 = arith.constant 7 : i32
    %swap3A_808 = arith.index_cast %swap3A_807 : i32 to index
    %swap3A_809 = arith.constant 16 : index
    %swap3A_810 = tpu.vector_load %arg5[%swap3A_808, %swap3A_809] {strides = array<i32>} : memref<13x128xi32, #tpu.memory_space<vmem>>, vector<1x16xi32>,
    %swap3A_811 = vector.shape_cast %swap3A_810 : vector<1x16xi32> to vector<16xi32>
    %swap3A_812 = vector.shape_cast %add3A_806 : vector<16xi32> to vector<1x16xi32>
    tpu.vector_store %arg5[%swap3A_808, %swap3A_809], %swap3A_812 {strides = array<i32>} : memref<13x128xi32, #tpu.memory_space<vmem>>, vector<1x16xi32>,
    %get3A_813 = arith.constant 7 : i32
    %get3A_814 = arith.index_cast %get3A_813 : i32 to index
    %get3A_815 = arith.constant 32 : index
    %get3A_816 = tpu.vector_load %arg5[%get3A_814, %get3A_815] {strides = array<i32>} : memref<13x128xi32, #tpu.memory_space<vmem>>, vector<1x16xi32>,
    %get3A_817 = vector.shape_cast %get3A_816 : vector<1x16xi32> to vector<16xi32>
    %add3A_818 = arith.constant 2000000 : i32
    %add3A_819 = vector.broadcast %add3A_818 : i32 to vector<16xi32>
    %add3A_820 = arith.addi %get3A_817, %add3A_819 : vector<16xi32>
    %swap3A_821 = arith.constant 7 : i32
    %swap3A_822 = arith.index_cast %swap3A_821 : i32 to index
    %swap3A_823 = arith.constant 32 : index
    %swap3A_824 = tpu.vector_load %arg5[%swap3A_822, %swap3A_823] {strides = array<i32>} : memref<13x128xi32, #tpu.memory_space<vmem>>, vector<1x16xi32>,
    %swap3A_825 = vector.shape_cast %swap3A_824 : vector<1x16xi32> to vector<16xi32>
    %swap3A_826 = vector.shape_cast %add3A_820 : vector<16xi32> to vector<1x16xi32>
    tpu.vector_store %arg5[%swap3A_822, %swap3A_823], %swap3A_826 {strides = array<i32>} : memref<13x128xi32, #tpu.memory_space<vmem>>, vector<1x16xi32>,
    %get3A_827 = arith.constant 7 : i32
    %get3A_828 = arith.index_cast %get3A_827 : i32 to index
    %get3A_829 = arith.constant 48 : index
    %get3A_830 = tpu.vector_load %arg5[%get3A_828, %get3A_829] {strides = array<i32>} : memref<13x128xi32, #tpu.memory_space<vmem>>, vector<1x16xi32>,
    %get3A_831 = vector.shape_cast %get3A_830 : vector<1x16xi32> to vector<16xi32>
    %add3A_832 = arith.constant 2000000 : i32
    %add3A_833 = vector.broadcast %add3A_832 : i32 to vector<16xi32>
    %add3A_834 = arith.addi %get3A_831, %add3A_833 : vector<16xi32>
    %swap3A_835 = arith.constant 7 : i32
    %swap3A_836 = arith.index_cast %swap3A_835 : i32 to index
    %swap3A_837 = arith.constant 48 : index
    %swap3A_838 = tpu.vector_load %arg5[%swap3A_836, %swap3A_837] {strides = array<i32>} : memref<13x128xi32, #tpu.memory_space<vmem>>, vector<1x16xi32>,
    %swap3A_839 = vector.shape_cast %swap3A_838 : vector<1x16xi32> to vector<16xi32>
    %swap3A_840 = vector.shape_cast %add3A_834 : vector<16xi32> to vector<1x16xi32>
    tpu.vector_store %arg5[%swap3A_836, %swap3A_837], %swap3A_840 {strides = array<i32>} : memref<13x128xi32, #tpu.memory_space<vmem>>, vector<1x16xi32>,
    %get3A_841 = arith.constant 7 : i32
    %get3A_842 = arith.index_cast %get3A_841 : i32 to index
    %get3A_843 = arith.constant 64 : index
    %get3A_844 = tpu.vector_load %arg5[%get3A_842, %get3A_843] {strides = array<i32>} : memref<13x128xi32, #tpu.memory_space<vmem>>, vector<1x16xi32>,
    %get3A_845 = vector.shape_cast %get3A_844 : vector<1x16xi32> to vector<16xi32>
    %add3A_846 = arith.constant 2000000 : i32
    %add3A_847 = vector.broadcast %add3A_846 : i32 to vector<16xi32>
    %add3A_848 = arith.addi %get3A_845, %add3A_847 : vector<16xi32>
    %swap3A_849 = arith.constant 7 : i32
    %swap3A_850 = arith.index_cast %swap3A_849 : i32 to index
    %swap3A_851 = arith.constant 64 : index
    %swap3A_852 = tpu.vector_load %arg5[%swap3A_850, %swap3A_851] {strides = array<i32>} : memref<13x128xi32, #tpu.memory_space<vmem>>, vector<1x16xi32>,
    %swap3A_853 = vector.shape_cast %swap3A_852 : vector<1x16xi32> to vector<16xi32>
    %swap3A_854 = vector.shape_cast %add3A_848 : vector<16xi32> to vector<1x16xi32>
    tpu.vector_store %arg5[%swap3A_850, %swap3A_851], %swap3A_854 {strides = array<i32>} : memref<13x128xi32, #tpu.memory_space<vmem>>, vector<1x16xi32>,
    %get3A_855 = arith.constant 7 : i32
    %get3A_856 = arith.index_cast %get3A_855 : i32 to index
    %get3A_857 = arith.constant 80 : index
    %get3A_858 = tpu.vector_load %arg5[%get3A_856, %get3A_857] {strides = array<i32>} : memref<13x128xi32, #tpu.memory_space<vmem>>, vector<1x16xi32>,
    %get3A_859 = vector.shape_cast %get3A_858 : vector<1x16xi32> to vector<16xi32>
    %add3A_860 = arith.constant 2000000 : i32
    %add3A_861 = vector.broadcast %add3A_860 : i32 to vector<16xi32>
    %add3A_862 = arith.addi %get3A_859, %add3A_861 : vector<16xi32>
    %swap3A_863 = arith.constant 7 : i32
    %swap3A_864 = arith.index_cast %swap3A_863 : i32 to index
    %swap3A_865 = arith.constant 80 : index
    %swap3A_866 = tpu.vector_load %arg5[%swap3A_864, %swap3A_865] {strides = array<i32>} : memref<13x128xi32, #tpu.memory_space<vmem>>, vector<1x16xi32>,
    %swap3A_867 = vector.shape_cast %swap3A_866 : vector<1x16xi32> to vector<16xi32>
    %swap3A_868 = vector.shape_cast %add3A_862 : vector<16xi32> to vector<1x16xi32>
    tpu.vector_store %arg5[%swap3A_864, %swap3A_865], %swap3A_868 {strides = array<i32>} : memref<13x128xi32, #tpu.memory_space<vmem>>, vector<1x16xi32>,
    %get3A_869 = arith.constant 7 : i32
    %get3A_870 = arith.index_cast %get3A_869 : i32 to index
    %get3A_871 = arith.constant 96 : index
    %get3A_872 = tpu.vector_load %arg5[%get3A_870, %get3A_871] {strides = array<i32>} : memref<13x128xi32, #tpu.memory_space<vmem>>, vector<1x16xi32>,
    %get3A_873 = vector.shape_cast %get3A_872 : vector<1x16xi32> to vector<16xi32>
    %add3A_874 = arith.constant 2000000 : i32
    %add3A_875 = vector.broadcast %add3A_874 : i32 to vector<16xi32>
    %add3A_876 = arith.addi %get3A_873, %add3A_875 : vector<16xi32>
    %swap3A_877 = arith.constant 7 : i32
    %swap3A_878 = arith.index_cast %swap3A_877 : i32 to index
    %swap3A_879 = arith.constant 96 : index
    %swap3A_880 = tpu.vector_load %arg5[%swap3A_878, %swap3A_879] {strides = array<i32>} : memref<13x128xi32, #tpu.memory_space<vmem>>, vector<1x16xi32>,
    %swap3A_881 = vector.shape_cast %swap3A_880 : vector<1x16xi32> to vector<16xi32>
    %swap3A_882 = vector.shape_cast %add3A_876 : vector<16xi32> to vector<1x16xi32>
    tpu.vector_store %arg5[%swap3A_878, %swap3A_879], %swap3A_882 {strides = array<i32>} : memref<13x128xi32, #tpu.memory_space<vmem>>, vector<1x16xi32>,
    %get3A_883 = arith.constant 7 : i32
    %get3A_884 = arith.index_cast %get3A_883 : i32 to index
    %get3A_885 = arith.constant 112 : index
    %get3A_886 = tpu.vector_load %arg5[%get3A_884, %get3A_885] {strides = array<i32>} : memref<13x128xi32, #tpu.memory_space<vmem>>, vector<1x16xi32>,
    %get3A_887 = vector.shape_cast %get3A_886 : vector<1x16xi32> to vector<16xi32>
    %add3A_888 = arith.constant 2000000 : i32
    %add3A_889 = vector.broadcast %add3A_888 : i32 to vector<16xi32>
    %add3A_890 = arith.addi %get3A_887, %add3A_889 : vector<16xi32>
    %swap3A_891 = arith.constant 7 : i32
    %swap3A_892 = arith.index_cast %swap3A_891 : i32 to index
    %swap3A_893 = arith.constant 112 : index
    %swap3A_894 = tpu.vector_load %arg5[%swap3A_892, %swap3A_893] {strides = array<i32>} : memref<13x128xi32, #tpu.memory_space<vmem>>, vector<1x16xi32>,
    %swap3A_895 = vector.shape_cast %swap3A_894 : vector<1x16xi32> to vector<16xi32>
    %swap3A_896 = vector.shape_cast %add3A_890 : vector<16xi32> to vector<1x16xi32>
    tpu.vector_store %arg5[%swap3A_892, %swap3A_893], %swap3A_896 {strides = array<i32>} : memref<13x128xi32, #tpu.memory_space<vmem>>, vector<1x16xi32>,
    %get3A_897 = arith.constant 8 : i32
    %get3A_898 = arith.index_cast %get3A_897 : i32 to index
    %get3A_899 = arith.constant 0 : index
    %get3A_900 = tpu.vector_load %arg5[%get3A_898, %get3A_899] {strides = array<i32>} : memref<13x128xi32, #tpu.memory_space<vmem>>, vector<1x16xi32>,
    %get3A_901 = vector.shape_cast %get3A_900 : vector<1x16xi32> to vector<16xi32>
    %add3A_902 = arith.constant 2100000 : i32
    %add3A_903 = vector.broadcast %add3A_902 : i32 to vector<16xi32>
    %add3A_904 = arith.addi %get3A_901, %add3A_903 : vector<16xi32>
    %swap3A_905 = arith.constant 8 : i32
    %swap3A_906 = arith.index_cast %swap3A_905 : i32 to index
    %swap3A_907 = arith.constant 0 : index
    %swap3A_908 = tpu.vector_load %arg5[%swap3A_906, %swap3A_907] {strides = array<i32>} : memref<13x128xi32, #tpu.memory_space<vmem>>, vector<1x16xi32>,
    %swap3A_909 = vector.shape_cast %swap3A_908 : vector<1x16xi32> to vector<16xi32>
    %swap3A_910 = vector.shape_cast %add3A_904 : vector<16xi32> to vector<1x16xi32>
    tpu.vector_store %arg5[%swap3A_906, %swap3A_907], %swap3A_910 {strides = array<i32>} : memref<13x128xi32, #tpu.memory_space<vmem>>, vector<1x16xi32>,
    %get3A_911 = arith.constant 8 : i32
    %get3A_912 = arith.index_cast %get3A_911 : i32 to index
    %get3A_913 = arith.constant 16 : index
    %get3A_914 = tpu.vector_load %arg5[%get3A_912, %get3A_913] {strides = array<i32>} : memref<13x128xi32, #tpu.memory_space<vmem>>, vector<1x16xi32>,
    %get3A_915 = vector.shape_cast %get3A_914 : vector<1x16xi32> to vector<16xi32>
    %add3A_916 = arith.constant 2100000 : i32
    %add3A_917 = vector.broadcast %add3A_916 : i32 to vector<16xi32>
    %add3A_918 = arith.addi %get3A_915, %add3A_917 : vector<16xi32>
    %swap3A_919 = arith.constant 8 : i32
    %swap3A_920 = arith.index_cast %swap3A_919 : i32 to index
    %swap3A_921 = arith.constant 16 : index
    %swap3A_922 = tpu.vector_load %arg5[%swap3A_920, %swap3A_921] {strides = array<i32>} : memref<13x128xi32, #tpu.memory_space<vmem>>, vector<1x16xi32>,
    %swap3A_923 = vector.shape_cast %swap3A_922 : vector<1x16xi32> to vector<16xi32>
    %swap3A_924 = vector.shape_cast %add3A_918 : vector<16xi32> to vector<1x16xi32>
    tpu.vector_store %arg5[%swap3A_920, %swap3A_921], %swap3A_924 {strides = array<i32>} : memref<13x128xi32, #tpu.memory_space<vmem>>, vector<1x16xi32>,
    %get3A_925 = arith.constant 8 : i32
    %get3A_926 = arith.index_cast %get3A_925 : i32 to index
    %get3A_927 = arith.constant 32 : index
    %get3A_928 = tpu.vector_load %arg5[%get3A_926, %get3A_927] {strides = array<i32>} : memref<13x128xi32, #tpu.memory_space<vmem>>, vector<1x16xi32>,
    %get3A_929 = vector.shape_cast %get3A_928 : vector<1x16xi32> to vector<16xi32>
    %add3A_930 = arith.constant 2100000 : i32
    %add3A_931 = vector.broadcast %add3A_930 : i32 to vector<16xi32>
    %add3A_932 = arith.addi %get3A_929, %add3A_931 : vector<16xi32>
    %swap3A_933 = arith.constant 8 : i32
    %swap3A_934 = arith.index_cast %swap3A_933 : i32 to index
    %swap3A_935 = arith.constant 32 : index
    %swap3A_936 = tpu.vector_load %arg5[%swap3A_934, %swap3A_935] {strides = array<i32>} : memref<13x128xi32, #tpu.memory_space<vmem>>, vector<1x16xi32>,
    %swap3A_937 = vector.shape_cast %swap3A_936 : vector<1x16xi32> to vector<16xi32>
    %swap3A_938 = vector.shape_cast %add3A_932 : vector<16xi32> to vector<1x16xi32>
    tpu.vector_store %arg5[%swap3A_934, %swap3A_935], %swap3A_938 {strides = array<i32>} : memref<13x128xi32, #tpu.memory_space<vmem>>, vector<1x16xi32>,
    %get3A_939 = arith.constant 8 : i32
    %get3A_940 = arith.index_cast %get3A_939 : i32 to index
    %get3A_941 = arith.constant 48 : index
    %get3A_942 = tpu.vector_load %arg5[%get3A_940, %get3A_941] {strides = array<i32>} : memref<13x128xi32, #tpu.memory_space<vmem>>, vector<1x16xi32>,
    %get3A_943 = vector.shape_cast %get3A_942 : vector<1x16xi32> to vector<16xi32>
    %add3A_944 = arith.constant 2100000 : i32
    %add3A_945 = vector.broadcast %add3A_944 : i32 to vector<16xi32>
    %add3A_946 = arith.addi %get3A_943, %add3A_945 : vector<16xi32>
    %swap3A_947 = arith.constant 8 : i32
    %swap3A_948 = arith.index_cast %swap3A_947 : i32 to index
    %swap3A_949 = arith.constant 48 : index
    %swap3A_950 = tpu.vector_load %arg5[%swap3A_948, %swap3A_949] {strides = array<i32>} : memref<13x128xi32, #tpu.memory_space<vmem>>, vector<1x16xi32>,
    %swap3A_951 = vector.shape_cast %swap3A_950 : vector<1x16xi32> to vector<16xi32>
    %swap3A_952 = vector.shape_cast %add3A_946 : vector<16xi32> to vector<1x16xi32>
    tpu.vector_store %arg5[%swap3A_948, %swap3A_949], %swap3A_952 {strides = array<i32>} : memref<13x128xi32, #tpu.memory_space<vmem>>, vector<1x16xi32>,
    %get3A_953 = arith.constant 8 : i32
    %get3A_954 = arith.index_cast %get3A_953 : i32 to index
    %get3A_955 = arith.constant 64 : index
    %get3A_956 = tpu.vector_load %arg5[%get3A_954, %get3A_955] {strides = array<i32>} : memref<13x128xi32, #tpu.memory_space<vmem>>, vector<1x16xi32>,
    %get3A_957 = vector.shape_cast %get3A_956 : vector<1x16xi32> to vector<16xi32>
    %add3A_958 = arith.constant 2100000 : i32
    %add3A_959 = vector.broadcast %add3A_958 : i32 to vector<16xi32>
    %add3A_960 = arith.addi %get3A_957, %add3A_959 : vector<16xi32>
    %swap3A_961 = arith.constant 8 : i32
    %swap3A_962 = arith.index_cast %swap3A_961 : i32 to index
    %swap3A_963 = arith.constant 64 : index
    %swap3A_964 = tpu.vector_load %arg5[%swap3A_962, %swap3A_963] {strides = array<i32>} : memref<13x128xi32, #tpu.memory_space<vmem>>, vector<1x16xi32>,
    %swap3A_965 = vector.shape_cast %swap3A_964 : vector<1x16xi32> to vector<16xi32>
    %swap3A_966 = vector.shape_cast %add3A_960 : vector<16xi32> to vector<1x16xi32>
    tpu.vector_store %arg5[%swap3A_962, %swap3A_963], %swap3A_966 {strides = array<i32>} : memref<13x128xi32, #tpu.memory_space<vmem>>, vector<1x16xi32>,
    %get3A_967 = arith.constant 8 : i32
    %get3A_968 = arith.index_cast %get3A_967 : i32 to index
    %get3A_969 = arith.constant 80 : index
    %get3A_970 = tpu.vector_load %arg5[%get3A_968, %get3A_969] {strides = array<i32>} : memref<13x128xi32, #tpu.memory_space<vmem>>, vector<1x16xi32>,
    %get3A_971 = vector.shape_cast %get3A_970 : vector<1x16xi32> to vector<16xi32>
    %add3A_972 = arith.constant 2100000 : i32
    %add3A_973 = vector.broadcast %add3A_972 : i32 to vector<16xi32>
    %add3A_974 = arith.addi %get3A_971, %add3A_973 : vector<16xi32>
    %swap3A_975 = arith.constant 8 : i32
    %swap3A_976 = arith.index_cast %swap3A_975 : i32 to index
    %swap3A_977 = arith.constant 80 : index
    %swap3A_978 = tpu.vector_load %arg5[%swap3A_976, %swap3A_977] {strides = array<i32>} : memref<13x128xi32, #tpu.memory_space<vmem>>, vector<1x16xi32>,
    %swap3A_979 = vector.shape_cast %swap3A_978 : vector<1x16xi32> to vector<16xi32>
    %swap3A_980 = vector.shape_cast %add3A_974 : vector<16xi32> to vector<1x16xi32>
    tpu.vector_store %arg5[%swap3A_976, %swap3A_977], %swap3A_980 {strides = array<i32>} : memref<13x128xi32, #tpu.memory_space<vmem>>, vector<1x16xi32>,
    %get3A_981 = arith.constant 8 : i32
    %get3A_982 = arith.index_cast %get3A_981 : i32 to index
    %get3A_983 = arith.constant 96 : index
    %get3A_984 = tpu.vector_load %arg5[%get3A_982, %get3A_983] {strides = array<i32>} : memref<13x128xi32, #tpu.memory_space<vmem>>, vector<1x16xi32>,
    %get3A_985 = vector.shape_cast %get3A_984 : vector<1x16xi32> to vector<16xi32>
    %add3A_986 = arith.constant 2100000 : i32
    %add3A_987 = vector.broadcast %add3A_986 : i32 to vector<16xi32>
    %add3A_988 = arith.addi %get3A_985, %add3A_987 : vector<16xi32>
    %swap3A_989 = arith.constant 8 : i32
    %swap3A_990 = arith.index_cast %swap3A_989 : i32 to index
    %swap3A_991 = arith.constant 96 : index
    %swap3A_992 = tpu.vector_load %arg5[%swap3A_990, %swap3A_991] {strides = array<i32>} : memref<13x128xi32, #tpu.memory_space<vmem>>, vector<1x16xi32>,
    %swap3A_993 = vector.shape_cast %swap3A_992 : vector<1x16xi32> to vector<16xi32>
    %swap3A_994 = vector.shape_cast %add3A_988 : vector<16xi32> to vector<1x16xi32>
    tpu.vector_store %arg5[%swap3A_990, %swap3A_991], %swap3A_994 {strides = array<i32>} : memref<13x128xi32, #tpu.memory_space<vmem>>, vector<1x16xi32>,
    %get3A_995 = arith.constant 8 : i32
    %get3A_996 = arith.index_cast %get3A_995 : i32 to index
    %get3A_997 = arith.constant 112 : index
    %get3A_998 = tpu.vector_load %arg5[%get3A_996, %get3A_997] {strides = array<i32>} : memref<13x128xi32, #tpu.memory_space<vmem>>, vector<1x16xi32>,
    %get3A_999 = vector.shape_cast %get3A_998 : vector<1x16xi32> to vector<16xi32>
    %add3A_1000 = arith.constant 2100000 : i32
    %add3A_1001 = vector.broadcast %add3A_1000 : i32 to vector<16xi32>
    %add3A_1002 = arith.addi %get3A_999, %add3A_1001 : vector<16xi32>
    %swap3A_1003 = arith.constant 8 : i32
    %swap3A_1004 = arith.index_cast %swap3A_1003 : i32 to index
    %swap3A_1005 = arith.constant 112 : index
    %swap3A_1006 = tpu.vector_load %arg5[%swap3A_1004, %swap3A_1005] {strides = array<i32>} : memref<13x128xi32, #tpu.memory_space<vmem>>, vector<1x16xi32>,
    %swap3A_1007 = vector.shape_cast %swap3A_1006 : vector<1x16xi32> to vector<16xi32>
    %swap3A_1008 = vector.shape_cast %add3A_1002 : vector<16xi32> to vector<1x16xi32>
    tpu.vector_store %arg5[%swap3A_1004, %swap3A_1005], %swap3A_1008 {strides = array<i32>} : memref<13x128xi32, #tpu.memory_space<vmem>>, vector<1x16xi32>,
    %get3A_1009 = arith.constant 9 : i32
    %get3A_1010 = arith.index_cast %get3A_1009 : i32 to index
    %get3A_1011 = arith.constant 0 : index
    %get3A_1012 = tpu.vector_load %arg5[%get3A_1010, %get3A_1011] {strides = array<i32>} : memref<13x128xi32, #tpu.memory_space<vmem>>, vector<1x16xi32>,
    %get3A_1013 = vector.shape_cast %get3A_1012 : vector<1x16xi32> to vector<16xi32>
    %add3A_1014 = arith.constant 2200000 : i32
    %add3A_1015 = vector.broadcast %add3A_1014 : i32 to vector<16xi32>
    %add3A_1016 = arith.addi %get3A_1013, %add3A_1015 : vector<16xi32>
    %swap3A_1017 = arith.constant 9 : i32
    %swap3A_1018 = arith.index_cast %swap3A_1017 : i32 to index
    %swap3A_1019 = arith.constant 0 : index
    %swap3A_1020 = tpu.vector_load %arg5[%swap3A_1018, %swap3A_1019] {strides = array<i32>} : memref<13x128xi32, #tpu.memory_space<vmem>>, vector<1x16xi32>,
    %swap3A_1021 = vector.shape_cast %swap3A_1020 : vector<1x16xi32> to vector<16xi32>
    %swap3A_1022 = vector.shape_cast %add3A_1016 : vector<16xi32> to vector<1x16xi32>
    tpu.vector_store %arg5[%swap3A_1018, %swap3A_1019], %swap3A_1022 {strides = array<i32>} : memref<13x128xi32, #tpu.memory_space<vmem>>, vector<1x16xi32>,
    %get3A_1023 = arith.constant 9 : i32
    %get3A_1024 = arith.index_cast %get3A_1023 : i32 to index
    %get3A_1025 = arith.constant 16 : index
    %get3A_1026 = tpu.vector_load %arg5[%get3A_1024, %get3A_1025] {strides = array<i32>} : memref<13x128xi32, #tpu.memory_space<vmem>>, vector<1x16xi32>,
    %get3A_1027 = vector.shape_cast %get3A_1026 : vector<1x16xi32> to vector<16xi32>
    %add3A_1028 = arith.constant 2200000 : i32
    %add3A_1029 = vector.broadcast %add3A_1028 : i32 to vector<16xi32>
    %add3A_1030 = arith.addi %get3A_1027, %add3A_1029 : vector<16xi32>
    %swap3A_1031 = arith.constant 9 : i32
    %swap3A_1032 = arith.index_cast %swap3A_1031 : i32 to index
    %swap3A_1033 = arith.constant 16 : index
    %swap3A_1034 = tpu.vector_load %arg5[%swap3A_1032, %swap3A_1033] {strides = array<i32>} : memref<13x128xi32, #tpu.memory_space<vmem>>, vector<1x16xi32>,
    %swap3A_1035 = vector.shape_cast %swap3A_1034 : vector<1x16xi32> to vector<16xi32>
    %swap3A_1036 = vector.shape_cast %add3A_1030 : vector<16xi32> to vector<1x16xi32>
    tpu.vector_store %arg5[%swap3A_1032, %swap3A_1033], %swap3A_1036 {strides = array<i32>} : memref<13x128xi32, #tpu.memory_space<vmem>>, vector<1x16xi32>,
    %get3A_1037 = arith.constant 9 : i32
    %get3A_1038 = arith.index_cast %get3A_1037 : i32 to index
    %get3A_1039 = arith.constant 32 : index
    %get3A_1040 = tpu.vector_load %arg5[%get3A_1038, %get3A_1039] {strides = array<i32>} : memref<13x128xi32, #tpu.memory_space<vmem>>, vector<1x16xi32>,
    %get3A_1041 = vector.shape_cast %get3A_1040 : vector<1x16xi32> to vector<16xi32>
    %add3A_1042 = arith.constant 2200000 : i32
    %add3A_1043 = vector.broadcast %add3A_1042 : i32 to vector<16xi32>
    %add3A_1044 = arith.addi %get3A_1041, %add3A_1043 : vector<16xi32>
    %swap3A_1045 = arith.constant 9 : i32
    %swap3A_1046 = arith.index_cast %swap3A_1045 : i32 to index
    %swap3A_1047 = arith.constant 32 : index
    %swap3A_1048 = tpu.vector_load %arg5[%swap3A_1046, %swap3A_1047] {strides = array<i32>} : memref<13x128xi32, #tpu.memory_space<vmem>>, vector<1x16xi32>,
    %swap3A_1049 = vector.shape_cast %swap3A_1048 : vector<1x16xi32> to vector<16xi32>
    %swap3A_1050 = vector.shape_cast %add3A_1044 : vector<16xi32> to vector<1x16xi32>
    tpu.vector_store %arg5[%swap3A_1046, %swap3A_1047], %swap3A_1050 {strides = array<i32>} : memref<13x128xi32, #tpu.memory_space<vmem>>, vector<1x16xi32>,
    %get3A_1051 = arith.constant 9 : i32
    %get3A_1052 = arith.index_cast %get3A_1051 : i32 to index
    %get3A_1053 = arith.constant 48 : index
    %get3A_1054 = tpu.vector_load %arg5[%get3A_1052, %get3A_1053] {strides = array<i32>} : memref<13x128xi32, #tpu.memory_space<vmem>>, vector<1x16xi32>,
    %get3A_1055 = vector.shape_cast %get3A_1054 : vector<1x16xi32> to vector<16xi32>
    %add3A_1056 = arith.constant 2200000 : i32
    %add3A_1057 = vector.broadcast %add3A_1056 : i32 to vector<16xi32>
    %add3A_1058 = arith.addi %get3A_1055, %add3A_1057 : vector<16xi32>
    %swap3A_1059 = arith.constant 9 : i32
    %swap3A_1060 = arith.index_cast %swap3A_1059 : i32 to index
    %swap3A_1061 = arith.constant 48 : index
    %swap3A_1062 = tpu.vector_load %arg5[%swap3A_1060, %swap3A_1061] {strides = array<i32>} : memref<13x128xi32, #tpu.memory_space<vmem>>, vector<1x16xi32>,
    %swap3A_1063 = vector.shape_cast %swap3A_1062 : vector<1x16xi32> to vector<16xi32>
    %swap3A_1064 = vector.shape_cast %add3A_1058 : vector<16xi32> to vector<1x16xi32>
    tpu.vector_store %arg5[%swap3A_1060, %swap3A_1061], %swap3A_1064 {strides = array<i32>} : memref<13x128xi32, #tpu.memory_space<vmem>>, vector<1x16xi32>,
    %get3A_1065 = arith.constant 9 : i32
    %get3A_1066 = arith.index_cast %get3A_1065 : i32 to index
    %get3A_1067 = arith.constant 64 : index
    %get3A_1068 = tpu.vector_load %arg5[%get3A_1066, %get3A_1067] {strides = array<i32>} : memref<13x128xi32, #tpu.memory_space<vmem>>, vector<1x16xi32>,
    %get3A_1069 = vector.shape_cast %get3A_1068 : vector<1x16xi32> to vector<16xi32>
    %add3A_1070 = arith.constant 2200000 : i32
    %add3A_1071 = vector.broadcast %add3A_1070 : i32 to vector<16xi32>
    %add3A_1072 = arith.addi %get3A_1069, %add3A_1071 : vector<16xi32>
    %swap3A_1073 = arith.constant 9 : i32
    %swap3A_1074 = arith.index_cast %swap3A_1073 : i32 to index
    %swap3A_1075 = arith.constant 64 : index
    %swap3A_1076 = tpu.vector_load %arg5[%swap3A_1074, %swap3A_1075] {strides = array<i32>} : memref<13x128xi32, #tpu.memory_space<vmem>>, vector<1x16xi32>,
    %swap3A_1077 = vector.shape_cast %swap3A_1076 : vector<1x16xi32> to vector<16xi32>
    %swap3A_1078 = vector.shape_cast %add3A_1072 : vector<16xi32> to vector<1x16xi32>
    tpu.vector_store %arg5[%swap3A_1074, %swap3A_1075], %swap3A_1078 {strides = array<i32>} : memref<13x128xi32, #tpu.memory_space<vmem>>, vector<1x16xi32>,
    %get3A_1079 = arith.constant 9 : i32
    %get3A_1080 = arith.index_cast %get3A_1079 : i32 to index
    %get3A_1081 = arith.constant 80 : index
    %get3A_1082 = tpu.vector_load %arg5[%get3A_1080, %get3A_1081] {strides = array<i32>} : memref<13x128xi32, #tpu.memory_space<vmem>>, vector<1x16xi32>,
    %get3A_1083 = vector.shape_cast %get3A_1082 : vector<1x16xi32> to vector<16xi32>
    %add3A_1084 = arith.constant 2200000 : i32
    %add3A_1085 = vector.broadcast %add3A_1084 : i32 to vector<16xi32>
    %add3A_1086 = arith.addi %get3A_1083, %add3A_1085 : vector<16xi32>
    %swap3A_1087 = arith.constant 9 : i32
    %swap3A_1088 = arith.index_cast %swap3A_1087 : i32 to index
    %swap3A_1089 = arith.constant 80 : index
    %swap3A_1090 = tpu.vector_load %arg5[%swap3A_1088, %swap3A_1089] {strides = array<i32>} : memref<13x128xi32, #tpu.memory_space<vmem>>, vector<1x16xi32>,
    %swap3A_1091 = vector.shape_cast %swap3A_1090 : vector<1x16xi32> to vector<16xi32>
    %swap3A_1092 = vector.shape_cast %add3A_1086 : vector<16xi32> to vector<1x16xi32>
    tpu.vector_store %arg5[%swap3A_1088, %swap3A_1089], %swap3A_1092 {strides = array<i32>} : memref<13x128xi32, #tpu.memory_space<vmem>>, vector<1x16xi32>,
    %get3A_1093 = arith.constant 9 : i32
    %get3A_1094 = arith.index_cast %get3A_1093 : i32 to index
    %get3A_1095 = arith.constant 96 : index
    %get3A_1096 = tpu.vector_load %arg5[%get3A_1094, %get3A_1095] {strides = array<i32>} : memref<13x128xi32, #tpu.memory_space<vmem>>, vector<1x16xi32>,
    %get3A_1097 = vector.shape_cast %get3A_1096 : vector<1x16xi32> to vector<16xi32>
    %add3A_1098 = arith.constant 2200000 : i32
    %add3A_1099 = vector.broadcast %add3A_1098 : i32 to vector<16xi32>
    %add3A_1100 = arith.addi %get3A_1097, %add3A_1099 : vector<16xi32>
    %swap3A_1101 = arith.constant 9 : i32
    %swap3A_1102 = arith.index_cast %swap3A_1101 : i32 to index
    %swap3A_1103 = arith.constant 96 : index
    %swap3A_1104 = tpu.vector_load %arg5[%swap3A_1102, %swap3A_1103] {strides = array<i32>} : memref<13x128xi32, #tpu.memory_space<vmem>>, vector<1x16xi32>,
    %swap3A_1105 = vector.shape_cast %swap3A_1104 : vector<1x16xi32> to vector<16xi32>
    %swap3A_1106 = vector.shape_cast %add3A_1100 : vector<16xi32> to vector<1x16xi32>
    tpu.vector_store %arg5[%swap3A_1102, %swap3A_1103], %swap3A_1106 {strides = array<i32>} : memref<13x128xi32, #tpu.memory_space<vmem>>, vector<1x16xi32>,
    %get3A_1107 = arith.constant 9 : i32
    %get3A_1108 = arith.index_cast %get3A_1107 : i32 to index
    %get3A_1109 = arith.constant 112 : index
    %get3A_1110 = tpu.vector_load %arg5[%get3A_1108, %get3A_1109] {strides = array<i32>} : memref<13x128xi32, #tpu.memory_space<vmem>>, vector<1x16xi32>,
    %get3A_1111 = vector.shape_cast %get3A_1110 : vector<1x16xi32> to vector<16xi32>
    %add3A_1112 = arith.constant 2200000 : i32
    %add3A_1113 = vector.broadcast %add3A_1112 : i32 to vector<16xi32>
    %add3A_1114 = arith.addi %get3A_1111, %add3A_1113 : vector<16xi32>
    %swap3A_1115 = arith.constant 9 : i32
    %swap3A_1116 = arith.index_cast %swap3A_1115 : i32 to index
    %swap3A_1117 = arith.constant 112 : index
    %swap3A_1118 = tpu.vector_load %arg5[%swap3A_1116, %swap3A_1117] {strides = array<i32>} : memref<13x128xi32, #tpu.memory_space<vmem>>, vector<1x16xi32>,
    %swap3A_1119 = vector.shape_cast %swap3A_1118 : vector<1x16xi32> to vector<16xi32>
    %swap3A_1120 = vector.shape_cast %add3A_1114 : vector<16xi32> to vector<1x16xi32>
    tpu.vector_store %arg5[%swap3A_1116, %swap3A_1117], %swap3A_1120 {strides = array<i32>} : memref<13x128xi32, #tpu.memory_space<vmem>>, vector<1x16xi32>,
    %get3A_1121 = arith.constant 10 : i32
    %get3A_1122 = arith.index_cast %get3A_1121 : i32 to index
    %get3A_1123 = arith.constant 0 : index
    %get3A_1124 = tpu.vector_load %arg5[%get3A_1122, %get3A_1123] {strides = array<i32>} : memref<13x128xi32, #tpu.memory_space<vmem>>, vector<1x16xi32>,
    %get3A_1125 = vector.shape_cast %get3A_1124 : vector<1x16xi32> to vector<16xi32>
    %add3A_1126 = arith.constant 2300000 : i32
    %add3A_1127 = vector.broadcast %add3A_1126 : i32 to vector<16xi32>
    %add3A_1128 = arith.addi %get3A_1125, %add3A_1127 : vector<16xi32>
    %swap3A_1129 = arith.constant 10 : i32
    %swap3A_1130 = arith.index_cast %swap3A_1129 : i32 to index
    %swap3A_1131 = arith.constant 0 : index
    %swap3A_1132 = tpu.vector_load %arg5[%swap3A_1130, %swap3A_1131] {strides = array<i32>} : memref<13x128xi32, #tpu.memory_space<vmem>>, vector<1x16xi32>,
    %swap3A_1133 = vector.shape_cast %swap3A_1132 : vector<1x16xi32> to vector<16xi32>
    %swap3A_1134 = vector.shape_cast %add3A_1128 : vector<16xi32> to vector<1x16xi32>
    tpu.vector_store %arg5[%swap3A_1130, %swap3A_1131], %swap3A_1134 {strides = array<i32>} : memref<13x128xi32, #tpu.memory_space<vmem>>, vector<1x16xi32>,
    %get3A_1135 = arith.constant 10 : i32
    %get3A_1136 = arith.index_cast %get3A_1135 : i32 to index
    %get3A_1137 = arith.constant 16 : index
    %get3A_1138 = tpu.vector_load %arg5[%get3A_1136, %get3A_1137] {strides = array<i32>} : memref<13x128xi32, #tpu.memory_space<vmem>>, vector<1x16xi32>,
    %get3A_1139 = vector.shape_cast %get3A_1138 : vector<1x16xi32> to vector<16xi32>
    %add3A_1140 = arith.constant 2300000 : i32
    %add3A_1141 = vector.broadcast %add3A_1140 : i32 to vector<16xi32>
    %add3A_1142 = arith.addi %get3A_1139, %add3A_1141 : vector<16xi32>
    %swap3A_1143 = arith.constant 10 : i32
    %swap3A_1144 = arith.index_cast %swap3A_1143 : i32 to index
    %swap3A_1145 = arith.constant 16 : index
    %swap3A_1146 = tpu.vector_load %arg5[%swap3A_1144, %swap3A_1145] {strides = array<i32>} : memref<13x128xi32, #tpu.memory_space<vmem>>, vector<1x16xi32>,
    %swap3A_1147 = vector.shape_cast %swap3A_1146 : vector<1x16xi32> to vector<16xi32>
    %swap3A_1148 = vector.shape_cast %add3A_1142 : vector<16xi32> to vector<1x16xi32>
    tpu.vector_store %arg5[%swap3A_1144, %swap3A_1145], %swap3A_1148 {strides = array<i32>} : memref<13x128xi32, #tpu.memory_space<vmem>>, vector<1x16xi32>,
    %get3A_1149 = arith.constant 10 : i32
    %get3A_1150 = arith.index_cast %get3A_1149 : i32 to index
    %get3A_1151 = arith.constant 32 : index
    %get3A_1152 = tpu.vector_load %arg5[%get3A_1150, %get3A_1151] {strides = array<i32>} : memref<13x128xi32, #tpu.memory_space<vmem>>, vector<1x16xi32>,
    %get3A_1153 = vector.shape_cast %get3A_1152 : vector<1x16xi32> to vector<16xi32>
    %add3A_1154 = arith.constant 2300000 : i32
    %add3A_1155 = vector.broadcast %add3A_1154 : i32 to vector<16xi32>
    %add3A_1156 = arith.addi %get3A_1153, %add3A_1155 : vector<16xi32>
    %swap3A_1157 = arith.constant 10 : i32
    %swap3A_1158 = arith.index_cast %swap3A_1157 : i32 to index
    %swap3A_1159 = arith.constant 32 : index
    %swap3A_1160 = tpu.vector_load %arg5[%swap3A_1158, %swap3A_1159] {strides = array<i32>} : memref<13x128xi32, #tpu.memory_space<vmem>>, vector<1x16xi32>,
    %swap3A_1161 = vector.shape_cast %swap3A_1160 : vector<1x16xi32> to vector<16xi32>
    %swap3A_1162 = vector.shape_cast %add3A_1156 : vector<16xi32> to vector<1x16xi32>
    tpu.vector_store %arg5[%swap3A_1158, %swap3A_1159], %swap3A_1162 {strides = array<i32>} : memref<13x128xi32, #tpu.memory_space<vmem>>, vector<1x16xi32>,
    %get3A_1163 = arith.constant 10 : i32
    %get3A_1164 = arith.index_cast %get3A_1163 : i32 to index
    %get3A_1165 = arith.constant 48 : index
    %get3A_1166 = tpu.vector_load %arg5[%get3A_1164, %get3A_1165] {strides = array<i32>} : memref<13x128xi32, #tpu.memory_space<vmem>>, vector<1x16xi32>,
    %get3A_1167 = vector.shape_cast %get3A_1166 : vector<1x16xi32> to vector<16xi32>
    %add3A_1168 = arith.constant 2300000 : i32
    %add3A_1169 = vector.broadcast %add3A_1168 : i32 to vector<16xi32>
    %add3A_1170 = arith.addi %get3A_1167, %add3A_1169 : vector<16xi32>
    %swap3A_1171 = arith.constant 10 : i32
    %swap3A_1172 = arith.index_cast %swap3A_1171 : i32 to index
    %swap3A_1173 = arith.constant 48 : index
    %swap3A_1174 = tpu.vector_load %arg5[%swap3A_1172, %swap3A_1173] {strides = array<i32>} : memref<13x128xi32, #tpu.memory_space<vmem>>, vector<1x16xi32>,
    %swap3A_1175 = vector.shape_cast %swap3A_1174 : vector<1x16xi32> to vector<16xi32>
    %swap3A_1176 = vector.shape_cast %add3A_1170 : vector<16xi32> to vector<1x16xi32>
    tpu.vector_store %arg5[%swap3A_1172, %swap3A_1173], %swap3A_1176 {strides = array<i32>} : memref<13x128xi32, #tpu.memory_space<vmem>>, vector<1x16xi32>,
    %get3A_1177 = arith.constant 10 : i32
    %get3A_1178 = arith.index_cast %get3A_1177 : i32 to index
    %get3A_1179 = arith.constant 64 : index
    %get3A_1180 = tpu.vector_load %arg5[%get3A_1178, %get3A_1179] {strides = array<i32>} : memref<13x128xi32, #tpu.memory_space<vmem>>, vector<1x16xi32>,
    %get3A_1181 = vector.shape_cast %get3A_1180 : vector<1x16xi32> to vector<16xi32>
    %add3A_1182 = arith.constant 2300000 : i32
    %add3A_1183 = vector.broadcast %add3A_1182 : i32 to vector<16xi32>
    %add3A_1184 = arith.addi %get3A_1181, %add3A_1183 : vector<16xi32>
    %swap3A_1185 = arith.constant 10 : i32
    %swap3A_1186 = arith.index_cast %swap3A_1185 : i32 to index
    %swap3A_1187 = arith.constant 64 : index
    %swap3A_1188 = tpu.vector_load %arg5[%swap3A_1186, %swap3A_1187] {strides = array<i32>} : memref<13x128xi32, #tpu.memory_space<vmem>>, vector<1x16xi32>,
    %swap3A_1189 = vector.shape_cast %swap3A_1188 : vector<1x16xi32> to vector<16xi32>
    %swap3A_1190 = vector.shape_cast %add3A_1184 : vector<16xi32> to vector<1x16xi32>
    tpu.vector_store %arg5[%swap3A_1186, %swap3A_1187], %swap3A_1190 {strides = array<i32>} : memref<13x128xi32, #tpu.memory_space<vmem>>, vector<1x16xi32>,
    %get3A_1191 = arith.constant 10 : i32
    %get3A_1192 = arith.index_cast %get3A_1191 : i32 to index
    %get3A_1193 = arith.constant 80 : index
    %get3A_1194 = tpu.vector_load %arg5[%get3A_1192, %get3A_1193] {strides = array<i32>} : memref<13x128xi32, #tpu.memory_space<vmem>>, vector<1x16xi32>,
    %get3A_1195 = vector.shape_cast %get3A_1194 : vector<1x16xi32> to vector<16xi32>
    %add3A_1196 = arith.constant 2300000 : i32
    %add3A_1197 = vector.broadcast %add3A_1196 : i32 to vector<16xi32>
    %add3A_1198 = arith.addi %get3A_1195, %add3A_1197 : vector<16xi32>
    %swap3A_1199 = arith.constant 10 : i32
    %swap3A_1200 = arith.index_cast %swap3A_1199 : i32 to index
    %swap3A_1201 = arith.constant 80 : index
    %swap3A_1202 = tpu.vector_load %arg5[%swap3A_1200, %swap3A_1201] {strides = array<i32>} : memref<13x128xi32, #tpu.memory_space<vmem>>, vector<1x16xi32>,
    %swap3A_1203 = vector.shape_cast %swap3A_1202 : vector<1x16xi32> to vector<16xi32>
    %swap3A_1204 = vector.shape_cast %add3A_1198 : vector<16xi32> to vector<1x16xi32>
    tpu.vector_store %arg5[%swap3A_1200, %swap3A_1201], %swap3A_1204 {strides = array<i32>} : memref<13x128xi32, #tpu.memory_space<vmem>>, vector<1x16xi32>,
    %get3A_1205 = arith.constant 10 : i32
    %get3A_1206 = arith.index_cast %get3A_1205 : i32 to index
    %get3A_1207 = arith.constant 96 : index
    %get3A_1208 = tpu.vector_load %arg5[%get3A_1206, %get3A_1207] {strides = array<i32>} : memref<13x128xi32, #tpu.memory_space<vmem>>, vector<1x16xi32>,
    %get3A_1209 = vector.shape_cast %get3A_1208 : vector<1x16xi32> to vector<16xi32>
    %add3A_1210 = arith.constant 2300000 : i32
    %add3A_1211 = vector.broadcast %add3A_1210 : i32 to vector<16xi32>
    %add3A_1212 = arith.addi %get3A_1209, %add3A_1211 : vector<16xi32>
    %swap3A_1213 = arith.constant 10 : i32
    %swap3A_1214 = arith.index_cast %swap3A_1213 : i32 to index
    %swap3A_1215 = arith.constant 96 : index
    %swap3A_1216 = tpu.vector_load %arg5[%swap3A_1214, %swap3A_1215] {strides = array<i32>} : memref<13x128xi32, #tpu.memory_space<vmem>>, vector<1x16xi32>,
    %swap3A_1217 = vector.shape_cast %swap3A_1216 : vector<1x16xi32> to vector<16xi32>
    %swap3A_1218 = vector.shape_cast %add3A_1212 : vector<16xi32> to vector<1x16xi32>
    tpu.vector_store %arg5[%swap3A_1214, %swap3A_1215], %swap3A_1218 {strides = array<i32>} : memref<13x128xi32, #tpu.memory_space<vmem>>, vector<1x16xi32>,
    %get3A_1219 = arith.constant 10 : i32
    %get3A_1220 = arith.index_cast %get3A_1219 : i32 to index
    %get3A_1221 = arith.constant 112 : index
    %get3A_1222 = tpu.vector_load %arg5[%get3A_1220, %get3A_1221] {strides = array<i32>} : memref<13x128xi32, #tpu.memory_space<vmem>>, vector<1x16xi32>,
    %get3A_1223 = vector.shape_cast %get3A_1222 : vector<1x16xi32> to vector<16xi32>
    %add3A_1224 = arith.constant 2300000 : i32
    %add3A_1225 = vector.broadcast %add3A_1224 : i32 to vector<16xi32>
    %add3A_1226 = arith.addi %get3A_1223, %add3A_1225 : vector<16xi32>
    %swap3A_1227 = arith.constant 10 : i32
    %swap3A_1228 = arith.index_cast %swap3A_1227 : i32 to index
    %swap3A_1229 = arith.constant 112 : index
    %swap3A_1230 = tpu.vector_load %arg5[%swap3A_1228, %swap3A_1229] {strides = array<i32>} : memref<13x128xi32, #tpu.memory_space<vmem>>, vector<1x16xi32>,
    %swap3A_1231 = vector.shape_cast %swap3A_1230 : vector<1x16xi32> to vector<16xi32>
    %swap3A_1232 = vector.shape_cast %add3A_1226 : vector<16xi32> to vector<1x16xi32>
    tpu.vector_store %arg5[%swap3A_1228, %swap3A_1229], %swap3A_1232 {strides = array<i32>} : memref<13x128xi32, #tpu.memory_space<vmem>>, vector<1x16xi32>,
    %get3A_1233 = arith.constant 11 : i32
    %get3A_1234 = arith.index_cast %get3A_1233 : i32 to index
    %get3A_1235 = arith.constant 0 : index
    %get3A_1236 = tpu.vector_load %arg5[%get3A_1234, %get3A_1235] {strides = array<i32>} : memref<13x128xi32, #tpu.memory_space<vmem>>, vector<1x16xi32>,
    %get3A_1237 = vector.shape_cast %get3A_1236 : vector<1x16xi32> to vector<16xi32>
    %add3A_1238 = arith.constant 2400000 : i32
    %add3A_1239 = vector.broadcast %add3A_1238 : i32 to vector<16xi32>
    %add3A_1240 = arith.addi %get3A_1237, %add3A_1239 : vector<16xi32>
    %swap3A_1241 = arith.constant 11 : i32
    %swap3A_1242 = arith.index_cast %swap3A_1241 : i32 to index
    %swap3A_1243 = arith.constant 0 : index
    %swap3A_1244 = tpu.vector_load %arg5[%swap3A_1242, %swap3A_1243] {strides = array<i32>} : memref<13x128xi32, #tpu.memory_space<vmem>>, vector<1x16xi32>,
    %swap3A_1245 = vector.shape_cast %swap3A_1244 : vector<1x16xi32> to vector<16xi32>
    %swap3A_1246 = vector.shape_cast %add3A_1240 : vector<16xi32> to vector<1x16xi32>
    tpu.vector_store %arg5[%swap3A_1242, %swap3A_1243], %swap3A_1246 {strides = array<i32>} : memref<13x128xi32, #tpu.memory_space<vmem>>, vector<1x16xi32>,
    %get3A_1247 = arith.constant 11 : i32
    %get3A_1248 = arith.index_cast %get3A_1247 : i32 to index
    %get3A_1249 = arith.constant 16 : index
    %get3A_1250 = tpu.vector_load %arg5[%get3A_1248, %get3A_1249] {strides = array<i32>} : memref<13x128xi32, #tpu.memory_space<vmem>>, vector<1x16xi32>,
    %get3A_1251 = vector.shape_cast %get3A_1250 : vector<1x16xi32> to vector<16xi32>
    %add3A_1252 = arith.constant 2400000 : i32
    %add3A_1253 = vector.broadcast %add3A_1252 : i32 to vector<16xi32>
    %add3A_1254 = arith.addi %get3A_1251, %add3A_1253 : vector<16xi32>
    %swap3A_1255 = arith.constant 11 : i32
    %swap3A_1256 = arith.index_cast %swap3A_1255 : i32 to index
    %swap3A_1257 = arith.constant 16 : index
    %swap3A_1258 = tpu.vector_load %arg5[%swap3A_1256, %swap3A_1257] {strides = array<i32>} : memref<13x128xi32, #tpu.memory_space<vmem>>, vector<1x16xi32>,
    %swap3A_1259 = vector.shape_cast %swap3A_1258 : vector<1x16xi32> to vector<16xi32>
    %swap3A_1260 = vector.shape_cast %add3A_1254 : vector<16xi32> to vector<1x16xi32>
    tpu.vector_store %arg5[%swap3A_1256, %swap3A_1257], %swap3A_1260 {strides = array<i32>} : memref<13x128xi32, #tpu.memory_space<vmem>>, vector<1x16xi32>,
    %get3A_1261 = arith.constant 11 : i32
    %get3A_1262 = arith.index_cast %get3A_1261 : i32 to index
    %get3A_1263 = arith.constant 32 : index
    %get3A_1264 = tpu.vector_load %arg5[%get3A_1262, %get3A_1263] {strides = array<i32>} : memref<13x128xi32, #tpu.memory_space<vmem>>, vector<1x16xi32>,
    %get3A_1265 = vector.shape_cast %get3A_1264 : vector<1x16xi32> to vector<16xi32>
    %add3A_1266 = arith.constant 2400000 : i32
    %add3A_1267 = vector.broadcast %add3A_1266 : i32 to vector<16xi32>
    %add3A_1268 = arith.addi %get3A_1265, %add3A_1267 : vector<16xi32>
    %swap3A_1269 = arith.constant 11 : i32
    %swap3A_1270 = arith.index_cast %swap3A_1269 : i32 to index
    %swap3A_1271 = arith.constant 32 : index
    %swap3A_1272 = tpu.vector_load %arg5[%swap3A_1270, %swap3A_1271] {strides = array<i32>} : memref<13x128xi32, #tpu.memory_space<vmem>>, vector<1x16xi32>,
    %swap3A_1273 = vector.shape_cast %swap3A_1272 : vector<1x16xi32> to vector<16xi32>
    %swap3A_1274 = vector.shape_cast %add3A_1268 : vector<16xi32> to vector<1x16xi32>
    tpu.vector_store %arg5[%swap3A_1270, %swap3A_1271], %swap3A_1274 {strides = array<i32>} : memref<13x128xi32, #tpu.memory_space<vmem>>, vector<1x16xi32>,
    %get3A_1275 = arith.constant 11 : i32
    %get3A_1276 = arith.index_cast %get3A_1275 : i32 to index
    %get3A_1277 = arith.constant 48 : index
    %get3A_1278 = tpu.vector_load %arg5[%get3A_1276, %get3A_1277] {strides = array<i32>} : memref<13x128xi32, #tpu.memory_space<vmem>>, vector<1x16xi32>,
    %get3A_1279 = vector.shape_cast %get3A_1278 : vector<1x16xi32> to vector<16xi32>
    %add3A_1280 = arith.constant 2400000 : i32
    %add3A_1281 = vector.broadcast %add3A_1280 : i32 to vector<16xi32>
    %add3A_1282 = arith.addi %get3A_1279, %add3A_1281 : vector<16xi32>
    %swap3A_1283 = arith.constant 11 : i32
    %swap3A_1284 = arith.index_cast %swap3A_1283 : i32 to index
    %swap3A_1285 = arith.constant 48 : index
    %swap3A_1286 = tpu.vector_load %arg5[%swap3A_1284, %swap3A_1285] {strides = array<i32>} : memref<13x128xi32, #tpu.memory_space<vmem>>, vector<1x16xi32>,
    %swap3A_1287 = vector.shape_cast %swap3A_1286 : vector<1x16xi32> to vector<16xi32>
    %swap3A_1288 = vector.shape_cast %add3A_1282 : vector<16xi32> to vector<1x16xi32>
    tpu.vector_store %arg5[%swap3A_1284, %swap3A_1285], %swap3A_1288 {strides = array<i32>} : memref<13x128xi32, #tpu.memory_space<vmem>>, vector<1x16xi32>,
    %get3A_1289 = arith.constant 11 : i32
    %get3A_1290 = arith.index_cast %get3A_1289 : i32 to index
    %get3A_1291 = arith.constant 64 : index
    %get3A_1292 = tpu.vector_load %arg5[%get3A_1290, %get3A_1291] {strides = array<i32>} : memref<13x128xi32, #tpu.memory_space<vmem>>, vector<1x16xi32>,
    %get3A_1293 = vector.shape_cast %get3A_1292 : vector<1x16xi32> to vector<16xi32>
    %add3A_1294 = arith.constant 2400000 : i32
    %add3A_1295 = vector.broadcast %add3A_1294 : i32 to vector<16xi32>
    %add3A_1296 = arith.addi %get3A_1293, %add3A_1295 : vector<16xi32>
    %swap3A_1297 = arith.constant 11 : i32
    %swap3A_1298 = arith.index_cast %swap3A_1297 : i32 to index
    %swap3A_1299 = arith.constant 64 : index
    %swap3A_1300 = tpu.vector_load %arg5[%swap3A_1298, %swap3A_1299] {strides = array<i32>} : memref<13x128xi32, #tpu.memory_space<vmem>>, vector<1x16xi32>,
    %swap3A_1301 = vector.shape_cast %swap3A_1300 : vector<1x16xi32> to vector<16xi32>
    %swap3A_1302 = vector.shape_cast %add3A_1296 : vector<16xi32> to vector<1x16xi32>
    tpu.vector_store %arg5[%swap3A_1298, %swap3A_1299], %swap3A_1302 {strides = array<i32>} : memref<13x128xi32, #tpu.memory_space<vmem>>, vector<1x16xi32>,
    %get3A_1303 = arith.constant 11 : i32
    %get3A_1304 = arith.index_cast %get3A_1303 : i32 to index
    %get3A_1305 = arith.constant 80 : index
    %get3A_1306 = tpu.vector_load %arg5[%get3A_1304, %get3A_1305] {strides = array<i32>} : memref<13x128xi32, #tpu.memory_space<vmem>>, vector<1x16xi32>,
    %get3A_1307 = vector.shape_cast %get3A_1306 : vector<1x16xi32> to vector<16xi32>
    %add3A_1308 = arith.constant 2400000 : i32
    %add3A_1309 = vector.broadcast %add3A_1308 : i32 to vector<16xi32>
    %add3A_1310 = arith.addi %get3A_1307, %add3A_1309 : vector<16xi32>
    %swap3A_1311 = arith.constant 11 : i32
    %swap3A_1312 = arith.index_cast %swap3A_1311 : i32 to index
    %swap3A_1313 = arith.constant 80 : index
    %swap3A_1314 = tpu.vector_load %arg5[%swap3A_1312, %swap3A_1313] {strides = array<i32>} : memref<13x128xi32, #tpu.memory_space<vmem>>, vector<1x16xi32>,
    %swap3A_1315 = vector.shape_cast %swap3A_1314 : vector<1x16xi32> to vector<16xi32>
    %swap3A_1316 = vector.shape_cast %add3A_1310 : vector<16xi32> to vector<1x16xi32>
    tpu.vector_store %arg5[%swap3A_1312, %swap3A_1313], %swap3A_1316 {strides = array<i32>} : memref<13x128xi32, #tpu.memory_space<vmem>>, vector<1x16xi32>,
    %get3A_1317 = arith.constant 11 : i32
    %get3A_1318 = arith.index_cast %get3A_1317 : i32 to index
    %get3A_1319 = arith.constant 96 : index
    %get3A_1320 = tpu.vector_load %arg5[%get3A_1318, %get3A_1319] {strides = array<i32>} : memref<13x128xi32, #tpu.memory_space<vmem>>, vector<1x16xi32>,
    %get3A_1321 = vector.shape_cast %get3A_1320 : vector<1x16xi32> to vector<16xi32>
    %add3A_1322 = arith.constant 2400000 : i32
    %add3A_1323 = vector.broadcast %add3A_1322 : i32 to vector<16xi32>
    %add3A_1324 = arith.addi %get3A_1321, %add3A_1323 : vector<16xi32>
    %swap3A_1325 = arith.constant 11 : i32
    %swap3A_1326 = arith.index_cast %swap3A_1325 : i32 to index
    %swap3A_1327 = arith.constant 96 : index
    %swap3A_1328 = tpu.vector_load %arg5[%swap3A_1326, %swap3A_1327] {strides = array<i32>} : memref<13x128xi32, #tpu.memory_space<vmem>>, vector<1x16xi32>,
    %swap3A_1329 = vector.shape_cast %swap3A_1328 : vector<1x16xi32> to vector<16xi32>
    %swap3A_1330 = vector.shape_cast %add3A_1324 : vector<16xi32> to vector<1x16xi32>
    tpu.vector_store %arg5[%swap3A_1326, %swap3A_1327], %swap3A_1330 {strides = array<i32>} : memref<13x128xi32, #tpu.memory_space<vmem>>, vector<1x16xi32>,
    %get3A_1331 = arith.constant 11 : i32
    %get3A_1332 = arith.index_cast %get3A_1331 : i32 to index
    %get3A_1333 = arith.constant 112 : index
    %get3A_1334 = tpu.vector_load %arg5[%get3A_1332, %get3A_1333] {strides = array<i32>} : memref<13x128xi32, #tpu.memory_space<vmem>>, vector<1x16xi32>,
    %get3A_1335 = vector.shape_cast %get3A_1334 : vector<1x16xi32> to vector<16xi32>
    %add3A_1336 = arith.constant 2400000 : i32
    %add3A_1337 = vector.broadcast %add3A_1336 : i32 to vector<16xi32>
    %add3A_1338 = arith.addi %get3A_1335, %add3A_1337 : vector<16xi32>
    %swap3A_1339 = arith.constant 11 : i32
    %swap3A_1340 = arith.index_cast %swap3A_1339 : i32 to index
    %swap3A_1341 = arith.constant 112 : index
    %swap3A_1342 = tpu.vector_load %arg5[%swap3A_1340, %swap3A_1341] {strides = array<i32>} : memref<13x128xi32, #tpu.memory_space<vmem>>, vector<1x16xi32>,
    %swap3A_1343 = vector.shape_cast %swap3A_1342 : vector<1x16xi32> to vector<16xi32>
    %swap3A_1344 = vector.shape_cast %add3A_1338 : vector<16xi32> to vector<1x16xi32>
    tpu.vector_store %arg5[%swap3A_1340, %swap3A_1341], %swap3A_1344 {strides = array<i32>} : memref<13x128xi32, #tpu.memory_space<vmem>>, vector<1x16xi32>,
    %get3A_1345 = arith.constant 12 : i32
    %get3A_1346 = arith.index_cast %get3A_1345 : i32 to index
    %get3A_1347 = arith.constant 0 : index
    %get3A_1348 = tpu.vector_load %arg5[%get3A_1346, %get3A_1347] {strides = array<i32>} : memref<13x128xi32, #tpu.memory_space<vmem>>, vector<1x16xi32>,
    %get3A_1349 = vector.shape_cast %get3A_1348 : vector<1x16xi32> to vector<16xi32>
    %add3A_1350 = arith.constant 2500000 : i32
    %add3A_1351 = vector.broadcast %add3A_1350 : i32 to vector<16xi32>
    %add3A_1352 = arith.addi %get3A_1349, %add3A_1351 : vector<16xi32>
    %swap3A_1353 = arith.constant 12 : i32
    %swap3A_1354 = arith.index_cast %swap3A_1353 : i32 to index
    %swap3A_1355 = arith.constant 0 : index
    %swap3A_1356 = tpu.vector_load %arg5[%swap3A_1354, %swap3A_1355] {strides = array<i32>} : memref<13x128xi32, #tpu.memory_space<vmem>>, vector<1x16xi32>,
    %swap3A_1357 = vector.shape_cast %swap3A_1356 : vector<1x16xi32> to vector<16xi32>
    %swap3A_1358 = vector.shape_cast %add3A_1352 : vector<16xi32> to vector<1x16xi32>
    tpu.vector_store %arg5[%swap3A_1354, %swap3A_1355], %swap3A_1358 {strides = array<i32>} : memref<13x128xi32, #tpu.memory_space<vmem>>, vector<1x16xi32>,
    %get3A_1359 = arith.constant 12 : i32
    %get3A_1360 = arith.index_cast %get3A_1359 : i32 to index
    %get3A_1361 = arith.constant 16 : index
    %get3A_1362 = tpu.vector_load %arg5[%get3A_1360, %get3A_1361] {strides = array<i32>} : memref<13x128xi32, #tpu.memory_space<vmem>>, vector<1x16xi32>,
    %get3A_1363 = vector.shape_cast %get3A_1362 : vector<1x16xi32> to vector<16xi32>
    %add3A_1364 = arith.constant 2500000 : i32
    %add3A_1365 = vector.broadcast %add3A_1364 : i32 to vector<16xi32>
    %add3A_1366 = arith.addi %get3A_1363, %add3A_1365 : vector<16xi32>
    %swap3A_1367 = arith.constant 12 : i32
    %swap3A_1368 = arith.index_cast %swap3A_1367 : i32 to index
    %swap3A_1369 = arith.constant 16 : index
    %swap3A_1370 = tpu.vector_load %arg5[%swap3A_1368, %swap3A_1369] {strides = array<i32>} : memref<13x128xi32, #tpu.memory_space<vmem>>, vector<1x16xi32>,
    %swap3A_1371 = vector.shape_cast %swap3A_1370 : vector<1x16xi32> to vector<16xi32>
    %swap3A_1372 = vector.shape_cast %add3A_1366 : vector<16xi32> to vector<1x16xi32>
    tpu.vector_store %arg5[%swap3A_1368, %swap3A_1369], %swap3A_1372 {strides = array<i32>} : memref<13x128xi32, #tpu.memory_space<vmem>>, vector<1x16xi32>,
    %get3A_1373 = arith.constant 12 : i32
    %get3A_1374 = arith.index_cast %get3A_1373 : i32 to index
    %get3A_1375 = arith.constant 32 : index
    %get3A_1376 = tpu.vector_load %arg5[%get3A_1374, %get3A_1375] {strides = array<i32>} : memref<13x128xi32, #tpu.memory_space<vmem>>, vector<1x16xi32>,
    %get3A_1377 = vector.shape_cast %get3A_1376 : vector<1x16xi32> to vector<16xi32>
    %add3A_1378 = arith.constant 2500000 : i32
    %add3A_1379 = vector.broadcast %add3A_1378 : i32 to vector<16xi32>
    %add3A_1380 = arith.addi %get3A_1377, %add3A_1379 : vector<16xi32>
    %swap3A_1381 = arith.constant 12 : i32
    %swap3A_1382 = arith.index_cast %swap3A_1381 : i32 to index
    %swap3A_1383 = arith.constant 32 : index
    %swap3A_1384 = tpu.vector_load %arg5[%swap3A_1382, %swap3A_1383] {strides = array<i32>} : memref<13x128xi32, #tpu.memory_space<vmem>>, vector<1x16xi32>,
    %swap3A_1385 = vector.shape_cast %swap3A_1384 : vector<1x16xi32> to vector<16xi32>
    %swap3A_1386 = vector.shape_cast %add3A_1380 : vector<16xi32> to vector<1x16xi32>
    tpu.vector_store %arg5[%swap3A_1382, %swap3A_1383], %swap3A_1386 {strides = array<i32>} : memref<13x128xi32, #tpu.memory_space<vmem>>, vector<1x16xi32>,
    %get3A_1387 = arith.constant 12 : i32
    %get3A_1388 = arith.index_cast %get3A_1387 : i32 to index
    %get3A_1389 = arith.constant 48 : index
    %get3A_1390 = tpu.vector_load %arg5[%get3A_1388, %get3A_1389] {strides = array<i32>} : memref<13x128xi32, #tpu.memory_space<vmem>>, vector<1x16xi32>,
    %get3A_1391 = vector.shape_cast %get3A_1390 : vector<1x16xi32> to vector<16xi32>
    %add3A_1392 = arith.constant 2500000 : i32
    %add3A_1393 = vector.broadcast %add3A_1392 : i32 to vector<16xi32>
    %add3A_1394 = arith.addi %get3A_1391, %add3A_1393 : vector<16xi32>
    %swap3A_1395 = arith.constant 12 : i32
    %swap3A_1396 = arith.index_cast %swap3A_1395 : i32 to index
    %swap3A_1397 = arith.constant 48 : index
    %swap3A_1398 = tpu.vector_load %arg5[%swap3A_1396, %swap3A_1397] {strides = array<i32>} : memref<13x128xi32, #tpu.memory_space<vmem>>, vector<1x16xi32>,
    %swap3A_1399 = vector.shape_cast %swap3A_1398 : vector<1x16xi32> to vector<16xi32>
    %swap3A_1400 = vector.shape_cast %add3A_1394 : vector<16xi32> to vector<1x16xi32>
    tpu.vector_store %arg5[%swap3A_1396, %swap3A_1397], %swap3A_1400 {strides = array<i32>} : memref<13x128xi32, #tpu.memory_space<vmem>>, vector<1x16xi32>,
    %get3A_1401 = arith.constant 12 : i32
    %get3A_1402 = arith.index_cast %get3A_1401 : i32 to index
    %get3A_1403 = arith.constant 64 : index
    %get3A_1404 = tpu.vector_load %arg5[%get3A_1402, %get3A_1403] {strides = array<i32>} : memref<13x128xi32, #tpu.memory_space<vmem>>, vector<1x16xi32>,
    %get3A_1405 = vector.shape_cast %get3A_1404 : vector<1x16xi32> to vector<16xi32>
    %add3A_1406 = arith.constant 2500000 : i32
    %add3A_1407 = vector.broadcast %add3A_1406 : i32 to vector<16xi32>
    %add3A_1408 = arith.addi %get3A_1405, %add3A_1407 : vector<16xi32>
    %swap3A_1409 = arith.constant 12 : i32
    %swap3A_1410 = arith.index_cast %swap3A_1409 : i32 to index
    %swap3A_1411 = arith.constant 64 : index
    %swap3A_1412 = tpu.vector_load %arg5[%swap3A_1410, %swap3A_1411] {strides = array<i32>} : memref<13x128xi32, #tpu.memory_space<vmem>>, vector<1x16xi32>,
    %swap3A_1413 = vector.shape_cast %swap3A_1412 : vector<1x16xi32> to vector<16xi32>
    %swap3A_1414 = vector.shape_cast %add3A_1408 : vector<16xi32> to vector<1x16xi32>
    tpu.vector_store %arg5[%swap3A_1410, %swap3A_1411], %swap3A_1414 {strides = array<i32>} : memref<13x128xi32, #tpu.memory_space<vmem>>, vector<1x16xi32>,
    %get3A_1415 = arith.constant 12 : i32
    %get3A_1416 = arith.index_cast %get3A_1415 : i32 to index
    %get3A_1417 = arith.constant 80 : index
    %get3A_1418 = tpu.vector_load %arg5[%get3A_1416, %get3A_1417] {strides = array<i32>} : memref<13x128xi32, #tpu.memory_space<vmem>>, vector<1x16xi32>,
    %get3A_1419 = vector.shape_cast %get3A_1418 : vector<1x16xi32> to vector<16xi32>
    %add3A_1420 = arith.constant 2500000 : i32
    %add3A_1421 = vector.broadcast %add3A_1420 : i32 to vector<16xi32>
    %add3A_1422 = arith.addi %get3A_1419, %add3A_1421 : vector<16xi32>
    %swap3A_1423 = arith.constant 12 : i32
    %swap3A_1424 = arith.index_cast %swap3A_1423 : i32 to index
    %swap3A_1425 = arith.constant 80 : index
    %swap3A_1426 = tpu.vector_load %arg5[%swap3A_1424, %swap3A_1425] {strides = array<i32>} : memref<13x128xi32, #tpu.memory_space<vmem>>, vector<1x16xi32>,
    %swap3A_1427 = vector.shape_cast %swap3A_1426 : vector<1x16xi32> to vector<16xi32>
    %swap3A_1428 = vector.shape_cast %add3A_1422 : vector<16xi32> to vector<1x16xi32>
    tpu.vector_store %arg5[%swap3A_1424, %swap3A_1425], %swap3A_1428 {strides = array<i32>} : memref<13x128xi32, #tpu.memory_space<vmem>>, vector<1x16xi32>,
    %get3A_1429 = arith.constant 12 : i32
    %get3A_1430 = arith.index_cast %get3A_1429 : i32 to index
    %get3A_1431 = arith.constant 96 : index
    %get3A_1432 = tpu.vector_load %arg5[%get3A_1430, %get3A_1431] {strides = array<i32>} : memref<13x128xi32, #tpu.memory_space<vmem>>, vector<1x16xi32>,
    %get3A_1433 = vector.shape_cast %get3A_1432 : vector<1x16xi32> to vector<16xi32>
    %add3A_1434 = arith.constant 2500000 : i32
    %add3A_1435 = vector.broadcast %add3A_1434 : i32 to vector<16xi32>
    %add3A_1436 = arith.addi %get3A_1433, %add3A_1435 : vector<16xi32>
    %swap3A_1437 = arith.constant 12 : i32
    %swap3A_1438 = arith.index_cast %swap3A_1437 : i32 to index
    %swap3A_1439 = arith.constant 96 : index
    %swap3A_1440 = tpu.vector_load %arg5[%swap3A_1438, %swap3A_1439] {strides = array<i32>} : memref<13x128xi32, #tpu.memory_space<vmem>>, vector<1x16xi32>,
    %swap3A_1441 = vector.shape_cast %swap3A_1440 : vector<1x16xi32> to vector<16xi32>
    %swap3A_1442 = vector.shape_cast %add3A_1436 : vector<16xi32> to vector<1x16xi32>
    tpu.vector_store %arg5[%swap3A_1438, %swap3A_1439], %swap3A_1442 {strides = array<i32>} : memref<13x128xi32, #tpu.memory_space<vmem>>, vector<1x16xi32>,
    %get3A_1443 = arith.constant 12 : i32
    %get3A_1444 = arith.index_cast %get3A_1443 : i32 to index
    %get3A_1445 = arith.constant 112 : index
    %get3A_1446 = tpu.vector_load %arg5[%get3A_1444, %get3A_1445] {strides = array<i32>} : memref<13x128xi32, #tpu.memory_space<vmem>>, vector<1x16xi32>,
    %get3A_1447 = vector.shape_cast %get3A_1446 : vector<1x16xi32> to vector<16xi32>
    %add3A_1448 = arith.constant 2500000 : i32
    %add3A_1449 = vector.broadcast %add3A_1448 : i32 to vector<16xi32>
    %add3A_1450 = arith.addi %get3A_1447, %add3A_1449 : vector<16xi32>
    %swap3A_1451 = arith.constant 12 : i32
    %swap3A_1452 = arith.index_cast %swap3A_1451 : i32 to index
    %swap3A_1453 = arith.constant 112 : index
    %swap3A_1454 = tpu.vector_load %arg5[%swap3A_1452, %swap3A_1453] {strides = array<i32>} : memref<13x128xi32, #tpu.memory_space<vmem>>, vector<1x16xi32>,
    %swap3A_1455 = vector.shape_cast %swap3A_1454 : vector<1x16xi32> to vector<16xi32>
    %swap3A_1456 = vector.shape_cast %add3A_1450 : vector<16xi32> to vector<1x16xi32>
    tpu.vector_store %arg5[%swap3A_1452, %swap3A_1453], %swap3A_1456 {strides = array<i32>} : memref<13x128xi32, #tpu.memory_space<vmem>>, vector<1x16xi32>,
    %dma_start3A = arith.constant 0 : i32
    %dma_start3A_1457 = arith.constant 0 : i32
    %dma_start3A_1458 = arith.constant 0 : i32
    %dma_start3A_1459 = arith.constant 0 : i32
    %dma_start3A_1460 = tpu.memref_slice %arg6[%dma_start3A_1457, %dma_start3A_1458, %dma_start3A_1459] : memref<6x128x128xf32, #tpu.memory_space<vmem>> -> memref<1x128x128xf32, #tpu.memory_space<vmem>>
    %dma_start3A_1461 = tpu.memref_squeeze %dma_start3A_1460 : memref<1x128x128xf32, #tpu.memory_space<vmem>> -> memref<128x128xf32, #tpu.memory_space<vmem>>
    %dma_start3A_1462 = arith.constant 0 : i32
    %dma_start3A_1463 = tpu.memref_slice %arg5[%dma_start3A, %dma_start3A_1462] : memref<13x128xi32, #tpu.memory_space<vmem>> -> memref<1x128xi32, #tpu.memory_space<vmem>>
    %dma_start3A_1464 = tpu.memref_squeeze %dma_start3A_1463 : memref<1x128xi32, #tpu.memory_space<vmem>> -> memref<128xi32, #tpu.memory_space<vmem>>
    %dma_start3A_1465 = arith.constant 0 : i32
    %dma_start3A_1466 = arith.constant 0 : i32
    %dma_start3A_1467 = tpu.memref_slice %arg2[%dma_start3A_1465, %dma_start3A_1466] : memref<2600000x128xf32, #tpu.memory_space<hbm>> -> memref<2600000x128xf32, #tpu.memory_space<hbm>>
    tpu.enqueue_indirect_dma source(%dma_start3A_1467 : memref<2600000x128xf32, #tpu.memory_space<hbm>>) target(%dma_start3A_1461 : memref<128x128xf32, #tpu.memory_space<vmem>>) offsets(%dma_start3A_1464 : memref<128xi32, #tpu.memory_space<vmem>>) semaphore(%arg7 : memref<!tpu.dma_semaphore, #tpu.memory_space<semaphore_mem>>)
    %dma_start3A_1468 = arith.constant 1 : i32
    %dma_start3A_1469 = arith.constant 1 : i32
    %dma_start3A_1470 = arith.constant 0 : i32
    %dma_start3A_1471 = arith.constant 0 : i32
    %dma_start3A_1472 = tpu.memref_slice %arg6[%dma_start3A_1469, %dma_start3A_1470, %dma_start3A_1471] : memref<6x128x128xf32, #tpu.memory_space<vmem>> -> memref<1x128x128xf32, #tpu.memory_space<vmem>>
    %dma_start3A_1473 = tpu.memref_squeeze %dma_start3A_1472 : memref<1x128x128xf32, #tpu.memory_space<vmem>> -> memref<128x128xf32, #tpu.memory_space<vmem>>
    %dma_start3A_1474 = arith.constant 0 : i32
    %dma_start3A_1475 = tpu.memref_slice %arg5[%dma_start3A_1468, %dma_start3A_1474] : memref<13x128xi32, #tpu.memory_space<vmem>> -> memref<1x128xi32, #tpu.memory_space<vmem>>
    %dma_start3A_1476 = tpu.memref_squeeze %dma_start3A_1475 : memref<1x128xi32, #tpu.memory_space<vmem>> -> memref<128xi32, #tpu.memory_space<vmem>>
    %dma_start3A_1477 = arith.constant 0 : i32
    %dma_start3A_1478 = arith.constant 0 : i32
    %dma_start3A_1479 = tpu.memref_slice %arg2[%dma_start3A_1477, %dma_start3A_1478] : memref<2600000x128xf32, #tpu.memory_space<hbm>> -> memref<2600000x128xf32, #tpu.memory_space<hbm>>
    tpu.enqueue_indirect_dma source(%dma_start3A_1479 : memref<2600000x128xf32, #tpu.memory_space<hbm>>) target(%dma_start3A_1473 : memref<128x128xf32, #tpu.memory_space<vmem>>) offsets(%dma_start3A_1476 : memref<128xi32, #tpu.memory_space<vmem>>) semaphore(%arg8 : memref<!tpu.dma_semaphore, #tpu.memory_space<semaphore_mem>>)
    %dma_start3A_1480 = arith.constant 2 : i32
    %dma_start3A_1481 = arith.constant 2 : i32
    %dma_start3A_1482 = arith.constant 0 : i32
    %dma_start3A_1483 = arith.constant 0 : i32
    %dma_start3A_1484 = tpu.memref_slice %arg6[%dma_start3A_1481, %dma_start3A_1482, %dma_start3A_1483] : memref<6x128x128xf32, #tpu.memory_space<vmem>> -> memref<1x128x128xf32, #tpu.memory_space<vmem>>
    %dma_start3A_1485 = tpu.memref_squeeze %dma_start3A_1484 : memref<1x128x128xf32, #tpu.memory_space<vmem>> -> memref<128x128xf32, #tpu.memory_space<vmem>>
    %dma_start3A_1486 = arith.constant 0 : i32
    %dma_start3A_1487 = tpu.memref_slice %arg5[%dma_start3A_1480, %dma_start3A_1486] : memref<13x128xi32, #tpu.memory_space<vmem>> -> memref<1x128xi32, #tpu.memory_space<vmem>>
    %dma_start3A_1488 = tpu.memref_squeeze %dma_start3A_1487 : memref<1x128xi32, #tpu.memory_space<vmem>> -> memref<128xi32, #tpu.memory_space<vmem>>
    %dma_start3A_1489 = arith.constant 0 : i32
    %dma_start3A_1490 = arith.constant 0 : i32
    %dma_start3A_1491 = tpu.memref_slice %arg2[%dma_start3A_1489, %dma_start3A_1490] : memref<2600000x128xf32, #tpu.memory_space<hbm>> -> memref<2600000x128xf32, #tpu.memory_space<hbm>>
    tpu.enqueue_indirect_dma source(%dma_start3A_1491 : memref<2600000x128xf32, #tpu.memory_space<hbm>>) target(%dma_start3A_1485 : memref<128x128xf32, #tpu.memory_space<vmem>>) offsets(%dma_start3A_1488 : memref<128xi32, #tpu.memory_space<vmem>>) semaphore(%arg9 : memref<!tpu.dma_semaphore, #tpu.memory_space<semaphore_mem>>)
    %dma_start3A_1492 = arith.constant 3 : i32
    %dma_start3A_1493 = arith.constant 3 : i32
    %dma_start3A_1494 = arith.constant 0 : i32
    %dma_start3A_1495 = arith.constant 0 : i32
    %dma_start3A_1496 = tpu.memref_slice %arg6[%dma_start3A_1493, %dma_start3A_1494, %dma_start3A_1495] : memref<6x128x128xf32, #tpu.memory_space<vmem>> -> memref<1x128x128xf32, #tpu.memory_space<vmem>>
    %dma_start3A_1497 = tpu.memref_squeeze %dma_start3A_1496 : memref<1x128x128xf32, #tpu.memory_space<vmem>> -> memref<128x128xf32, #tpu.memory_space<vmem>>
    %dma_start3A_1498 = arith.constant 0 : i32
    %dma_start3A_1499 = tpu.memref_slice %arg5[%dma_start3A_1492, %dma_start3A_1498] : memref<13x128xi32, #tpu.memory_space<vmem>> -> memref<1x128xi32, #tpu.memory_space<vmem>>
    %dma_start3A_1500 = tpu.memref_squeeze %dma_start3A_1499 : memref<1x128xi32, #tpu.memory_space<vmem>> -> memref<128xi32, #tpu.memory_space<vmem>>
    %dma_start3A_1501 = arith.constant 0 : i32
    %dma_start3A_1502 = arith.constant 0 : i32
    %dma_start3A_1503 = tpu.memref_slice %arg2[%dma_start3A_1501, %dma_start3A_1502] : memref<2600000x128xf32, #tpu.memory_space<hbm>> -> memref<2600000x128xf32, #tpu.memory_space<hbm>>
    tpu.enqueue_indirect_dma source(%dma_start3A_1503 : memref<2600000x128xf32, #tpu.memory_space<hbm>>) target(%dma_start3A_1497 : memref<128x128xf32, #tpu.memory_space<vmem>>) offsets(%dma_start3A_1500 : memref<128xi32, #tpu.memory_space<vmem>>) semaphore(%arg10 : memref<!tpu.dma_semaphore, #tpu.memory_space<semaphore_mem>>)
    %dma_start3A_1504 = arith.constant 4 : i32
    %dma_start3A_1505 = arith.constant 4 : i32
    %dma_start3A_1506 = arith.constant 0 : i32
    %dma_start3A_1507 = arith.constant 0 : i32
    %dma_start3A_1508 = tpu.memref_slice %arg6[%dma_start3A_1505, %dma_start3A_1506, %dma_start3A_1507] : memref<6x128x128xf32, #tpu.memory_space<vmem>> -> memref<1x128x128xf32, #tpu.memory_space<vmem>>
    %dma_start3A_1509 = tpu.memref_squeeze %dma_start3A_1508 : memref<1x128x128xf32, #tpu.memory_space<vmem>> -> memref<128x128xf32, #tpu.memory_space<vmem>>
    %dma_start3A_1510 = arith.constant 0 : i32
    %dma_start3A_1511 = tpu.memref_slice %arg5[%dma_start3A_1504, %dma_start3A_1510] : memref<13x128xi32, #tpu.memory_space<vmem>> -> memref<1x128xi32, #tpu.memory_space<vmem>>
    %dma_start3A_1512 = tpu.memref_squeeze %dma_start3A_1511 : memref<1x128xi32, #tpu.memory_space<vmem>> -> memref<128xi32, #tpu.memory_space<vmem>>
    %dma_start3A_1513 = arith.constant 0 : i32
    %dma_start3A_1514 = arith.constant 0 : i32
    %dma_start3A_1515 = tpu.memref_slice %arg2[%dma_start3A_1513, %dma_start3A_1514] : memref<2600000x128xf32, #tpu.memory_space<hbm>> -> memref<2600000x128xf32, #tpu.memory_space<hbm>>
    tpu.enqueue_indirect_dma source(%dma_start3A_1515 : memref<2600000x128xf32, #tpu.memory_space<hbm>>) target(%dma_start3A_1509 : memref<128x128xf32, #tpu.memory_space<vmem>>) offsets(%dma_start3A_1512 : memref<128xi32, #tpu.memory_space<vmem>>) semaphore(%arg11 : memref<!tpu.dma_semaphore, #tpu.memory_space<semaphore_mem>>)
    %dma_start3A_1516 = arith.constant 5 : i32
    %dma_start3A_1517 = arith.constant 5 : i32
    %dma_start3A_1518 = arith.constant 0 : i32
    %dma_start3A_1519 = arith.constant 0 : i32
    %dma_start3A_1520 = tpu.memref_slice %arg6[%dma_start3A_1517, %dma_start3A_1518, %dma_start3A_1519] : memref<6x128x128xf32, #tpu.memory_space<vmem>> -> memref<1x128x128xf32, #tpu.memory_space<vmem>>
    %dma_start3A_1521 = tpu.memref_squeeze %dma_start3A_1520 : memref<1x128x128xf32, #tpu.memory_space<vmem>> -> memref<128x128xf32, #tpu.memory_space<vmem>>
    %dma_start3A_1522 = arith.constant 0 : i32
    %dma_start3A_1523 = tpu.memref_slice %arg5[%dma_start3A_1516, %dma_start3A_1522] : memref<13x128xi32, #tpu.memory_space<vmem>> -> memref<1x128xi32, #tpu.memory_space<vmem>>
    %dma_start3A_1524 = tpu.memref_squeeze %dma_start3A_1523 : memref<1x128xi32, #tpu.memory_space<vmem>> -> memref<128xi32, #tpu.memory_space<vmem>>
    %dma_start3A_1525 = arith.constant 0 : i32
    %dma_start3A_1526 = arith.constant 0 : i32
    %dma_start3A_1527 = tpu.memref_slice %arg2[%dma_start3A_1525, %dma_start3A_1526] : memref<2600000x128xf32, #tpu.memory_space<hbm>> -> memref<2600000x128xf32, #tpu.memory_space<hbm>>
    tpu.enqueue_indirect_dma source(%dma_start3A_1527 : memref<2600000x128xf32, #tpu.memory_space<hbm>>) target(%dma_start3A_1521 : memref<128x128xf32, #tpu.memory_space<vmem>>) offsets(%dma_start3A_1524 : memref<128xi32, #tpu.memory_space<vmem>>) semaphore(%arg12 : memref<!tpu.dma_semaphore, #tpu.memory_space<semaphore_mem>>)
    %dma_wait3A = arith.constant 0 : i32
    %dma_wait3A_1528 = arith.constant 0 : i32
    %dma_wait3A_1529 = arith.constant 0 : i32
    %dma_wait3A_1530 = arith.constant 0 : i32
    %dma_wait3A_1531 = tpu.memref_slice %arg6[%dma_wait3A_1528, %dma_wait3A_1529, %dma_wait3A_1530] : memref<6x128x128xf32, #tpu.memory_space<vmem>> -> memref<1x128x128xf32, #tpu.memory_space<vmem>>
    %dma_wait3A_1532 = tpu.memref_squeeze %dma_wait3A_1531 : memref<1x128x128xf32, #tpu.memory_space<vmem>> -> memref<128x128xf32, #tpu.memory_space<vmem>>
    %dma_wait3A_1533 = arith.constant 0 : i32
    %dma_wait3A_1534 = tpu.memref_slice %arg5[%dma_wait3A, %dma_wait3A_1533] : memref<13x128xi32, #tpu.memory_space<vmem>> -> memref<1x128xi32, #tpu.memory_space<vmem>>
    %dma_wait3A_1535 = tpu.memref_squeeze %dma_wait3A_1534 : memref<1x128xi32, #tpu.memory_space<vmem>> -> memref<128xi32, #tpu.memory_space<vmem>>
    %dma_wait3A_1536 = arith.constant 0 : i32
    %dma_wait3A_1537 = arith.constant 0 : i32
    %dma_wait3A_1538 = tpu.memref_slice %arg2[%dma_wait3A_1536, %dma_wait3A_1537] : memref<2600000x128xf32, #tpu.memory_space<hbm>> -> memref<2600000x128xf32, #tpu.memory_space<hbm>>
    tpu.wait_indirect_dma semaphore(%arg7 : memref<!tpu.dma_semaphore, #tpu.memory_space<semaphore_mem>>) src(%dma_wait3A_1538 : memref<2600000x128xf32, #tpu.memory_space<hbm>>) dst(%dma_wait3A_1532 : memref<128x128xf32, #tpu.memory_space<vmem>>)
    %add3A_1539 = arith.constant 0 : i32
    %add3A_1540 = arith.addi %add3A_1539, %mul3A_2 : i32
    %dma_start3A_1541 = arith.constant 0 : i32
    %dma_start3A_1542 = arith.constant 0 : i32
    %dma_start3A_1543 = arith.constant 0 : i32
    %dma_start3A_1544 = tpu.memref_slice %arg6[%dma_start3A_1541, %dma_start3A_1542, %dma_start3A_1543] : memref<6x128x128xf32, #tpu.memory_space<vmem>> -> memref<1x128x128xf32, #tpu.memory_space<vmem>>
    %dma_start3A_1545 = tpu.memref_squeeze %dma_start3A_1544 : memref<1x128x128xf32, #tpu.memory_space<vmem>> -> memref<128x128xf32, #tpu.memory_space<vmem>>
    %dma_start3A_1546 = arith.constant 0 : i32
    %dma_start3A_1547 = tpu.memref_slice %arg4[%add3A_1540, %dma_start3A_1546] : memref<53248x128xf32, #tpu.memory_space<hbm>> -> memref<128x128xf32, #tpu.memory_space<hbm>>
    %dma_start3A_1548 = arith.constant 0 : i32
    %dma_start3A_1549 = tpu.memref_slice %arg4[%add3A_1540, %dma_start3A_1548] : memref<53248x128xf32, #tpu.memory_space<hbm>> -> memref<128x128xf32, #tpu.memory_space<hbm>>
    %dma_start3A_1550 = arith.constant 0 : i32
    %dma_start3A_1551 = arith.constant 0 : i32
    %dma_start3A_1552 = tpu.memref_slice %arg6[%dma_start3A_1541, %dma_start3A_1550, %dma_start3A_1551] : memref<6x128x128xf32, #tpu.memory_space<vmem>> -> memref<1x128x128xf32, #tpu.memory_space<vmem>>
    %dma_start3A_1553 = tpu.memref_squeeze %dma_start3A_1552 : memref<1x128x128xf32, #tpu.memory_space<vmem>> -> memref<128x128xf32, #tpu.memory_space<vmem>>
    tpu.enqueue_dma source(%dma_start3A_1553 : memref<128x128xf32, #tpu.memory_space<vmem>>) target(%dma_start3A_1549 : memref<128x128xf32, #tpu.memory_space<hbm>>) target_semaphore(%arg13 : memref<!tpu.dma_semaphore, #tpu.memory_space<semaphore_mem>>)
    %dma_wait3A_1554 = arith.constant 0 : i32
    %dma_wait3A_1555 = arith.constant 0 : i32
    %dma_wait3A_1556 = arith.constant 0 : i32
    %dma_wait3A_1557 = tpu.memref_slice %arg6[%dma_wait3A_1554, %dma_wait3A_1555, %dma_wait3A_1556] : memref<6x128x128xf32, #tpu.memory_space<vmem>> -> memref<1x128x128xf32, #tpu.memory_space<vmem>>
    %dma_wait3A_1558 = tpu.memref_squeeze %dma_wait3A_1557 : memref<1x128x128xf32, #tpu.memory_space<vmem>> -> memref<128x128xf32, #tpu.memory_space<vmem>>
    %dma_wait3A_1559 = arith.constant 0 : i32
    %dma_wait3A_1560 = tpu.memref_slice %arg4[%add3A_1540, %dma_wait3A_1559] : memref<53248x128xf32, #tpu.memory_space<hbm>> -> memref<128x128xf32, #tpu.memory_space<hbm>>
    %dma_wait3A_1561 = arith.constant 0 : i32
    %dma_wait3A_1562 = tpu.memref_slice %arg4[%add3A_1540, %dma_wait3A_1561] : memref<53248x128xf32, #tpu.memory_space<hbm>> -> memref<128x128xf32, #tpu.memory_space<hbm>>
    %dma_wait3A_1563 = arith.constant 0 : i32
    %dma_wait3A_1564 = arith.constant 0 : i32
    %dma_wait3A_1565 = tpu.memref_slice %arg6[%dma_wait3A_1554, %dma_wait3A_1563, %dma_wait3A_1564] : memref<6x128x128xf32, #tpu.memory_space<vmem>> -> memref<1x128x128xf32, #tpu.memory_space<vmem>>
    %dma_wait3A_1566 = tpu.memref_squeeze %dma_wait3A_1565 : memref<1x128x128xf32, #tpu.memory_space<vmem>> -> memref<128x128xf32, #tpu.memory_space<vmem>>
    tpu.wait_dma2 semaphore(%arg13 : memref<!tpu.dma_semaphore, #tpu.memory_space<semaphore_mem>>) src(%dma_wait3A_1566 : memref<128x128xf32, #tpu.memory_space<vmem>>) dst(%dma_wait3A_1562 : memref<128x128xf32, #tpu.memory_space<hbm>>)
    %dma_start3A_1567 = arith.constant 6 : i32
    %dma_start3A_1568 = arith.constant 0 : i32
    %dma_start3A_1569 = arith.constant 0 : i32
    %dma_start3A_1570 = arith.constant 0 : i32
    %dma_start3A_1571 = tpu.memref_slice %arg6[%dma_start3A_1568, %dma_start3A_1569, %dma_start3A_1570] : memref<6x128x128xf32, #tpu.memory_space<vmem>> -> memref<1x128x128xf32, #tpu.memory_space<vmem>>
    %dma_start3A_1572 = tpu.memref_squeeze %dma_start3A_1571 : memref<1x128x128xf32, #tpu.memory_space<vmem>> -> memref<128x128xf32, #tpu.memory_space<vmem>>
    %dma_start3A_1573 = arith.constant 0 : i32
    %dma_start3A_1574 = tpu.memref_slice %arg5[%dma_start3A_1567, %dma_start3A_1573] : memref<13x128xi32, #tpu.memory_space<vmem>> -> memref<1x128xi32, #tpu.memory_space<vmem>>
    %dma_start3A_1575 = tpu.memref_squeeze %dma_start3A_1574 : memref<1x128xi32, #tpu.memory_space<vmem>> -> memref<128xi32, #tpu.memory_space<vmem>>
    %dma_start3A_1576 = arith.constant 0 : i32
    %dma_start3A_1577 = arith.constant 0 : i32
    %dma_start3A_1578 = tpu.memref_slice %arg2[%dma_start3A_1576, %dma_start3A_1577] : memref<2600000x128xf32, #tpu.memory_space<hbm>> -> memref<2600000x128xf32, #tpu.memory_space<hbm>>
    tpu.enqueue_indirect_dma source(%dma_start3A_1578 : memref<2600000x128xf32, #tpu.memory_space<hbm>>) target(%dma_start3A_1572 : memref<128x128xf32, #tpu.memory_space<vmem>>) offsets(%dma_start3A_1575 : memref<128xi32, #tpu.memory_space<vmem>>) semaphore(%arg7 : memref<!tpu.dma_semaphore, #tpu.memory_space<semaphore_mem>>)
    %dma_wait3A_1579 = arith.constant 1 : i32
    %dma_wait3A_1580 = arith.constant 1 : i32
    %dma_wait3A_1581 = arith.constant 0 : i32
    %dma_wait3A_1582 = arith.constant 0 : i32
    %dma_wait3A_1583 = tpu.memref_slice %arg6[%dma_wait3A_1580, %dma_wait3A_1581, %dma_wait3A_1582] : memref<6x128x128xf32, #tpu.memory_space<vmem>> -> memref<1x128x128xf32, #tpu.memory_space<vmem>>
    %dma_wait3A_1584 = tpu.memref_squeeze %dma_wait3A_1583 : memref<1x128x128xf32, #tpu.memory_space<vmem>> -> memref<128x128xf32, #tpu.memory_space<vmem>>
    %dma_wait3A_1585 = arith.constant 0 : i32
    %dma_wait3A_1586 = tpu.memref_slice %arg5[%dma_wait3A_1579, %dma_wait3A_1585] : memref<13x128xi32, #tpu.memory_space<vmem>> -> memref<1x128xi32, #tpu.memory_space<vmem>>
    %dma_wait3A_1587 = tpu.memref_squeeze %dma_wait3A_1586 : memref<1x128xi32, #tpu.memory_space<vmem>> -> memref<128xi32, #tpu.memory_space<vmem>>
    %dma_wait3A_1588 = arith.constant 0 : i32
    %dma_wait3A_1589 = arith.constant 0 : i32
    %dma_wait3A_1590 = tpu.memref_slice %arg2[%dma_wait3A_1588, %dma_wait3A_1589] : memref<2600000x128xf32, #tpu.memory_space<hbm>> -> memref<2600000x128xf32, #tpu.memory_space<hbm>>
    tpu.wait_indirect_dma semaphore(%arg8 : memref<!tpu.dma_semaphore, #tpu.memory_space<semaphore_mem>>) src(%dma_wait3A_1590 : memref<2600000x128xf32, #tpu.memory_space<hbm>>) dst(%dma_wait3A_1584 : memref<128x128xf32, #tpu.memory_space<vmem>>)
    %add3A_1591 = arith.constant 4096 : i32
    %add3A_1592 = arith.addi %add3A_1591, %mul3A_2 : i32
    %dma_start3A_1593 = arith.constant 1 : i32
    %dma_start3A_1594 = arith.constant 0 : i32
    %dma_start3A_1595 = arith.constant 0 : i32
    %dma_start3A_1596 = tpu.memref_slice %arg6[%dma_start3A_1593, %dma_start3A_1594, %dma_start3A_1595] : memref<6x128x128xf32, #tpu.memory_space<vmem>> -> memref<1x128x128xf32, #tpu.memory_space<vmem>>
    %dma_start3A_1597 = tpu.memref_squeeze %dma_start3A_1596 : memref<1x128x128xf32, #tpu.memory_space<vmem>> -> memref<128x128xf32, #tpu.memory_space<vmem>>
    %dma_start3A_1598 = arith.constant 0 : i32
    %dma_start3A_1599 = tpu.memref_slice %arg4[%add3A_1592, %dma_start3A_1598] : memref<53248x128xf32, #tpu.memory_space<hbm>> -> memref<128x128xf32, #tpu.memory_space<hbm>>
    %dma_start3A_1600 = arith.constant 0 : i32
    %dma_start3A_1601 = tpu.memref_slice %arg4[%add3A_1592, %dma_start3A_1600] : memref<53248x128xf32, #tpu.memory_space<hbm>> -> memref<128x128xf32, #tpu.memory_space<hbm>>
    %dma_start3A_1602 = arith.constant 0 : i32
    %dma_start3A_1603 = arith.constant 0 : i32
    %dma_start3A_1604 = tpu.memref_slice %arg6[%dma_start3A_1593, %dma_start3A_1602, %dma_start3A_1603] : memref<6x128x128xf32, #tpu.memory_space<vmem>> -> memref<1x128x128xf32, #tpu.memory_space<vmem>>
    %dma_start3A_1605 = tpu.memref_squeeze %dma_start3A_1604 : memref<1x128x128xf32, #tpu.memory_space<vmem>> -> memref<128x128xf32, #tpu.memory_space<vmem>>
    tpu.enqueue_dma source(%dma_start3A_1605 : memref<128x128xf32, #tpu.memory_space<vmem>>) target(%dma_start3A_1601 : memref<128x128xf32, #tpu.memory_space<hbm>>) target_semaphore(%arg14 : memref<!tpu.dma_semaphore, #tpu.memory_space<semaphore_mem>>)
    %dma_wait3A_1606 = arith.constant 1 : i32
    %dma_wait3A_1607 = arith.constant 0 : i32
    %dma_wait3A_1608 = arith.constant 0 : i32
    %dma_wait3A_1609 = tpu.memref_slice %arg6[%dma_wait3A_1606, %dma_wait3A_1607, %dma_wait3A_1608] : memref<6x128x128xf32, #tpu.memory_space<vmem>> -> memref<1x128x128xf32, #tpu.memory_space<vmem>>
    %dma_wait3A_1610 = tpu.memref_squeeze %dma_wait3A_1609 : memref<1x128x128xf32, #tpu.memory_space<vmem>> -> memref<128x128xf32, #tpu.memory_space<vmem>>
    %dma_wait3A_1611 = arith.constant 0 : i32
    %dma_wait3A_1612 = tpu.memref_slice %arg4[%add3A_1592, %dma_wait3A_1611] : memref<53248x128xf32, #tpu.memory_space<hbm>> -> memref<128x128xf32, #tpu.memory_space<hbm>>
    %dma_wait3A_1613 = arith.constant 0 : i32
    %dma_wait3A_1614 = tpu.memref_slice %arg4[%add3A_1592, %dma_wait3A_1613] : memref<53248x128xf32, #tpu.memory_space<hbm>> -> memref<128x128xf32, #tpu.memory_space<hbm>>
    %dma_wait3A_1615 = arith.constant 0 : i32
    %dma_wait3A_1616 = arith.constant 0 : i32
    %dma_wait3A_1617 = tpu.memref_slice %arg6[%dma_wait3A_1606, %dma_wait3A_1615, %dma_wait3A_1616] : memref<6x128x128xf32, #tpu.memory_space<vmem>> -> memref<1x128x128xf32, #tpu.memory_space<vmem>>
    %dma_wait3A_1618 = tpu.memref_squeeze %dma_wait3A_1617 : memref<1x128x128xf32, #tpu.memory_space<vmem>> -> memref<128x128xf32, #tpu.memory_space<vmem>>
    tpu.wait_dma2 semaphore(%arg14 : memref<!tpu.dma_semaphore, #tpu.memory_space<semaphore_mem>>) src(%dma_wait3A_1618 : memref<128x128xf32, #tpu.memory_space<vmem>>) dst(%dma_wait3A_1614 : memref<128x128xf32, #tpu.memory_space<hbm>>)
    %dma_start3A_1619 = arith.constant 7 : i32
    %dma_start3A_1620 = arith.constant 1 : i32
    %dma_start3A_1621 = arith.constant 0 : i32
    %dma_start3A_1622 = arith.constant 0 : i32
    %dma_start3A_1623 = tpu.memref_slice %arg6[%dma_start3A_1620, %dma_start3A_1621, %dma_start3A_1622] : memref<6x128x128xf32, #tpu.memory_space<vmem>> -> memref<1x128x128xf32, #tpu.memory_space<vmem>>
    %dma_start3A_1624 = tpu.memref_squeeze %dma_start3A_1623 : memref<1x128x128xf32, #tpu.memory_space<vmem>> -> memref<128x128xf32, #tpu.memory_space<vmem>>
    %dma_start3A_1625 = arith.constant 0 : i32
    %dma_start3A_1626 = tpu.memref_slice %arg5[%dma_start3A_1619, %dma_start3A_1625] : memref<13x128xi32, #tpu.memory_space<vmem>> -> memref<1x128xi32, #tpu.memory_space<vmem>>
    %dma_start3A_1627 = tpu.memref_squeeze %dma_start3A_1626 : memref<1x128xi32, #tpu.memory_space<vmem>> -> memref<128xi32, #tpu.memory_space<vmem>>
    %dma_start3A_1628 = arith.constant 0 : i32
    %dma_start3A_1629 = arith.constant 0 : i32
    %dma_start3A_1630 = tpu.memref_slice %arg2[%dma_start3A_1628, %dma_start3A_1629] : memref<2600000x128xf32, #tpu.memory_space<hbm>> -> memref<2600000x128xf32, #tpu.memory_space<hbm>>
    tpu.enqueue_indirect_dma source(%dma_start3A_1630 : memref<2600000x128xf32, #tpu.memory_space<hbm>>) target(%dma_start3A_1624 : memref<128x128xf32, #tpu.memory_space<vmem>>) offsets(%dma_start3A_1627 : memref<128xi32, #tpu.memory_space<vmem>>) semaphore(%arg8 : memref<!tpu.dma_semaphore, #tpu.memory_space<semaphore_mem>>)
    %dma_wait3A_1631 = arith.constant 2 : i32
    %dma_wait3A_1632 = arith.constant 2 : i32
    %dma_wait3A_1633 = arith.constant 0 : i32
    %dma_wait3A_1634 = arith.constant 0 : i32
    %dma_wait3A_1635 = tpu.memref_slice %arg6[%dma_wait3A_1632, %dma_wait3A_1633, %dma_wait3A_1634] : memref<6x128x128xf32, #tpu.memory_space<vmem>> -> memref<1x128x128xf32, #tpu.memory_space<vmem>>
    %dma_wait3A_1636 = tpu.memref_squeeze %dma_wait3A_1635 : memref<1x128x128xf32, #tpu.memory_space<vmem>> -> memref<128x128xf32, #tpu.memory_space<vmem>>
    %dma_wait3A_1637 = arith.constant 0 : i32
    %dma_wait3A_1638 = tpu.memref_slice %arg5[%dma_wait3A_1631, %dma_wait3A_1637] : memref<13x128xi32, #tpu.memory_space<vmem>> -> memref<1x128xi32, #tpu.memory_space<vmem>>
    %dma_wait3A_1639 = tpu.memref_squeeze %dma_wait3A_1638 : memref<1x128xi32, #tpu.memory_space<vmem>> -> memref<128xi32, #tpu.memory_space<vmem>>
    %dma_wait3A_1640 = arith.constant 0 : i32
    %dma_wait3A_1641 = arith.constant 0 : i32
    %dma_wait3A_1642 = tpu.memref_slice %arg2[%dma_wait3A_1640, %dma_wait3A_1641] : memref<2600000x128xf32, #tpu.memory_space<hbm>> -> memref<2600000x128xf32, #tpu.memory_space<hbm>>
    tpu.wait_indirect_dma semaphore(%arg9 : memref<!tpu.dma_semaphore, #tpu.memory_space<semaphore_mem>>) src(%dma_wait3A_1642 : memref<2600000x128xf32, #tpu.memory_space<hbm>>) dst(%dma_wait3A_1636 : memref<128x128xf32, #tpu.memory_space<vmem>>)
    %add3A_1643 = arith.constant 8192 : i32
    %add3A_1644 = arith.addi %add3A_1643, %mul3A_2 : i32
    %dma_start3A_1645 = arith.constant 2 : i32
    %dma_start3A_1646 = arith.constant 0 : i32
    %dma_start3A_1647 = arith.constant 0 : i32
    %dma_start3A_1648 = tpu.memref_slice %arg6[%dma_start3A_1645, %dma_start3A_1646, %dma_start3A_1647] : memref<6x128x128xf32, #tpu.memory_space<vmem>> -> memref<1x128x128xf32, #tpu.memory_space<vmem>>
    %dma_start3A_1649 = tpu.memref_squeeze %dma_start3A_1648 : memref<1x128x128xf32, #tpu.memory_space<vmem>> -> memref<128x128xf32, #tpu.memory_space<vmem>>
    %dma_start3A_1650 = arith.constant 0 : i32
    %dma_start3A_1651 = tpu.memref_slice %arg4[%add3A_1644, %dma_start3A_1650] : memref<53248x128xf32, #tpu.memory_space<hbm>> -> memref<128x128xf32, #tpu.memory_space<hbm>>
    %dma_start3A_1652 = arith.constant 0 : i32
    %dma_start3A_1653 = tpu.memref_slice %arg4[%add3A_1644, %dma_start3A_1652] : memref<53248x128xf32, #tpu.memory_space<hbm>> -> memref<128x128xf32, #tpu.memory_space<hbm>>
    %dma_start3A_1654 = arith.constant 0 : i32
    %dma_start3A_1655 = arith.constant 0 : i32
    %dma_start3A_1656 = tpu.memref_slice %arg6[%dma_start3A_1645, %dma_start3A_1654, %dma_start3A_1655] : memref<6x128x128xf32, #tpu.memory_space<vmem>> -> memref<1x128x128xf32, #tpu.memory_space<vmem>>
    %dma_start3A_1657 = tpu.memref_squeeze %dma_start3A_1656 : memref<1x128x128xf32, #tpu.memory_space<vmem>> -> memref<128x128xf32, #tpu.memory_space<vmem>>
    tpu.enqueue_dma source(%dma_start3A_1657 : memref<128x128xf32, #tpu.memory_space<vmem>>) target(%dma_start3A_1653 : memref<128x128xf32, #tpu.memory_space<hbm>>) target_semaphore(%arg15 : memref<!tpu.dma_semaphore, #tpu.memory_space<semaphore_mem>>)
    %dma_wait3A_1658 = arith.constant 2 : i32
    %dma_wait3A_1659 = arith.constant 0 : i32
    %dma_wait3A_1660 = arith.constant 0 : i32
    %dma_wait3A_1661 = tpu.memref_slice %arg6[%dma_wait3A_1658, %dma_wait3A_1659, %dma_wait3A_1660] : memref<6x128x128xf32, #tpu.memory_space<vmem>> -> memref<1x128x128xf32, #tpu.memory_space<vmem>>
    %dma_wait3A_1662 = tpu.memref_squeeze %dma_wait3A_1661 : memref<1x128x128xf32, #tpu.memory_space<vmem>> -> memref<128x128xf32, #tpu.memory_space<vmem>>
    %dma_wait3A_1663 = arith.constant 0 : i32
    %dma_wait3A_1664 = tpu.memref_slice %arg4[%add3A_1644, %dma_wait3A_1663] : memref<53248x128xf32, #tpu.memory_space<hbm>> -> memref<128x128xf32, #tpu.memory_space<hbm>>
    %dma_wait3A_1665 = arith.constant 0 : i32
    %dma_wait3A_1666 = tpu.memref_slice %arg4[%add3A_1644, %dma_wait3A_1665] : memref<53248x128xf32, #tpu.memory_space<hbm>> -> memref<128x128xf32, #tpu.memory_space<hbm>>
    %dma_wait3A_1667 = arith.constant 0 : i32
    %dma_wait3A_1668 = arith.constant 0 : i32
    %dma_wait3A_1669 = tpu.memref_slice %arg6[%dma_wait3A_1658, %dma_wait3A_1667, %dma_wait3A_1668] : memref<6x128x128xf32, #tpu.memory_space<vmem>> -> memref<1x128x128xf32, #tpu.memory_space<vmem>>
    %dma_wait3A_1670 = tpu.memref_squeeze %dma_wait3A_1669 : memref<1x128x128xf32, #tpu.memory_space<vmem>> -> memref<128x128xf32, #tpu.memory_space<vmem>>
    tpu.wait_dma2 semaphore(%arg15 : memref<!tpu.dma_semaphore, #tpu.memory_space<semaphore_mem>>) src(%dma_wait3A_1670 : memref<128x128xf32, #tpu.memory_space<vmem>>) dst(%dma_wait3A_1666 : memref<128x128xf32, #tpu.memory_space<hbm>>)
    %dma_start3A_1671 = arith.constant 8 : i32
    %dma_start3A_1672 = arith.constant 2 : i32
    %dma_start3A_1673 = arith.constant 0 : i32
    %dma_start3A_1674 = arith.constant 0 : i32
    %dma_start3A_1675 = tpu.memref_slice %arg6[%dma_start3A_1672, %dma_start3A_1673, %dma_start3A_1674] : memref<6x128x128xf32, #tpu.memory_space<vmem>> -> memref<1x128x128xf32, #tpu.memory_space<vmem>>
    %dma_start3A_1676 = tpu.memref_squeeze %dma_start3A_1675 : memref<1x128x128xf32, #tpu.memory_space<vmem>> -> memref<128x128xf32, #tpu.memory_space<vmem>>
    %dma_start3A_1677 = arith.constant 0 : i32
    %dma_start3A_1678 = tpu.memref_slice %arg5[%dma_start3A_1671, %dma_start3A_1677] : memref<13x128xi32, #tpu.memory_space<vmem>> -> memref<1x128xi32, #tpu.memory_space<vmem>>
    %dma_start3A_1679 = tpu.memref_squeeze %dma_start3A_1678 : memref<1x128xi32, #tpu.memory_space<vmem>> -> memref<128xi32, #tpu.memory_space<vmem>>
    %dma_start3A_1680 = arith.constant 0 : i32
    %dma_start3A_1681 = arith.constant 0 : i32
    %dma_start3A_1682 = tpu.memref_slice %arg2[%dma_start3A_1680, %dma_start3A_1681] : memref<2600000x128xf32, #tpu.memory_space<hbm>> -> memref<2600000x128xf32, #tpu.memory_space<hbm>>
    tpu.enqueue_indirect_dma source(%dma_start3A_1682 : memref<2600000x128xf32, #tpu.memory_space<hbm>>) target(%dma_start3A_1676 : memref<128x128xf32, #tpu.memory_space<vmem>>) offsets(%dma_start3A_1679 : memref<128xi32, #tpu.memory_space<vmem>>) semaphore(%arg9 : memref<!tpu.dma_semaphore, #tpu.memory_space<semaphore_mem>>)
    %dma_wait3A_1683 = arith.constant 3 : i32
    %dma_wait3A_1684 = arith.constant 3 : i32
    %dma_wait3A_1685 = arith.constant 0 : i32
    %dma_wait3A_1686 = arith.constant 0 : i32
    %dma_wait3A_1687 = tpu.memref_slice %arg6[%dma_wait3A_1684, %dma_wait3A_1685, %dma_wait3A_1686] : memref<6x128x128xf32, #tpu.memory_space<vmem>> -> memref<1x128x128xf32, #tpu.memory_space<vmem>>
    %dma_wait3A_1688 = tpu.memref_squeeze %dma_wait3A_1687 : memref<1x128x128xf32, #tpu.memory_space<vmem>> -> memref<128x128xf32, #tpu.memory_space<vmem>>
    %dma_wait3A_1689 = arith.constant 0 : i32
    %dma_wait3A_1690 = tpu.memref_slice %arg5[%dma_wait3A_1683, %dma_wait3A_1689] : memref<13x128xi32, #tpu.memory_space<vmem>> -> memref<1x128xi32, #tpu.memory_space<vmem>>
    %dma_wait3A_1691 = tpu.memref_squeeze %dma_wait3A_1690 : memref<1x128xi32, #tpu.memory_space<vmem>> -> memref<128xi32, #tpu.memory_space<vmem>>
    %dma_wait3A_1692 = arith.constant 0 : i32
    %dma_wait3A_1693 = arith.constant 0 : i32
    %dma_wait3A_1694 = tpu.memref_slice %arg2[%dma_wait3A_1692, %dma_wait3A_1693] : memref<2600000x128xf32, #tpu.memory_space<hbm>> -> memref<2600000x128xf32, #tpu.memory_space<hbm>>
    tpu.wait_indirect_dma semaphore(%arg10 : memref<!tpu.dma_semaphore, #tpu.memory_space<semaphore_mem>>) src(%dma_wait3A_1694 : memref<2600000x128xf32, #tpu.memory_space<hbm>>) dst(%dma_wait3A_1688 : memref<128x128xf32, #tpu.memory_space<vmem>>)
    %add3A_1695 = arith.constant 12288 : i32
    %add3A_1696 = arith.addi %add3A_1695, %mul3A_2 : i32
    %dma_start3A_1697 = arith.constant 3 : i32
    %dma_start3A_1698 = arith.constant 0 : i32
    %dma_start3A_1699 = arith.constant 0 : i32
    %dma_start3A_1700 = tpu.memref_slice %arg6[%dma_start3A_1697, %dma_start3A_1698, %dma_start3A_1699] : memref<6x128x128xf32, #tpu.memory_space<vmem>> -> memref<1x128x128xf32, #tpu.memory_space<vmem>>
    %dma_start3A_1701 = tpu.memref_squeeze %dma_start3A_1700 : memref<1x128x128xf32, #tpu.memory_space<vmem>> -> memref<128x128xf32, #tpu.memory_space<vmem>>
    %dma_start3A_1702 = arith.constant 0 : i32
    %dma_start3A_1703 = tpu.memref_slice %arg4[%add3A_1696, %dma_start3A_1702] : memref<53248x128xf32, #tpu.memory_space<hbm>> -> memref<128x128xf32, #tpu.memory_space<hbm>>
    %dma_start3A_1704 = arith.constant 0 : i32
    %dma_start3A_1705 = tpu.memref_slice %arg4[%add3A_1696, %dma_start3A_1704] : memref<53248x128xf32, #tpu.memory_space<hbm>> -> memref<128x128xf32, #tpu.memory_space<hbm>>
    %dma_start3A_1706 = arith.constant 0 : i32
    %dma_start3A_1707 = arith.constant 0 : i32
    %dma_start3A_1708 = tpu.memref_slice %arg6[%dma_start3A_1697, %dma_start3A_1706, %dma_start3A_1707] : memref<6x128x128xf32, #tpu.memory_space<vmem>> -> memref<1x128x128xf32, #tpu.memory_space<vmem>>
    %dma_start3A_1709 = tpu.memref_squeeze %dma_start3A_1708 : memref<1x128x128xf32, #tpu.memory_space<vmem>> -> memref<128x128xf32, #tpu.memory_space<vmem>>
    tpu.enqueue_dma source(%dma_start3A_1709 : memref<128x128xf32, #tpu.memory_space<vmem>>) target(%dma_start3A_1705 : memref<128x128xf32, #tpu.memory_space<hbm>>) target_semaphore(%arg16 : memref<!tpu.dma_semaphore, #tpu.memory_space<semaphore_mem>>)
    %dma_wait3A_1710 = arith.constant 3 : i32
    %dma_wait3A_1711 = arith.constant 0 : i32
    %dma_wait3A_1712 = arith.constant 0 : i32
    %dma_wait3A_1713 = tpu.memref_slice %arg6[%dma_wait3A_1710, %dma_wait3A_1711, %dma_wait3A_1712] : memref<6x128x128xf32, #tpu.memory_space<vmem>> -> memref<1x128x128xf32, #tpu.memory_space<vmem>>
    %dma_wait3A_1714 = tpu.memref_squeeze %dma_wait3A_1713 : memref<1x128x128xf32, #tpu.memory_space<vmem>> -> memref<128x128xf32, #tpu.memory_space<vmem>>
    %dma_wait3A_1715 = arith.constant 0 : i32
    %dma_wait3A_1716 = tpu.memref_slice %arg4[%add3A_1696, %dma_wait3A_1715] : memref<53248x128xf32, #tpu.memory_space<hbm>> -> memref<128x128xf32, #tpu.memory_space<hbm>>
    %dma_wait3A_1717 = arith.constant 0 : i32
    %dma_wait3A_1718 = tpu.memref_slice %arg4[%add3A_1696, %dma_wait3A_1717] : memref<53248x128xf32, #tpu.memory_space<hbm>> -> memref<128x128xf32, #tpu.memory_space<hbm>>
    %dma_wait3A_1719 = arith.constant 0 : i32
    %dma_wait3A_1720 = arith.constant 0 : i32
    %dma_wait3A_1721 = tpu.memref_slice %arg6[%dma_wait3A_1710, %dma_wait3A_1719, %dma_wait3A_1720] : memref<6x128x128xf32, #tpu.memory_space<vmem>> -> memref<1x128x128xf32, #tpu.memory_space<vmem>>
    %dma_wait3A_1722 = tpu.memref_squeeze %dma_wait3A_1721 : memref<1x128x128xf32, #tpu.memory_space<vmem>> -> memref<128x128xf32, #tpu.memory_space<vmem>>
    tpu.wait_dma2 semaphore(%arg16 : memref<!tpu.dma_semaphore, #tpu.memory_space<semaphore_mem>>) src(%dma_wait3A_1722 : memref<128x128xf32, #tpu.memory_space<vmem>>) dst(%dma_wait3A_1718 : memref<128x128xf32, #tpu.memory_space<hbm>>)
    %dma_start3A_1723 = arith.constant 9 : i32
    %dma_start3A_1724 = arith.constant 3 : i32
    %dma_start3A_1725 = arith.constant 0 : i32
    %dma_start3A_1726 = arith.constant 0 : i32
    %dma_start3A_1727 = tpu.memref_slice %arg6[%dma_start3A_1724, %dma_start3A_1725, %dma_start3A_1726] : memref<6x128x128xf32, #tpu.memory_space<vmem>> -> memref<1x128x128xf32, #tpu.memory_space<vmem>>
    %dma_start3A_1728 = tpu.memref_squeeze %dma_start3A_1727 : memref<1x128x128xf32, #tpu.memory_space<vmem>> -> memref<128x128xf32, #tpu.memory_space<vmem>>
    %dma_start3A_1729 = arith.constant 0 : i32
    %dma_start3A_1730 = tpu.memref_slice %arg5[%dma_start3A_1723, %dma_start3A_1729] : memref<13x128xi32, #tpu.memory_space<vmem>> -> memref<1x128xi32, #tpu.memory_space<vmem>>
    %dma_start3A_1731 = tpu.memref_squeeze %dma_start3A_1730 : memref<1x128xi32, #tpu.memory_space<vmem>> -> memref<128xi32, #tpu.memory_space<vmem>>
    %dma_start3A_1732 = arith.constant 0 : i32
    %dma_start3A_1733 = arith.constant 0 : i32
    %dma_start3A_1734 = tpu.memref_slice %arg2[%dma_start3A_1732, %dma_start3A_1733] : memref<2600000x128xf32, #tpu.memory_space<hbm>> -> memref<2600000x128xf32, #tpu.memory_space<hbm>>
    tpu.enqueue_indirect_dma source(%dma_start3A_1734 : memref<2600000x128xf32, #tpu.memory_space<hbm>>) target(%dma_start3A_1728 : memref<128x128xf32, #tpu.memory_space<vmem>>) offsets(%dma_start3A_1731 : memref<128xi32, #tpu.memory_space<vmem>>) semaphore(%arg10 : memref<!tpu.dma_semaphore, #tpu.memory_space<semaphore_mem>>)
    %dma_wait3A_1735 = arith.constant 4 : i32
    %dma_wait3A_1736 = arith.constant 4 : i32
    %dma_wait3A_1737 = arith.constant 0 : i32
    %dma_wait3A_1738 = arith.constant 0 : i32
    %dma_wait3A_1739 = tpu.memref_slice %arg6[%dma_wait3A_1736, %dma_wait3A_1737, %dma_wait3A_1738] : memref<6x128x128xf32, #tpu.memory_space<vmem>> -> memref<1x128x128xf32, #tpu.memory_space<vmem>>
    %dma_wait3A_1740 = tpu.memref_squeeze %dma_wait3A_1739 : memref<1x128x128xf32, #tpu.memory_space<vmem>> -> memref<128x128xf32, #tpu.memory_space<vmem>>
    %dma_wait3A_1741 = arith.constant 0 : i32
    %dma_wait3A_1742 = tpu.memref_slice %arg5[%dma_wait3A_1735, %dma_wait3A_1741] : memref<13x128xi32, #tpu.memory_space<vmem>> -> memref<1x128xi32, #tpu.memory_space<vmem>>
    %dma_wait3A_1743 = tpu.memref_squeeze %dma_wait3A_1742 : memref<1x128xi32, #tpu.memory_space<vmem>> -> memref<128xi32, #tpu.memory_space<vmem>>
    %dma_wait3A_1744 = arith.constant 0 : i32
    %dma_wait3A_1745 = arith.constant 0 : i32
    %dma_wait3A_1746 = tpu.memref_slice %arg2[%dma_wait3A_1744, %dma_wait3A_1745] : memref<2600000x128xf32, #tpu.memory_space<hbm>> -> memref<2600000x128xf32, #tpu.memory_space<hbm>>
    tpu.wait_indirect_dma semaphore(%arg11 : memref<!tpu.dma_semaphore, #tpu.memory_space<semaphore_mem>>) src(%dma_wait3A_1746 : memref<2600000x128xf32, #tpu.memory_space<hbm>>) dst(%dma_wait3A_1740 : memref<128x128xf32, #tpu.memory_space<vmem>>)
    %add3A_1747 = arith.constant 16384 : i32
    %add3A_1748 = arith.addi %add3A_1747, %mul3A_2 : i32
    %dma_start3A_1749 = arith.constant 4 : i32
    %dma_start3A_1750 = arith.constant 0 : i32
    %dma_start3A_1751 = arith.constant 0 : i32
    %dma_start3A_1752 = tpu.memref_slice %arg6[%dma_start3A_1749, %dma_start3A_1750, %dma_start3A_1751] : memref<6x128x128xf32, #tpu.memory_space<vmem>> -> memref<1x128x128xf32, #tpu.memory_space<vmem>>
    %dma_start3A_1753 = tpu.memref_squeeze %dma_start3A_1752 : memref<1x128x128xf32, #tpu.memory_space<vmem>> -> memref<128x128xf32, #tpu.memory_space<vmem>>
    %dma_start3A_1754 = arith.constant 0 : i32
    %dma_start3A_1755 = tpu.memref_slice %arg4[%add3A_1748, %dma_start3A_1754] : memref<53248x128xf32, #tpu.memory_space<hbm>> -> memref<128x128xf32, #tpu.memory_space<hbm>>
    %dma_start3A_1756 = arith.constant 0 : i32
    %dma_start3A_1757 = tpu.memref_slice %arg4[%add3A_1748, %dma_start3A_1756] : memref<53248x128xf32, #tpu.memory_space<hbm>> -> memref<128x128xf32, #tpu.memory_space<hbm>>
    %dma_start3A_1758 = arith.constant 0 : i32
    %dma_start3A_1759 = arith.constant 0 : i32
    %dma_start3A_1760 = tpu.memref_slice %arg6[%dma_start3A_1749, %dma_start3A_1758, %dma_start3A_1759] : memref<6x128x128xf32, #tpu.memory_space<vmem>> -> memref<1x128x128xf32, #tpu.memory_space<vmem>>
    %dma_start3A_1761 = tpu.memref_squeeze %dma_start3A_1760 : memref<1x128x128xf32, #tpu.memory_space<vmem>> -> memref<128x128xf32, #tpu.memory_space<vmem>>
    tpu.enqueue_dma source(%dma_start3A_1761 : memref<128x128xf32, #tpu.memory_space<vmem>>) target(%dma_start3A_1757 : memref<128x128xf32, #tpu.memory_space<hbm>>) target_semaphore(%arg17 : memref<!tpu.dma_semaphore, #tpu.memory_space<semaphore_mem>>)
    %dma_wait3A_1762 = arith.constant 4 : i32
    %dma_wait3A_1763 = arith.constant 0 : i32
    %dma_wait3A_1764 = arith.constant 0 : i32
    %dma_wait3A_1765 = tpu.memref_slice %arg6[%dma_wait3A_1762, %dma_wait3A_1763, %dma_wait3A_1764] : memref<6x128x128xf32, #tpu.memory_space<vmem>> -> memref<1x128x128xf32, #tpu.memory_space<vmem>>
    %dma_wait3A_1766 = tpu.memref_squeeze %dma_wait3A_1765 : memref<1x128x128xf32, #tpu.memory_space<vmem>> -> memref<128x128xf32, #tpu.memory_space<vmem>>
    %dma_wait3A_1767 = arith.constant 0 : i32
    %dma_wait3A_1768 = tpu.memref_slice %arg4[%add3A_1748, %dma_wait3A_1767] : memref<53248x128xf32, #tpu.memory_space<hbm>> -> memref<128x128xf32, #tpu.memory_space<hbm>>
    %dma_wait3A_1769 = arith.constant 0 : i32
    %dma_wait3A_1770 = tpu.memref_slice %arg4[%add3A_1748, %dma_wait3A_1769] : memref<53248x128xf32, #tpu.memory_space<hbm>> -> memref<128x128xf32, #tpu.memory_space<hbm>>
    %dma_wait3A_1771 = arith.constant 0 : i32
    %dma_wait3A_1772 = arith.constant 0 : i32
    %dma_wait3A_1773 = tpu.memref_slice %arg6[%dma_wait3A_1762, %dma_wait3A_1771, %dma_wait3A_1772] : memref<6x128x128xf32, #tpu.memory_space<vmem>> -> memref<1x128x128xf32, #tpu.memory_space<vmem>>
    %dma_wait3A_1774 = tpu.memref_squeeze %dma_wait3A_1773 : memref<1x128x128xf32, #tpu.memory_space<vmem>> -> memref<128x128xf32, #tpu.memory_space<vmem>>
    tpu.wait_dma2 semaphore(%arg17 : memref<!tpu.dma_semaphore, #tpu.memory_space<semaphore_mem>>) src(%dma_wait3A_1774 : memref<128x128xf32, #tpu.memory_space<vmem>>) dst(%dma_wait3A_1770 : memref<128x128xf32, #tpu.memory_space<hbm>>)
    %dma_start3A_1775 = arith.constant 10 : i32
    %dma_start3A_1776 = arith.constant 4 : i32
    %dma_start3A_1777 = arith.constant 0 : i32
    %dma_start3A_1778 = arith.constant 0 : i32
    %dma_start3A_1779 = tpu.memref_slice %arg6[%dma_start3A_1776, %dma_start3A_1777, %dma_start3A_1778] : memref<6x128x128xf32, #tpu.memory_space<vmem>> -> memref<1x128x128xf32, #tpu.memory_space<vmem>>
    %dma_start3A_1780 = tpu.memref_squeeze %dma_start3A_1779 : memref<1x128x128xf32, #tpu.memory_space<vmem>> -> memref<128x128xf32, #tpu.memory_space<vmem>>
    %dma_start3A_1781 = arith.constant 0 : i32
    %dma_start3A_1782 = tpu.memref_slice %arg5[%dma_start3A_1775, %dma_start3A_1781] : memref<13x128xi32, #tpu.memory_space<vmem>> -> memref<1x128xi32, #tpu.memory_space<vmem>>
    %dma_start3A_1783 = tpu.memref_squeeze %dma_start3A_1782 : memref<1x128xi32, #tpu.memory_space<vmem>> -> memref<128xi32, #tpu.memory_space<vmem>>
    %dma_start3A_1784 = arith.constant 0 : i32
    %dma_start3A_1785 = arith.constant 0 : i32
    %dma_start3A_1786 = tpu.memref_slice %arg2[%dma_start3A_1784, %dma_start3A_1785] : memref<2600000x128xf32, #tpu.memory_space<hbm>> -> memref<2600000x128xf32, #tpu.memory_space<hbm>>
    tpu.enqueue_indirect_dma source(%dma_start3A_1786 : memref<2600000x128xf32, #tpu.memory_space<hbm>>) target(%dma_start3A_1780 : memref<128x128xf32, #tpu.memory_space<vmem>>) offsets(%dma_start3A_1783 : memref<128xi32, #tpu.memory_space<vmem>>) semaphore(%arg11 : memref<!tpu.dma_semaphore, #tpu.memory_space<semaphore_mem>>)
    %dma_wait3A_1787 = arith.constant 5 : i32
    %dma_wait3A_1788 = arith.constant 5 : i32
    %dma_wait3A_1789 = arith.constant 0 : i32
    %dma_wait3A_1790 = arith.constant 0 : i32
    %dma_wait3A_1791 = tpu.memref_slice %arg6[%dma_wait3A_1788, %dma_wait3A_1789, %dma_wait3A_1790] : memref<6x128x128xf32, #tpu.memory_space<vmem>> -> memref<1x128x128xf32, #tpu.memory_space<vmem>>
    %dma_wait3A_1792 = tpu.memref_squeeze %dma_wait3A_1791 : memref<1x128x128xf32, #tpu.memory_space<vmem>> -> memref<128x128xf32, #tpu.memory_space<vmem>>
    %dma_wait3A_1793 = arith.constant 0 : i32
    %dma_wait3A_1794 = tpu.memref_slice %arg5[%dma_wait3A_1787, %dma_wait3A_1793] : memref<13x128xi32, #tpu.memory_space<vmem>> -> memref<1x128xi32, #tpu.memory_space<vmem>>
    %dma_wait3A_1795 = tpu.memref_squeeze %dma_wait3A_1794 : memref<1x128xi32, #tpu.memory_space<vmem>> -> memref<128xi32, #tpu.memory_space<vmem>>
    %dma_wait3A_1796 = arith.constant 0 : i32
    %dma_wait3A_1797 = arith.constant 0 : i32
    %dma_wait3A_1798 = tpu.memref_slice %arg2[%dma_wait3A_1796, %dma_wait3A_1797] : memref<2600000x128xf32, #tpu.memory_space<hbm>> -> memref<2600000x128xf32, #tpu.memory_space<hbm>>
    tpu.wait_indirect_dma semaphore(%arg12 : memref<!tpu.dma_semaphore, #tpu.memory_space<semaphore_mem>>) src(%dma_wait3A_1798 : memref<2600000x128xf32, #tpu.memory_space<hbm>>) dst(%dma_wait3A_1792 : memref<128x128xf32, #tpu.memory_space<vmem>>)
    %add3A_1799 = arith.constant 20480 : i32
    %add3A_1800 = arith.addi %add3A_1799, %mul3A_2 : i32
    %dma_start3A_1801 = arith.constant 5 : i32
    %dma_start3A_1802 = arith.constant 0 : i32
    %dma_start3A_1803 = arith.constant 0 : i32
    %dma_start3A_1804 = tpu.memref_slice %arg6[%dma_start3A_1801, %dma_start3A_1802, %dma_start3A_1803] : memref<6x128x128xf32, #tpu.memory_space<vmem>> -> memref<1x128x128xf32, #tpu.memory_space<vmem>>
    %dma_start3A_1805 = tpu.memref_squeeze %dma_start3A_1804 : memref<1x128x128xf32, #tpu.memory_space<vmem>> -> memref<128x128xf32, #tpu.memory_space<vmem>>
    %dma_start3A_1806 = arith.constant 0 : i32
    %dma_start3A_1807 = tpu.memref_slice %arg4[%add3A_1800, %dma_start3A_1806] : memref<53248x128xf32, #tpu.memory_space<hbm>> -> memref<128x128xf32, #tpu.memory_space<hbm>>
    %dma_start3A_1808 = arith.constant 0 : i32
    %dma_start3A_1809 = tpu.memref_slice %arg4[%add3A_1800, %dma_start3A_1808] : memref<53248x128xf32, #tpu.memory_space<hbm>> -> memref<128x128xf32, #tpu.memory_space<hbm>>
    %dma_start3A_1810 = arith.constant 0 : i32
    %dma_start3A_1811 = arith.constant 0 : i32
    %dma_start3A_1812 = tpu.memref_slice %arg6[%dma_start3A_1801, %dma_start3A_1810, %dma_start3A_1811] : memref<6x128x128xf32, #tpu.memory_space<vmem>> -> memref<1x128x128xf32, #tpu.memory_space<vmem>>
    %dma_start3A_1813 = tpu.memref_squeeze %dma_start3A_1812 : memref<1x128x128xf32, #tpu.memory_space<vmem>> -> memref<128x128xf32, #tpu.memory_space<vmem>>
    tpu.enqueue_dma source(%dma_start3A_1813 : memref<128x128xf32, #tpu.memory_space<vmem>>) target(%dma_start3A_1809 : memref<128x128xf32, #tpu.memory_space<hbm>>) target_semaphore(%arg18 : memref<!tpu.dma_semaphore, #tpu.memory_space<semaphore_mem>>)
    %dma_wait3A_1814 = arith.constant 5 : i32
    %dma_wait3A_1815 = arith.constant 0 : i32
    %dma_wait3A_1816 = arith.constant 0 : i32
    %dma_wait3A_1817 = tpu.memref_slice %arg6[%dma_wait3A_1814, %dma_wait3A_1815, %dma_wait3A_1816] : memref<6x128x128xf32, #tpu.memory_space<vmem>> -> memref<1x128x128xf32, #tpu.memory_space<vmem>>
    %dma_wait3A_1818 = tpu.memref_squeeze %dma_wait3A_1817 : memref<1x128x128xf32, #tpu.memory_space<vmem>> -> memref<128x128xf32, #tpu.memory_space<vmem>>
    %dma_wait3A_1819 = arith.constant 0 : i32
    %dma_wait3A_1820 = tpu.memref_slice %arg4[%add3A_1800, %dma_wait3A_1819] : memref<53248x128xf32, #tpu.memory_space<hbm>> -> memref<128x128xf32, #tpu.memory_space<hbm>>
    %dma_wait3A_1821 = arith.constant 0 : i32
    %dma_wait3A_1822 = tpu.memref_slice %arg4[%add3A_1800, %dma_wait3A_1821] : memref<53248x128xf32, #tpu.memory_space<hbm>> -> memref<128x128xf32, #tpu.memory_space<hbm>>
    %dma_wait3A_1823 = arith.constant 0 : i32
    %dma_wait3A_1824 = arith.constant 0 : i32
    %dma_wait3A_1825 = tpu.memref_slice %arg6[%dma_wait3A_1814, %dma_wait3A_1823, %dma_wait3A_1824] : memref<6x128x128xf32, #tpu.memory_space<vmem>> -> memref<1x128x128xf32, #tpu.memory_space<vmem>>
    %dma_wait3A_1826 = tpu.memref_squeeze %dma_wait3A_1825 : memref<1x128x128xf32, #tpu.memory_space<vmem>> -> memref<128x128xf32, #tpu.memory_space<vmem>>
    tpu.wait_dma2 semaphore(%arg18 : memref<!tpu.dma_semaphore, #tpu.memory_space<semaphore_mem>>) src(%dma_wait3A_1826 : memref<128x128xf32, #tpu.memory_space<vmem>>) dst(%dma_wait3A_1822 : memref<128x128xf32, #tpu.memory_space<hbm>>)
    %dma_start3A_1827 = arith.constant 11 : i32
    %dma_start3A_1828 = arith.constant 5 : i32
    %dma_start3A_1829 = arith.constant 0 : i32
    %dma_start3A_1830 = arith.constant 0 : i32
    %dma_start3A_1831 = tpu.memref_slice %arg6[%dma_start3A_1828, %dma_start3A_1829, %dma_start3A_1830] : memref<6x128x128xf32, #tpu.memory_space<vmem>> -> memref<1x128x128xf32, #tpu.memory_space<vmem>>
    %dma_start3A_1832 = tpu.memref_squeeze %dma_start3A_1831 : memref<1x128x128xf32, #tpu.memory_space<vmem>> -> memref<128x128xf32, #tpu.memory_space<vmem>>
    %dma_start3A_1833 = arith.constant 0 : i32
    %dma_start3A_1834 = tpu.memref_slice %arg5[%dma_start3A_1827, %dma_start3A_1833] : memref<13x128xi32, #tpu.memory_space<vmem>> -> memref<1x128xi32, #tpu.memory_space<vmem>>
    %dma_start3A_1835 = tpu.memref_squeeze %dma_start3A_1834 : memref<1x128xi32, #tpu.memory_space<vmem>> -> memref<128xi32, #tpu.memory_space<vmem>>
    %dma_start3A_1836 = arith.constant 0 : i32
    %dma_start3A_1837 = arith.constant 0 : i32
    %dma_start3A_1838 = tpu.memref_slice %arg2[%dma_start3A_1836, %dma_start3A_1837] : memref<2600000x128xf32, #tpu.memory_space<hbm>> -> memref<2600000x128xf32, #tpu.memory_space<hbm>>
    tpu.enqueue_indirect_dma source(%dma_start3A_1838 : memref<2600000x128xf32, #tpu.memory_space<hbm>>) target(%dma_start3A_1832 : memref<128x128xf32, #tpu.memory_space<vmem>>) offsets(%dma_start3A_1835 : memref<128xi32, #tpu.memory_space<vmem>>) semaphore(%arg12 : memref<!tpu.dma_semaphore, #tpu.memory_space<semaphore_mem>>)
    %dma_wait3A_1839 = arith.constant 6 : i32
    %dma_wait3A_1840 = arith.constant 0 : i32
    %dma_wait3A_1841 = arith.constant 0 : i32
    %dma_wait3A_1842 = arith.constant 0 : i32
    %dma_wait3A_1843 = tpu.memref_slice %arg6[%dma_wait3A_1840, %dma_wait3A_1841, %dma_wait3A_1842] : memref<6x128x128xf32, #tpu.memory_space<vmem>> -> memref<1x128x128xf32, #tpu.memory_space<vmem>>
    %dma_wait3A_1844 = tpu.memref_squeeze %dma_wait3A_1843 : memref<1x128x128xf32, #tpu.memory_space<vmem>> -> memref<128x128xf32, #tpu.memory_space<vmem>>
    %dma_wait3A_1845 = arith.constant 0 : i32
    %dma_wait3A_1846 = tpu.memref_slice %arg5[%dma_wait3A_1839, %dma_wait3A_1845] : memref<13x128xi32, #tpu.memory_space<vmem>> -> memref<1x128xi32, #tpu.memory_space<vmem>>
    %dma_wait3A_1847 = tpu.memref_squeeze %dma_wait3A_1846 : memref<1x128xi32, #tpu.memory_space<vmem>> -> memref<128xi32, #tpu.memory_space<vmem>>
    %dma_wait3A_1848 = arith.constant 0 : i32
    %dma_wait3A_1849 = arith.constant 0 : i32
    %dma_wait3A_1850 = tpu.memref_slice %arg2[%dma_wait3A_1848, %dma_wait3A_1849] : memref<2600000x128xf32, #tpu.memory_space<hbm>> -> memref<2600000x128xf32, #tpu.memory_space<hbm>>
    tpu.wait_indirect_dma semaphore(%arg7 : memref<!tpu.dma_semaphore, #tpu.memory_space<semaphore_mem>>) src(%dma_wait3A_1850 : memref<2600000x128xf32, #tpu.memory_space<hbm>>) dst(%dma_wait3A_1844 : memref<128x128xf32, #tpu.memory_space<vmem>>)
    %add3A_1851 = arith.constant 24576 : i32
    %add3A_1852 = arith.addi %add3A_1851, %mul3A_2 : i32
    %dma_start3A_1853 = arith.constant 0 : i32
    %dma_start3A_1854 = arith.constant 0 : i32
    %dma_start3A_1855 = arith.constant 0 : i32
    %dma_start3A_1856 = tpu.memref_slice %arg6[%dma_start3A_1853, %dma_start3A_1854, %dma_start3A_1855] : memref<6x128x128xf32, #tpu.memory_space<vmem>> -> memref<1x128x128xf32, #tpu.memory_space<vmem>>
    %dma_start3A_1857 = tpu.memref_squeeze %dma_start3A_1856 : memref<1x128x128xf32, #tpu.memory_space<vmem>> -> memref<128x128xf32, #tpu.memory_space<vmem>>
    %dma_start3A_1858 = arith.constant 0 : i32
    %dma_start3A_1859 = tpu.memref_slice %arg4[%add3A_1852, %dma_start3A_1858] : memref<53248x128xf32, #tpu.memory_space<hbm>> -> memref<128x128xf32, #tpu.memory_space<hbm>>
    %dma_start3A_1860 = arith.constant 0 : i32
    %dma_start3A_1861 = tpu.memref_slice %arg4[%add3A_1852, %dma_start3A_1860] : memref<53248x128xf32, #tpu.memory_space<hbm>> -> memref<128x128xf32, #tpu.memory_space<hbm>>
    %dma_start3A_1862 = arith.constant 0 : i32
    %dma_start3A_1863 = arith.constant 0 : i32
    %dma_start3A_1864 = tpu.memref_slice %arg6[%dma_start3A_1853, %dma_start3A_1862, %dma_start3A_1863] : memref<6x128x128xf32, #tpu.memory_space<vmem>> -> memref<1x128x128xf32, #tpu.memory_space<vmem>>
    %dma_start3A_1865 = tpu.memref_squeeze %dma_start3A_1864 : memref<1x128x128xf32, #tpu.memory_space<vmem>> -> memref<128x128xf32, #tpu.memory_space<vmem>>
    tpu.enqueue_dma source(%dma_start3A_1865 : memref<128x128xf32, #tpu.memory_space<vmem>>) target(%dma_start3A_1861 : memref<128x128xf32, #tpu.memory_space<hbm>>) target_semaphore(%arg13 : memref<!tpu.dma_semaphore, #tpu.memory_space<semaphore_mem>>)
    %dma_wait3A_1866 = arith.constant 0 : i32
    %dma_wait3A_1867 = arith.constant 0 : i32
    %dma_wait3A_1868 = arith.constant 0 : i32
    %dma_wait3A_1869 = tpu.memref_slice %arg6[%dma_wait3A_1866, %dma_wait3A_1867, %dma_wait3A_1868] : memref<6x128x128xf32, #tpu.memory_space<vmem>> -> memref<1x128x128xf32, #tpu.memory_space<vmem>>
    %dma_wait3A_1870 = tpu.memref_squeeze %dma_wait3A_1869 : memref<1x128x128xf32, #tpu.memory_space<vmem>> -> memref<128x128xf32, #tpu.memory_space<vmem>>
    %dma_wait3A_1871 = arith.constant 0 : i32
    %dma_wait3A_1872 = tpu.memref_slice %arg4[%add3A_1852, %dma_wait3A_1871] : memref<53248x128xf32, #tpu.memory_space<hbm>> -> memref<128x128xf32, #tpu.memory_space<hbm>>
    %dma_wait3A_1873 = arith.constant 0 : i32
    %dma_wait3A_1874 = tpu.memref_slice %arg4[%add3A_1852, %dma_wait3A_1873] : memref<53248x128xf32, #tpu.memory_space<hbm>> -> memref<128x128xf32, #tpu.memory_space<hbm>>
    %dma_wait3A_1875 = arith.constant 0 : i32
    %dma_wait3A_1876 = arith.constant 0 : i32
    %dma_wait3A_1877 = tpu.memref_slice %arg6[%dma_wait3A_1866, %dma_wait3A_1875, %dma_wait3A_1876] : memref<6x128x128xf32, #tpu.memory_space<vmem>> -> memref<1x128x128xf32, #tpu.memory_space<vmem>>
    %dma_wait3A_1878 = tpu.memref_squeeze %dma_wait3A_1877 : memref<1x128x128xf32, #tpu.memory_space<vmem>> -> memref<128x128xf32, #tpu.memory_space<vmem>>
    tpu.wait_dma2 semaphore(%arg13 : memref<!tpu.dma_semaphore, #tpu.memory_space<semaphore_mem>>) src(%dma_wait3A_1878 : memref<128x128xf32, #tpu.memory_space<vmem>>) dst(%dma_wait3A_1874 : memref<128x128xf32, #tpu.memory_space<hbm>>)
    %dma_start3A_1879 = arith.constant 12 : i32
    %dma_start3A_1880 = arith.constant 0 : i32
    %dma_start3A_1881 = arith.constant 0 : i32
    %dma_start3A_1882 = arith.constant 0 : i32
    %dma_start3A_1883 = tpu.memref_slice %arg6[%dma_start3A_1880, %dma_start3A_1881, %dma_start3A_1882] : memref<6x128x128xf32, #tpu.memory_space<vmem>> -> memref<1x128x128xf32, #tpu.memory_space<vmem>>
    %dma_start3A_1884 = tpu.memref_squeeze %dma_start3A_1883 : memref<1x128x128xf32, #tpu.memory_space<vmem>> -> memref<128x128xf32, #tpu.memory_space<vmem>>
    %dma_start3A_1885 = arith.constant 0 : i32
    %dma_start3A_1886 = tpu.memref_slice %arg5[%dma_start3A_1879, %dma_start3A_1885] : memref<13x128xi32, #tpu.memory_space<vmem>> -> memref<1x128xi32, #tpu.memory_space<vmem>>
    %dma_start3A_1887 = tpu.memref_squeeze %dma_start3A_1886 : memref<1x128xi32, #tpu.memory_space<vmem>> -> memref<128xi32, #tpu.memory_space<vmem>>
    %dma_start3A_1888 = arith.constant 0 : i32
    %dma_start3A_1889 = arith.constant 0 : i32
    %dma_start3A_1890 = tpu.memref_slice %arg2[%dma_start3A_1888, %dma_start3A_1889] : memref<2600000x128xf32, #tpu.memory_space<hbm>> -> memref<2600000x128xf32, #tpu.memory_space<hbm>>
    tpu.enqueue_indirect_dma source(%dma_start3A_1890 : memref<2600000x128xf32, #tpu.memory_space<hbm>>) target(%dma_start3A_1884 : memref<128x128xf32, #tpu.memory_space<vmem>>) offsets(%dma_start3A_1887 : memref<128xi32, #tpu.memory_space<vmem>>) semaphore(%arg7 : memref<!tpu.dma_semaphore, #tpu.memory_space<semaphore_mem>>)
    %dma_wait3A_1891 = arith.constant 7 : i32
    %dma_wait3A_1892 = arith.constant 1 : i32
    %dma_wait3A_1893 = arith.constant 0 : i32
    %dma_wait3A_1894 = arith.constant 0 : i32
    %dma_wait3A_1895 = tpu.memref_slice %arg6[%dma_wait3A_1892, %dma_wait3A_1893, %dma_wait3A_1894] : memref<6x128x128xf32, #tpu.memory_space<vmem>> -> memref<1x128x128xf32, #tpu.memory_space<vmem>>
    %dma_wait3A_1896 = tpu.memref_squeeze %dma_wait3A_1895 : memref<1x128x128xf32, #tpu.memory_space<vmem>> -> memref<128x128xf32, #tpu.memory_space<vmem>>
    %dma_wait3A_1897 = arith.constant 0 : i32
    %dma_wait3A_1898 = tpu.memref_slice %arg5[%dma_wait3A_1891, %dma_wait3A_1897] : memref<13x128xi32, #tpu.memory_space<vmem>> -> memref<1x128xi32, #tpu.memory_space<vmem>>
    %dma_wait3A_1899 = tpu.memref_squeeze %dma_wait3A_1898 : memref<1x128xi32, #tpu.memory_space<vmem>> -> memref<128xi32, #tpu.memory_space<vmem>>
    %dma_wait3A_1900 = arith.constant 0 : i32
    %dma_wait3A_1901 = arith.constant 0 : i32
    %dma_wait3A_1902 = tpu.memref_slice %arg2[%dma_wait3A_1900, %dma_wait3A_1901] : memref<2600000x128xf32, #tpu.memory_space<hbm>> -> memref<2600000x128xf32, #tpu.memory_space<hbm>>
    tpu.wait_indirect_dma semaphore(%arg8 : memref<!tpu.dma_semaphore, #tpu.memory_space<semaphore_mem>>) src(%dma_wait3A_1902 : memref<2600000x128xf32, #tpu.memory_space<hbm>>) dst(%dma_wait3A_1896 : memref<128x128xf32, #tpu.memory_space<vmem>>)
    %add3A_1903 = arith.constant 28672 : i32
    %add3A_1904 = arith.addi %add3A_1903, %mul3A_2 : i32
    %dma_start3A_1905 = arith.constant 1 : i32
    %dma_start3A_1906 = arith.constant 0 : i32
    %dma_start3A_1907 = arith.constant 0 : i32
    %dma_start3A_1908 = tpu.memref_slice %arg6[%dma_start3A_1905, %dma_start3A_1906, %dma_start3A_1907] : memref<6x128x128xf32, #tpu.memory_space<vmem>> -> memref<1x128x128xf32, #tpu.memory_space<vmem>>
    %dma_start3A_1909 = tpu.memref_squeeze %dma_start3A_1908 : memref<1x128x128xf32, #tpu.memory_space<vmem>> -> memref<128x128xf32, #tpu.memory_space<vmem>>
    %dma_start3A_1910 = arith.constant 0 : i32
    %dma_start3A_1911 = tpu.memref_slice %arg4[%add3A_1904, %dma_start3A_1910] : memref<53248x128xf32, #tpu.memory_space<hbm>> -> memref<128x128xf32, #tpu.memory_space<hbm>>
    %dma_start3A_1912 = arith.constant 0 : i32
    %dma_start3A_1913 = tpu.memref_slice %arg4[%add3A_1904, %dma_start3A_1912] : memref<53248x128xf32, #tpu.memory_space<hbm>> -> memref<128x128xf32, #tpu.memory_space<hbm>>
    %dma_start3A_1914 = arith.constant 0 : i32
    %dma_start3A_1915 = arith.constant 0 : i32
    %dma_start3A_1916 = tpu.memref_slice %arg6[%dma_start3A_1905, %dma_start3A_1914, %dma_start3A_1915] : memref<6x128x128xf32, #tpu.memory_space<vmem>> -> memref<1x128x128xf32, #tpu.memory_space<vmem>>
    %dma_start3A_1917 = tpu.memref_squeeze %dma_start3A_1916 : memref<1x128x128xf32, #tpu.memory_space<vmem>> -> memref<128x128xf32, #tpu.memory_space<vmem>>
    tpu.enqueue_dma source(%dma_start3A_1917 : memref<128x128xf32, #tpu.memory_space<vmem>>) target(%dma_start3A_1913 : memref<128x128xf32, #tpu.memory_space<hbm>>) target_semaphore(%arg14 : memref<!tpu.dma_semaphore, #tpu.memory_space<semaphore_mem>>)
    %dma_wait3A_1918 = arith.constant 8 : i32
    %dma_wait3A_1919 = arith.constant 2 : i32
    %dma_wait3A_1920 = arith.constant 0 : i32
    %dma_wait3A_1921 = arith.constant 0 : i32
    %dma_wait3A_1922 = tpu.memref_slice %arg6[%dma_wait3A_1919, %dma_wait3A_1920, %dma_wait3A_1921] : memref<6x128x128xf32, #tpu.memory_space<vmem>> -> memref<1x128x128xf32, #tpu.memory_space<vmem>>
    %dma_wait3A_1923 = tpu.memref_squeeze %dma_wait3A_1922 : memref<1x128x128xf32, #tpu.memory_space<vmem>> -> memref<128x128xf32, #tpu.memory_space<vmem>>
    %dma_wait3A_1924 = arith.constant 0 : i32
    %dma_wait3A_1925 = tpu.memref_slice %arg5[%dma_wait3A_1918, %dma_wait3A_1924] : memref<13x128xi32, #tpu.memory_space<vmem>> -> memref<1x128xi32, #tpu.memory_space<vmem>>
    %dma_wait3A_1926 = tpu.memref_squeeze %dma_wait3A_1925 : memref<1x128xi32, #tpu.memory_space<vmem>> -> memref<128xi32, #tpu.memory_space<vmem>>
    %dma_wait3A_1927 = arith.constant 0 : i32
    %dma_wait3A_1928 = arith.constant 0 : i32
    %dma_wait3A_1929 = tpu.memref_slice %arg2[%dma_wait3A_1927, %dma_wait3A_1928] : memref<2600000x128xf32, #tpu.memory_space<hbm>> -> memref<2600000x128xf32, #tpu.memory_space<hbm>>
    tpu.wait_indirect_dma semaphore(%arg9 : memref<!tpu.dma_semaphore, #tpu.memory_space<semaphore_mem>>) src(%dma_wait3A_1929 : memref<2600000x128xf32, #tpu.memory_space<hbm>>) dst(%dma_wait3A_1923 : memref<128x128xf32, #tpu.memory_space<vmem>>)
    %add3A_1930 = arith.constant 32768 : i32
    %add3A_1931 = arith.addi %add3A_1930, %mul3A_2 : i32
    %dma_start3A_1932 = arith.constant 2 : i32
    %dma_start3A_1933 = arith.constant 0 : i32
    %dma_start3A_1934 = arith.constant 0 : i32
    %dma_start3A_1935 = tpu.memref_slice %arg6[%dma_start3A_1932, %dma_start3A_1933, %dma_start3A_1934] : memref<6x128x128xf32, #tpu.memory_space<vmem>> -> memref<1x128x128xf32, #tpu.memory_space<vmem>>
    %dma_start3A_1936 = tpu.memref_squeeze %dma_start3A_1935 : memref<1x128x128xf32, #tpu.memory_space<vmem>> -> memref<128x128xf32, #tpu.memory_space<vmem>>
    %dma_start3A_1937 = arith.constant 0 : i32
    %dma_start3A_1938 = tpu.memref_slice %arg4[%add3A_1931, %dma_start3A_1937] : memref<53248x128xf32, #tpu.memory_space<hbm>> -> memref<128x128xf32, #tpu.memory_space<hbm>>
    %dma_start3A_1939 = arith.constant 0 : i32
    %dma_start3A_1940 = tpu.memref_slice %arg4[%add3A_1931, %dma_start3A_1939] : memref<53248x128xf32, #tpu.memory_space<hbm>> -> memref<128x128xf32, #tpu.memory_space<hbm>>
    %dma_start3A_1941 = arith.constant 0 : i32
    %dma_start3A_1942 = arith.constant 0 : i32
    %dma_start3A_1943 = tpu.memref_slice %arg6[%dma_start3A_1932, %dma_start3A_1941, %dma_start3A_1942] : memref<6x128x128xf32, #tpu.memory_space<vmem>> -> memref<1x128x128xf32, #tpu.memory_space<vmem>>
    %dma_start3A_1944 = tpu.memref_squeeze %dma_start3A_1943 : memref<1x128x128xf32, #tpu.memory_space<vmem>> -> memref<128x128xf32, #tpu.memory_space<vmem>>
    tpu.enqueue_dma source(%dma_start3A_1944 : memref<128x128xf32, #tpu.memory_space<vmem>>) target(%dma_start3A_1940 : memref<128x128xf32, #tpu.memory_space<hbm>>) target_semaphore(%arg15 : memref<!tpu.dma_semaphore, #tpu.memory_space<semaphore_mem>>)
    %dma_wait3A_1945 = arith.constant 9 : i32
    %dma_wait3A_1946 = arith.constant 3 : i32
    %dma_wait3A_1947 = arith.constant 0 : i32
    %dma_wait3A_1948 = arith.constant 0 : i32
    %dma_wait3A_1949 = tpu.memref_slice %arg6[%dma_wait3A_1946, %dma_wait3A_1947, %dma_wait3A_1948] : memref<6x128x128xf32, #tpu.memory_space<vmem>> -> memref<1x128x128xf32, #tpu.memory_space<vmem>>
    %dma_wait3A_1950 = tpu.memref_squeeze %dma_wait3A_1949 : memref<1x128x128xf32, #tpu.memory_space<vmem>> -> memref<128x128xf32, #tpu.memory_space<vmem>>
    %dma_wait3A_1951 = arith.constant 0 : i32
    %dma_wait3A_1952 = tpu.memref_slice %arg5[%dma_wait3A_1945, %dma_wait3A_1951] : memref<13x128xi32, #tpu.memory_space<vmem>> -> memref<1x128xi32, #tpu.memory_space<vmem>>
    %dma_wait3A_1953 = tpu.memref_squeeze %dma_wait3A_1952 : memref<1x128xi32, #tpu.memory_space<vmem>> -> memref<128xi32, #tpu.memory_space<vmem>>
    %dma_wait3A_1954 = arith.constant 0 : i32
    %dma_wait3A_1955 = arith.constant 0 : i32
    %dma_wait3A_1956 = tpu.memref_slice %arg2[%dma_wait3A_1954, %dma_wait3A_1955] : memref<2600000x128xf32, #tpu.memory_space<hbm>> -> memref<2600000x128xf32, #tpu.memory_space<hbm>>
    tpu.wait_indirect_dma semaphore(%arg10 : memref<!tpu.dma_semaphore, #tpu.memory_space<semaphore_mem>>) src(%dma_wait3A_1956 : memref<2600000x128xf32, #tpu.memory_space<hbm>>) dst(%dma_wait3A_1950 : memref<128x128xf32, #tpu.memory_space<vmem>>)
    %add3A_1957 = arith.constant 36864 : i32
    %add3A_1958 = arith.addi %add3A_1957, %mul3A_2 : i32
    %dma_start3A_1959 = arith.constant 3 : i32
    %dma_start3A_1960 = arith.constant 0 : i32
    %dma_start3A_1961 = arith.constant 0 : i32
    %dma_start3A_1962 = tpu.memref_slice %arg6[%dma_start3A_1959, %dma_start3A_1960, %dma_start3A_1961] : memref<6x128x128xf32, #tpu.memory_space<vmem>> -> memref<1x128x128xf32, #tpu.memory_space<vmem>>
    %dma_start3A_1963 = tpu.memref_squeeze %dma_start3A_1962 : memref<1x128x128xf32, #tpu.memory_space<vmem>> -> memref<128x128xf32, #tpu.memory_space<vmem>>
    %dma_start3A_1964 = arith.constant 0 : i32
    %dma_start3A_1965 = tpu.memref_slice %arg4[%add3A_1958, %dma_start3A_1964] : memref<53248x128xf32, #tpu.memory_space<hbm>> -> memref<128x128xf32, #tpu.memory_space<hbm>>
    %dma_start3A_1966 = arith.constant 0 : i32
    %dma_start3A_1967 = tpu.memref_slice %arg4[%add3A_1958, %dma_start3A_1966] : memref<53248x128xf32, #tpu.memory_space<hbm>> -> memref<128x128xf32, #tpu.memory_space<hbm>>
    %dma_start3A_1968 = arith.constant 0 : i32
    %dma_start3A_1969 = arith.constant 0 : i32
    %dma_start3A_1970 = tpu.memref_slice %arg6[%dma_start3A_1959, %dma_start3A_1968, %dma_start3A_1969] : memref<6x128x128xf32, #tpu.memory_space<vmem>> -> memref<1x128x128xf32, #tpu.memory_space<vmem>>
    %dma_start3A_1971 = tpu.memref_squeeze %dma_start3A_1970 : memref<1x128x128xf32, #tpu.memory_space<vmem>> -> memref<128x128xf32, #tpu.memory_space<vmem>>
    tpu.enqueue_dma source(%dma_start3A_1971 : memref<128x128xf32, #tpu.memory_space<vmem>>) target(%dma_start3A_1967 : memref<128x128xf32, #tpu.memory_space<hbm>>) target_semaphore(%arg16 : memref<!tpu.dma_semaphore, #tpu.memory_space<semaphore_mem>>)
    %dma_wait3A_1972 = arith.constant 10 : i32
    %dma_wait3A_1973 = arith.constant 4 : i32
    %dma_wait3A_1974 = arith.constant 0 : i32
    %dma_wait3A_1975 = arith.constant 0 : i32
    %dma_wait3A_1976 = tpu.memref_slice %arg6[%dma_wait3A_1973, %dma_wait3A_1974, %dma_wait3A_1975] : memref<6x128x128xf32, #tpu.memory_space<vmem>> -> memref<1x128x128xf32, #tpu.memory_space<vmem>>
    %dma_wait3A_1977 = tpu.memref_squeeze %dma_wait3A_1976 : memref<1x128x128xf32, #tpu.memory_space<vmem>> -> memref<128x128xf32, #tpu.memory_space<vmem>>
    %dma_wait3A_1978 = arith.constant 0 : i32
    %dma_wait3A_1979 = tpu.memref_slice %arg5[%dma_wait3A_1972, %dma_wait3A_1978] : memref<13x128xi32, #tpu.memory_space<vmem>> -> memref<1x128xi32, #tpu.memory_space<vmem>>
    %dma_wait3A_1980 = tpu.memref_squeeze %dma_wait3A_1979 : memref<1x128xi32, #tpu.memory_space<vmem>> -> memref<128xi32, #tpu.memory_space<vmem>>
    %dma_wait3A_1981 = arith.constant 0 : i32
    %dma_wait3A_1982 = arith.constant 0 : i32
    %dma_wait3A_1983 = tpu.memref_slice %arg2[%dma_wait3A_1981, %dma_wait3A_1982] : memref<2600000x128xf32, #tpu.memory_space<hbm>> -> memref<2600000x128xf32, #tpu.memory_space<hbm>>
    tpu.wait_indirect_dma semaphore(%arg11 : memref<!tpu.dma_semaphore, #tpu.memory_space<semaphore_mem>>) src(%dma_wait3A_1983 : memref<2600000x128xf32, #tpu.memory_space<hbm>>) dst(%dma_wait3A_1977 : memref<128x128xf32, #tpu.memory_space<vmem>>)
    %add3A_1984 = arith.constant 40960 : i32
    %add3A_1985 = arith.addi %add3A_1984, %mul3A_2 : i32
    %dma_start3A_1986 = arith.constant 4 : i32
    %dma_start3A_1987 = arith.constant 0 : i32
    %dma_start3A_1988 = arith.constant 0 : i32
    %dma_start3A_1989 = tpu.memref_slice %arg6[%dma_start3A_1986, %dma_start3A_1987, %dma_start3A_1988] : memref<6x128x128xf32, #tpu.memory_space<vmem>> -> memref<1x128x128xf32, #tpu.memory_space<vmem>>
    %dma_start3A_1990 = tpu.memref_squeeze %dma_start3A_1989 : memref<1x128x128xf32, #tpu.memory_space<vmem>> -> memref<128x128xf32, #tpu.memory_space<vmem>>
    %dma_start3A_1991 = arith.constant 0 : i32
    %dma_start3A_1992 = tpu.memref_slice %arg4[%add3A_1985, %dma_start3A_1991] : memref<53248x128xf32, #tpu.memory_space<hbm>> -> memref<128x128xf32, #tpu.memory_space<hbm>>
    %dma_start3A_1993 = arith.constant 0 : i32
    %dma_start3A_1994 = tpu.memref_slice %arg4[%add3A_1985, %dma_start3A_1993] : memref<53248x128xf32, #tpu.memory_space<hbm>> -> memref<128x128xf32, #tpu.memory_space<hbm>>
    %dma_start3A_1995 = arith.constant 0 : i32
    %dma_start3A_1996 = arith.constant 0 : i32
    %dma_start3A_1997 = tpu.memref_slice %arg6[%dma_start3A_1986, %dma_start3A_1995, %dma_start3A_1996] : memref<6x128x128xf32, #tpu.memory_space<vmem>> -> memref<1x128x128xf32, #tpu.memory_space<vmem>>
    %dma_start3A_1998 = tpu.memref_squeeze %dma_start3A_1997 : memref<1x128x128xf32, #tpu.memory_space<vmem>> -> memref<128x128xf32, #tpu.memory_space<vmem>>
    tpu.enqueue_dma source(%dma_start3A_1998 : memref<128x128xf32, #tpu.memory_space<vmem>>) target(%dma_start3A_1994 : memref<128x128xf32, #tpu.memory_space<hbm>>) target_semaphore(%arg17 : memref<!tpu.dma_semaphore, #tpu.memory_space<semaphore_mem>>)
    %dma_wait3A_1999 = arith.constant 11 : i32
    %dma_wait3A_2000 = arith.constant 5 : i32
    %dma_wait3A_2001 = arith.constant 0 : i32
    %dma_wait3A_2002 = arith.constant 0 : i32
    %dma_wait3A_2003 = tpu.memref_slice %arg6[%dma_wait3A_2000, %dma_wait3A_2001, %dma_wait3A_2002] : memref<6x128x128xf32, #tpu.memory_space<vmem>> -> memref<1x128x128xf32, #tpu.memory_space<vmem>>
    %dma_wait3A_2004 = tpu.memref_squeeze %dma_wait3A_2003 : memref<1x128x128xf32, #tpu.memory_space<vmem>> -> memref<128x128xf32, #tpu.memory_space<vmem>>
    %dma_wait3A_2005 = arith.constant 0 : i32
    %dma_wait3A_2006 = tpu.memref_slice %arg5[%dma_wait3A_1999, %dma_wait3A_2005] : memref<13x128xi32, #tpu.memory_space<vmem>> -> memref<1x128xi32, #tpu.memory_space<vmem>>
    %dma_wait3A_2007 = tpu.memref_squeeze %dma_wait3A_2006 : memref<1x128xi32, #tpu.memory_space<vmem>> -> memref<128xi32, #tpu.memory_space<vmem>>
    %dma_wait3A_2008 = arith.constant 0 : i32
    %dma_wait3A_2009 = arith.constant 0 : i32
    %dma_wait3A_2010 = tpu.memref_slice %arg2[%dma_wait3A_2008, %dma_wait3A_2009] : memref<2600000x128xf32, #tpu.memory_space<hbm>> -> memref<2600000x128xf32, #tpu.memory_space<hbm>>
    tpu.wait_indirect_dma semaphore(%arg12 : memref<!tpu.dma_semaphore, #tpu.memory_space<semaphore_mem>>) src(%dma_wait3A_2010 : memref<2600000x128xf32, #tpu.memory_space<hbm>>) dst(%dma_wait3A_2004 : memref<128x128xf32, #tpu.memory_space<vmem>>)
    %add3A_2011 = arith.constant 45056 : i32
    %add3A_2012 = arith.addi %add3A_2011, %mul3A_2 : i32
    %dma_start3A_2013 = arith.constant 5 : i32
    %dma_start3A_2014 = arith.constant 0 : i32
    %dma_start3A_2015 = arith.constant 0 : i32
    %dma_start3A_2016 = tpu.memref_slice %arg6[%dma_start3A_2013, %dma_start3A_2014, %dma_start3A_2015] : memref<6x128x128xf32, #tpu.memory_space<vmem>> -> memref<1x128x128xf32, #tpu.memory_space<vmem>>
    %dma_start3A_2017 = tpu.memref_squeeze %dma_start3A_2016 : memref<1x128x128xf32, #tpu.memory_space<vmem>> -> memref<128x128xf32, #tpu.memory_space<vmem>>
    %dma_start3A_2018 = arith.constant 0 : i32
    %dma_start3A_2019 = tpu.memref_slice %arg4[%add3A_2012, %dma_start3A_2018] : memref<53248x128xf32, #tpu.memory_space<hbm>> -> memref<128x128xf32, #tpu.memory_space<hbm>>
    %dma_start3A_2020 = arith.constant 0 : i32
    %dma_start3A_2021 = tpu.memref_slice %arg4[%add3A_2012, %dma_start3A_2020] : memref<53248x128xf32, #tpu.memory_space<hbm>> -> memref<128x128xf32, #tpu.memory_space<hbm>>
    %dma_start3A_2022 = arith.constant 0 : i32
    %dma_start3A_2023 = arith.constant 0 : i32
    %dma_start3A_2024 = tpu.memref_slice %arg6[%dma_start3A_2013, %dma_start3A_2022, %dma_start3A_2023] : memref<6x128x128xf32, #tpu.memory_space<vmem>> -> memref<1x128x128xf32, #tpu.memory_space<vmem>>
    %dma_start3A_2025 = tpu.memref_squeeze %dma_start3A_2024 : memref<1x128x128xf32, #tpu.memory_space<vmem>> -> memref<128x128xf32, #tpu.memory_space<vmem>>
    tpu.enqueue_dma source(%dma_start3A_2025 : memref<128x128xf32, #tpu.memory_space<vmem>>) target(%dma_start3A_2021 : memref<128x128xf32, #tpu.memory_space<hbm>>) target_semaphore(%arg18 : memref<!tpu.dma_semaphore, #tpu.memory_space<semaphore_mem>>)
    %dma_wait3A_2026 = arith.constant 12 : i32
    %dma_wait3A_2027 = arith.constant 0 : i32
    %dma_wait3A_2028 = arith.constant 0 : i32
    %dma_wait3A_2029 = arith.constant 0 : i32
    %dma_wait3A_2030 = tpu.memref_slice %arg6[%dma_wait3A_2027, %dma_wait3A_2028, %dma_wait3A_2029] : memref<6x128x128xf32, #tpu.memory_space<vmem>> -> memref<1x128x128xf32, #tpu.memory_space<vmem>>
    %dma_wait3A_2031 = tpu.memref_squeeze %dma_wait3A_2030 : memref<1x128x128xf32, #tpu.memory_space<vmem>> -> memref<128x128xf32, #tpu.memory_space<vmem>>
    %dma_wait3A_2032 = arith.constant 0 : i32
    %dma_wait3A_2033 = tpu.memref_slice %arg5[%dma_wait3A_2026, %dma_wait3A_2032] : memref<13x128xi32, #tpu.memory_space<vmem>> -> memref<1x128xi32, #tpu.memory_space<vmem>>
    %dma_wait3A_2034 = tpu.memref_squeeze %dma_wait3A_2033 : memref<1x128xi32, #tpu.memory_space<vmem>> -> memref<128xi32, #tpu.memory_space<vmem>>
    %dma_wait3A_2035 = arith.constant 0 : i32
    %dma_wait3A_2036 = arith.constant 0 : i32
    %dma_wait3A_2037 = tpu.memref_slice %arg2[%dma_wait3A_2035, %dma_wait3A_2036] : memref<2600000x128xf32, #tpu.memory_space<hbm>> -> memref<2600000x128xf32, #tpu.memory_space<hbm>>
    tpu.wait_indirect_dma semaphore(%arg7 : memref<!tpu.dma_semaphore, #tpu.memory_space<semaphore_mem>>) src(%dma_wait3A_2037 : memref<2600000x128xf32, #tpu.memory_space<hbm>>) dst(%dma_wait3A_2031 : memref<128x128xf32, #tpu.memory_space<vmem>>)
    %add3A_2038 = arith.constant 49152 : i32
    %add3A_2039 = arith.addi %add3A_2038, %mul3A_2 : i32
    %dma_start3A_2040 = arith.constant 0 : i32
    %dma_start3A_2041 = arith.constant 0 : i32
    %dma_start3A_2042 = arith.constant 0 : i32
    %dma_start3A_2043 = tpu.memref_slice %arg6[%dma_start3A_2040, %dma_start3A_2041, %dma_start3A_2042] : memref<6x128x128xf32, #tpu.memory_space<vmem>> -> memref<1x128x128xf32, #tpu.memory_space<vmem>>
    %dma_start3A_2044 = tpu.memref_squeeze %dma_start3A_2043 : memref<1x128x128xf32, #tpu.memory_space<vmem>> -> memref<128x128xf32, #tpu.memory_space<vmem>>
    %dma_start3A_2045 = arith.constant 0 : i32
    %dma_start3A_2046 = tpu.memref_slice %arg4[%add3A_2039, %dma_start3A_2045] : memref<53248x128xf32, #tpu.memory_space<hbm>> -> memref<128x128xf32, #tpu.memory_space<hbm>>
    %dma_start3A_2047 = arith.constant 0 : i32
    %dma_start3A_2048 = tpu.memref_slice %arg4[%add3A_2039, %dma_start3A_2047] : memref<53248x128xf32, #tpu.memory_space<hbm>> -> memref<128x128xf32, #tpu.memory_space<hbm>>
    %dma_start3A_2049 = arith.constant 0 : i32
    %dma_start3A_2050 = arith.constant 0 : i32
    %dma_start3A_2051 = tpu.memref_slice %arg6[%dma_start3A_2040, %dma_start3A_2049, %dma_start3A_2050] : memref<6x128x128xf32, #tpu.memory_space<vmem>> -> memref<1x128x128xf32, #tpu.memory_space<vmem>>
    %dma_start3A_2052 = tpu.memref_squeeze %dma_start3A_2051 : memref<1x128x128xf32, #tpu.memory_space<vmem>> -> memref<128x128xf32, #tpu.memory_space<vmem>>
    tpu.enqueue_dma source(%dma_start3A_2052 : memref<128x128xf32, #tpu.memory_space<vmem>>) target(%dma_start3A_2048 : memref<128x128xf32, #tpu.memory_space<hbm>>) target_semaphore(%arg13 : memref<!tpu.dma_semaphore, #tpu.memory_space<semaphore_mem>>)
    %dma_wait3A_2053 = arith.constant 1 : i32
    %dma_wait3A_2054 = arith.constant 0 : i32
    %dma_wait3A_2055 = arith.constant 0 : i32
    %dma_wait3A_2056 = tpu.memref_slice %arg6[%dma_wait3A_2053, %dma_wait3A_2054, %dma_wait3A_2055] : memref<6x128x128xf32, #tpu.memory_space<vmem>> -> memref<1x128x128xf32, #tpu.memory_space<vmem>>
    %dma_wait3A_2057 = tpu.memref_squeeze %dma_wait3A_2056 : memref<1x128x128xf32, #tpu.memory_space<vmem>> -> memref<128x128xf32, #tpu.memory_space<vmem>>
    %dma_wait3A_2058 = arith.constant 0 : i32
    %dma_wait3A_2059 = tpu.memref_slice %arg4[%add3A_1904, %dma_wait3A_2058] : memref<53248x128xf32, #tpu.memory_space<hbm>> -> memref<128x128xf32, #tpu.memory_space<hbm>>
    %dma_wait3A_2060 = arith.constant 0 : i32
    %dma_wait3A_2061 = tpu.memref_slice %arg4[%add3A_1904, %dma_wait3A_2060] : memref<53248x128xf32, #tpu.memory_space<hbm>> -> memref<128x128xf32, #tpu.memory_space<hbm>>
    %dma_wait3A_2062 = arith.constant 0 : i32
    %dma_wait3A_2063 = arith.constant 0 : i32
    %dma_wait3A_2064 = tpu.memref_slice %arg6[%dma_wait3A_2053, %dma_wait3A_2062, %dma_wait3A_2063] : memref<6x128x128xf32, #tpu.memory_space<vmem>> -> memref<1x128x128xf32, #tpu.memory_space<vmem>>
    %dma_wait3A_2065 = tpu.memref_squeeze %dma_wait3A_2064 : memref<1x128x128xf32, #tpu.memory_space<vmem>> -> memref<128x128xf32, #tpu.memory_space<vmem>>
    tpu.wait_dma2 semaphore(%arg14 : memref<!tpu.dma_semaphore, #tpu.memory_space<semaphore_mem>>) src(%dma_wait3A_2065 : memref<128x128xf32, #tpu.memory_space<vmem>>) dst(%dma_wait3A_2061 : memref<128x128xf32, #tpu.memory_space<hbm>>)
    %dma_wait3A_2066 = arith.constant 2 : i32
    %dma_wait3A_2067 = arith.constant 0 : i32
    %dma_wait3A_2068 = arith.constant 0 : i32
    %dma_wait3A_2069 = tpu.memref_slice %arg6[%dma_wait3A_2066, %dma_wait3A_2067, %dma_wait3A_2068] : memref<6x128x128xf32, #tpu.memory_space<vmem>> -> memref<1x128x128xf32, #tpu.memory_space<vmem>>
    %dma_wait3A_2070 = tpu.memref_squeeze %dma_wait3A_2069 : memref<1x128x128xf32, #tpu.memory_space<vmem>> -> memref<128x128xf32, #tpu.memory_space<vmem>>
    %dma_wait3A_2071 = arith.constant 0 : i32
    %dma_wait3A_2072 = tpu.memref_slice %arg4[%add3A_1931, %dma_wait3A_2071] : memref<53248x128xf32, #tpu.memory_space<hbm>> -> memref<128x128xf32, #tpu.memory_space<hbm>>
    %dma_wait3A_2073 = arith.constant 0 : i32
    %dma_wait3A_2074 = tpu.memref_slice %arg4[%add3A_1931, %dma_wait3A_2073] : memref<53248x128xf32, #tpu.memory_space<hbm>> -> memref<128x128xf32, #tpu.memory_space<hbm>>
    %dma_wait3A_2075 = arith.constant 0 : i32
    %dma_wait3A_2076 = arith.constant 0 : i32
    %dma_wait3A_2077 = tpu.memref_slice %arg6[%dma_wait3A_2066, %dma_wait3A_2075, %dma_wait3A_2076] : memref<6x128x128xf32, #tpu.memory_space<vmem>> -> memref<1x128x128xf32, #tpu.memory_space<vmem>>
    %dma_wait3A_2078 = tpu.memref_squeeze %dma_wait3A_2077 : memref<1x128x128xf32, #tpu.memory_space<vmem>> -> memref<128x128xf32, #tpu.memory_space<vmem>>
    tpu.wait_dma2 semaphore(%arg15 : memref<!tpu.dma_semaphore, #tpu.memory_space<semaphore_mem>>) src(%dma_wait3A_2078 : memref<128x128xf32, #tpu.memory_space<vmem>>) dst(%dma_wait3A_2074 : memref<128x128xf32, #tpu.memory_space<hbm>>)
    %dma_wait3A_2079 = arith.constant 3 : i32
    %dma_wait3A_2080 = arith.constant 0 : i32
    %dma_wait3A_2081 = arith.constant 0 : i32
    %dma_wait3A_2082 = tpu.memref_slice %arg6[%dma_wait3A_2079, %dma_wait3A_2080, %dma_wait3A_2081] : memref<6x128x128xf32, #tpu.memory_space<vmem>> -> memref<1x128x128xf32, #tpu.memory_space<vmem>>
    %dma_wait3A_2083 = tpu.memref_squeeze %dma_wait3A_2082 : memref<1x128x128xf32, #tpu.memory_space<vmem>> -> memref<128x128xf32, #tpu.memory_space<vmem>>
    %dma_wait3A_2084 = arith.constant 0 : i32
    %dma_wait3A_2085 = tpu.memref_slice %arg4[%add3A_1958, %dma_wait3A_2084] : memref<53248x128xf32, #tpu.memory_space<hbm>> -> memref<128x128xf32, #tpu.memory_space<hbm>>
    %dma_wait3A_2086 = arith.constant 0 : i32
    %dma_wait3A_2087 = tpu.memref_slice %arg4[%add3A_1958, %dma_wait3A_2086] : memref<53248x128xf32, #tpu.memory_space<hbm>> -> memref<128x128xf32, #tpu.memory_space<hbm>>
    %dma_wait3A_2088 = arith.constant 0 : i32
    %dma_wait3A_2089 = arith.constant 0 : i32
    %dma_wait3A_2090 = tpu.memref_slice %arg6[%dma_wait3A_2079, %dma_wait3A_2088, %dma_wait3A_2089] : memref<6x128x128xf32, #tpu.memory_space<vmem>> -> memref<1x128x128xf32, #tpu.memory_space<vmem>>
    %dma_wait3A_2091 = tpu.memref_squeeze %dma_wait3A_2090 : memref<1x128x128xf32, #tpu.memory_space<vmem>> -> memref<128x128xf32, #tpu.memory_space<vmem>>
    tpu.wait_dma2 semaphore(%arg16 : memref<!tpu.dma_semaphore, #tpu.memory_space<semaphore_mem>>) src(%dma_wait3A_2091 : memref<128x128xf32, #tpu.memory_space<vmem>>) dst(%dma_wait3A_2087 : memref<128x128xf32, #tpu.memory_space<hbm>>)
    %dma_wait3A_2092 = arith.constant 4 : i32
    %dma_wait3A_2093 = arith.constant 0 : i32
    %dma_wait3A_2094 = arith.constant 0 : i32
    %dma_wait3A_2095 = tpu.memref_slice %arg6[%dma_wait3A_2092, %dma_wait3A_2093, %dma_wait3A_2094] : memref<6x128x128xf32, #tpu.memory_space<vmem>> -> memref<1x128x128xf32, #tpu.memory_space<vmem>>
    %dma_wait3A_2096 = tpu.memref_squeeze %dma_wait3A_2095 : memref<1x128x128xf32, #tpu.memory_space<vmem>> -> memref<128x128xf32, #tpu.memory_space<vmem>>
    %dma_wait3A_2097 = arith.constant 0 : i32
    %dma_wait3A_2098 = tpu.memref_slice %arg4[%add3A_1985, %dma_wait3A_2097] : memref<53248x128xf32, #tpu.memory_space<hbm>> -> memref<128x128xf32, #tpu.memory_space<hbm>>
    %dma_wait3A_2099 = arith.constant 0 : i32
    %dma_wait3A_2100 = tpu.memref_slice %arg4[%add3A_1985, %dma_wait3A_2099] : memref<53248x128xf32, #tpu.memory_space<hbm>> -> memref<128x128xf32, #tpu.memory_space<hbm>>
    %dma_wait3A_2101 = arith.constant 0 : i32
    %dma_wait3A_2102 = arith.constant 0 : i32
    %dma_wait3A_2103 = tpu.memref_slice %arg6[%dma_wait3A_2092, %dma_wait3A_2101, %dma_wait3A_2102] : memref<6x128x128xf32, #tpu.memory_space<vmem>> -> memref<1x128x128xf32, #tpu.memory_space<vmem>>
    %dma_wait3A_2104 = tpu.memref_squeeze %dma_wait3A_2103 : memref<1x128x128xf32, #tpu.memory_space<vmem>> -> memref<128x128xf32, #tpu.memory_space<vmem>>
    tpu.wait_dma2 semaphore(%arg17 : memref<!tpu.dma_semaphore, #tpu.memory_space<semaphore_mem>>) src(%dma_wait3A_2104 : memref<128x128xf32, #tpu.memory_space<vmem>>) dst(%dma_wait3A_2100 : memref<128x128xf32, #tpu.memory_space<hbm>>)
    %dma_wait3A_2105 = arith.constant 5 : i32
    %dma_wait3A_2106 = arith.constant 0 : i32
    %dma_wait3A_2107 = arith.constant 0 : i32
    %dma_wait3A_2108 = tpu.memref_slice %arg6[%dma_wait3A_2105, %dma_wait3A_2106, %dma_wait3A_2107] : memref<6x128x128xf32, #tpu.memory_space<vmem>> -> memref<1x128x128xf32, #tpu.memory_space<vmem>>
    %dma_wait3A_2109 = tpu.memref_squeeze %dma_wait3A_2108 : memref<1x128x128xf32, #tpu.memory_space<vmem>> -> memref<128x128xf32, #tpu.memory_space<vmem>>
    %dma_wait3A_2110 = arith.constant 0 : i32
    %dma_wait3A_2111 = tpu.memref_slice %arg4[%add3A_2012, %dma_wait3A_2110] : memref<53248x128xf32, #tpu.memory_space<hbm>> -> memref<128x128xf32, #tpu.memory_space<hbm>>
    %dma_wait3A_2112 = arith.constant 0 : i32
    %dma_wait3A_2113 = tpu.memref_slice %arg4[%add3A_2012, %dma_wait3A_2112] : memref<53248x128xf32, #tpu.memory_space<hbm>> -> memref<128x128xf32, #tpu.memory_space<hbm>>
    %dma_wait3A_2114 = arith.constant 0 : i32
    %dma_wait3A_2115 = arith.constant 0 : i32
    %dma_wait3A_2116 = tpu.memref_slice %arg6[%dma_wait3A_2105, %dma_wait3A_2114, %dma_wait3A_2115] : memref<6x128x128xf32, #tpu.memory_space<vmem>> -> memref<1x128x128xf32, #tpu.memory_space<vmem>>
    %dma_wait3A_2117 = tpu.memref_squeeze %dma_wait3A_2116 : memref<1x128x128xf32, #tpu.memory_space<vmem>> -> memref<128x128xf32, #tpu.memory_space<vmem>>
    tpu.wait_dma2 semaphore(%arg18 : memref<!tpu.dma_semaphore, #tpu.memory_space<semaphore_mem>>) src(%dma_wait3A_2117 : memref<128x128xf32, #tpu.memory_space<vmem>>) dst(%dma_wait3A_2113 : memref<128x128xf32, #tpu.memory_space<hbm>>)
    %dma_wait3A_2118 = arith.constant 0 : i32
    %dma_wait3A_2119 = arith.constant 0 : i32
    %dma_wait3A_2120 = arith.constant 0 : i32
    %dma_wait3A_2121 = tpu.memref_slice %arg6[%dma_wait3A_2118, %dma_wait3A_2119, %dma_wait3A_2120] : memref<6x128x128xf32, #tpu.memory_space<vmem>> -> memref<1x128x128xf32, #tpu.memory_space<vmem>>
    %dma_wait3A_2122 = tpu.memref_squeeze %dma_wait3A_2121 : memref<1x128x128xf32, #tpu.memory_space<vmem>> -> memref<128x128xf32, #tpu.memory_space<vmem>>
    %dma_wait3A_2123 = arith.constant 0 : i32
    %dma_wait3A_2124 = tpu.memref_slice %arg4[%add3A_2039, %dma_wait3A_2123] : memref<53248x128xf32, #tpu.memory_space<hbm>> -> memref<128x128xf32, #tpu.memory_space<hbm>>
    %dma_wait3A_2125 = arith.constant 0 : i32
    %dma_wait3A_2126 = tpu.memref_slice %arg4[%add3A_2039, %dma_wait3A_2125] : memref<53248x128xf32, #tpu.memory_space<hbm>> -> memref<128x128xf32, #tpu.memory_space<hbm>>
    %dma_wait3A_2127 = arith.constant 0 : i32
    %dma_wait3A_2128 = arith.constant 0 : i32
    %dma_wait3A_2129 = tpu.memref_slice %arg6[%dma_wait3A_2118, %dma_wait3A_2127, %dma_wait3A_2128] : memref<6x128x128xf32, #tpu.memory_space<vmem>> -> memref<1x128x128xf32, #tpu.memory_space<vmem>>
    %dma_wait3A_2130 = tpu.memref_squeeze %dma_wait3A_2129 : memref<1x128x128xf32, #tpu.memory_space<vmem>> -> memref<128x128xf32, #tpu.memory_space<vmem>>
    tpu.wait_dma2 semaphore(%arg13 : memref<!tpu.dma_semaphore, #tpu.memory_space<semaphore_mem>>) src(%dma_wait3A_2130 : memref<128x128xf32, #tpu.memory_space<vmem>>) dst(%dma_wait3A_2126 : memref<128x128xf32, #tpu.memory_space<hbm>>)
    return
  }
}

module attributes {stable_mosaic.version = 14 : i64} {
  func.func @body(%arg0: i32, %arg1: memref<1x4096x128xf32, #tpu.memory_space<vmem>>, %arg2: memref<128x128xf32, #tpu.memory_space<vmem>>, %arg3: memref<4096x128xf32, #tpu.memory_space<vmem>>) attributes {dimension_semantics = [#tpu.dimension_semantics<arbitrary>], iteration_bounds = array<i64: 13>, scalar_prefetch = 0 : i64, scratch_operands = 0 : i64, tpu.core_type = #tpu.core_type<tc>, window_params = [{transform_indices = @transform_0, window_bounds = array<i64: 1, 4096, 128>}, {transform_indices = @transform_1, window_bounds = array<i64: 128, 128>}, {pipeline_mode = #tpu.pipeline_mode<synchronous>, transform_indices = @transform_2, window_bounds = array<i64: 4096, 128>}]} {
    %get3A = arith.constant 0 : index
    %get3A_0 = arith.constant 0 : index
    %get3A_1 = arith.constant 0 : index
    %get3A_2 = vector.load %arg1[%get3A, %get3A_0, %get3A_1] : memref<1x4096x128xf32, #tpu.memory_space<vmem>>, vector<1x4096x128xf32>
    %get3A_3 = vector.shape_cast %get3A_2 : vector<1x4096x128xf32> to vector<4096x128xf32>
    %get3A_4 = arith.constant 0 : index
    %get3A_5 = arith.constant 0 : index
    %get3A_6 = vector.load %arg2[%get3A_4, %get3A_5] : memref<128x128xf32, #tpu.memory_space<vmem>>, vector<128x128xf32>
    %dot_general3A = arith.constant dense<0.000000e+00> : vector<4096x128xf32>
    %dot_general3A_7 = tpu.matmul %get3A_3, %get3A_6, %dot_general3A {dimension_numbers = #tpu.dot_dimension_numbers<[1], [1], [0], [0], [0, 0, 1, 0], [], []>, transpose_lhs_hint = false} : vector<4096x128xf32>, vector<128x128xf32>, vector<4096x128xf32> -> vector<4096x128xf32>
    %eq3A = arith.constant 0 : i32
    %eq3A_8 = arith.cmpi eq, %arg0, %eq3A : i32
    %convert_element_type3A = arith.extui %eq3A_8 : i1 to i32
    %cond3A = arith.constant 0 : i32
    %cond3A_9 = arith.cmpi ne, %convert_element_type3A, %cond3A : i32
    scf.if %cond3A_9 {
      %swap3A = arith.constant 0 : index
      %swap3A_14 = arith.constant 0 : index
      %swap3A_15 = vector.load %arg3[%swap3A, %swap3A_14] : memref<4096x128xf32, #tpu.memory_space<vmem>>, vector<4096x128xf32>
      tpu.vector_store %arg3[%swap3A, %swap3A_14], %dot_general3A_7 {strides = array<i32>} : memref<4096x128xf32, #tpu.memory_space<vmem>>, vector<4096x128xf32>,
    } else {
    }
    %gt3A = arith.constant 0 : i32
    %gt3A_10 = arith.cmpi sgt, %arg0, %gt3A : i32
    %convert_element_type3A_11 = arith.extui %gt3A_10 : i1 to i32
    %cond3A_12 = arith.constant 0 : i32
    %cond3A_13 = arith.cmpi ne, %convert_element_type3A_11, %cond3A_12 : i32
    scf.if %cond3A_13 {
      %get3A_14 = arith.constant 0 : index
      %get3A_15 = arith.constant 0 : index
      %get3A_16 = vector.load %arg3[%get3A_14, %get3A_15] : memref<4096x128xf32, #tpu.memory_space<vmem>>, vector<4096x128xf32>
      %add3A = arith.addf %get3A_16, %dot_general3A_7 : vector<4096x128xf32>
      %swap3A = arith.constant 0 : index
      %swap3A_17 = arith.constant 0 : index
      %swap3A_18 = vector.load %arg3[%swap3A, %swap3A_17] : memref<4096x128xf32, #tpu.memory_space<vmem>>, vector<4096x128xf32>
      tpu.vector_store %arg3[%swap3A, %swap3A_17], %add3A {strides = array<i32>} : memref<4096x128xf32, #tpu.memory_space<vmem>>, vector<4096x128xf32>,
    } else {
    }
    return
  }
  func.func @transform_0(%arg0: i32) -> (i32, i32, i32) {
    %c0_i32 = arith.constant 0 : i32
    %c0_i32_0 = arith.constant 0 : i32
    %c0_i32_1 = arith.constant 0 : i32
    return %arg0, %c0_i32, %c0_i32_0 : i32, i32, i32
  }
  func.func @transform_1(%arg0: i32) -> (i32, i32) {
    %add3A = arith.constant 0 : i32
    %add3A_0 = arith.addi %add3A, %arg0 : i32
    %c0_i32 = arith.constant 0 : i32
    %c0_i32_1 = arith.constant 0 : i32
    return %c0_i32, %add3A_0 : i32, i32
  }
  func.func @transform_2(%arg0: i32) -> (i32, i32) {
    %c0_i32 = arith.constant 0 : i32
    %c0_i32_0 = arith.constant 0 : i32
    %c0_i32_1 = arith.constant 0 : i32
    return %c0_i32, %c0_i32_0 : i32, i32
  }
}

module attributes {stable_mosaic.version = 14 : i64} {
  func.func @body(%arg0: i32, %arg1: memref<1x4096x128xf32, #tpu.memory_space<vmem>>, %arg2: memref<128x128xf32, #tpu.memory_space<vmem>>, %arg3: memref<1x128xf32, #tpu.memory_space<vmem>>, %arg4: memref<4096x128xf32, #tpu.memory_space<vmem>>, %arg5: memref<4096x128xf32, #tpu.memory_space<vmem>>) attributes {dimension_semantics = [#tpu.dimension_semantics<arbitrary>], iteration_bounds = array<i64: 13>, scalar_prefetch = 0 : i64, scratch_operands = 0 : i64, tpu.core_type = #tpu.core_type<tc>, window_params = [{transform_indices = @transform_0, window_bounds = array<i64: 1, 4096, 128>}, {transform_indices = @transform_1, window_bounds = array<i64: 128, 128>}, {pipeline_mode = #tpu.pipeline_mode<synchronous>, transform_indices = @transform_2, window_bounds = array<i64: 1, 128>}, {pipeline_mode = #tpu.pipeline_mode<synchronous>, transform_indices = @transform_3, window_bounds = array<i64: 4096, 128>}, {pipeline_mode = #tpu.pipeline_mode<synchronous>, transform_indices = @transform_4, window_bounds = array<i64: 4096, 128>}]} {
    %get3A = arith.constant 0 : index
    %get3A_0 = arith.constant 0 : index
    %get3A_1 = arith.constant 0 : index
    %get3A_2 = vector.load %arg1[%get3A, %get3A_0, %get3A_1] : memref<1x4096x128xf32, #tpu.memory_space<vmem>>, vector<1x4096x128xf32>
    %get3A_3 = vector.shape_cast %get3A_2 : vector<1x4096x128xf32> to vector<4096x128xf32>
    %get3A_4 = arith.constant 0 : index
    %get3A_5 = arith.constant 0 : index
    %get3A_6 = vector.load %arg2[%get3A_4, %get3A_5] : memref<128x128xf32, #tpu.memory_space<vmem>>, vector<128x128xf32>
    %dot_general3A = arith.constant dense<0.000000e+00> : vector<4096x128xf32>
    %dot_general3A_7 = tpu.matmul %get3A_3, %get3A_6, %dot_general3A {dimension_numbers = #tpu.dot_dimension_numbers<[1], [1], [0], [0], [0, 0, 1, 0], [], []>, transpose_lhs_hint = false} : vector<4096x128xf32>, vector<128x128xf32>, vector<4096x128xf32> -> vector<4096x128xf32>
    %eq3A = arith.constant 0 : i32
    %eq3A_8 = arith.cmpi eq, %arg0, %eq3A : i32
    %convert_element_type3A = arith.extui %eq3A_8 : i1 to i32
    %cond3A = arith.constant 0 : i32
    %cond3A_9 = arith.cmpi ne, %convert_element_type3A, %cond3A : i32
    scf.if %cond3A_9 {
      %get3A_19 = arith.constant 0 : index
      %get3A_20 = arith.constant 0 : index
      %get3A_21 = vector.load %arg4[%get3A_19, %get3A_20] : memref<4096x128xf32, #tpu.memory_space<vmem>>, vector<4096x128xf32>
      %add3A = arith.addf %get3A_21, %dot_general3A_7 : vector<4096x128xf32>
      %swap3A = arith.constant 0 : index
      %swap3A_22 = arith.constant 0 : index
      %swap3A_23 = vector.load %arg5[%swap3A, %swap3A_22] : memref<4096x128xf32, #tpu.memory_space<vmem>>, vector<4096x128xf32>
      tpu.vector_store %arg5[%swap3A, %swap3A_22], %add3A {strides = array<i32>} : memref<4096x128xf32, #tpu.memory_space<vmem>>, vector<4096x128xf32>,
    } else {
    }
    %gt3A = arith.constant 0 : i32
    %gt3A_10 = arith.cmpi sgt, %arg0, %gt3A : i32
    %convert_element_type3A_11 = arith.extui %gt3A_10 : i1 to i32
    %cond3A_12 = arith.constant 0 : i32
    %cond3A_13 = arith.cmpi ne, %convert_element_type3A_11, %cond3A_12 : i32
    scf.if %cond3A_13 {
      %get3A_19 = arith.constant 0 : index
      %get3A_20 = arith.constant 0 : index
      %get3A_21 = vector.load %arg5[%get3A_19, %get3A_20] : memref<4096x128xf32, #tpu.memory_space<vmem>>, vector<4096x128xf32>
      %add3A = arith.addf %get3A_21, %dot_general3A_7 : vector<4096x128xf32>
      %swap3A = arith.constant 0 : index
      %swap3A_22 = arith.constant 0 : index
      %swap3A_23 = vector.load %arg5[%swap3A, %swap3A_22] : memref<4096x128xf32, #tpu.memory_space<vmem>>, vector<4096x128xf32>
      tpu.vector_store %arg5[%swap3A, %swap3A_22], %add3A {strides = array<i32>} : memref<4096x128xf32, #tpu.memory_space<vmem>>, vector<4096x128xf32>,
    } else {
    }
    %eq3A_14 = arith.constant 12 : i32
    %eq3A_15 = arith.cmpi eq, %arg0, %eq3A_14 : i32
    %convert_element_type3A_16 = arith.extui %eq3A_15 : i1 to i32
    %cond3A_17 = arith.constant 0 : i32
    %cond3A_18 = arith.cmpi ne, %convert_element_type3A_16, %cond3A_17 : i32
    scf.if %cond3A_18 {
      %get3A_19 = arith.constant 0 : index
      %get3A_20 = arith.constant 0 : index
      %get3A_21 = vector.load %arg5[%get3A_19, %get3A_20] : memref<4096x128xf32, #tpu.memory_space<vmem>>, vector<4096x128xf32>
      %get3A_22 = arith.constant 0 : index
      %get3A_23 = arith.constant 0 : index
      %get3A_24 = vector.load %arg3[%get3A_22, %get3A_23] : memref<1x128xf32, #tpu.memory_space<vmem>>, vector<1x128xf32>
      %add3A = vector.broadcast %get3A_24 : vector<1x128xf32> to vector<4096x128xf32>
      %add3A_25 = arith.addf %get3A_21, %add3A : vector<4096x128xf32>
      %max3A = arith.constant 0.000000e+00 : f32
      %max3A_26 = vector.broadcast %max3A : f32 to vector<4096x128xf32>
      %max3A_27 = arith.maximumf %add3A_25, %max3A_26 : vector<4096x128xf32>
      %swap3A = arith.constant 0 : index
      %swap3A_28 = arith.constant 0 : index
      %swap3A_29 = vector.load %arg5[%swap3A, %swap3A_28] : memref<4096x128xf32, #tpu.memory_space<vmem>>, vector<4096x128xf32>
      tpu.vector_store %arg5[%swap3A, %swap3A_28], %max3A_27 {strides = array<i32>} : memref<4096x128xf32, #tpu.memory_space<vmem>>, vector<4096x128xf32>,
    } else {
    }
    return
  }
  func.func @transform_0(%arg0: i32) -> (i32, i32, i32) {
    %c0_i32 = arith.constant 0 : i32
    %c0_i32_0 = arith.constant 0 : i32
    %c0_i32_1 = arith.constant 0 : i32
    return %arg0, %c0_i32, %c0_i32_0 : i32, i32, i32
  }
  func.func @transform_1(%arg0: i32) -> (i32, i32) {
    %add3A = arith.constant 13 : i32
    %add3A_0 = arith.addi %add3A, %arg0 : i32
    %c0_i32 = arith.constant 0 : i32
    %c0_i32_1 = arith.constant 0 : i32
    return %c0_i32, %add3A_0 : i32, i32
  }
  func.func @transform_2(%arg0: i32) -> (i32, i32) {
    %c0_i32 = arith.constant 0 : i32
    %c0_i32_0 = arith.constant 0 : i32
    %c0_i32_1 = arith.constant 0 : i32
    return %c0_i32, %c0_i32_0 : i32, i32
  }
  func.func @transform_3(%arg0: i32) -> (i32, i32) {
    %c0_i32 = arith.constant 0 : i32
    %c0_i32_0 = arith.constant 0 : i32
    %c0_i32_1 = arith.constant 0 : i32
    return %c0_i32, %c0_i32_0 : i32, i32
  }
  func.func @transform_4(%arg0: i32) -> (i32, i32) {
    %c0_i32 = arith.constant 0 : i32
    %c0_i32_0 = arith.constant 0 : i32
    %c0_i32_1 = arith.constant 0 : i32
    return %c0_i32, %c0_i32_0 : i32, i32
  }
}

</mosaic_0001>

<sc_bundles>
// kernel: kernel.6.cloned.1.call-start
scs
__scs_entry_jumppad:
0x0: {  	(pc) =	sbr.rel $0x88, $3  }
0x1: {  	(tag) =	ssettag $0x0;
	lr =	simm.s32 $0x1  }
0x2: {  	[smem:$0x3F9D] =	sst lr;
	_ =	strace $0xD0000000  }
0x3: {  	_ = 	snop  }
0x4: {  	_ = 	snop  }
0x5: {  	_ = 	snop  }
0x6: {  	_ = 	snop  }
0x7: {  	_ = 	snop  }
__scs_overlays_trampoline_lowered:
0x8: {  	[smem:$0x3FAC] =	sst s0  }
0x9: {  	[smem:$0x3FAD] =	sst s1  }
0xa: {  	[smem:$0x3FAE] =	sst s2  }
0xb: {  	[smem:$0x3FAF] =	sst s3  }
0xc: {  	[smem:$0x3FB0] =	sst s4  }
0xd: {  	[smem:$0x3FB1] =	sst s5  }
0xe: {  	[smem:$0x3FB2] =	sst s6  }
0xf: {  	[smem:$0x3FB3] =	sst s7  }
0x10: {  	[smem:$0x3FB4] =	sst s8  }
0x11: {  	[smem:$0x3FB5] =	sst s9;
	s0 =	simm.s32 @!p0 $0x0  }
0x12: {  	s1 =	sld [smem:$0x3F9B];
	s0 =	simm.s32 @p0 $0x1  }
0x13: {  	[smem:$0x3FB6] =	sst s0;
	s0 =	simm.s32 @!p1 $0x0  }
0x14: {  	s2 =	sld [smem:$0x3F9A];
	s0 =	simm.s32 @p1 $0x1  }
0x15: {  	[smem:$0x3FB7] =	sst s0;
	s0 =	simm.s32 @!p2 $0x0  }
0x16: {  	s3 =	sld [smem:$0x3FDB];
	s0 =	simm.s32 @p2 $0x1  }
0x17: {  	s4 =	simm.s32 $0x1BF5;
	[smem:$0x3FB9] =	sst s0  }
0x18: {  	s0 =	sld [smem:$0x3F9C];
	_ =	swait.ge [sflag:s4], $0x0  }
0x19: {  	s7 =	sld [smem:$0x3F9D]  }
0x1a: {  	s8 =	sadd.s32 $0xFFFFE003, lr  }
0x1b: {  	s9 =	sadd.s32 $0xFFFFFEF7, lr;
	s5 =	simm.s32 $0xFFFFFFFF;
	p2 =	slt.u32 s8, $0xFFFFF086  }
0x1c: {  	p1 =	slt.u32 s9, $0xF7A;
	s5 =	simm.s32 @!p2 $0x0  }
0x1d: {  	s5 =	simm.s32 @p1 $0x1;
	p0 =	seq.s32 s7, s2  }
0x1e: {  	s7 =	smul.u32 @!p0 $0xF7A, s2;
	p2 =	seq.s32 @!p0 s5, $0x0  }
0x1f: {  	s9 =	smul.u32 $0xF7A, s1;
	s8 =	simm.s32 @!p0 $0x1BF5;
	p2 =	por !p2, p0  }
0x20: {  	[sflag:s8] =	ssyncset.s32 @!p0 $0xFFFFF086;
	s6 =	sadd.s32 @!p0 s3, s7;
	s7 =	simm.s32 @!p0 $0x108  }
0x21: {  	s3 =	sadd.s32 s3, s9;
	s6 =	sadd.s32 @!p0 $0x88, s6;
	s7 =	simm.s32 @p2 $0x1082  }
0x22: {  	[simem:s7], [sflag:s8] =	dma.local @!p0 [hbm:s6], $0xF7A  }
0x23: {  	s9 =	sor.u32 $0xD0000000, s2;
	s6 =	simm.s32 $0x108;
	_ =	swait.ge @!p0 [sflag:s8], $0x0  }
0x24: {  	s3 =	sadd.s32 $0x88, s3;
	s6 =	simm.s32 @!p1 $0x1082;
	[sflag:s4] =	ssyncset.s32 $0xFFFFF086  }
0x25: {  	[simem:s6], [sflag:s4] =	dma.local [hbm:s3], $0xF7A  }
0x26: {  	[smem:$0x3F9D] =	sst s1;
	(tag) =	ssettag s2;
	_ =	strace s9  }
0x27: {  	s1 =	sld [smem:$0x3FAD]  }
0x28: {  	s2 =	sld [smem:$0x3FAE]  }
0x29: {  	s4 =	sld [smem:$0x3FB0]  }
0x2a: {  	p0 =	seq.s32 s5, $0x0;
	s5 =	sld [smem:$0x3FB1]  }
0x2b: {  	s6 =	sld [smem:$0x3FB2]  }
0x2c: {  	s7 =	sld [smem:$0x3FB3]  }
0x2d: {  	s3 =	simm.s32 $0x108;
	s8 =	sld [smem:$0x3FB4]  }
0x2e: {  	s3 =	simm.s32 @!p0 $0x1082;
	s9 =	sld [smem:$0x3FB5]  }
0x2f: {  	lr =	sadd.s32 s0, s3;
	s0 =	sld [smem:$0x3FAC]  }
0x30: {  	s3 =	sld [smem:$0x3FAF]  }
0x31: {  	[smem:$0x3FB8] =	sst s10  }
0x32: {  	s10 =	sld [smem:$0x3FB6];
	_ =	sdelay $0x3  }
0x33: {  	p0 =	seq.s32 s10, $0x1;
	s10 =	sld [smem:$0x3FB8];
	_ =	sdelay $0x3  }
0x34: {  	[smem:$0x3FB8] =	sst s10  }
0x35: {  	s10 =	sld [smem:$0x3FB7];
	_ =	sdelay $0x3  }
0x36: {  	p1 =	seq.s32 s10, $0x1;
	s10 =	sld [smem:$0x3FB8];
	_ =	sdelay $0x3  }
0x37: {  	[smem:$0x3FB8] =	sst s10  }
0x38: {  	s10 =	sld [smem:$0x3FB9]  }
0x39: {  	_ = 	snop;
	(pc) =	sbr.ind lr, $3  }
0x3a: {  	_ = 	snop  }
0x3b: {  	_ = 	snop  }
0x3c: {  	p2 =	seq.s32 s10, $0x1;
	s10 =	sld [smem:$0x3FB8]  }
0x3d: {  	_ =	shalt  }
0x3e: {  	_ =	shalt  }
0x3f: {  	_ =	shalt  }
0x40: {  	_ =	shalt  }
0x41: {  	_ =	shalt  }
0x42: {  	_ =	shalt  }
0x43: {  	_ =	shalt  }
0x44: {  	_ =	shalt  }
0x45: {  	_ =	shalt  }
0x46: {  	_ =	shalt  }
0x47: {  	_ =	shalt  }
0x48: {  	_ =	shalt  }
0x49: {  	_ =	shalt  }
0x4a: {  	_ =	shalt  }
0x4b: {  	_ =	shalt  }
0x4c: {  	_ =	shalt  }
0x4d: {  	_ =	shalt  }
0x4e: {  	_ =	shalt  }
0x4f: {  	_ =	shalt  }
0x50: {  	_ =	shalt  }
0x51: {  	_ =	shalt  }
0x52: {  	_ =	shalt  }
0x53: {  	_ =	shalt  }
0x54: {  	_ =	shalt  }
0x55: {  	_ =	shalt  }
0x56: {  	_ =	shalt  }
0x57: {  	_ =	shalt  }
0x58: {  	_ =	shalt  }
0x59: {  	_ =	shalt  }
0x5a: {  	_ =	shalt  }
0x5b: {  	_ =	shalt  }
0x5c: {  	_ =	shalt  }
0x5d: {  	_ =	shalt  }
0x5e: {  	_ =	shalt  }
0x5f: {  	_ =	shalt  }
0x60: {  	_ =	shalt  }
0x61: {  	_ =	shalt  }
0x62: {  	_ =	shalt  }
0x63: {  	_ =	shalt  }
0x64: {  	_ =	shalt  }
0x65: {  	_ =	shalt  }
0x66: {  	_ =	shalt  }
0x67: {  	_ =	shalt  }
0x68: {  	_ =	shalt  }
0x69: {  	_ =	shalt  }
0x6a: {  	_ =	shalt  }
0x6b: {  	_ =	shalt  }
0x6c: {  	_ =	shalt  }
0x6d: {  	_ =	shalt  }
0x6e: {  	_ =	shalt  }
0x6f: {  	_ =	shalt  }
0x70: {  	_ =	shalt  }
0x71: {  	_ =	shalt  }
0x72: {  	_ =	shalt  }
0x73: {  	_ =	shalt  }
0x74: {  	_ =	shalt  }
0x75: {  	_ =	shalt  }
0x76: {  	_ =	shalt  }
0x77: {  	_ =	shalt  }
0x78: {  	_ =	shalt  }
0x79: {  	_ =	shalt  }
0x7a: {  	_ =	shalt  }
0x7b: {  	_ =	shalt  }
0x7c: {  	_ =	shalt  }
0x7d: {  	_ =	shalt  }
0x7e: {  	_ =	shalt  }
0x7f: {  	_ =	shalt  }
0x80: {  	_ =	shalt  }
0x81: {  	_ =	shalt  }
0x82: {  	_ =	shalt  }
0x83: {  	_ =	shalt  }
0x84: {  	_ =	shalt  }
0x85: {  	_ =	shalt  }
0x86: {  	_ =	shalt  }
0x87: {  	_ =	shalt  }
.Lfunc_end0:
.L_simem_size_0:
called_computation_lowered:
.L_overlay_start_0:
0x88: {  	s2 =	sld [smem:$0x3FD9]  }
0x89: {  	s3 =	sld [smem:$0x3FFE];
	_ =	sdelay $0x1  }
0x8a: {  	s1 =	srdreg.scid  }
0x8b: {  	s0 =	sand.u32 $0x1, s1  }
0x8c: {  	s17 =	sshll.u32 s0, $0xA;
	s2 =	sadd.s32 s3, s2  }
0x8d: {  	s2 =	sadd.s32 s2, s17  }
0x8e: {  	[smem:$0x3FC4] =	sst s2  }
0x8f: {  	_ = 	snop  }
0x90: {  	s2 =	sld [smem:$0x3FC8]  }
0x91: {  	s18 =	sld [smem:$0x3FD0];
	(tm) =	ssettm $0x1  }
0x92: {  	s4 =	sld [smem:$0x3FFB];
	_ =	sdelay $0x3  }
0x93: {  	_ =	strace s4  }
0x94: {  	s4 =	sld [smem:$0x3FFC];
	_ =	sdelay $0x3  }
0x95: {  	_ =	strace s4  }
0x96: {  	s4 =	sld [smem:$0x3FFD];
	_ =	sdelay $0x3  }
0x97: {  	_ =	strace s4  }
0x98: {  	_ =	strace $0x8FFFFFFF  }
0x99: {  	s19 =	sld [smem:$0x3FDB];
	_ =	sdelay $0x1  }
0x9a: {  	s5 =	simm.s32 $_scs_section_size  }
0x9b: {  	s6 =	simm.s32 $_size__tile_overlayer_lowered;
	s7 =	simm.s32 $_tile_overlayer_lowered  }
0x9c: {  	s22 =	simm.s32 $0x1BFF;
	s21 =	sshll.u32 s7, $0x1;
	s4 =	sadd.s32 s5, s19  }
0x9d: {  	s8 =	simm.s32 $0x0;
	s20 =	sshll.u32 s6, $0x1;
	s6 =	sadd.s32 s21, s4  }
0x9e: {  	[timem:s8], [sflag:s22] =	dma.local [hbm:s6], s20  }
0x9f: {  	_ =	swait.ge [sflag:s22], s20  }
0xa0: {  	s5 =	ssub.s32 $0x0, s20;
	[sflag:s22] =	ssyncset.done $0x0  }
0xa1: {  	[sflag:s22] =	ssyncadd.s32 s5;
	_ =	sdelay $0x1  }
0xa2: {  	s23 =	simm.s32 $0x1B8B  }
0xa3: {  	_ =	swait.ge [sflag:s23], $0x1  }
0xa4: {  	[sflag:s23] =	ssyncset.done $0x0  }
0xa5: {  	s25 =	simm.s32 $0x1B8E;
	s24 =	sld [smem:$0x3FFE];
	[sflag:s23] =	ssyncadd.s32 $0xFFFFFFFF  }
0xa6: {  	s26 =	simm.s32 $execute0_lowered;
	[smem:$0x3FD2] =	sst s25  }
0xa7: {  	s6 =	sshll.u32 s26, $0x1;
	_ =	strace $0x80000046;
	[dreg:$0x1] =	wrdreg $0xFFFFFFFF  }
0xa8: {  	s28 =	simm.s32 $_size_execute0_lowered;
	s4 =	sadd.s32 s4, s6;
	[dreg:$0x0] =	wrdreg $0x0  }
0xa9: {  	s6 =	sshll.u32 s28, $0x1;
	[dreg:$0x2] =	wrdreg s4  }
0xaa: {  	[dreg:$0x3] =	wrdreg s6  }
0xab: {  	[dreg:$0x4] =	wrdreg $0xC0  }
0xac: {  	_ =	task [dreg:s8], $0x5FFFF  }
0xad: {  	[dreg:$0x1] =	wrdreg $0xFFFFFFFF  }
0xae: {  	[dreg:$0x0] =	wrdreg $0x60  }
0xaf: {  	[dreg:$0x2] =	wrdreg s2  }
0xb0: {  	[dreg:$0x3] =	wrdreg s18  }
0xb1: {  	[dreg:$0x4] =	wrdreg s24  }
0xb2: {  	[dreg:$0x5] =	wrdreg $0x9  }
0xb3: {  	_ =	task.clear_ibuf [dreg:s8], $0x6FFFF;
	_ =	strace $0x90000046  }
0xb4: {  	s29 =	simm.s32 $0x9;
	_ =	strace $0x80000048  }
0xb5: {  	_ =	swait.ge [sflag:s29], $0x1  }
0xb6: {  	[sflag:s29] =	ssyncadd.s32 $0xFFFFFFFF  }
0xb7: {  	_ =	strace $0x90000048  }
0xb8: {  	_ =	sfence  }
0xb9: {  	s30 =	sld [smem:$0x0];
	_ =	sdelay $0x2  }
0xba: {  	s31 =	sshll.u32 s1, $0xD;
	s1 =	sshrl.u32 s1, $0x2  }
0xbb: {  	s3 =	sand.u32 $0x4000, s31;
	s1 =	sadd.s32 s1, s30  }
0xbc: {  	s0 =	sor.u32 s3, s0;
	s1 =	sshll.u32 s1, $0x11  }
0xbd: {  	s0 =	sor.u32 s1, s0  }
0xbe: {  	s0 =	sadd.s32 $0x8F2B, s0  }
0xbf: {  	[sflag:s0] =	ssyncadd.remote.s32 $0x1  }
0xc0: {  	_ =	sfence.sel $0xFFFF  }
0xc1: {  	[dreg:$0x0] =	wrdreg $0xFFFFFFFF;
	(pc) =	sbr.abs _section_cstart, $3  }
0xc2: {  	[dreg:$0x1] =	wrdreg $0xFFFFFFFF  }
0xc3: {  	_ =	task.clear_ibuf [dreg:s8], $0x2FFFF;
	_ =	strace $0x9FFFFFFF  }
0xc4: {  	(tm) =	ssettm $0x7FFFFFFF  }
0xc5: {  	_ =	shalt  }
tec
execute0_lowered:
.L_overlay_start_1:
0x0: {  	(tag) =	ssettag $0x1  }
0x1: {  	s1 =	rddreg [dreg:$0x0];
	s2 =	srdreg.scid  }
0x2: {  	s4 =	rddreg [dreg:$0x1];
	s0 =	stileid.u32  }
0x3: {  	s5 =	rddreg [dreg:$0x2];
	s3 =	simm.s32 $0x0;
	s8 =	simm.s32 $0x80  }
0x4: {  	s22 =	simm.s32 $0x100;
	s23 =	simm.s32 $0x180;
	s24 =	simm.s32 $0x200  }
0x5: {  	s25 =	simm.s32 $0x280;
	s26 =	simm.s32 $0x300;
	[smem:$0x7FF] =	sst s3  }
0x6: {  	s2 =	sand.u32 $0x1, s2;
	_ =	strace $0x80000047;
	[dreg:$0x12] =	wrdreg s22  }
0x7: {  	s6 =	sshll.u32 s0, $0x8;
	s7 =	sshll.u32 s2, $0x7;
	[dreg:$0x13] =	wrdreg s23  }
0x8: {  	s28 =	simm.s32 $0x500;
	[dreg:$0x14] =	wrdreg s24;
	s6 =	sor.u32 s7, s6  }
0x9: {  	[dreg:$0x15] =	wrdreg s25;
	s7 =	sshll.u32 s6, $0x4;
	s4 =	sadd.s32 s4, s6  }
0xa: {  	[dreg:$0x16] =	wrdreg s26;
	s5 =	sadd.s32 s7, s5;
	s6 =	sadd.s32 $0x1000, s4  }
0xb: {  	s29 =	simm.s32 $0x6;
	[dreg:$0x4] =	wrdreg s6;
	s9 =	sadd.s32 $0x2E00, s5  }
0xc: {  	s30 =	simm.s32 $0xC;
	s10 =	sadd.s32 $0x12E00, s5;
	[dreg:$0x5] =	wrdreg s9  }
0xd: {  	s31 =	simm.s32 $0x580;
	s11 =	sadd.s32 $0x22E00, s5;
	[dreg:$0x6] =	wrdreg s10  }
0xe: {  	s2 =	ssub.s32 $0x2, s2;
	s12 =	sadd.s32 $0x32E00, s5;
	[dreg:$0x7] =	wrdreg s11  }
0xf: {  	s22 =	simm.s32 $0x4;
	s13 =	sadd.s32 $0x42E00, s5;
	[dreg:$0x8] =	wrdreg s12  }
0x10: {  	s23 =	simm.s32 $0xA;
	s14 =	sadd.s32 $0x52E00, s5;
	[dreg:$0x9] =	wrdreg s13  }
0x11: {  	s24 =	simm.s32 $0x480;
	s15 =	sadd.s32 $0x62E00, s5;
	[dreg:$0xa] =	wrdreg s14  }
0x12: {  	s25 =	simm.s32 $0x5;
	s16 =	sadd.s32 $0x72E00, s5;
	[dreg:$0xb] =	wrdreg s15  }
0x13: {  	s26 =	simm.s32 $0xB;
	s17 =	sadd.s32 $0x82E00, s5;
	[dreg:$0xc] =	wrdreg s16  }
0x14: {  	s20 =	sshrl.u32 s2, $0x1;
	s18 =	sadd.s32 $0x92E00, s5;
	[dreg:$0xd] =	wrdreg s17  }
0x15: {  	s2 =	ssub.s32 s2, s20;
	s19 =	sadd.s32 $0xA2E00, s5;
	[dreg:$0xe] =	wrdreg s18  }
0x16: {  	s20 =	simm.s32 $0x3;
	s21 =	sadd.s32 $0xB2E00, s5;
	[dreg:$0xf] =	wrdreg s19  }
0x17: {  	s7 =	simm.s32 $0xD;
	s5 =	sadd.s32 $0xC2E00, s5;
	[dreg:$0x10] =	wrdreg s21  }
0x18: {  	s6 =	simm.s32 $0x400;
	[dreg:$0x11] =	wrdreg s5;
	s5 =	smax.u32 s2, $0x1  }
0x19: {  	s9 =	simm.s32 $0x800;
	s10 =	simm.s32 $0x4800;
	s11 =	simm.s32 $0x8800  }
0x1a: {  	s12 =	simm.s32 $0xC800;
	s13 =	simm.s32 $0x10800;
	s14 =	simm.s32 $0x14800  }
0x1b: {  	s15 =	simm.s32 $0x1;
	s16 =	simm.s32 $0x7;
	s17 =	simm.s32 $0x2  }
0x1c: {  	s18 =	simm.s32 $0x8;
	s21 =	simm.s32 $0x9;
	s2 =	simm.s32 $0x600  }
.LBB2_1:
0x1d: {  	[tilespmem:s3], [sflag:$0xD] =	stream.linear.gather [hbm4b:s4+s3], $0x400, $0x38;
	[tilespmem:$0x18800] =	vst v63  }
0x1e: {  	s0 =	rddreg [dreg:$0x4]  }
0x1f: {  	[tilespmem:s6], [sflag:$0xD] =	stream.linear.gather [hbm4b:s0+s3], $0x280, $0x38;
	[tilespmem:$0x18800] =	vst v63  }
0x20: {  	_ =	swait.ge [sflag:s7], $0x680  }
0x21: {  	[sflag:s7] =	ssyncset.done $0x0  }
0x22: {  	[sflag:s7] =	ssyncadd.s32 $0xFFFFF980  }
0x23: {  	v0 =	vld [tilespmem:$0x80]  }
0x24: {  	v1 =	vld [tilespmem:$0x90]  }
0x25: {  	v2 =	vld [tilespmem:$0xA0]  }
0x26: {  	v3 =	vld [tilespmem:$0xB0]  }
0x27: {  	v4 =	vld [tilespmem:$0xC0]  }
0x28: {  	v5 =	vld [tilespmem:$0xD0];
	v0 =	vadd.s32 $0x186A0, v0  }
0x29: {  	v49 =	vld [tilespmem:$0xE0];
	v48 =	vadd.s32 $0x186A0, v1;
	[tilespmem:$0x80] =	vst v0  }
0x2a: {  	v51 =	vld [tilespmem:$0xF0];
	v50 =	vadd.s32 $0x186A0, v2;
	[tilespmem:$0x90] =	vst v48  }
0x2b: {  	v53 =	vld [tilespmem:$0x100];
	v52 =	vadd.s32 $0x186A0, v3;
	[tilespmem:$0xA0] =	vst v50  }
0x2c: {  	v55 =	vld [tilespmem:$0x110];
	v54 =	vadd.s32 $0x186A0, v4;
	[tilespmem:$0xB0] =	vst v52  }
0x2d: {  	v57 =	vld [tilespmem:$0x120];
	v56 =	vadd.s32 $0x186A0, v5;
	[tilespmem:$0xC0] =	vst v54  }
0x2e: {  	v59 =	vld [tilespmem:$0x130];
	v58 =	vadd.s32 $0x186A0, v49;
	[tilespmem:$0xD0] =	vst v56  }
0x2f: {  	v61 =	vld [tilespmem:$0x140];
	v60 =	vadd.s32 $0x186A0, v51;
	[tilespmem:$0xE0] =	vst v58  }
0x30: {  	v63 =	vld [tilespmem:$0x150];
	v62 =	vadd.s32 $0x30D40, v53;
	[tilespmem:$0xF0] =	vst v60  }
0x31: {  	v9 =	vld [tilespmem:$0x160];
	v8 =	vadd.s32 $0x30D40, v55;
	[tilespmem:$0x100] =	vst v62  }
0x32: {  	v11 =	vld [tilespmem:$0x170];
	v10 =	vadd.s32 $0x30D40, v57;
	[tilespmem:$0x110] =	vst v8  }
0x33: {  	v13 =	vld [tilespmem:$0x180];
	v12 =	vadd.s32 $0x30D40, v59;
	[tilespmem:$0x120] =	vst v10  }
0x34: {  	v15 =	vld [tilespmem:$0x190];
	v14 =	vadd.s32 $0x30D40, v61;
	[tilespmem:$0x130] =	vst v12  }
0x35: {  	v17 =	vld [tilespmem:$0x1A0];
	v16 =	vadd.s32 $0x30D40, v63;
	[tilespmem:$0x140] =	vst v14  }
0x36: {  	v19 =	vld [tilespmem:$0x1B0];
	v18 =	vadd.s32 $0x30D40, v9;
	[tilespmem:$0x150] =	vst v16  }
0x37: {  	v21 =	vld [tilespmem:$0x1C0];
	v20 =	vadd.s32 $0x30D40, v11;
	[tilespmem:$0x160] =	vst v18  }
0x38: {  	v23 =	vld [tilespmem:$0x1D0];
	v22 =	vadd.s32 $0x493E0, v13;
	[tilespmem:$0x170] =	vst v20  }
0x39: {  	v25 =	vld [tilespmem:$0x1E0];
	v24 =	vadd.s32 $0x493E0, v15;
	[tilespmem:$0x180] =	vst v22  }
0x3a: {  	v27 =	vld [tilespmem:$0x1F0];
	v26 =	vadd.s32 $0x493E0, v17;
	[tilespmem:$0x190] =	vst v24  }
0x3b: {  	v29 =	vld [tilespmem:$0x200];
	v28 =	vadd.s32 $0x493E0, v19;
	[tilespmem:$0x1A0] =	vst v26  }
0x3c: {  	v31 =	vld [tilespmem:$0x210];
	v30 =	vadd.s32 $0x493E0, v21;
	[tilespmem:$0x1B0] =	vst v28  }
0x3d: {  	v33 =	vld [tilespmem:$0x220];
	v32 =	vadd.s32 $0x493E0, v23;
	[tilespmem:$0x1C0] =	vst v30  }
0x3e: {  	v35 =	vld [tilespmem:$0x230];
	v34 =	vadd.s32 $0x493E0, v25;
	[tilespmem:$0x1D0] =	vst v32  }
0x3f: {  	v37 =	vld [tilespmem:$0x240];
	v36 =	vadd.s32 $0x493E0, v27;
	[tilespmem:$0x1E0] =	vst v34  }
0x40: {  	v39 =	vld [tilespmem:$0x250];
	v38 =	vadd.s32 $0x61A80, v29;
	[tilespmem:$0x1F0] =	vst v36  }
0x41: {  	v41 =	vld [tilespmem:$0x260];
	v40 =	vadd.s32 $0x61A80, v31;
	[tilespmem:$0x200] =	vst v38  }
0x42: {  	v43 =	vld [tilespmem:$0x270];
	v42 =	vadd.s32 $0x61A80, v33;
	[tilespmem:$0x210] =	vst v40  }
0x43: {  	v45 =	vld [tilespmem:$0x280];
	v44 =	vadd.s32 $0x61A80, v35;
	[tilespmem:$0x220] =	vst v42  }
0x44: {  	v47 =	vld [tilespmem:$0x290];
	v46 =	vadd.s32 $0x61A80, v37;
	[tilespmem:$0x230] =	vst v44  }
0x45: {  	v49 =	vld [tilespmem:$0x2A0];
	[tilespmem:$0x240] =	vst v46;
	v48 =	vadd.s32 $0x61A80, v39  }
0x46: {  	v51 =	vld [tilespmem:$0x2B0];
	v50 =	vadd.s32 $0x61A80, v41;
	[tilespmem:$0x250] =	vst v48  }
0x47: {  	v53 =	vld [tilespmem:$0x2C0];
	v52 =	vadd.s32 $0x61A80, v43;
	[tilespmem:$0x260] =	vst v50  }
0x48: {  	v55 =	vld [tilespmem:$0x2D0];
	v54 =	vadd.s32 $0x7A120, v45;
	[tilespmem:$0x270] =	vst v52  }
0x49: {  	v57 =	vld [tilespmem:$0x2E0];
	v56 =	vadd.s32 $0x7A120, v47;
	[tilespmem:$0x280] =	vst v54  }
0x4a: {  	v59 =	vld [tilespmem:$0x2F0];
	[tilespmem:$0x290] =	vst v56;
	v58 =	vadd.s32 $0x7A120, v49  }
0x4b: {  	v61 =	vld [tilespmem:$0x300];
	v60 =	vadd.s32 $0x7A120, v51;
	[tilespmem:$0x2A0] =	vst v58  }
0x4c: {  	v63 =	vld [tilespmem:$0x310];
	v62 =	vadd.s32 $0x7A120, v53;
	[tilespmem:$0x2B0] =	vst v60  }
0x4d: {  	v8 =	vld [tilespmem:$0x320];
	v7 =	vadd.s32 $0x7A120, v55;
	[tilespmem:$0x2C0] =	vst v62  }
0x4e: {  	v10 =	vld [tilespmem:$0x330];
	v9 =	vadd.s32 $0x7A120, v57;
	[tilespmem:$0x2D0] =	vst v7  }
0x4f: {  	v12 =	vld [tilespmem:$0x340];
	v11 =	vadd.s32 $0x7A120, v59;
	[tilespmem:$0x2E0] =	vst v9  }
0x50: {  	v14 =	vld [tilespmem:$0x350];
	v13 =	vadd.s32 $0x927C0, v61;
	[tilespmem:$0x2F0] =	vst v11  }
0x51: {  	v16 =	vld [tilespmem:$0x360];
	v15 =	vadd.s32 $0x927C0, v63;
	[tilespmem:$0x300] =	vst v13  }
0x52: {  	v18 =	vld [tilespmem:$0x370];
	[tilespmem:$0x310] =	vst v15;
	v17 =	vadd.s32 $0x927C0, v8  }
0x53: {  	v20 =	vld [tilespmem:$0x380];
	v19 =	vadd.s32 $0x927C0, v10;
	[tilespmem:$0x320] =	vst v17  }
0x54: {  	v22 =	vld [tilespmem:$0x390];
	v21 =	vadd.s32 $0x927C0, v12;
	[tilespmem:$0x330] =	vst v19  }
0x55: {  	v24 =	vld [tilespmem:$0x3A0];
	v23 =	vadd.s32 $0x927C0, v14;
	[tilespmem:$0x340] =	vst v21  }
0x56: {  	v26 =	vld [tilespmem:$0x3B0];
	v25 =	vadd.s32 $0x927C0, v16;
	[tilespmem:$0x350] =	vst v23  }
0x57: {  	v28 =	vld [tilespmem:$0x3C0];
	v27 =	vadd.s32 $0x927C0, v18;
	[tilespmem:$0x360] =	vst v25  }
0x58: {  	v30 =	vld [tilespmem:$0x3D0];
	v29 =	vadd.s32 $0xAAE60, v20;
	[tilespmem:$0x370] =	vst v27  }
0x59: {  	v32 =	vld [tilespmem:$0x3E0];
	v31 =	vadd.s32 $0xAAE60, v22;
	[tilespmem:$0x380] =	vst v29  }
0x5a: {  	v34 =	vld [tilespmem:$0x3F0];
	v33 =	vadd.s32 $0xAAE60, v24;
	[tilespmem:$0x390] =	vst v31  }
0x5b: {  	v36 =	vld [tilespmem:$0x400];
	v35 =	vadd.s32 $0xAAE60, v26;
	[tilespmem:$0x3A0] =	vst v33  }
0x5c: {  	v38 =	vld [tilespmem:$0x410];
	v37 =	vadd.s32 $0xAAE60, v28;
	[tilespmem:$0x3B0] =	vst v35  }
0x5d: {  	v40 =	vld [tilespmem:$0x420];
	v39 =	vadd.s32 $0xAAE60, v30;
	[tilespmem:$0x3C0] =	vst v37  }
0x5e: {  	v42 =	vld [tilespmem:$0x430];
	v41 =	vadd.s32 $0xAAE60, v32;
	[tilespmem:$0x3D0] =	vst v39  }
0x5f: {  	v44 =	vld [tilespmem:$0x440];
	v43 =	vadd.s32 $0xAAE60, v34;
	[tilespmem:$0x3E0] =	vst v41  }
0x60: {  	v46 =	vld [tilespmem:$0x450];
	v45 =	vadd.s32 $0xC3500, v36;
	[tilespmem:$0x3F0] =	vst v43  }
0x61: {  	v48 =	vld [tilespmem:$0x460];
	v47 =	vadd.s32 $0xC3500, v38;
	[tilespmem:$0x400] =	vst v45  }
0x62: {  	v50 =	vld [tilespmem:$0x470];
	v49 =	vadd.s32 $0xC3500, v40;
	[tilespmem:$0x410] =	vst v47  }
0x63: {  	v52 =	vld [tilespmem:$0x480];
	v51 =	vadd.s32 $0xC3500, v42;
	[tilespmem:$0x420] =	vst v49  }
0x64: {  	v54 =	vld [tilespmem:$0x490];
	v53 =	vadd.s32 $0xC3500, v44;
	[tilespmem:$0x430] =	vst v51  }
0x65: {  	v56 =	vld [tilespmem:$0x4A0];
	v55 =	vadd.s32 $0xC3500, v46;
	[tilespmem:$0x440] =	vst v53  }
0x66: {  	v58 =	vld [tilespmem:$0x4B0];
	[tilespmem:$0x450] =	vst v55;
	v57 =	vadd.s32 $0xC3500, v48  }
0x67: {  	v60 =	vld [tilespmem:$0x4C0];
	v59 =	vadd.s32 $0xC3500, v50;
	[tilespmem:$0x460] =	vst v57  }
0x68: {  	v62 =	vld [tilespmem:$0x4D0];
	v61 =	vadd.s32 $0xDBBA0, v52;
	[tilespmem:$0x470] =	vst v59  }
0x69: {  	v8 =	vld [tilespmem:$0x4E0];
	v63 =	vadd.s32 $0xDBBA0, v54;
	[tilespmem:$0x480] =	vst v61  }
0x6a: {  	v10 =	vld [tilespmem:$0x4F0];
	v9 =	vadd.s32 $0xDBBA0, v56;
	[tilespmem:$0x490] =	vst v63  }
0x6b: {  	v12 =	vld [tilespmem:$0x500];
	[tilespmem:$0x4A0] =	vst v9;
	v11 =	vadd.s32 $0xDBBA0, v58  }
0x6c: {  	v14 =	vld [tilespmem:$0x510];
	v13 =	vadd.s32 $0xDBBA0, v60;
	[tilespmem:$0x4B0] =	vst v11  }
0x6d: {  	v16 =	vld [tilespmem:$0x520];
	v15 =	vadd.s32 $0xDBBA0, v62;
	[tilespmem:$0x4C0] =	vst v13  }
0x6e: {  	v18 =	vld [tilespmem:$0x530];
	v17 =	vadd.s32 $0xDBBA0, v8;
	[tilespmem:$0x4D0] =	vst v15  }
0x6f: {  	v20 =	vld [tilespmem:$0x540];
	v19 =	vadd.s32 $0xDBBA0, v10;
	[tilespmem:$0x4E0] =	vst v17  }
0x70: {  	v22 =	vld [tilespmem:$0x550];
	v21 =	vadd.s32 $0xF4240, v12;
	[tilespmem:$0x4F0] =	vst v19  }
0x71: {  	v24 =	vld [tilespmem:$0x560];
	v23 =	vadd.s32 $0xF4240, v14;
	[tilespmem:$0x500] =	vst v21  }
0x72: {  	v26 =	vld [tilespmem:$0x570];
	v25 =	vadd.s32 $0xF4240, v16;
	[tilespmem:$0x510] =	vst v23  }
0x73: {  	v28 =	vld [tilespmem:$0x580];
	v27 =	vadd.s32 $0xF4240, v18;
	[tilespmem:$0x520] =	vst v25  }
0x74: {  	v30 =	vld [tilespmem:$0x590];
	v29 =	vadd.s32 $0xF4240, v20;
	[tilespmem:$0x530] =	vst v27  }
0x75: {  	v32 =	vld [tilespmem:$0x5A0];
	v31 =	vadd.s32 $0xF4240, v22;
	[tilespmem:$0x540] =	vst v29  }
0x76: {  	v34 =	vld [tilespmem:$0x5B0];
	v33 =	vadd.s32 $0xF4240, v24;
	[tilespmem:$0x550] =	vst v31  }
0x77: {  	v36 =	vld [tilespmem:$0x5C0];
	v35 =	vadd.s32 $0xF4240, v26;
	[tilespmem:$0x560] =	vst v33  }
0x78: {  	v38 =	vld [tilespmem:$0x5D0];
	v37 =	vadd.s32 $0x10C8E0, v28;
	[tilespmem:$0x570] =	vst v35  }
0x79: {  	v40 =	vld [tilespmem:$0x5E0];
	v39 =	vadd.s32 $0x10C8E0, v30;
	[tilespmem:$0x580] =	vst v37  }
0x7a: {  	v42 =	vld [tilespmem:$0x5F0];
	v41 =	vadd.s32 $0x10C8E0, v32;
	[tilespmem:$0x590] =	vst v39  }
0x7b: {  	v44 =	vld [tilespmem:$0x600];
	v43 =	vadd.s32 $0x10C8E0, v34;
	[tilespmem:$0x5A0] =	vst v41  }
0x7c: {  	v46 =	vld [tilespmem:$0x610];
	v45 =	vadd.s32 $0x10C8E0, v36;
	[tilespmem:$0x5B0] =	vst v43  }
0x7d: {  	v48 =	vld [tilespmem:$0x620];
	v47 =	vadd.s32 $0x10C8E0, v38;
	[tilespmem:$0x5C0] =	vst v45  }
0x7e: {  	v50 =	vld [tilespmem:$0x630];
	v49 =	vadd.s32 $0x10C8E0, v40;
	[tilespmem:$0x5D0] =	vst v47  }
0x7f: {  	v52 =	vld [tilespmem:$0x640];
	v51 =	vadd.s32 $0x10C8E0, v42;
	[tilespmem:$0x5E0] =	vst v49  }
0x80: {  	v54 =	vld [tilespmem:$0x650];
	v53 =	vadd.s32 $0x124F80, v44;
	[tilespmem:$0x5F0] =	vst v51  }
0x81: {  	v56 =	vld [tilespmem:$0x660];
	v55 =	vadd.s32 $0x124F80, v46;
	[tilespmem:$0x600] =	vst v53  }
0x82: {  	v58 =	vld [tilespmem:$0x670];
	[tilespmem:$0x610] =	vst v55;
	v57 =	vadd.s32 $0x124F80, v48  }
0x83: {  	v59 =	vadd.s32 $0x124F80, v50;
	[tilespmem:$0x620] =	vst v57  }
0x84: {  	v60 =	vadd.s32 $0x124F80, v52;
	[tilespmem:$0x630] =	vst v59  }
0x85: {  	v61 =	vadd.s32 $0x124F80, v54;
	[tilespmem:$0x640] =	vst v60  }
0x86: {  	v62 =	vadd.s32 $0x124F80, v56;
	[tilespmem:$0x650] =	vst v61  }
0x87: {  	[tilespmem:$0x660] =	vst v62;
	v63 =	vadd.s32 $0x124F80, v58  }
0x88: {  	[tilespmem:$0x670] =	vst v63  }
0x89: {  	[tilespmem:s9], [sflag:$0x1] =	stream.indirect.gather [hbm4b:s1+s8], $0x80, s3, s8, $0xb8;
	[tilespmem:$0x18800] =	vst v63  }
0x8a: {  	_ = 	snop  }
0x8b: {  	[tilespmem:s10], [sflag:$0x2] =	stream.indirect.gather [hbm4b:s1+s8], $0x80, s8, s8, $0xb8;
	[tilespmem:$0x18800] =	vst v63  }
0x8c: {  	s0 =	rddreg [dreg:$0x12]  }
0x8d: {  	[tilespmem:s11], [sflag:$0x3] =	stream.indirect.gather [hbm4b:s1+s8], $0x80, s0, s8, $0xb8;
	[tilespmem:$0x18800] =	vst v63  }
0x8e: {  	s19 =	rddreg [dreg:$0x13]  }
0x8f: {  	[tilespmem:s12], [sflag:$0x4] =	stream.indirect.gather [hbm4b:s1+s8], $0x80, s19, s8, $0xb8;
	[tilespmem:$0x18800] =	vst v63  }
0x90: {  	s0 =	rddreg [dreg:$0x14]  }
0x91: {  	[tilespmem:s13], [sflag:$0x5] =	stream.indirect.gather [hbm4b:s1+s8], $0x80, s0, s8, $0xb8;
	[tilespmem:$0x18800] =	vst v63  }
0x92: {  	s19 =	rddreg [dreg:$0x15]  }
0x93: {  	[tilespmem:s14], [sflag:$0x6] =	stream.indirect.gather [hbm4b:s1+s8], $0x80, s19, s8, $0xb8;
	[tilespmem:$0x18800] =	vst v63  }
0x94: {  	_ =	swait.ge [sflag:s15], $0x4000  }
0x95: {  	[sflag:s15] =	ssyncset.done $0x0  }
0x96: {  	s19 =	rddreg [dreg:$0x5];
	[sflag:s15] =	ssyncadd.s32 $0xFFFFC000  }
0x97: {  	[hbm4b:s19+s3] =	stream.linear.scatter [tilespmem:s9], [sflag:$0x7], $0x4000, $0x38;
	[tilespmem:$0x18800] =	vst v63  }
0x98: {  	_ =	swait.ge [sflag:s16], $0x4000  }
0x99: {  	[sflag:s16] =	ssyncset.done $0x0  }
0x9a: {  	s19 =	rddreg [dreg:$0x16];
	[sflag:s16] =	ssyncadd.s32 $0xFFFFC000  }
0x9b: {  	[tilespmem:s9], [sflag:$0x1] =	stream.indirect.gather [hbm4b:s1+s8], $0x80, s19, s8, $0xb8;
	[tilespmem:$0x18800] =	vst v63  }
0x9c: {  	_ =	swait.ge [sflag:s17], $0x4000  }
0x9d: {  	[sflag:s17] =	ssyncset.done $0x0  }
0x9e: {  	s19 =	rddreg [dreg:$0x6];
	[sflag:s17] =	ssyncadd.s32 $0xFFFFC000  }
0x9f: {  	[hbm4b:s19+s3] =	stream.linear.scatter [tilespmem:s10], [sflag:$0x8], $0x4000, $0x38;
	[tilespmem:$0x18800] =	vst v63  }
0xa0: {  	_ =	swait.ge [sflag:s18], $0x4000  }
0xa1: {  	[sflag:s18] =	ssyncset.done $0x0  }
0xa2: {  	s19 =	simm.s32 $0x380;
	[sflag:s18] =	ssyncadd.s32 $0xFFFFC000  }
0xa3: {  	[tilespmem:s10], [sflag:$0x2] =	stream.indirect.gather [hbm4b:s1+s8], $0x80, s19, s8, $0xb8;
	[tilespmem:$0x18800] =	vst v63  }
0xa4: {  	_ =	swait.ge [sflag:s20], $0x4000  }
0xa5: {  	[sflag:s20] =	ssyncset.done $0x0  }
0xa6: {  	s19 =	rddreg [dreg:$0x7];
	[sflag:s20] =	ssyncadd.s32 $0xFFFFC000  }
0xa7: {  	[hbm4b:s19+s3] =	stream.linear.scatter [tilespmem:s11], [sflag:$0x9], $0x4000, $0x38;
	[tilespmem:$0x18800] =	vst v63  }
0xa8: {  	_ =	swait.ge [sflag:s21], $0x4000  }
0xa9: {  	[sflag:s21] =	ssyncset.done $0x0  }
0xaa: {  	[sflag:s21] =	ssyncadd.s32 $0xFFFFC000  }
0xab: {  	[tilespmem:s11], [sflag:$0x3] =	stream.indirect.gather [hbm4b:s1+s8], $0x80, s6, s8, $0xb8;
	[tilespmem:$0x18800] =	vst v63  }
0xac: {  	_ =	swait.ge [sflag:s22], $0x4000  }
0xad: {  	[sflag:s22] =	ssyncset.done $0x0  }
0xae: {  	s19 =	rddreg [dreg:$0x8];
	[sflag:s22] =	ssyncadd.s32 $0xFFFFC000  }
0xaf: {  	[hbm4b:s19+s3] =	stream.linear.scatter [tilespmem:s12], [sflag:$0xA], $0x4000, $0x38;
	[tilespmem:$0x18800] =	vst v63  }
0xb0: {  	_ =	swait.ge [sflag:s23], $0x4000  }
0xb1: {  	[sflag:s23] =	ssyncset.done $0x0  }
0xb2: {  	[sflag:s23] =	ssyncadd.s32 $0xFFFFC000  }
0xb3: {  	[tilespmem:s12], [sflag:$0x4] =	stream.indirect.gather [hbm4b:s1+s8], $0x80, s24, s8, $0xb8;
	[tilespmem:$0x18800] =	vst v63  }
0xb4: {  	_ =	swait.ge [sflag:s25], $0x4000  }
0xb5: {  	[sflag:s25] =	ssyncset.done $0x0  }
0xb6: {  	s19 =	rddreg [dreg:$0x9];
	[sflag:s25] =	ssyncadd.s32 $0xFFFFC000  }
0xb7: {  	[hbm4b:s19+s3] =	stream.linear.scatter [tilespmem:s13], [sflag:$0xB], $0x4000, $0x38;
	[tilespmem:$0x18800] =	vst v63  }
0xb8: {  	_ =	swait.ge [sflag:s26], $0x4000  }
0xb9: {  	[sflag:s26] =	ssyncset.done $0x0  }
0xba: {  	[sflag:s26] =	ssyncadd.s32 $0xFFFFC000  }
0xbb: {  	[tilespmem:s13], [sflag:$0x5] =	stream.indirect.gather [hbm4b:s1+s8], $0x80, s28, s8, $0xb8;
	[tilespmem:$0x18800] =	vst v63  }
0xbc: {  	_ =	swait.ge [sflag:s29], $0x4000  }
0xbd: {  	[sflag:s29] =	ssyncset.done $0x0  }
0xbe: {  	s19 =	rddreg [dreg:$0xa];
	[sflag:s29] =	ssyncadd.s32 $0xFFFFC000  }
0xbf: {  	[hbm4b:s19+s3] =	stream.linear.scatter [tilespmem:s14], [sflag:$0xC], $0x4000, $0x38;
	[tilespmem:$0x18800] =	vst v63  }
0xc0: {  	_ =	swait.ge [sflag:s30], $0x4000  }
0xc1: {  	[sflag:s30] =	ssyncset.done $0x0  }
0xc2: {  	[sflag:s30] =	ssyncadd.s32 $0xFFFFC000  }
0xc3: {  	[tilespmem:s14], [sflag:$0x6] =	stream.indirect.gather [hbm4b:s1+s8], $0x80, s31, s8, $0xb8;
	[tilespmem:$0x18800] =	vst v63  }
0xc4: {  	_ =	swait.ge [sflag:s15], $0x4000  }
0xc5: {  	[sflag:s15] =	ssyncset.done $0x0  }
0xc6: {  	s19 =	rddreg [dreg:$0xb];
	[sflag:s15] =	ssyncadd.s32 $0xFFFFC000  }
0xc7: {  	[hbm4b:s19+s3] =	stream.linear.scatter [tilespmem:s9], [sflag:$0x7], $0x4000, $0x38;
	[tilespmem:$0x18800] =	vst v63  }
0xc8: {  	_ =	swait.ge [sflag:s16], $0x4000  }
0xc9: {  	[sflag:s16] =	ssyncset.done $0x0  }
0xca: {  	[sflag:s16] =	ssyncadd.s32 $0xFFFFC000  }
0xcb: {  	[tilespmem:s9], [sflag:$0x1] =	stream.indirect.gather [hbm4b:s1+s8], $0x80, s2, s8, $0xb8;
	[tilespmem:$0x18800] =	vst v63  }
0xcc: {  	_ =	swait.ge [sflag:s17], $0x4000  }
0xcd: {  	[sflag:s17] =	ssyncset.done $0x0  }
0xce: {  	s19 =	rddreg [dreg:$0xc];
	[sflag:s17] =	ssyncadd.s32 $0xFFFFC000  }
0xcf: {  	[hbm4b:s19+s3] =	stream.linear.scatter [tilespmem:s10], [sflag:$0x8], $0x4000, $0x38;
	[tilespmem:$0x18800] =	vst v63  }
0xd0: {  	_ =	swait.ge [sflag:s20], $0x4000  }
0xd1: {  	[sflag:s20] =	ssyncset.done $0x0  }
0xd2: {  	s19 =	rddreg [dreg:$0xd];
	[sflag:s20] =	ssyncadd.s32 $0xFFFFC000  }
0xd3: {  	[hbm4b:s19+s3] =	stream.linear.scatter [tilespmem:s11], [sflag:$0x9], $0x4000, $0x38;
	[tilespmem:$0x18800] =	vst v63  }
0xd4: {  	_ =	swait.ge [sflag:s22], $0x4000  }
0xd5: {  	[sflag:s22] =	ssyncset.done $0x0  }
0xd6: {  	s19 =	rddreg [dreg:$0xe];
	[sflag:s22] =	ssyncadd.s32 $0xFFFFC000  }
0xd7: {  	[hbm4b:s19+s3] =	stream.linear.scatter [tilespmem:s12], [sflag:$0xA], $0x4000, $0x38;
	[tilespmem:$0x18800] =	vst v63  }
0xd8: {  	_ =	swait.ge [sflag:s25], $0x4000  }
0xd9: {  	[sflag:s25] =	ssyncset.done $0x0  }
0xda: {  	s19 =	rddreg [dreg:$0xf];
	[sflag:s25] =	ssyncadd.s32 $0xFFFFC000  }
0xdb: {  	[hbm4b:s19+s3] =	stream.linear.scatter [tilespmem:s13], [sflag:$0xB], $0x4000, $0x38;
	[tilespmem:$0x18800] =	vst v63  }
0xdc: {  	_ =	swait.ge [sflag:s29], $0x4000  }
0xdd: {  	[sflag:s29] =	ssyncset.done $0x0  }
0xde: {  	s19 =	rddreg [dreg:$0x10];
	[sflag:s29] =	ssyncadd.s32 $0xFFFFC000  }
0xdf: {  	[hbm4b:s19+s3] =	stream.linear.scatter [tilespmem:s14], [sflag:$0xC], $0x4000, $0x38;
	[tilespmem:$0x18800] =	vst v63  }
0xe0: {  	_ =	swait.ge [sflag:s15], $0x4000  }
0xe1: {  	[sflag:s15] =	ssyncset.done $0x0  }
0xe2: {  	s19 =	rddreg [dreg:$0x11];
	[sflag:s15] =	ssyncadd.s32 $0xFFFFC000  }
0xe3: {  	[hbm4b:s19+s3] =	stream.linear.scatter [tilespmem:s9], [sflag:$0x7], $0x4000, $0x38;
	[tilespmem:$0x18800] =	vst v63  }
0xe4: {  	_ =	swait.ge [sflag:s18], $0x4000  }
0xe5: {  	[sflag:s18] =	ssyncset.done $0x0  }
0xe6: {  	[sflag:s18] =	ssyncadd.s32 $0xFFFFC000  }
0xe7: {  	_ =	swait.ge [sflag:s21], $0x4000  }
0xe8: {  	[sflag:s21] =	ssyncset.done $0x0  }
0xe9: {  	[sflag:s21] =	ssyncadd.s32 $0xFFFFC000  }
0xea: {  	_ =	swait.ge [sflag:s23], $0x4000  }
0xeb: {  	[sflag:s23] =	ssyncset.done $0x0  }
0xec: {  	[sflag:s23] =	ssyncadd.s32 $0xFFFFC000  }
0xed: {  	_ =	swait.ge [sflag:s26], $0x4000  }
0xee: {  	[sflag:s26] =	ssyncset.done $0x0  }
0xef: {  	[sflag:s26] =	ssyncadd.s32 $0xFFFFC000  }
0xf0: {  	p0 =	sne.s32 s5, $0x1;
	_ =	swait.ge [sflag:s30], $0x4000  }
.Ltmp0:
0xf1: {  	[sflag:s30] =	ssyncset.done $0x0;
	(pc) =	sbr.rel @p0 .LBB2_1-.Ltmp0, $4  }
0xf2: {  	[sflag:s30] =	ssyncadd.s32 $0xFFFFC000  }
0xf3: {  	_ =	swait.ge [sflag:s16], $0x4000  }
0xf4: {  	[sflag:s16] =	ssyncset.done $0x0  }
0xf5: {  	s5 =	sadd.s32 $0xFFFFFFFF, s5;
	[sflag:s16] =	ssyncadd.s32 $0xFFFFC000  }
0xf6: {  	_ =	sfence.sel $0x180000  }
0xf7: {  	[bflag:$0x0] =	sbarrier.arrive $0xFFFF  }
0xf8: {  	_ =	strace $0x90000047  }
0xf9: {  	s0 =	stileid.u32;
	[bflag:$0x2] =	sbarrier.arrive $0xFFFF  }
0xfa: {  	p0 =	sne.s32 s0, $0x0;
	s0 =	rddreg [dreg:$0x3]  }
0xfb: {  	s0 =	sadd.s32 @!p0 $0x100000, s0  }
0xfc: {  	[sflag:s0] =	ssyncadd.tile.s32 @!p0 $0x1;
	_ =	shalt  }
.Lfunc_end2:
_tile_overlayer_lowered:
.L_overlay_start_2:
0xfd: {  	(tag) =	ssettag $0x2  }
0xfe: {  	s0 =	rddreg [dreg:$0x0];
	s2 =	stileid.u32  }
0xff: {  	s1 =	rddreg [dreg:$0x1];
	p0 =	sne.s32 s2, $0x0  }
0x100: {  	s3 =	rddreg [dreg:$0x2];
	[bflag:$0x3] =	sbarrier.arrive $0xFFFF;
	s2 =	simm.s32 @!p0 $0x1C0D  }
0x101: {  	[timem:s3], [sflag:s2] =	dma.local @!p0 [hbm:s0], s1  }
0x102: {  	s0 =	simm.s32 @!p0 $0xD  }
0x103: {  	_ =	swait.ge @!p0 [sflag:s0], s1  }
0x104: {  	s1 =	ssub.s32 @!p0 $0x0, s1;
	[sflag:s0] =	ssyncset.done @!p0 $0x0  }
0x105: {  	[sflag:s0] =	ssyncadd.s32 @!p0 s1  }
0x106: {  	[bflag:$0x3] =	sbarrier.arrive $0xFFFF  }
0x107: {  	_ =	shalt  }

// kernel: kernel.9.cloned.1.call-start
scs
__scs_entry_jumppad:
0x0: {  	(pc) =	sbr.rel $0x88, $3  }
0x1: {  	(tag) =	ssettag $0x0;
	lr =	simm.s32 $0x1  }
0x2: {  	[smem:$0x3F9D] =	sst lr;
	_ =	strace $0xD0000000  }
0x3: {  	_ = 	snop  }
0x4: {  	_ = 	snop  }
0x5: {  	_ = 	snop  }
0x6: {  	_ = 	snop  }
0x7: {  	_ = 	snop  }
__scs_overlays_trampoline_lowered:
0x8: {  	[smem:$0x3FAC] =	sst s0  }
0x9: {  	[smem:$0x3FAD] =	sst s1  }
0xa: {  	[smem:$0x3FAE] =	sst s2  }
0xb: {  	[smem:$0x3FAF] =	sst s3  }
0xc: {  	[smem:$0x3FB0] =	sst s4  }
0xd: {  	[smem:$0x3FB1] =	sst s5  }
0xe: {  	[smem:$0x3FB2] =	sst s6  }
0xf: {  	[smem:$0x3FB3] =	sst s7  }
0x10: {  	[smem:$0x3FB4] =	sst s8  }
0x11: {  	[smem:$0x3FB5] =	sst s9;
	s0 =	simm.s32 @!p0 $0x0  }
0x12: {  	s1 =	sld [smem:$0x3F9B];
	s0 =	simm.s32 @p0 $0x1  }
0x13: {  	[smem:$0x3FB6] =	sst s0;
	s0 =	simm.s32 @!p1 $0x0  }
0x14: {  	s2 =	sld [smem:$0x3F9A];
	s0 =	simm.s32 @p1 $0x1  }
0x15: {  	[smem:$0x3FB7] =	sst s0;
	s0 =	simm.s32 @!p2 $0x0  }
0x16: {  	s3 =	sld [smem:$0x3FDB];
	s0 =	simm.s32 @p2 $0x1  }
0x17: {  	s4 =	simm.s32 $0x1BF5;
	[smem:$0x3FB9] =	sst s0  }
0x18: {  	s0 =	sld [smem:$0x3F9C];
	_ =	swait.ge [sflag:s4], $0x0  }
0x19: {  	s7 =	sld [smem:$0x3F9D]  }
0x1a: {  	s8 =	sadd.s32 $0xFFFFE003, lr  }
0x1b: {  	s9 =	sadd.s32 $0xFFFFFEF7, lr;
	s5 =	simm.s32 $0xFFFFFFFF;
	p2 =	slt.u32 s8, $0xFFFFF086  }
0x1c: {  	p1 =	slt.u32 s9, $0xF7A;
	s5 =	simm.s32 @!p2 $0x0  }
0x1d: {  	s5 =	simm.s32 @p1 $0x1;
	p0 =	seq.s32 s7, s2  }
0x1e: {  	s7 =	smul.u32 @!p0 $0xF7A, s2;
	p2 =	seq.s32 @!p0 s5, $0x0  }
0x1f: {  	s9 =	smul.u32 $0xF7A, s1;
	s8 =	simm.s32 @!p0 $0x1BF5;
	p2 =	por !p2, p0  }
0x20: {  	[sflag:s8] =	ssyncset.s32 @!p0 $0xFFFFF086;
	s6 =	sadd.s32 @!p0 s3, s7;
	s7 =	simm.s32 @!p0 $0x108  }
0x21: {  	s3 =	sadd.s32 s3, s9;
	s6 =	sadd.s32 @!p0 $0x88, s6;
	s7 =	simm.s32 @p2 $0x1082  }
0x22: {  	[simem:s7], [sflag:s8] =	dma.local @!p0 [hbm:s6], $0xF7A  }
0x23: {  	s9 =	sor.u32 $0xD0000000, s2;
	s6 =	simm.s32 $0x108;
	_ =	swait.ge @!p0 [sflag:s8], $0x0  }
0x24: {  	s3 =	sadd.s32 $0x88, s3;
	s6 =	simm.s32 @!p1 $0x1082;
	[sflag:s4] =	ssyncset.s32 $0xFFFFF086  }
0x25: {  	[simem:s6], [sflag:s4] =	dma.local [hbm:s3], $0xF7A  }
0x26: {  	[smem:$0x3F9D] =	sst s1;
	(tag) =	ssettag s2;
	_ =	strace s9  }
0x27: {  	s1 =	sld [smem:$0x3FAD]  }
0x28: {  	s2 =	sld [smem:$0x3FAE]  }
0x29: {  	s4 =	sld [smem:$0x3FB0]  }
0x2a: {  	p0 =	seq.s32 s5, $0x0;
	s5 =	sld [smem:$0x3FB1]  }
0x2b: {  	s6 =	sld [smem:$0x3FB2]  }
0x2c: {  	s7 =	sld [smem:$0x3FB3]  }
0x2d: {  	s3 =	simm.s32 $0x108;
	s8 =	sld [smem:$0x3FB4]  }
0x2e: {  	s3 =	simm.s32 @!p0 $0x1082;
	s9 =	sld [smem:$0x3FB5]  }
0x2f: {  	lr =	sadd.s32 s0, s3;
	s0 =	sld [smem:$0x3FAC]  }
0x30: {  	s3 =	sld [smem:$0x3FAF]  }
0x31: {  	[smem:$0x3FB8] =	sst s10  }
0x32: {  	s10 =	sld [smem:$0x3FB6];
	_ =	sdelay $0x3  }
0x33: {  	p0 =	seq.s32 s10, $0x1;
	s10 =	sld [smem:$0x3FB8];
	_ =	sdelay $0x3  }
0x34: {  	[smem:$0x3FB8] =	sst s10  }
0x35: {  	s10 =	sld [smem:$0x3FB7];
	_ =	sdelay $0x3  }
0x36: {  	p1 =	seq.s32 s10, $0x1;
	s10 =	sld [smem:$0x3FB8];
	_ =	sdelay $0x3  }
0x37: {  	[smem:$0x3FB8] =	sst s10  }
0x38: {  	s10 =	sld [smem:$0x3FB9]  }
0x39: {  	_ = 	snop;
	(pc) =	sbr.ind lr, $3  }
0x3a: {  	_ = 	snop  }
0x3b: {  	_ = 	snop  }
0x3c: {  	p2 =	seq.s32 s10, $0x1;
	s10 =	sld [smem:$0x3FB8]  }
0x3d: {  	_ =	shalt  }
0x3e: {  	_ =	shalt  }
0x3f: {  	_ =	shalt  }
0x40: {  	_ =	shalt  }
0x41: {  	_ =	shalt  }
0x42: {  	_ =	shalt  }
0x43: {  	_ =	shalt  }
0x44: {  	_ =	shalt  }
0x45: {  	_ =	shalt  }
0x46: {  	_ =	shalt  }
0x47: {  	_ =	shalt  }
0x48: {  	_ =	shalt  }
0x49: {  	_ =	shalt  }
0x4a: {  	_ =	shalt  }
0x4b: {  	_ =	shalt  }
0x4c: {  	_ =	shalt  }
0x4d: {  	_ =	shalt  }
0x4e: {  	_ =	shalt  }
0x4f: {  	_ =	shalt  }
0x50: {  	_ =	shalt  }
0x51: {  	_ =	shalt  }
0x52: {  	_ =	shalt  }
0x53: {  	_ =	shalt  }
0x54: {  	_ =	shalt  }
0x55: {  	_ =	shalt  }
0x56: {  	_ =	shalt  }
0x57: {  	_ =	shalt  }
0x58: {  	_ =	shalt  }
0x59: {  	_ =	shalt  }
0x5a: {  	_ =	shalt  }
0x5b: {  	_ =	shalt  }
0x5c: {  	_ =	shalt  }
0x5d: {  	_ =	shalt  }
0x5e: {  	_ =	shalt  }
0x5f: {  	_ =	shalt  }
0x60: {  	_ =	shalt  }
0x61: {  	_ =	shalt  }
0x62: {  	_ =	shalt  }
0x63: {  	_ =	shalt  }
0x64: {  	_ =	shalt  }
0x65: {  	_ =	shalt  }
0x66: {  	_ =	shalt  }
0x67: {  	_ =	shalt  }
0x68: {  	_ =	shalt  }
0x69: {  	_ =	shalt  }
0x6a: {  	_ =	shalt  }
0x6b: {  	_ =	shalt  }
0x6c: {  	_ =	shalt  }
0x6d: {  	_ =	shalt  }
0x6e: {  	_ =	shalt  }
0x6f: {  	_ =	shalt  }
0x70: {  	_ =	shalt  }
0x71: {  	_ =	shalt  }
0x72: {  	_ =	shalt  }
0x73: {  	_ =	shalt  }
0x74: {  	_ =	shalt  }
0x75: {  	_ =	shalt  }
0x76: {  	_ =	shalt  }
0x77: {  	_ =	shalt  }
0x78: {  	_ =	shalt  }
0x79: {  	_ =	shalt  }
0x7a: {  	_ =	shalt  }
0x7b: {  	_ =	shalt  }
0x7c: {  	_ =	shalt  }
0x7d: {  	_ =	shalt  }
0x7e: {  	_ =	shalt  }
0x7f: {  	_ =	shalt  }
0x80: {  	_ =	shalt  }
0x81: {  	_ =	shalt  }
0x82: {  	_ =	shalt  }
0x83: {  	_ =	shalt  }
0x84: {  	_ =	shalt  }
0x85: {  	_ =	shalt  }
0x86: {  	_ =	shalt  }
0x87: {  	_ =	shalt  }
.Lfunc_end0:
.L_simem_size_0:
called_computation.1_lowered:
.L_overlay_start_0:
0x88: {  	s2 =	sld [smem:$0x3FD9]  }
0x89: {  	s3 =	sld [smem:$0x3FFE];
	_ =	sdelay $0x1  }
0x8a: {  	s1 =	srdreg.scid  }
0x8b: {  	s0 =	sand.u32 $0x1, s1  }
0x8c: {  	s17 =	sshll.u32 s0, $0xA;
	s2 =	sadd.s32 s3, s2  }
0x8d: {  	s2 =	sadd.s32 s2, s17  }
0x8e: {  	[smem:$0x3FC4] =	sst s2  }
0x8f: {  	_ = 	snop  }
0x90: {  	s18 =	sld [smem:$0x3FC8];
	(tm) =	ssettm $0x1  }
0x91: {  	s19 =	sld [smem:$0x3FFB];
	_ =	sdelay $0x3  }
0x92: {  	_ =	strace s19  }
0x93: {  	s2 =	sld [smem:$0x3FFC];
	_ =	sdelay $0x3  }
0x94: {  	_ =	strace s2  }
0x95: {  	s2 =	sld [smem:$0x3FFD];
	_ =	sdelay $0x3  }
0x96: {  	_ =	strace s2  }
0x97: {  	_ =	strace $0x8FFFFFFF  }
0x98: {  	s20 =	sld [smem:$0x3FDB];
	_ =	sdelay $0x1  }
0x99: {  	s4 =	simm.s32 $_scs_section_size  }
0x9a: {  	s5 =	simm.s32 $_size__tile_overlayer_lowered;
	s6 =	simm.s32 $_tile_overlayer_lowered  }
0x9b: {  	s7 =	simm.s32 $0x1BFF;
	s21 =	sshll.u32 s6, $0x1;
	s4 =	sadd.s32 s4, s20  }
0x9c: {  	s22 =	simm.s32 $0x0;
	s5 =	sshll.u32 s5, $0x1;
	s6 =	sadd.s32 s21, s4  }
0x9d: {  	[timem:s22], [sflag:s7] =	dma.local [hbm:s6], s5  }
0x9e: {  	_ =	swait.ge [sflag:s7], s5  }
0x9f: {  	s5 =	ssub.s32 $0x0, s5;
	[sflag:s7] =	ssyncset.done $0x0  }
0xa0: {  	[sflag:s7] =	ssyncadd.s32 s5;
	_ =	sdelay $0x1  }
0xa1: {  	s23 =	simm.s32 $0x1B8B  }
0xa2: {  	_ =	swait.ge [sflag:s23], $0x1  }
0xa3: {  	[sflag:s23] =	ssyncset.done $0x0  }
0xa4: {  	[sflag:s23] =	ssyncadd.s32 $0xFFFFFFFF  }
0xa5: {  	s5 =	sld [smem:$0x0]  }
0xa6: {  	s6 =	sand.u32 $0xFFFFFFFE, s1  }
0xa7: {  	p0 =	sne.s32 s1, s6  }
0xa8: {  	s6 =	sshll.u32 @p0 s6, $0xE  }
0xa9: {  	s6 =	sadd.s32 @p0 $0x11B8D, s6;
	s7 =	sshll.u32 @p0 s5, $0x11  }
0xaa: {  	s6 =	sor.u32 @p0 s7, s6  }
0xab: {  	[sflag:s6] =	ssyncadd.remote.s32 @p0 $0x1;
	_ =	sdelay $0x1  }
0xac: {  	s6 =	simm.s32 @p0 $0x1B8D  }
0xad: {  	_ =	swait.eq @p0 [sflag:s6], $0x1  }
0xae: {  	[sflag:s6] =	ssyncadd.s32 @p0 $0xFFFFFFFF  }
0xaf: {  	s7 =	sshll.u32 @!p0 s1, $0xE  }
0xb0: {  	s7 =	sor.u32 @!p0 $0x4000, s7;
	s6 =	simm.s32 @!p0 $0x1B8D  }
0xb1: {  	s5 =	sshll.u32 @!p0 s5, $0x11;
	s7 =	sadd.s32 @!p0 $0x11B8D, s7;
	_ =	swait.eq @!p0 [sflag:s6], $0x1  }
0xb2: {  	s5 =	sor.u32 @!p0 s5, s7;
	[sflag:s6] =	ssyncadd.s32 @!p0 $0xFFFFFFFF  }
0xb3: {  	s25 =	simm.s32 $0x1B8E;
	s24 =	sld [smem:$0x3FFE];
	[sflag:s5] =	ssyncadd.remote.s32 @!p0 $0x1  }
0xb4: {  	s26 =	simm.s32 $execute0_lowered;
	[smem:$0x3FD2] =	sst s25  }
0xb5: {  	s6 =	sshll.u32 s26, $0x1;
	_ =	strace $0x80000049;
	[dreg:$0x1] =	wrdreg $0xFFFFFFFF  }
0xb6: {  	s28 =	simm.s32 $_size_execute0_lowered;
	s4 =	sadd.s32 s4, s6;
	[dreg:$0x0] =	wrdreg $0x0  }
0xb7: {  	s6 =	sshll.u32 s28, $0x1;
	[dreg:$0x2] =	wrdreg s4  }
0xb8: {  	[dreg:$0x3] =	wrdreg s6  }
0xb9: {  	[dreg:$0x4] =	wrdreg $0xC0  }
0xba: {  	_ =	task [dreg:s22], $0x5FFFF  }
0xbb: {  	[dreg:$0x1] =	wrdreg $0xFFFFFFFF  }
0xbc: {  	[dreg:$0x0] =	wrdreg $0x60  }
0xbd: {  	[dreg:$0x2] =	wrdreg s18  }
0xbe: {  	[dreg:$0x3] =	wrdreg s24  }
0xbf: {  	[dreg:$0x4] =	wrdreg $0xA  }
0xc0: {  	_ =	task.clear_ibuf [dreg:s22], $0x5FFFF;
	_ =	strace $0x90000049  }
0xc1: {  	s29 =	simm.s32 $0xA;
	_ =	strace $0x8000004B  }
0xc2: {  	_ =	swait.ge [sflag:s29], $0x1  }
0xc3: {  	[sflag:s29] =	ssyncadd.s32 $0xFFFFFFFF  }
0xc4: {  	_ =	strace $0x9000004B  }
0xc5: {  	_ =	sfence  }
0xc6: {  	s30 =	sld [smem:$0x0];
	_ =	sdelay $0x2  }
0xc7: {  	s31 =	sshll.u32 s1, $0xD;
	s1 =	sshrl.u32 s1, $0x2  }
0xc8: {  	s4 =	sand.u32 $0x4000, s31;
	s1 =	sadd.s32 s1, s30  }
0xc9: {  	s0 =	sor.u32 s4, s0;
	s1 =	sshll.u32 s1, $0x11  }
0xca: {  	s0 =	sor.u32 s1, s0  }
0xcb: {  	s0 =	sadd.s32 $0x8F2B, s0  }
0xcc: {  	[sflag:s0] =	ssyncadd.remote.s32 $0x1  }
0xcd: {  	_ =	sfence.sel $0xFFFF  }
0xce: {  	[dreg:$0x0] =	wrdreg $0xFFFFFFFF;
	(pc) =	sbr.abs _section_cstart, $3  }
0xcf: {  	[dreg:$0x1] =	wrdreg $0xFFFFFFFF  }
0xd0: {  	_ =	task.clear_ibuf [dreg:s22], $0x2FFFF;
	_ =	strace $0x9FFFFFFF  }
0xd1: {  	(tm) =	ssettm $0x7FFFFFFF  }
tec
execute0_lowered:
.L_overlay_start_1:
0x0: {  	(tag) =	ssettag $0x1  }
0x1: {  	s1 =	srdreg.scid;
	s2 =	rddreg [dreg:$0x0]  }
0x2: {  	s0 =	stileid.u32;
	s4 =	rddreg [dreg:$0x1]  }
0x3: {  	s3 =	simm.s32 $0x0;
	s8 =	simm.s32 $0x800;
	s23 =	simm.s32 $0x100  }
0x4: {  	s24 =	simm.s32 $0x180;
	s25 =	simm.s32 $0x200;
	s26 =	simm.s32 $0x280  }
0x5: {  	s1 =	sand.u32 $0x1, s1;
	s5 =	sshll.u32 s0, $0x8;
	[smem:$0x7FF] =	sst s3  }
0x6: {  	s6 =	sshll.u32 s1, $0x7;
	_ =	strace $0x8000004A;
	[dreg:$0x12] =	wrdreg s23  }
0x7: {  	s28 =	simm.s32 $0x500;
	[dreg:$0x13] =	wrdreg s24;
	s5 =	sor.u32 s6, s5  }
0x8: {  	s29 =	simm.s32 $0x6;
	[dreg:$0x14] =	wrdreg s25;
	s6 =	sadd.s32 s5, s4  }
0x9: {  	[dreg:$0x15] =	wrdreg s26;
	s5 =	sshll.u32 s5, $0x4;
	s7 =	sadd.s32 $0xE00, s6  }
0xa: {  	s4 =	sadd.s32 s5, s4;
	s9 =	sadd.s32 $0x1E00, s6;
	[dreg:$0x3] =	wrdreg s7  }
0xb: {  	s30 =	simm.s32 $0xC;
	[dreg:$0x4] =	wrdreg s9;
	s10 =	sadd.s32 $0xD2E00, s4  }
0xc: {  	s31 =	simm.s32 $0x580;
	s11 =	sadd.s32 $0xE2E00, s4;
	[dreg:$0x5] =	wrdreg s10  }
0xd: {  	s1 =	ssub.s32 $0x2, s1;
	s12 =	sadd.s32 $0xF2E00, s4;
	[dreg:$0x6] =	wrdreg s11  }
0xe: {  	s23 =	simm.s32 $0xA;
	s13 =	sadd.s32 $0x102E00, s4;
	[dreg:$0x7] =	wrdreg s12  }
0xf: {  	s24 =	simm.s32 $0x480;
	s14 =	sadd.s32 $0x112E00, s4;
	[dreg:$0x8] =	wrdreg s13  }
0x10: {  	s25 =	simm.s32 $0x5;
	s15 =	sadd.s32 $0x122E00, s4;
	[dreg:$0x9] =	wrdreg s14  }
0x11: {  	s26 =	simm.s32 $0xB;
	s16 =	sadd.s32 $0x132E00, s4;
	[dreg:$0xa] =	wrdreg s15  }
0x12: {  	s22 =	sshrl.u32 s1, $0x1;
	s17 =	sadd.s32 $0x142E00, s4;
	[dreg:$0xb] =	wrdreg s16  }
0x13: {  	s1 =	ssub.s32 s1, s22;
	s18 =	sadd.s32 $0x152E00, s4;
	[dreg:$0xc] =	wrdreg s17  }
0x14: {  	s22 =	simm.s32 $0x4;
	s19 =	sadd.s32 $0x162E00, s4;
	[dreg:$0xd] =	wrdreg s18  }
0x15: {  	s5 =	simm.s32 $0x400;
	s20 =	sadd.s32 $0x172E00, s4;
	[dreg:$0xe] =	wrdreg s19  }
0x16: {  	s6 =	simm.s32 $0xD;
	s21 =	sadd.s32 $0x182E00, s4;
	[dreg:$0xf] =	wrdreg s20  }
0x17: {  	s4 =	sadd.s32 $0x192E00, s4;
	s7 =	simm.s32 $0x80;
	[dreg:$0x10] =	wrdreg s21  }
0x18: {  	s9 =	simm.s32 $0x4800;
	[dreg:$0x11] =	wrdreg s4;
	s4 =	smax.u32 s1, $0x1  }
0x19: {  	s10 =	simm.s32 $0x8800;
	s11 =	simm.s32 $0xC800;
	s12 =	simm.s32 $0x10800  }
0x1a: {  	s13 =	simm.s32 $0x14800;
	s14 =	simm.s32 $0x1;
	s15 =	simm.s32 $0x7  }
0x1b: {  	s17 =	simm.s32 $0x2;
	s18 =	simm.s32 $0x8;
	s19 =	simm.s32 $0x380  }
0x1c: {  	s20 =	simm.s32 $0x3;
	s21 =	simm.s32 $0x9;
	s1 =	simm.s32 $0x600  }
.LBB2_1:
0x1d: {  	s0 =	rddreg [dreg:$0x3]  }
0x1e: {  	[tilespmem:s3], [sflag:$0xD] =	stream.linear.gather [hbm4b:s0+s3], $0x400, $0x38;
	[tilespmem:$0x18800] =	vst v63  }
0x1f: {  	s16 =	rddreg [dreg:$0x4]  }
0x20: {  	[tilespmem:s5], [sflag:$0xD] =	stream.linear.gather [hbm4b:s16+s3], $0x280, $0x38;
	[tilespmem:$0x18800] =	vst v63  }
0x21: {  	_ =	swait.ge [sflag:s6], $0x680  }
0x22: {  	[sflag:s6] =	ssyncset.done $0x0  }
0x23: {  	[sflag:s6] =	ssyncadd.s32 $0xFFFFF980  }
0x24: {  	v0 =	vld [tilespmem:$0x0]  }
0x25: {  	v1 =	vld [tilespmem:$0x10]  }
0x26: {  	v2 =	vld [tilespmem:$0x20]  }
0x27: {  	v3 =	vld [tilespmem:$0x30]  }
0x28: {  	v4 =	vld [tilespmem:$0x40]  }
0x29: {  	v5 =	vld [tilespmem:$0x50];
	v0 =	vadd.s32 $0x13D620, v0  }
0x2a: {  	v33 =	vld [tilespmem:$0x60];
	v32 =	vadd.s32 $0x13D620, v1;
	[tilespmem:$0x0] =	vst v0  }
0x2b: {  	v35 =	vld [tilespmem:$0x70];
	v34 =	vadd.s32 $0x13D620, v2;
	[tilespmem:$0x10] =	vst v32  }
0x2c: {  	v37 =	vld [tilespmem:$0x80];
	v36 =	vadd.s32 $0x13D620, v3;
	[tilespmem:$0x20] =	vst v34  }
0x2d: {  	v39 =	vld [tilespmem:$0x90];
	v38 =	vadd.s32 $0x13D620, v4;
	[tilespmem:$0x30] =	vst v36  }
0x2e: {  	v41 =	vld [tilespmem:$0xA0];
	v40 =	vadd.s32 $0x13D620, v5;
	[tilespmem:$0x40] =	vst v38  }
0x2f: {  	v43 =	vld [tilespmem:$0xB0];
	v42 =	vadd.s32 $0x13D620, v33;
	[tilespmem:$0x50] =	vst v40  }
0x30: {  	v45 =	vld [tilespmem:$0xC0];
	v44 =	vadd.s32 $0x13D620, v35;
	[tilespmem:$0x60] =	vst v42  }
0x31: {  	v47 =	vld [tilespmem:$0xD0];
	v46 =	vadd.s32 $0x155CC0, v37;
	[tilespmem:$0x70] =	vst v44  }
0x32: {  	v49 =	vld [tilespmem:$0xE0];
	v48 =	vadd.s32 $0x155CC0, v39;
	[tilespmem:$0x80] =	vst v46  }
0x33: {  	v51 =	vld [tilespmem:$0xF0];
	v50 =	vadd.s32 $0x155CC0, v41;
	[tilespmem:$0x90] =	vst v48  }
0x34: {  	v53 =	vld [tilespmem:$0x100];
	v52 =	vadd.s32 $0x155CC0, v43;
	[tilespmem:$0xA0] =	vst v50  }
0x35: {  	v55 =	vld [tilespmem:$0x110];
	v54 =	vadd.s32 $0x155CC0, v45;
	[tilespmem:$0xB0] =	vst v52  }
0x36: {  	v57 =	vld [tilespmem:$0x120];
	v56 =	vadd.s32 $0x155CC0, v47;
	[tilespmem:$0xC0] =	vst v54  }
0x37: {  	v59 =	vld [tilespmem:$0x130];
	v58 =	vadd.s32 $0x155CC0, v49;
	[tilespmem:$0xD0] =	vst v56  }
0x38: {  	v61 =	vld [tilespmem:$0x140];
	v60 =	vadd.s32 $0x155CC0, v51;
	[tilespmem:$0xE0] =	vst v58  }
0x39: {  	v63 =	vld [tilespmem:$0x150];
	v62 =	vadd.s32 $0x16E360, v53;
	[tilespmem:$0xF0] =	vst v60  }
0x3a: {  	v9 =	vld [tilespmem:$0x160];
	v8 =	vadd.s32 $0x16E360, v55;
	[tilespmem:$0x100] =	vst v62  }
0x3b: {  	v11 =	vld [tilespmem:$0x170];
	v10 =	vadd.s32 $0x16E360, v57;
	[tilespmem:$0x110] =	vst v8  }
0x3c: {  	v13 =	vld [tilespmem:$0x180];
	v12 =	vadd.s32 $0x16E360, v59;
	[tilespmem:$0x120] =	vst v10  }
0x3d: {  	v15 =	vld [tilespmem:$0x190];
	v14 =	vadd.s32 $0x16E360, v61;
	[tilespmem:$0x130] =	vst v12  }
0x3e: {  	v17 =	vld [tilespmem:$0x1A0];
	v16 =	vadd.s32 $0x16E360, v63;
	[tilespmem:$0x140] =	vst v14  }
0x3f: {  	v19 =	vld [tilespmem:$0x1B0];
	v18 =	vadd.s32 $0x16E360, v9;
	[tilespmem:$0x150] =	vst v16  }
0x40: {  	v21 =	vld [tilespmem:$0x1C0];
	v20 =	vadd.s32 $0x16E360, v11;
	[tilespmem:$0x160] =	vst v18  }
0x41: {  	v23 =	vld [tilespmem:$0x1D0];
	v22 =	vadd.s32 $0x186A00, v13;
	[tilespmem:$0x170] =	vst v20  }
0x42: {  	v25 =	vld [tilespmem:$0x1E0];
	v24 =	vadd.s32 $0x186A00, v15;
	[tilespmem:$0x180] =	vst v22  }
0x43: {  	v27 =	vld [tilespmem:$0x1F0];
	v26 =	vadd.s32 $0x186A00, v17;
	[tilespmem:$0x190] =	vst v24  }
0x44: {  	v29 =	vld [tilespmem:$0x200];
	v28 =	vadd.s32 $0x186A00, v19;
	[tilespmem:$0x1A0] =	vst v26  }
0x45: {  	v31 =	vld [tilespmem:$0x210];
	v30 =	vadd.s32 $0x186A00, v21;
	[tilespmem:$0x1B0] =	vst v28  }
0x46: {  	v33 =	vld [tilespmem:$0x220];
	[tilespmem:$0x1C0] =	vst v30;
	v32 =	vadd.s32 $0x186A00, v23  }
0x47: {  	v35 =	vld [tilespmem:$0x230];
	v34 =	vadd.s32 $0x186A00, v25;
	[tilespmem:$0x1D0] =	vst v32  }
0x48: {  	v37 =	vld [tilespmem:$0x240];
	v36 =	vadd.s32 $0x186A00, v27;
	[tilespmem:$0x1E0] =	vst v34  }
0x49: {  	v39 =	vld [tilespmem:$0x250];
	v38 =	vadd.s32 $0x19F0A0, v29;
	[tilespmem:$0x1F0] =	vst v36  }
0x4a: {  	v41 =	vld [tilespmem:$0x260];
	v40 =	vadd.s32 $0x19F0A0, v31;
	[tilespmem:$0x200] =	vst v38  }
0x4b: {  	v43 =	vld [tilespmem:$0x270];
	[tilespmem:$0x210] =	vst v40;
	v42 =	vadd.s32 $0x19F0A0, v33  }
0x4c: {  	v45 =	vld [tilespmem:$0x280];
	v44 =	vadd.s32 $0x19F0A0, v35;
	[tilespmem:$0x220] =	vst v42  }
0x4d: {  	v47 =	vld [tilespmem:$0x290];
	v46 =	vadd.s32 $0x19F0A0, v37;
	[tilespmem:$0x230] =	vst v44  }
0x4e: {  	v49 =	vld [tilespmem:$0x2A0];
	v48 =	vadd.s32 $0x19F0A0, v39;
	[tilespmem:$0x240] =	vst v46  }
0x4f: {  	v51 =	vld [tilespmem:$0x2B0];
	v50 =	vadd.s32 $0x19F0A0, v41;
	[tilespmem:$0x250] =	vst v48  }
0x50: {  	v53 =	vld [tilespmem:$0x2C0];
	v52 =	vadd.s32 $0x19F0A0, v43;
	[tilespmem:$0x260] =	vst v50  }
0x51: {  	v55 =	vld [tilespmem:$0x2D0];
	v54 =	vadd.s32 $0x1B7740, v45;
	[tilespmem:$0x270] =	vst v52  }
0x52: {  	v57 =	vld [tilespmem:$0x2E0];
	v56 =	vadd.s32 $0x1B7740, v47;
	[tilespmem:$0x280] =	vst v54  }
0x53: {  	v59 =	vld [tilespmem:$0x2F0];
	v58 =	vadd.s32 $0x1B7740, v49;
	[tilespmem:$0x290] =	vst v56  }
0x54: {  	v61 =	vld [tilespmem:$0x300];
	v60 =	vadd.s32 $0x1B7740, v51;
	[tilespmem:$0x2A0] =	vst v58  }
0x55: {  	v63 =	vld [tilespmem:$0x310];
	v62 =	vadd.s32 $0x1B7740, v53;
	[tilespmem:$0x2B0] =	vst v60  }
0x56: {  	v9 =	vld [tilespmem:$0x320];
	v8 =	vadd.s32 $0x1B7740, v55;
	[tilespmem:$0x2C0] =	vst v62  }
0x57: {  	v11 =	vld [tilespmem:$0x330];
	v10 =	vadd.s32 $0x1B7740, v57;
	[tilespmem:$0x2D0] =	vst v8  }
0x58: {  	v13 =	vld [tilespmem:$0x340];
	v12 =	vadd.s32 $0x1B7740, v59;
	[tilespmem:$0x2E0] =	vst v10  }
0x59: {  	v15 =	vld [tilespmem:$0x350];
	v14 =	vadd.s32 $0x1CFDE0, v61;
	[tilespmem:$0x2F0] =	vst v12  }
0x5a: {  	v17 =	vld [tilespmem:$0x360];
	v16 =	vadd.s32 $0x1CFDE0, v63;
	[tilespmem:$0x300] =	vst v14  }
0x5b: {  	v19 =	vld [tilespmem:$0x370];
	v18 =	vadd.s32 $0x1CFDE0, v9;
	[tilespmem:$0x310] =	vst v16  }
0x5c: {  	v21 =	vld [tilespmem:$0x380];
	v20 =	vadd.s32 $0x1CFDE0, v11;
	[tilespmem:$0x320] =	vst v18  }
0x5d: {  	v23 =	vld [tilespmem:$0x390];
	v22 =	vadd.s32 $0x1CFDE0, v13;
	[tilespmem:$0x330] =	vst v20  }
0x5e: {  	v25 =	vld [tilespmem:$0x3A0];
	v24 =	vadd.s32 $0x1CFDE0, v15;
	[tilespmem:$0x340] =	vst v22  }
0x5f: {  	v27 =	vld [tilespmem:$0x3B0];
	v26 =	vadd.s32 $0x1CFDE0, v17;
	[tilespmem:$0x350] =	vst v24  }
0x60: {  	v29 =	vld [tilespmem:$0x3C0];
	v28 =	vadd.s32 $0x1CFDE0, v19;
	[tilespmem:$0x360] =	vst v26  }
0x61: {  	v31 =	vld [tilespmem:$0x3D0];
	v30 =	vadd.s32 $0x1E8480, v21;
	[tilespmem:$0x370] =	vst v28  }
0x62: {  	v33 =	vld [tilespmem:$0x3E0];
	[tilespmem:$0x380] =	vst v30;
	v32 =	vadd.s32 $0x1E8480, v23  }
0x63: {  	v35 =	vld [tilespmem:$0x3F0];
	v34 =	vadd.s32 $0x1E8480, v25;
	[tilespmem:$0x390] =	vst v32  }
0x64: {  	v37 =	vld [tilespmem:$0x400];
	v36 =	vadd.s32 $0x1E8480, v27;
	[tilespmem:$0x3A0] =	vst v34  }
0x65: {  	v39 =	vld [tilespmem:$0x410];
	v38 =	vadd.s32 $0x1E8480, v29;
	[tilespmem:$0x3B0] =	vst v36  }
0x66: {  	v41 =	vld [tilespmem:$0x420];
	v40 =	vadd.s32 $0x1E8480, v31;
	[tilespmem:$0x3C0] =	vst v38  }
0x67: {  	v43 =	vld [tilespmem:$0x430];
	[tilespmem:$0x3D0] =	vst v40;
	v42 =	vadd.s32 $0x1E8480, v33  }
0x68: {  	v45 =	vld [tilespmem:$0x440];
	v44 =	vadd.s32 $0x1E8480, v35;
	[tilespmem:$0x3E0] =	vst v42  }
0x69: {  	v47 =	vld [tilespmem:$0x450];
	v46 =	vadd.s32 $0x200B20, v37;
	[tilespmem:$0x3F0] =	vst v44  }
0x6a: {  	v49 =	vld [tilespmem:$0x460];
	v48 =	vadd.s32 $0x200B20, v39;
	[tilespmem:$0x400] =	vst v46  }
0x6b: {  	v51 =	vld [tilespmem:$0x470];
	v50 =	vadd.s32 $0x200B20, v41;
	[tilespmem:$0x410] =	vst v48  }
0x6c: {  	v53 =	vld [tilespmem:$0x480];
	v52 =	vadd.s32 $0x200B20, v43;
	[tilespmem:$0x420] =	vst v50  }
0x6d: {  	v55 =	vld [tilespmem:$0x490];
	v54 =	vadd.s32 $0x200B20, v45;
	[tilespmem:$0x430] =	vst v52  }
0x6e: {  	v57 =	vld [tilespmem:$0x4A0];
	v56 =	vadd.s32 $0x200B20, v47;
	[tilespmem:$0x440] =	vst v54  }
0x6f: {  	v59 =	vld [tilespmem:$0x4B0];
	v58 =	vadd.s32 $0x200B20, v49;
	[tilespmem:$0x450] =	vst v56  }
0x70: {  	v61 =	vld [tilespmem:$0x4C0];
	v60 =	vadd.s32 $0x200B20, v51;
	[tilespmem:$0x460] =	vst v58  }
0x71: {  	v63 =	vld [tilespmem:$0x4D0];
	v62 =	vadd.s32 $0x2191C0, v53;
	[tilespmem:$0x470] =	vst v60  }
0x72: {  	v8 =	vld [tilespmem:$0x4E0];
	v7 =	vadd.s32 $0x2191C0, v55;
	[tilespmem:$0x480] =	vst v62  }
0x73: {  	v10 =	vld [tilespmem:$0x4F0];
	v9 =	vadd.s32 $0x2191C0, v57;
	[tilespmem:$0x490] =	vst v7  }
0x74: {  	v12 =	vld [tilespmem:$0x500];
	v11 =	vadd.s32 $0x2191C0, v59;
	[tilespmem:$0x4A0] =	vst v9  }
0x75: {  	v14 =	vld [tilespmem:$0x510];
	v13 =	vadd.s32 $0x2191C0, v61;
	[tilespmem:$0x4B0] =	vst v11  }
0x76: {  	v16 =	vld [tilespmem:$0x520];
	v15 =	vadd.s32 $0x2191C0, v63;
	[tilespmem:$0x4C0] =	vst v13  }
0x77: {  	v18 =	vld [tilespmem:$0x530];
	[tilespmem:$0x4D0] =	vst v15;
	v17 =	vadd.s32 $0x2191C0, v8  }
0x78: {  	v20 =	vld [tilespmem:$0x540];
	v19 =	vadd.s32 $0x2191C0, v10;
	[tilespmem:$0x4E0] =	vst v17  }
0x79: {  	v22 =	vld [tilespmem:$0x550];
	v21 =	vadd.s32 $0x231860, v12;
	[tilespmem:$0x4F0] =	vst v19  }
0x7a: {  	v24 =	vld [tilespmem:$0x560];
	v23 =	vadd.s32 $0x231860, v14;
	[tilespmem:$0x500] =	vst v21  }
0x7b: {  	v26 =	vld [tilespmem:$0x570];
	v25 =	vadd.s32 $0x231860, v16;
	[tilespmem:$0x510] =	vst v23  }
0x7c: {  	v28 =	vld [tilespmem:$0x580];
	v27 =	vadd.s32 $0x231860, v18;
	[tilespmem:$0x520] =	vst v25  }
0x7d: {  	v30 =	vld [tilespmem:$0x590];
	v29 =	vadd.s32 $0x231860, v20;
	[tilespmem:$0x530] =	vst v27  }
0x7e: {  	v32 =	vld [tilespmem:$0x5A0];
	v31 =	vadd.s32 $0x231860, v22;
	[tilespmem:$0x540] =	vst v29  }
0x7f: {  	v34 =	vld [tilespmem:$0x5B0];
	v33 =	vadd.s32 $0x231860, v24;
	[tilespmem:$0x550] =	vst v31  }
0x80: {  	v36 =	vld [tilespmem:$0x5C0];
	v35 =	vadd.s32 $0x231860, v26;
	[tilespmem:$0x560] =	vst v33  }
0x81: {  	v38 =	vld [tilespmem:$0x5D0];
	v37 =	vadd.s32 $0x249F00, v28;
	[tilespmem:$0x570] =	vst v35  }
0x82: {  	v40 =	vld [tilespmem:$0x5E0];
	v39 =	vadd.s32 $0x249F00, v30;
	[tilespmem:$0x580] =	vst v37  }
0x83: {  	v42 =	vld [tilespmem:$0x5F0];
	[tilespmem:$0x590] =	vst v39;
	v41 =	vadd.s32 $0x249F00, v32  }
0x84: {  	v44 =	vld [tilespmem:$0x600];
	v43 =	vadd.s32 $0x249F00, v34;
	[tilespmem:$0x5A0] =	vst v41  }
0x85: {  	v46 =	vld [tilespmem:$0x610];
	v45 =	vadd.s32 $0x249F00, v36;
	[tilespmem:$0x5B0] =	vst v43  }
0x86: {  	v48 =	vld [tilespmem:$0x620];
	v47 =	vadd.s32 $0x249F00, v38;
	[tilespmem:$0x5C0] =	vst v45  }
0x87: {  	v50 =	vld [tilespmem:$0x630];
	v49 =	vadd.s32 $0x249F00, v40;
	[tilespmem:$0x5D0] =	vst v47  }
0x88: {  	v52 =	vld [tilespmem:$0x640];
	[tilespmem:$0x5E0] =	vst v49;
	v51 =	vadd.s32 $0x249F00, v42  }
0x89: {  	v54 =	vld [tilespmem:$0x650];
	v53 =	vadd.s32 $0x2625A0, v44;
	[tilespmem:$0x5F0] =	vst v51  }
0x8a: {  	v56 =	vld [tilespmem:$0x660];
	v55 =	vadd.s32 $0x2625A0, v46;
	[tilespmem:$0x600] =	vst v53  }
0x8b: {  	v58 =	vld [tilespmem:$0x670];
	v57 =	vadd.s32 $0x2625A0, v48;
	[tilespmem:$0x610] =	vst v55  }
0x8c: {  	v59 =	vadd.s32 $0x2625A0, v50;
	[tilespmem:$0x620] =	vst v57  }
0x8d: {  	v60 =	vadd.s32 $0x2625A0, v52;
	[tilespmem:$0x630] =	vst v59  }
0x8e: {  	v61 =	vadd.s32 $0x2625A0, v54;
	[tilespmem:$0x640] =	vst v60  }
0x8f: {  	v62 =	vadd.s32 $0x2625A0, v56;
	[tilespmem:$0x650] =	vst v61  }
0x90: {  	v63 =	vadd.s32 $0x2625A0, v58;
	[tilespmem:$0x660] =	vst v62  }
0x91: {  	[tilespmem:$0x670] =	vst v63  }
0x92: {  	[tilespmem:s8], [sflag:$0x1] =	stream.indirect.gather [hbm4b:s2+s7], $0x80, s3, s7, $0xb8;
	[tilespmem:$0x18800] =	vst v63  }
0x93: {  	_ = 	snop  }
0x94: {  	[tilespmem:s9], [sflag:$0x2] =	stream.indirect.gather [hbm4b:s2+s7], $0x80, s7, s7, $0xb8;
	[tilespmem:$0x18800] =	vst v63  }
0x95: {  	s0 =	rddreg [dreg:$0x12]  }
0x96: {  	[tilespmem:s10], [sflag:$0x3] =	stream.indirect.gather [hbm4b:s2+s7], $0x80, s0, s7, $0xb8;
	[tilespmem:$0x18800] =	vst v63  }
0x97: {  	s16 =	rddreg [dreg:$0x13]  }
0x98: {  	[tilespmem:s11], [sflag:$0x4] =	stream.indirect.gather [hbm4b:s2+s7], $0x80, s16, s7, $0xb8;
	[tilespmem:$0x18800] =	vst v63  }
0x99: {  	s0 =	rddreg [dreg:$0x14]  }
0x9a: {  	[tilespmem:s12], [sflag:$0x5] =	stream.indirect.gather [hbm4b:s2+s7], $0x80, s0, s7, $0xb8;
	[tilespmem:$0x18800] =	vst v63  }
0x9b: {  	s16 =	rddreg [dreg:$0x15]  }
0x9c: {  	[tilespmem:s13], [sflag:$0x6] =	stream.indirect.gather [hbm4b:s2+s7], $0x80, s16, s7, $0xb8;
	[tilespmem:$0x18800] =	vst v63  }
0x9d: {  	_ =	swait.ge [sflag:s14], $0x4000  }
0x9e: {  	[sflag:s14] =	ssyncset.done $0x0  }
0x9f: {  	s16 =	rddreg [dreg:$0x5];
	[sflag:s14] =	ssyncadd.s32 $0xFFFFC000  }
0xa0: {  	[hbm4b:s16+s3] =	stream.linear.scatter [tilespmem:s8], [sflag:$0x7], $0x4000, $0x38;
	[tilespmem:$0x18800] =	vst v63  }
0xa1: {  	_ =	swait.ge [sflag:s15], $0x4000  }
0xa2: {  	[sflag:s15] =	ssyncset.done $0x0  }
0xa3: {  	s16 =	simm.s32 $0x300;
	[sflag:s15] =	ssyncadd.s32 $0xFFFFC000  }
0xa4: {  	[tilespmem:s8], [sflag:$0x1] =	stream.indirect.gather [hbm4b:s2+s7], $0x80, s16, s7, $0xb8;
	[tilespmem:$0x18800] =	vst v63  }
0xa5: {  	_ =	swait.ge [sflag:s17], $0x4000  }
0xa6: {  	[sflag:s17] =	ssyncset.done $0x0  }
0xa7: {  	s16 =	rddreg [dreg:$0x6];
	[sflag:s17] =	ssyncadd.s32 $0xFFFFC000  }
0xa8: {  	[hbm4b:s16+s3] =	stream.linear.scatter [tilespmem:s9], [sflag:$0x8], $0x4000, $0x38;
	[tilespmem:$0x18800] =	vst v63  }
0xa9: {  	_ =	swait.ge [sflag:s18], $0x4000  }
0xaa: {  	[sflag:s18] =	ssyncset.done $0x0  }
0xab: {  	[sflag:s18] =	ssyncadd.s32 $0xFFFFC000  }
0xac: {  	[tilespmem:s9], [sflag:$0x2] =	stream.indirect.gather [hbm4b:s2+s7], $0x80, s19, s7, $0xb8;
	[tilespmem:$0x18800] =	vst v63  }
0xad: {  	_ =	swait.ge [sflag:s20], $0x4000  }
0xae: {  	[sflag:s20] =	ssyncset.done $0x0  }
0xaf: {  	s16 =	rddreg [dreg:$0x7];
	[sflag:s20] =	ssyncadd.s32 $0xFFFFC000  }
0xb0: {  	[hbm4b:s16+s3] =	stream.linear.scatter [tilespmem:s10], [sflag:$0x9], $0x4000, $0x38;
	[tilespmem:$0x18800] =	vst v63  }
0xb1: {  	_ =	swait.ge [sflag:s21], $0x4000  }
0xb2: {  	[sflag:s21] =	ssyncset.done $0x0  }
0xb3: {  	[sflag:s21] =	ssyncadd.s32 $0xFFFFC000  }
0xb4: {  	[tilespmem:s10], [sflag:$0x3] =	stream.indirect.gather [hbm4b:s2+s7], $0x80, s5, s7, $0xb8;
	[tilespmem:$0x18800] =	vst v63  }
0xb5: {  	_ =	swait.ge [sflag:s22], $0x4000  }
0xb6: {  	[sflag:s22] =	ssyncset.done $0x0  }
0xb7: {  	s16 =	rddreg [dreg:$0x8];
	[sflag:s22] =	ssyncadd.s32 $0xFFFFC000  }
0xb8: {  	[hbm4b:s16+s3] =	stream.linear.scatter [tilespmem:s11], [sflag:$0xA], $0x4000, $0x38;
	[tilespmem:$0x18800] =	vst v63  }
0xb9: {  	_ =	swait.ge [sflag:s23], $0x4000  }
0xba: {  	[sflag:s23] =	ssyncset.done $0x0  }
0xbb: {  	[sflag:s23] =	ssyncadd.s32 $0xFFFFC000  }
0xbc: {  	[tilespmem:s11], [sflag:$0x4] =	stream.indirect.gather [hbm4b:s2+s7], $0x80, s24, s7, $0xb8;
	[tilespmem:$0x18800] =	vst v63  }
0xbd: {  	_ =	swait.ge [sflag:s25], $0x4000  }
0xbe: {  	[sflag:s25] =	ssyncset.done $0x0  }
0xbf: {  	s16 =	rddreg [dreg:$0x9];
	[sflag:s25] =	ssyncadd.s32 $0xFFFFC000  }
0xc0: {  	[hbm4b:s16+s3] =	stream.linear.scatter [tilespmem:s12], [sflag:$0xB], $0x4000, $0x38;
	[tilespmem:$0x18800] =	vst v63  }
0xc1: {  	_ =	swait.ge [sflag:s26], $0x4000  }
0xc2: {  	[sflag:s26] =	ssyncset.done $0x0  }
0xc3: {  	[sflag:s26] =	ssyncadd.s32 $0xFFFFC000  }
0xc4: {  	[tilespmem:s12], [sflag:$0x5] =	stream.indirect.gather [hbm4b:s2+s7], $0x80, s28, s7, $0xb8;
	[tilespmem:$0x18800] =	vst v63  }
0xc5: {  	_ =	swait.ge [sflag:s29], $0x4000  }
0xc6: {  	[sflag:s29] =	ssyncset.done $0x0  }
0xc7: {  	s16 =	rddreg [dreg:$0xa];
	[sflag:s29] =	ssyncadd.s32 $0xFFFFC000  }
0xc8: {  	[hbm4b:s16+s3] =	stream.linear.scatter [tilespmem:s13], [sflag:$0xC], $0x4000, $0x38;
	[tilespmem:$0x18800] =	vst v63  }
0xc9: {  	_ =	swait.ge [sflag:s30], $0x4000  }
0xca: {  	[sflag:s30] =	ssyncset.done $0x0  }
0xcb: {  	[sflag:s30] =	ssyncadd.s32 $0xFFFFC000  }
0xcc: {  	[tilespmem:s13], [sflag:$0x6] =	stream.indirect.gather [hbm4b:s2+s7], $0x80, s31, s7, $0xb8;
	[tilespmem:$0x18800] =	vst v63  }
0xcd: {  	_ =	swait.ge [sflag:s14], $0x4000  }
0xce: {  	[sflag:s14] =	ssyncset.done $0x0  }
0xcf: {  	s16 =	rddreg [dreg:$0xb];
	[sflag:s14] =	ssyncadd.s32 $0xFFFFC000  }
0xd0: {  	[hbm4b:s16+s3] =	stream.linear.scatter [tilespmem:s8], [sflag:$0x7], $0x4000, $0x38;
	[tilespmem:$0x18800] =	vst v63  }
0xd1: {  	_ =	swait.ge [sflag:s15], $0x4000  }
0xd2: {  	[sflag:s15] =	ssyncset.done $0x0  }
0xd3: {  	[sflag:s15] =	ssyncadd.s32 $0xFFFFC000  }
0xd4: {  	[tilespmem:s8], [sflag:$0x1] =	stream.indirect.gather [hbm4b:s2+s7], $0x80, s1, s7, $0xb8;
	[tilespmem:$0x18800] =	vst v63  }
0xd5: {  	_ =	swait.ge [sflag:s17], $0x4000  }
0xd6: {  	[sflag:s17] =	ssyncset.done $0x0  }
0xd7: {  	s16 =	rddreg [dreg:$0xc];
	[sflag:s17] =	ssyncadd.s32 $0xFFFFC000  }
0xd8: {  	[hbm4b:s16+s3] =	stream.linear.scatter [tilespmem:s9], [sflag:$0x8], $0x4000, $0x38;
	[tilespmem:$0x18800] =	vst v63  }
0xd9: {  	_ =	swait.ge [sflag:s20], $0x4000  }
0xda: {  	[sflag:s20] =	ssyncset.done $0x0  }
0xdb: {  	s16 =	rddreg [dreg:$0xd];
	[sflag:s20] =	ssyncadd.s32 $0xFFFFC000  }
0xdc: {  	[hbm4b:s16+s3] =	stream.linear.scatter [tilespmem:s10], [sflag:$0x9], $0x4000, $0x38;
	[tilespmem:$0x18800] =	vst v63  }
0xdd: {  	_ =	swait.ge [sflag:s22], $0x4000  }
0xde: {  	[sflag:s22] =	ssyncset.done $0x0  }
0xdf: {  	s16 =	rddreg [dreg:$0xe];
	[sflag:s22] =	ssyncadd.s32 $0xFFFFC000  }
0xe0: {  	[hbm4b:s16+s3] =	stream.linear.scatter [tilespmem:s11], [sflag:$0xA], $0x4000, $0x38;
	[tilespmem:$0x18800] =	vst v63  }
0xe1: {  	_ =	swait.ge [sflag:s25], $0x4000  }
0xe2: {  	[sflag:s25] =	ssyncset.done $0x0  }
0xe3: {  	s16 =	rddreg [dreg:$0xf];
	[sflag:s25] =	ssyncadd.s32 $0xFFFFC000  }
0xe4: {  	[hbm4b:s16+s3] =	stream.linear.scatter [tilespmem:s12], [sflag:$0xB], $0x4000, $0x38;
	[tilespmem:$0x18800] =	vst v63  }
0xe5: {  	_ =	swait.ge [sflag:s29], $0x4000  }
0xe6: {  	[sflag:s29] =	ssyncset.done $0x0  }
0xe7: {  	s16 =	rddreg [dreg:$0x10];
	[sflag:s29] =	ssyncadd.s32 $0xFFFFC000  }
0xe8: {  	[hbm4b:s16+s3] =	stream.linear.scatter [tilespmem:s13], [sflag:$0xC], $0x4000, $0x38;
	[tilespmem:$0x18800] =	vst v63  }
0xe9: {  	_ =	swait.ge [sflag:s14], $0x4000  }
0xea: {  	[sflag:s14] =	ssyncset.done $0x0  }
0xeb: {  	s16 =	rddreg [dreg:$0x11];
	[sflag:s14] =	ssyncadd.s32 $0xFFFFC000  }
0xec: {  	[hbm4b:s16+s3] =	stream.linear.scatter [tilespmem:s8], [sflag:$0x7], $0x4000, $0x38;
	[tilespmem:$0x18800] =	vst v63  }
0xed: {  	_ =	swait.ge [sflag:s18], $0x4000  }
0xee: {  	[sflag:s18] =	ssyncset.done $0x0  }
0xef: {  	[sflag:s18] =	ssyncadd.s32 $0xFFFFC000  }
0xf0: {  	_ =	swait.ge [sflag:s21], $0x4000  }
0xf1: {  	[sflag:s21] =	ssyncset.done $0x0  }
0xf2: {  	[sflag:s21] =	ssyncadd.s32 $0xFFFFC000  }
0xf3: {  	_ =	swait.ge [sflag:s23], $0x4000  }
0xf4: {  	[sflag:s23] =	ssyncset.done $0x0  }
0xf5: {  	[sflag:s23] =	ssyncadd.s32 $0xFFFFC000  }
0xf6: {  	_ =	swait.ge [sflag:s26], $0x4000  }
0xf7: {  	[sflag:s26] =	ssyncset.done $0x0  }
0xf8: {  	[sflag:s26] =	ssyncadd.s32 $0xFFFFC000  }
0xf9: {  	p0 =	sne.s32 s4, $0x1;
	_ =	swait.ge [sflag:s30], $0x4000  }
.Ltmp0:
0xfa: {  	[sflag:s30] =	ssyncset.done $0x0;
	(pc) =	sbr.rel @p0 .LBB2_1-.Ltmp0, $4  }
0xfb: {  	[sflag:s30] =	ssyncadd.s32 $0xFFFFC000  }
0xfc: {  	_ =	swait.ge [sflag:s15], $0x4000  }
0xfd: {  	[sflag:s15] =	ssyncset.done $0x0  }
0xfe: {  	s4 =	sadd.s32 $0xFFFFFFFF, s4;
	[sflag:s15] =	ssyncadd.s32 $0xFFFFC000  }
0xff: {  	_ =	sfence.sel $0x180000  }
0x100: {  	[bflag:$0x0] =	sbarrier.arrive $0xFFFF  }
0x101: {  	_ =	strace $0x9000004A  }
0x102: {  	s0 =	stileid.u32;
	[bflag:$0x2] =	sbarrier.arrive $0xFFFF  }
0x103: {  	p0 =	sne.s32 s0, $0x0;
	s0 =	rddreg [dreg:$0x2]  }
0x104: {  	s0 =	sadd.s32 @!p0 $0x100000, s0  }
0x105: {  	[sflag:s0] =	ssyncadd.tile.s32 @!p0 $0x1;
	_ =	shalt  }
.Lfunc_end2:
_tile_overlayer_lowered:
.L_overlay_start_2:
0x106: {  	(tag) =	ssettag $0x2  }
0x107: {  	s0 =	rddreg [dreg:$0x0];
	s2 =	stileid.u32  }
0x108: {  	s1 =	rddreg [dreg:$0x1];
	p0 =	sne.s32 s2, $0x0  }
0x109: {  	s3 =	rddreg [dreg:$0x2];
	[bflag:$0x3] =	sbarrier.arrive $0xFFFF;
	s2 =	simm.s32 @!p0 $0x1C0D  }
0x10a: {  	[timem:s3], [sflag:s2] =	dma.local @!p0 [hbm:s0], s1  }
0x10b: {  	s0 =	simm.s32 @!p0 $0xD  }
0x10c: {  	_ =	swait.ge @!p0 [sflag:s0], s1  }
0x10d: {  	s1 =	ssub.s32 @!p0 $0x0, s1;
	[sflag:s0] =	ssyncset.done @!p0 $0x0  }
0x10e: {  	[sflag:s0] =	ssyncadd.s32 @!p0 s1  }
0x10f: {  	[bflag:$0x3] =	sbarrier.arrive $0xFFFF  }
0x110: {  	_ =	shalt  }

</sc_bundles>
